<compile_context>
chip_gen: v7x
topology: tpu7x:2x2x1
jax: 0.10.2.dev20260603
libtpu: 0.0.44.dev20260713+nightly
codegen_flags: <defaults>
</compile_context>

<pallas_src>
import functools

import jax
import jax.numpy as jnp
from jax import lax
from jax.experimental import pallas as pl
from jax.experimental.pallas import tpu as pltpu
from jax.experimental.pallas import tpu_sc as plsc

F = 6
CHUNK = 128
NSLOT = 5


@functools.lru_cache(maxsize=None)
def _build(n, emb, nc, ns):
    nw = nc * ns
    n_full, tail = divmod(n, CHUNK)
    total = n_full + (1 if tail else 0)
    t_per_w = (total + nw - 1) // nw
    pad = CHUNK - tail

    mesh = plsc.VectorSubcoreMesh(core_axis_name="c", subcore_axis_name="s",
                                  num_cores=nc, num_subcores=ns)

    @functools.partial(
        pl.kernel,
        out_type=jax.ShapeDtypeStruct((n, emb), jnp.float32),
        mesh=mesh,
        scratch_types=(
            [pltpu.VMEM((F, CHUNK), jnp.int32) for _ in range(NSLOT)]
            + [pltpu.VMEM((CHUNK, emb), jnp.float32) for _ in range(NSLOT)]
            + [pltpu.SemaphoreType.DMA for _ in range(4 * NSLOT)]
        ),
    )
    def run(xt, w0, w1, w2, w3, w4, w5, out, *scratch):
        idx = scratch[0:NSLOT]
        acc = scratch[NSLOT:2 * NSLOT]
        sem_idx = scratch[2 * NSLOT:3 * NSLOT]
        sem_g0 = scratch[3 * NSLOT:4 * NSLOT]
        sem_add = scratch[4 * NSLOT:5 * NSLOT]
        sem_wb = scratch[5 * NSLOT:6 * NSLOT]
        tables = (w0, w1, w2, w3, w4, w5)
        wid = lax.axis_index("c") * ns + lax.axis_index("s")


        def stage_idx(k, s, start):
            cid = wid + k * nw

            @pl.when(jnp.logical_and(k >= 0, cid < n_full))
            def _():
                d = pltpu.make_async_copy(xt.at[:, pl.ds(cid * CHUNK, CHUNK)],
                                          idx[s], sem_idx[s])
                d.start() if start else d.wait()

            if tail:
                @pl.when(jnp.logical_and(k >= 0, cid == n_full))
                def _():
                    for i in range(F):
                        d = pltpu.make_async_copy(
                            xt.at[i, pl.ds(n_full * CHUNK, tail)],
                            idx[s].at[i, pl.ds(0, tail)], sem_idx[s])
                        d.start() if start else d.wait()
                        d = pltpu.make_async_copy(xt.at[i, pl.ds(0, pad)],
                                                  idx[s].at[i, pl.ds(tail, pad)],
                                                  sem_idx[s])
                        d.start() if start else d.wait()

        def stage_g0(k, s, start):
            @pl.when(jnp.logical_and(k >= 0, wid + k * nw < total))
            def _():
                d = pltpu.make_async_copy(tables[0].at[idx[s].at[0]],
                                          acc[s], sem_g0[s])
                d.start() if start else d.wait()

        def stage_adds(k, s, start):
            @pl.when(jnp.logical_and(k >= 0, wid + k * nw < total))
            def _():
                for i in range(1, F):
                    d = pltpu.make_async_copy(tables[i].at[idx[s].at[i]],
                                              acc[s], sem_add[s])
                    d.start(add=True) if start else d.wait()

        def stage_wb(k, s, start):
            cid = wid + k * nw

            @pl.when(jnp.logical_and(k >= 0, cid < n_full))
            def _():
                d = pltpu.make_async_copy(acc[s],
                                          out.at[pl.ds(cid * CHUNK, CHUNK)],
                                          sem_wb[s])
                d.start() if start else d.wait()

            if tail:
                @pl.when(jnp.logical_and(k >= 0, cid == n_full))
                def _():
                    d = pltpu.make_async_copy(
                        acc[s].at[pl.ds(0, tail)],
                        out.at[pl.ds(n_full * CHUNK, tail)], sem_wb[s])
                    d.start() if start else d.wait()

        stage_idx(0, 0, start=True)

        def body(j, _):
            t = j * NSLOT
            for ph in range(NSLOT):
                b = t + ph

                def sl(m_off):
                    return (ph + m_off) % NSLOT

                stage_wb(b - NSLOT, sl(0), start=False)
                stage_idx(b, sl(0), start=False)
                stage_g0(b, sl(0), start=True)
                stage_g0(b - 1, sl(-1), start=False)
                stage_adds(b - 1, sl(-1), start=True)
                stage_adds(b - 3, sl(-3), start=False)
                stage_wb(b - 3, sl(-3), start=True)
                stage_idx(b + 1, sl(1), start=True)
            return 0

        n_beats = t_per_w + NSLOT
        lax.fori_loop(0, (n_beats + NSLOT - 1) // NSLOT, body, 0)

    return run


def kernel(x, W0, W1, W2, W3, W4, W5):
    if x.ndim == 1:
        x = x[:, None]
    n = x.shape[0]
    emb = W0.shape[1]
    xt = x.T.astype(jnp.int32)
    try:
        info = plsc.get_sparse_core_info()
        nc, ns = info.num_cores, info.num_subcores
    except Exception:
        nc, ns = 2, 16
    run = _build(n, emb, nc, ns)
    return run(xt, W0, W1, W2, W3, W4, W5)

# --- scband reference (transcript-rebuilt; emitter-appended) ---
"""Pipeline reference for scband-atom-encoder-34102040330490 (READ-ONLY COPY).

The authoritative reference and input builder live on the scoring server;
editing this copy changes nothing except your own understanding.
"""

import jax, jax.numpy as jnp
import numpy as np

EMB_DIM = 128
A_EMBED = 100000
N = 100000
F = 6


def setup_inputs(seed: int = 0) -> dict:
    key = jax.random.key(seed)
    ks = jax.random.split(key, F + 1)
    x = jax.random.randint(ks[0], (N, F), 0, A_EMBED, dtype=jnp.int64 if jax.config.jax_enable_x64 else jnp.int32)
    # xavier_uniform for an Embedding(a_embed, emb_dim): fan_in=a_embed, fan_out=emb_dim
    scale = float(np.sqrt(6.0 / (A_EMBED + EMB_DIM)))
    inp = {"x": x}
    for i in range(F):
        inp[f"W{i}"] = jax.random.uniform(
            ks[i + 1], (A_EMBED, EMB_DIM), minval=-scale, maxval=scale, dtype=jnp.float32
        )
    return inp


def reference(x, W0, W1, W2, W3, W4, W5):
    # x: int[N, 6]; each column indexes its own embedding table; output is the sum
    if x.ndim == 1:
        x = x[:, None]
    tables = [W0, W1, W2, W3, W4, W5]
    out = jnp.zeros((x.shape[0], tables[0].shape[1]), dtype=tables[0].dtype)
    for i in range(x.shape[1]):
        out = out + jnp.take(tables[i], x[:, i], axis=0)
    return out

if __name__ == "__main__":
    import jax
    _d = setup_inputs()
    print(jax.jit(kernel)(*tuple(_d.values())))

</pallas_src>

<mosaic_0001>
#map = affine_map<(d0, d1) -> (0, 0)>
module attributes {stable_mosaic.version = 14 : i64} {
  func.func @run(%arg0: i32, %arg1: i32, %arg2: memref<6x100000xi32, #tpu.memory_space<hbm>>, %arg3: memref<100000x128xf32, #tpu.memory_space<hbm>>, %arg4: memref<100000x128xf32, #tpu.memory_space<hbm>>, %arg5: memref<100000x128xf32, #tpu.memory_space<hbm>>, %arg6: memref<100000x128xf32, #tpu.memory_space<hbm>>, %arg7: memref<100000x128xf32, #tpu.memory_space<hbm>>, %arg8: memref<100000x128xf32, #tpu.memory_space<hbm>>, %arg9: memref<100000x128xf32, #tpu.memory_space<hbm>>, %arg10: memref<6x128xi32, #tpu.memory_space<vmem>>, %arg11: memref<6x128xi32, #tpu.memory_space<vmem>>, %arg12: memref<6x128xi32, #tpu.memory_space<vmem>>, %arg13: memref<6x128xi32, #tpu.memory_space<vmem>>, %arg14: memref<6x128xi32, #tpu.memory_space<vmem>>, %arg15: memref<128x128xf32, #tpu.memory_space<vmem>>, %arg16: memref<128x128xf32, #tpu.memory_space<vmem>>, %arg17: memref<128x128xf32, #tpu.memory_space<vmem>>, %arg18: memref<128x128xf32, #tpu.memory_space<vmem>>, %arg19: memref<128x128xf32, #tpu.memory_space<vmem>>, %arg20: memref<!tpu.dma_semaphore, #tpu.memory_space<semaphore_mem>>, %arg21: memref<!tpu.dma_semaphore, #tpu.memory_space<semaphore_mem>>, %arg22: memref<!tpu.dma_semaphore, #tpu.memory_space<semaphore_mem>>, %arg23: memref<!tpu.dma_semaphore, #tpu.memory_space<semaphore_mem>>, %arg24: memref<!tpu.dma_semaphore, #tpu.memory_space<semaphore_mem>>, %arg25: memref<!tpu.dma_semaphore, #tpu.memory_space<semaphore_mem>>, %arg26: memref<!tpu.dma_semaphore, #tpu.memory_space<semaphore_mem>>, %arg27: memref<!tpu.dma_semaphore, #tpu.memory_space<semaphore_mem>>, %arg28: memref<!tpu.dma_semaphore, #tpu.memory_space<semaphore_mem>>, %arg29: memref<!tpu.dma_semaphore, #tpu.memory_space<semaphore_mem>>, %arg30: memref<!tpu.dma_semaphore, #tpu.memory_space<semaphore_mem>>, %arg31: memref<!tpu.dma_semaphore, #tpu.memory_space<semaphore_mem>>, %arg32: memref<!tpu.dma_semaphore, #tpu.memory_space<semaphore_mem>>, %arg33: memref<!tpu.dma_semaphore, #tpu.memory_space<semaphore_mem>>, %arg34: memref<!tpu.dma_semaphore, #tpu.memory_space<semaphore_mem>>, %arg35: memref<!tpu.dma_semaphore, #tpu.memory_space<semaphore_mem>>, %arg36: memref<!tpu.dma_semaphore, #tpu.memory_space<semaphore_mem>>, %arg37: memref<!tpu.dma_semaphore, #tpu.memory_space<semaphore_mem>>, %arg38: memref<!tpu.dma_semaphore, #tpu.memory_space<semaphore_mem>>, %arg39: memref<!tpu.dma_semaphore, #tpu.memory_space<semaphore_mem>>) attributes {dimension_semantics = [#tpu.dimension_semantics<core_parallel>, #tpu.dimension_semantics<subcore_parallel>], iteration_bounds = array<i64: 2, 16>, scalar_prefetch = 0 : i64, scratch_operands = 30 : i64, tpu.core_type = #tpu.core_type<sc_vector_subcore>, window_params = [{transform_indices = #map}, {transform_indices = #map}, {transform_indices = #map}, {transform_indices = #map}, {transform_indices = #map}, {transform_indices = #map}, {transform_indices = #map}, {transform_indices = #map}]} {
    %mul3A = arith.constant 16 : i32
    %mul3A_0 = arith.muli %arg0, %mul3A : i32
    %add3A = arith.addi %mul3A_0, %arg1 : i32
    %add3A_1 = arith.constant 0 : i32
    %add3A_2 = arith.addi %add3A, %add3A_1 : i32
    %lt3A = arith.constant 781 : i32
    %lt3A_3 = arith.cmpi slt, %add3A_2, %lt3A : i32
    %and3A = arith.constant true
    %and3A_4 = arith.andi %and3A, %lt3A_3 : i1
    %convert_element_type3A = arith.extui %and3A_4 : i1 to i32
    %cond3A = arith.constant 0 : i32
    %cond3A_5 = arith.cmpi ne, %convert_element_type3A, %cond3A : i32
    scf.if %cond3A_5 {
      %mul3A_18 = arith.constant 128 : i32
      %mul3A_19 = arith.muli %add3A_2, %mul3A_18 : i32
      %dma_start3A = arith.constant 0 : i32
      %dma_start3A_20 = tpu.memref_slice %arg2[%dma_start3A, %mul3A_19] : memref<6x100000xi32, #tpu.memory_space<hbm>> -> memref<6x128xi32, #tpu.memory_space<hbm>>
      %dma_start3A_21 = arith.constant 0 : i32
      %dma_start3A_22 = tpu.memref_slice %arg2[%dma_start3A_21, %mul3A_19] : memref<6x100000xi32, #tpu.memory_space<hbm>> -> memref<6x128xi32, #tpu.memory_space<hbm>>
      tpu.enqueue_dma source(%dma_start3A_22 : memref<6x128xi32, #tpu.memory_space<hbm>>) target(%arg10 : memref<6x128xi32, #tpu.memory_space<vmem>>) target_semaphore(%arg20 : memref<!tpu.dma_semaphore, #tpu.memory_space<semaphore_mem>>)
    } else {
    }
    %eq3A = arith.constant 781 : i32
    %eq3A_6 = arith.cmpi eq, %add3A_2, %eq3A : i32
    %and3A_7 = arith.constant true
    %and3A_8 = arith.andi %and3A_7, %eq3A_6 : i1
    %convert_element_type3A_9 = arith.extui %and3A_8 : i1 to i32
    %cond3A_10 = arith.constant 0 : i32
    %cond3A_11 = arith.cmpi ne, %convert_element_type3A_9, %cond3A_10 : i32
    scf.if %cond3A_11 {
      %dma_start3A = arith.constant 0 : i32
      %dma_start3A_18 = arith.constant 0 : i32
      %dma_start3A_19 = arith.constant 0 : i32
      %dma_start3A_20 = tpu.memref_slice %arg10[%dma_start3A_18, %dma_start3A_19] : memref<6x128xi32, #tpu.memory_space<vmem>> -> memref<1x32xi32, #tpu.memory_space<vmem>>
      %dma_start3A_21 = tpu.memref_squeeze %dma_start3A_20 : memref<1x32xi32, #tpu.memory_space<vmem>> -> memref<32xi32, #tpu.memory_space<vmem>>
      %dma_start3A_22 = arith.constant 99968 : i32
      %dma_start3A_23 = tpu.memref_slice %arg2[%dma_start3A, %dma_start3A_22] : memref<6x100000xi32, #tpu.memory_space<hbm>> -> memref<1x32xi32, #tpu.memory_space<hbm>>
      %dma_start3A_24 = tpu.memref_squeeze %dma_start3A_23 : memref<1x32xi32, #tpu.memory_space<hbm>> -> memref<32xi32, #tpu.memory_space<hbm>>
      %dma_start3A_25 = arith.constant 0 : i32
      %dma_start3A_26 = tpu.memref_slice %arg10[%dma_start3A_18, %dma_start3A_25] : memref<6x128xi32, #tpu.memory_space<vmem>> -> memref<1x32xi32, #tpu.memory_space<vmem>>
      %dma_start3A_27 = tpu.memref_squeeze %dma_start3A_26 : memref<1x32xi32, #tpu.memory_space<vmem>> -> memref<32xi32, #tpu.memory_space<vmem>>
      %dma_start3A_28 = arith.constant 99968 : i32
      %dma_start3A_29 = tpu.memref_slice %arg2[%dma_start3A, %dma_start3A_28] : memref<6x100000xi32, #tpu.memory_space<hbm>> -> memref<1x32xi32, #tpu.memory_space<hbm>>
      %dma_start3A_30 = tpu.memref_squeeze %dma_start3A_29 : memref<1x32xi32, #tpu.memory_space<hbm>> -> memref<32xi32, #tpu.memory_space<hbm>>
      tpu.enqueue_dma source(%dma_start3A_30 : memref<32xi32, #tpu.memory_space<hbm>>) target(%dma_start3A_27 : memref<32xi32, #tpu.memory_space<vmem>>) target_semaphore(%arg20 : memref<!tpu.dma_semaphore, #tpu.memory_space<semaphore_mem>>)
      %dma_start3A_31 = arith.constant 0 : i32
      %dma_start3A_32 = arith.constant 0 : i32
      %dma_start3A_33 = arith.constant 32 : i32
      %dma_start3A_34 = tpu.memref_slice %arg10[%dma_start3A_32, %dma_start3A_33] : memref<6x128xi32, #tpu.memory_space<vmem>> -> memref<1x96xi32, #tpu.memory_space<vmem>>
      %dma_start3A_35 = tpu.memref_squeeze %dma_start3A_34 : memref<1x96xi32, #tpu.memory_space<vmem>> -> memref<96xi32, #tpu.memory_space<vmem>>
      %dma_start3A_36 = arith.constant 0 : i32
      %dma_start3A_37 = tpu.memref_slice %arg2[%dma_start3A_31, %dma_start3A_36] : memref<6x100000xi32, #tpu.memory_space<hbm>> -> memref<1x96xi32, #tpu.memory_space<hbm>>
      %dma_start3A_38 = tpu.memref_squeeze %dma_start3A_37 : memref<1x96xi32, #tpu.memory_space<hbm>> -> memref<96xi32, #tpu.memory_space<hbm>>
      %dma_start3A_39 = arith.constant 32 : i32
      %dma_start3A_40 = tpu.memref_slice %arg10[%dma_start3A_32, %dma_start3A_39] : memref<6x128xi32, #tpu.memory_space<vmem>> -> memref<1x96xi32, #tpu.memory_space<vmem>>
      %dma_start3A_41 = tpu.memref_squeeze %dma_start3A_40 : memref<1x96xi32, #tpu.memory_space<vmem>> -> memref<96xi32, #tpu.memory_space<vmem>>
      %dma_start3A_42 = arith.constant 0 : i32
      %dma_start3A_43 = tpu.memref_slice %arg2[%dma_start3A_31, %dma_start3A_42] : memref<6x100000xi32, #tpu.memory_space<hbm>> -> memref<1x96xi32, #tpu.memory_space<hbm>>
      %dma_start3A_44 = tpu.memref_squeeze %dma_start3A_43 : memref<1x96xi32, #tpu.memory_space<hbm>> -> memref<96xi32, #tpu.memory_space<hbm>>
      tpu.enqueue_dma source(%dma_start3A_44 : memref<96xi32, #tpu.memory_space<hbm>>) target(%dma_start3A_41 : memref<96xi32, #tpu.memory_space<vmem>>) target_semaphore(%arg20 : memref<!tpu.dma_semaphore, #tpu.memory_space<semaphore_mem>>)
      %dma_start3A_45 = arith.constant 1 : i32
      %dma_start3A_46 = arith.constant 1 : i32
      %dma_start3A_47 = arith.constant 0 : i32
      %dma_start3A_48 = tpu.memref_slice %arg10[%dma_start3A_46, %dma_start3A_47] : memref<6x128xi32, #tpu.memory_space<vmem>> -> memref<1x32xi32, #tpu.memory_space<vmem>>
      %dma_start3A_49 = tpu.memref_squeeze %dma_start3A_48 : memref<1x32xi32, #tpu.memory_space<vmem>> -> memref<32xi32, #tpu.memory_space<vmem>>
      %dma_start3A_50 = arith.constant 99968 : i32
      %dma_start3A_51 = tpu.memref_slice %arg2[%dma_start3A_45, %dma_start3A_50] : memref<6x100000xi32, #tpu.memory_space<hbm>> -> memref<1x32xi32, #tpu.memory_space<hbm>>
      %dma_start3A_52 = tpu.memref_squeeze %dma_start3A_51 : memref<1x32xi32, #tpu.memory_space<hbm>> -> memref<32xi32, #tpu.memory_space<hbm>>
      %dma_start3A_53 = arith.constant 0 : i32
      %dma_start3A_54 = tpu.memref_slice %arg10[%dma_start3A_46, %dma_start3A_53] : memref<6x128xi32, #tpu.memory_space<vmem>> -> memref<1x32xi32, #tpu.memory_space<vmem>>
      %dma_start3A_55 = tpu.memref_squeeze %dma_start3A_54 : memref<1x32xi32, #tpu.memory_space<vmem>> -> memref<32xi32, #tpu.memory_space<vmem>>
      %dma_start3A_56 = arith.constant 99968 : i32
      %dma_start3A_57 = tpu.memref_slice %arg2[%dma_start3A_45, %dma_start3A_56] : memref<6x100000xi32, #tpu.memory_space<hbm>> -> memref<1x32xi32, #tpu.memory_space<hbm>>
      %dma_start3A_58 = tpu.memref_squeeze %dma_start3A_57 : memref<1x32xi32, #tpu.memory_space<hbm>> -> memref<32xi32, #tpu.memory_space<hbm>>
      tpu.enqueue_dma source(%dma_start3A_58 : memref<32xi32, #tpu.memory_space<hbm>>) target(%dma_start3A_55 : memref<32xi32, #tpu.memory_space<vmem>>) target_semaphore(%arg20 : memref<!tpu.dma_semaphore, #tpu.memory_space<semaphore_mem>>)
      %dma_start3A_59 = arith.constant 1 : i32
      %dma_start3A_60 = arith.constant 1 : i32
      %dma_start3A_61 = arith.constant 32 : i32
      %dma_start3A_62 = tpu.memref_slice %arg10[%dma_start3A_60, %dma_start3A_61] : memref<6x128xi32, #tpu.memory_space<vmem>> -> memref<1x96xi32, #tpu.memory_space<vmem>>
      %dma_start3A_63 = tpu.memref_squeeze %dma_start3A_62 : memref<1x96xi32, #tpu.memory_space<vmem>> -> memref<96xi32, #tpu.memory_space<vmem>>
      %dma_start3A_64 = arith.constant 0 : i32
      %dma_start3A_65 = tpu.memref_slice %arg2[%dma_start3A_59, %dma_start3A_64] : memref<6x100000xi32, #tpu.memory_space<hbm>> -> memref<1x96xi32, #tpu.memory_space<hbm>>
      %dma_start3A_66 = tpu.memref_squeeze %dma_start3A_65 : memref<1x96xi32, #tpu.memory_space<hbm>> -> memref<96xi32, #tpu.memory_space<hbm>>
      %dma_start3A_67 = arith.constant 32 : i32
      %dma_start3A_68 = tpu.memref_slice %arg10[%dma_start3A_60, %dma_start3A_67] : memref<6x128xi32, #tpu.memory_space<vmem>> -> memref<1x96xi32, #tpu.memory_space<vmem>>
      %dma_start3A_69 = tpu.memref_squeeze %dma_start3A_68 : memref<1x96xi32, #tpu.memory_space<vmem>> -> memref<96xi32, #tpu.memory_space<vmem>>
      %dma_start3A_70 = arith.constant 0 : i32
      %dma_start3A_71 = tpu.memref_slice %arg2[%dma_start3A_59, %dma_start3A_70] : memref<6x100000xi32, #tpu.memory_space<hbm>> -> memref<1x96xi32, #tpu.memory_space<hbm>>
      %dma_start3A_72 = tpu.memref_squeeze %dma_start3A_71 : memref<1x96xi32, #tpu.memory_space<hbm>> -> memref<96xi32, #tpu.memory_space<hbm>>
      tpu.enqueue_dma source(%dma_start3A_72 : memref<96xi32, #tpu.memory_space<hbm>>) target(%dma_start3A_69 : memref<96xi32, #tpu.memory_space<vmem>>) target_semaphore(%arg20 : memref<!tpu.dma_semaphore, #tpu.memory_space<semaphore_mem>>)
      %dma_start3A_73 = arith.constant 2 : i32
      %dma_start3A_74 = arith.constant 2 : i32
      %dma_start3A_75 = arith.constant 0 : i32
      %dma_start3A_76 = tpu.memref_slice %arg10[%dma_start3A_74, %dma_start3A_75] : memref<6x128xi32, #tpu.memory_space<vmem>> -> memref<1x32xi32, #tpu.memory_space<vmem>>
      %dma_start3A_77 = tpu.memref_squeeze %dma_start3A_76 : memref<1x32xi32, #tpu.memory_space<vmem>> -> memref<32xi32, #tpu.memory_space<vmem>>
      %dma_start3A_78 = arith.constant 99968 : i32
      %dma_start3A_79 = tpu.memref_slice %arg2[%dma_start3A_73, %dma_start3A_78] : memref<6x100000xi32, #tpu.memory_space<hbm>> -> memref<1x32xi32, #tpu.memory_space<hbm>>
      %dma_start3A_80 = tpu.memref_squeeze %dma_start3A_79 : memref<1x32xi32, #tpu.memory_space<hbm>> -> memref<32xi32, #tpu.memory_space<hbm>>
      %dma_start3A_81 = arith.constant 0 : i32
      %dma_start3A_82 = tpu.memref_slice %arg10[%dma_start3A_74, %dma_start3A_81] : memref<6x128xi32, #tpu.memory_space<vmem>> -> memref<1x32xi32, #tpu.memory_space<vmem>>
      %dma_start3A_83 = tpu.memref_squeeze %dma_start3A_82 : memref<1x32xi32, #tpu.memory_space<vmem>> -> memref<32xi32, #tpu.memory_space<vmem>>
      %dma_start3A_84 = arith.constant 99968 : i32
      %dma_start3A_85 = tpu.memref_slice %arg2[%dma_start3A_73, %dma_start3A_84] : memref<6x100000xi32, #tpu.memory_space<hbm>> -> memref<1x32xi32, #tpu.memory_space<hbm>>
      %dma_start3A_86 = tpu.memref_squeeze %dma_start3A_85 : memref<1x32xi32, #tpu.memory_space<hbm>> -> memref<32xi32, #tpu.memory_space<hbm>>
      tpu.enqueue_dma source(%dma_start3A_86 : memref<32xi32, #tpu.memory_space<hbm>>) target(%dma_start3A_83 : memref<32xi32, #tpu.memory_space<vmem>>) target_semaphore(%arg20 : memref<!tpu.dma_semaphore, #tpu.memory_space<semaphore_mem>>)
      %dma_start3A_87 = arith.constant 2 : i32
      %dma_start3A_88 = arith.constant 2 : i32
      %dma_start3A_89 = arith.constant 32 : i32
      %dma_start3A_90 = tpu.memref_slice %arg10[%dma_start3A_88, %dma_start3A_89] : memref<6x128xi32, #tpu.memory_space<vmem>> -> memref<1x96xi32, #tpu.memory_space<vmem>>
      %dma_start3A_91 = tpu.memref_squeeze %dma_start3A_90 : memref<1x96xi32, #tpu.memory_space<vmem>> -> memref<96xi32, #tpu.memory_space<vmem>>
      %dma_start3A_92 = arith.constant 0 : i32
      %dma_start3A_93 = tpu.memref_slice %arg2[%dma_start3A_87, %dma_start3A_92] : memref<6x100000xi32, #tpu.memory_space<hbm>> -> memref<1x96xi32, #tpu.memory_space<hbm>>
      %dma_start3A_94 = tpu.memref_squeeze %dma_start3A_93 : memref<1x96xi32, #tpu.memory_space<hbm>> -> memref<96xi32, #tpu.memory_space<hbm>>
      %dma_start3A_95 = arith.constant 32 : i32
      %dma_start3A_96 = tpu.memref_slice %arg10[%dma_start3A_88, %dma_start3A_95] : memref<6x128xi32, #tpu.memory_space<vmem>> -> memref<1x96xi32, #tpu.memory_space<vmem>>
      %dma_start3A_97 = tpu.memref_squeeze %dma_start3A_96 : memref<1x96xi32, #tpu.memory_space<vmem>> -> memref<96xi32, #tpu.memory_space<vmem>>
      %dma_start3A_98 = arith.constant 0 : i32
      %dma_start3A_99 = tpu.memref_slice %arg2[%dma_start3A_87, %dma_start3A_98] : memref<6x100000xi32, #tpu.memory_space<hbm>> -> memref<1x96xi32, #tpu.memory_space<hbm>>
      %dma_start3A_100 = tpu.memref_squeeze %dma_start3A_99 : memref<1x96xi32, #tpu.memory_space<hbm>> -> memref<96xi32, #tpu.memory_space<hbm>>
      tpu.enqueue_dma source(%dma_start3A_100 : memref<96xi32, #tpu.memory_space<hbm>>) target(%dma_start3A_97 : memref<96xi32, #tpu.memory_space<vmem>>) target_semaphore(%arg20 : memref<!tpu.dma_semaphore, #tpu.memory_space<semaphore_mem>>)
      %dma_start3A_101 = arith.constant 3 : i32
      %dma_start3A_102 = arith.constant 3 : i32
      %dma_start3A_103 = arith.constant 0 : i32
      %dma_start3A_104 = tpu.memref_slice %arg10[%dma_start3A_102, %dma_start3A_103] : memref<6x128xi32, #tpu.memory_space<vmem>> -> memref<1x32xi32, #tpu.memory_space<vmem>>
      %dma_start3A_105 = tpu.memref_squeeze %dma_start3A_104 : memref<1x32xi32, #tpu.memory_space<vmem>> -> memref<32xi32, #tpu.memory_space<vmem>>
      %dma_start3A_106 = arith.constant 99968 : i32
      %dma_start3A_107 = tpu.memref_slice %arg2[%dma_start3A_101, %dma_start3A_106] : memref<6x100000xi32, #tpu.memory_space<hbm>> -> memref<1x32xi32, #tpu.memory_space<hbm>>
      %dma_start3A_108 = tpu.memref_squeeze %dma_start3A_107 : memref<1x32xi32, #tpu.memory_space<hbm>> -> memref<32xi32, #tpu.memory_space<hbm>>
      %dma_start3A_109 = arith.constant 0 : i32
      %dma_start3A_110 = tpu.memref_slice %arg10[%dma_start3A_102, %dma_start3A_109] : memref<6x128xi32, #tpu.memory_space<vmem>> -> memref<1x32xi32, #tpu.memory_space<vmem>>
      %dma_start3A_111 = tpu.memref_squeeze %dma_start3A_110 : memref<1x32xi32, #tpu.memory_space<vmem>> -> memref<32xi32, #tpu.memory_space<vmem>>
      %dma_start3A_112 = arith.constant 99968 : i32
      %dma_start3A_113 = tpu.memref_slice %arg2[%dma_start3A_101, %dma_start3A_112] : memref<6x100000xi32, #tpu.memory_space<hbm>> -> memref<1x32xi32, #tpu.memory_space<hbm>>
      %dma_start3A_114 = tpu.memref_squeeze %dma_start3A_113 : memref<1x32xi32, #tpu.memory_space<hbm>> -> memref<32xi32, #tpu.memory_space<hbm>>
      tpu.enqueue_dma source(%dma_start3A_114 : memref<32xi32, #tpu.memory_space<hbm>>) target(%dma_start3A_111 : memref<32xi32, #tpu.memory_space<vmem>>) target_semaphore(%arg20 : memref<!tpu.dma_semaphore, #tpu.memory_space<semaphore_mem>>)
      %dma_start3A_115 = arith.constant 3 : i32
      %dma_start3A_116 = arith.constant 3 : i32
      %dma_start3A_117 = arith.constant 32 : i32
      %dma_start3A_118 = tpu.memref_slice %arg10[%dma_start3A_116, %dma_start3A_117] : memref<6x128xi32, #tpu.memory_space<vmem>> -> memref<1x96xi32, #tpu.memory_space<vmem>>
      %dma_start3A_119 = tpu.memref_squeeze %dma_start3A_118 : memref<1x96xi32, #tpu.memory_space<vmem>> -> memref<96xi32, #tpu.memory_space<vmem>>
      %dma_start3A_120 = arith.constant 0 : i32
      %dma_start3A_121 = tpu.memref_slice %arg2[%dma_start3A_115, %dma_start3A_120] : memref<6x100000xi32, #tpu.memory_space<hbm>> -> memref<1x96xi32, #tpu.memory_space<hbm>>
      %dma_start3A_122 = tpu.memref_squeeze %dma_start3A_121 : memref<1x96xi32, #tpu.memory_space<hbm>> -> memref<96xi32, #tpu.memory_space<hbm>>
      %dma_start3A_123 = arith.constant 32 : i32
      %dma_start3A_124 = tpu.memref_slice %arg10[%dma_start3A_116, %dma_start3A_123] : memref<6x128xi32, #tpu.memory_space<vmem>> -> memref<1x96xi32, #tpu.memory_space<vmem>>
      %dma_start3A_125 = tpu.memref_squeeze %dma_start3A_124 : memref<1x96xi32, #tpu.memory_space<vmem>> -> memref<96xi32, #tpu.memory_space<vmem>>
      %dma_start3A_126 = arith.constant 0 : i32
      %dma_start3A_127 = tpu.memref_slice %arg2[%dma_start3A_115, %dma_start3A_126] : memref<6x100000xi32, #tpu.memory_space<hbm>> -> memref<1x96xi32, #tpu.memory_space<hbm>>
      %dma_start3A_128 = tpu.memref_squeeze %dma_start3A_127 : memref<1x96xi32, #tpu.memory_space<hbm>> -> memref<96xi32, #tpu.memory_space<hbm>>
      tpu.enqueue_dma source(%dma_start3A_128 : memref<96xi32, #tpu.memory_space<hbm>>) target(%dma_start3A_125 : memref<96xi32, #tpu.memory_space<vmem>>) target_semaphore(%arg20 : memref<!tpu.dma_semaphore, #tpu.memory_space<semaphore_mem>>)
      %dma_start3A_129 = arith.constant 4 : i32
      %dma_start3A_130 = arith.constant 4 : i32
      %dma_start3A_131 = arith.constant 0 : i32
      %dma_start3A_132 = tpu.memref_slice %arg10[%dma_start3A_130, %dma_start3A_131] : memref<6x128xi32, #tpu.memory_space<vmem>> -> memref<1x32xi32, #tpu.memory_space<vmem>>
      %dma_start3A_133 = tpu.memref_squeeze %dma_start3A_132 : memref<1x32xi32, #tpu.memory_space<vmem>> -> memref<32xi32, #tpu.memory_space<vmem>>
      %dma_start3A_134 = arith.constant 99968 : i32
      %dma_start3A_135 = tpu.memref_slice %arg2[%dma_start3A_129, %dma_start3A_134] : memref<6x100000xi32, #tpu.memory_space<hbm>> -> memref<1x32xi32, #tpu.memory_space<hbm>>
      %dma_start3A_136 = tpu.memref_squeeze %dma_start3A_135 : memref<1x32xi32, #tpu.memory_space<hbm>> -> memref<32xi32, #tpu.memory_space<hbm>>
      %dma_start3A_137 = arith.constant 0 : i32
      %dma_start3A_138 = tpu.memref_slice %arg10[%dma_start3A_130, %dma_start3A_137] : memref<6x128xi32, #tpu.memory_space<vmem>> -> memref<1x32xi32, #tpu.memory_space<vmem>>
      %dma_start3A_139 = tpu.memref_squeeze %dma_start3A_138 : memref<1x32xi32, #tpu.memory_space<vmem>> -> memref<32xi32, #tpu.memory_space<vmem>>
      %dma_start3A_140 = arith.constant 99968 : i32
      %dma_start3A_141 = tpu.memref_slice %arg2[%dma_start3A_129, %dma_start3A_140] : memref<6x100000xi32, #tpu.memory_space<hbm>> -> memref<1x32xi32, #tpu.memory_space<hbm>>
      %dma_start3A_142 = tpu.memref_squeeze %dma_start3A_141 : memref<1x32xi32, #tpu.memory_space<hbm>> -> memref<32xi32, #tpu.memory_space<hbm>>
      tpu.enqueue_dma source(%dma_start3A_142 : memref<32xi32, #tpu.memory_space<hbm>>) target(%dma_start3A_139 : memref<32xi32, #tpu.memory_space<vmem>>) target_semaphore(%arg20 : memref<!tpu.dma_semaphore, #tpu.memory_space<semaphore_mem>>)
      %dma_start3A_143 = arith.constant 4 : i32
      %dma_start3A_144 = arith.constant 4 : i32
      %dma_start3A_145 = arith.constant 32 : i32
      %dma_start3A_146 = tpu.memref_slice %arg10[%dma_start3A_144, %dma_start3A_145] : memref<6x128xi32, #tpu.memory_space<vmem>> -> memref<1x96xi32, #tpu.memory_space<vmem>>
      %dma_start3A_147 = tpu.memref_squeeze %dma_start3A_146 : memref<1x96xi32, #tpu.memory_space<vmem>> -> memref<96xi32, #tpu.memory_space<vmem>>
      %dma_start3A_148 = arith.constant 0 : i32
      %dma_start3A_149 = tpu.memref_slice %arg2[%dma_start3A_143, %dma_start3A_148] : memref<6x100000xi32, #tpu.memory_space<hbm>> -> memref<1x96xi32, #tpu.memory_space<hbm>>
      %dma_start3A_150 = tpu.memref_squeeze %dma_start3A_149 : memref<1x96xi32, #tpu.memory_space<hbm>> -> memref<96xi32, #tpu.memory_space<hbm>>
      %dma_start3A_151 = arith.constant 32 : i32
      %dma_start3A_152 = tpu.memref_slice %arg10[%dma_start3A_144, %dma_start3A_151] : memref<6x128xi32, #tpu.memory_space<vmem>> -> memref<1x96xi32, #tpu.memory_space<vmem>>
      %dma_start3A_153 = tpu.memref_squeeze %dma_start3A_152 : memref<1x96xi32, #tpu.memory_space<vmem>> -> memref<96xi32, #tpu.memory_space<vmem>>
      %dma_start3A_154 = arith.constant 0 : i32
      %dma_start3A_155 = tpu.memref_slice %arg2[%dma_start3A_143, %dma_start3A_154] : memref<6x100000xi32, #tpu.memory_space<hbm>> -> memref<1x96xi32, #tpu.memory_space<hbm>>
      %dma_start3A_156 = tpu.memref_squeeze %dma_start3A_155 : memref<1x96xi32, #tpu.memory_space<hbm>> -> memref<96xi32, #tpu.memory_space<hbm>>
      tpu.enqueue_dma source(%dma_start3A_156 : memref<96xi32, #tpu.memory_space<hbm>>) target(%dma_start3A_153 : memref<96xi32, #tpu.memory_space<vmem>>) target_semaphore(%arg20 : memref<!tpu.dma_semaphore, #tpu.memory_space<semaphore_mem>>)
      %dma_start3A_157 = arith.constant 5 : i32
      %dma_start3A_158 = arith.constant 5 : i32
      %dma_start3A_159 = arith.constant 0 : i32
      %dma_start3A_160 = tpu.memref_slice %arg10[%dma_start3A_158, %dma_start3A_159] : memref<6x128xi32, #tpu.memory_space<vmem>> -> memref<1x32xi32, #tpu.memory_space<vmem>>
      %dma_start3A_161 = tpu.memref_squeeze %dma_start3A_160 : memref<1x32xi32, #tpu.memory_space<vmem>> -> memref<32xi32, #tpu.memory_space<vmem>>
      %dma_start3A_162 = arith.constant 99968 : i32
      %dma_start3A_163 = tpu.memref_slice %arg2[%dma_start3A_157, %dma_start3A_162] : memref<6x100000xi32, #tpu.memory_space<hbm>> -> memref<1x32xi32, #tpu.memory_space<hbm>>
      %dma_start3A_164 = tpu.memref_squeeze %dma_start3A_163 : memref<1x32xi32, #tpu.memory_space<hbm>> -> memref<32xi32, #tpu.memory_space<hbm>>
      %dma_start3A_165 = arith.constant 0 : i32
      %dma_start3A_166 = tpu.memref_slice %arg10[%dma_start3A_158, %dma_start3A_165] : memref<6x128xi32, #tpu.memory_space<vmem>> -> memref<1x32xi32, #tpu.memory_space<vmem>>
      %dma_start3A_167 = tpu.memref_squeeze %dma_start3A_166 : memref<1x32xi32, #tpu.memory_space<vmem>> -> memref<32xi32, #tpu.memory_space<vmem>>
      %dma_start3A_168 = arith.constant 99968 : i32
      %dma_start3A_169 = tpu.memref_slice %arg2[%dma_start3A_157, %dma_start3A_168] : memref<6x100000xi32, #tpu.memory_space<hbm>> -> memref<1x32xi32, #tpu.memory_space<hbm>>
      %dma_start3A_170 = tpu.memref_squeeze %dma_start3A_169 : memref<1x32xi32, #tpu.memory_space<hbm>> -> memref<32xi32, #tpu.memory_space<hbm>>
      tpu.enqueue_dma source(%dma_start3A_170 : memref<32xi32, #tpu.memory_space<hbm>>) target(%dma_start3A_167 : memref<32xi32, #tpu.memory_space<vmem>>) target_semaphore(%arg20 : memref<!tpu.dma_semaphore, #tpu.memory_space<semaphore_mem>>)
      %dma_start3A_171 = arith.constant 5 : i32
      %dma_start3A_172 = arith.constant 5 : i32
      %dma_start3A_173 = arith.constant 32 : i32
      %dma_start3A_174 = tpu.memref_slice %arg10[%dma_start3A_172, %dma_start3A_173] : memref<6x128xi32, #tpu.memory_space<vmem>> -> memref<1x96xi32, #tpu.memory_space<vmem>>
      %dma_start3A_175 = tpu.memref_squeeze %dma_start3A_174 : memref<1x96xi32, #tpu.memory_space<vmem>> -> memref<96xi32, #tpu.memory_space<vmem>>
      %dma_start3A_176 = arith.constant 0 : i32
      %dma_start3A_177 = tpu.memref_slice %arg2[%dma_start3A_171, %dma_start3A_176] : memref<6x100000xi32, #tpu.memory_space<hbm>> -> memref<1x96xi32, #tpu.memory_space<hbm>>
      %dma_start3A_178 = tpu.memref_squeeze %dma_start3A_177 : memref<1x96xi32, #tpu.memory_space<hbm>> -> memref<96xi32, #tpu.memory_space<hbm>>
      %dma_start3A_179 = arith.constant 32 : i32
      %dma_start3A_180 = tpu.memref_slice %arg10[%dma_start3A_172, %dma_start3A_179] : memref<6x128xi32, #tpu.memory_space<vmem>> -> memref<1x96xi32, #tpu.memory_space<vmem>>
      %dma_start3A_181 = tpu.memref_squeeze %dma_start3A_180 : memref<1x96xi32, #tpu.memory_space<vmem>> -> memref<96xi32, #tpu.memory_space<vmem>>
      %dma_start3A_182 = arith.constant 0 : i32
      %dma_start3A_183 = tpu.memref_slice %arg2[%dma_start3A_171, %dma_start3A_182] : memref<6x100000xi32, #tpu.memory_space<hbm>> -> memref<1x96xi32, #tpu.memory_space<hbm>>
      %dma_start3A_184 = tpu.memref_squeeze %dma_start3A_183 : memref<1x96xi32, #tpu.memory_space<hbm>> -> memref<96xi32, #tpu.memory_space<hbm>>
      tpu.enqueue_dma source(%dma_start3A_184 : memref<96xi32, #tpu.memory_space<hbm>>) target(%dma_start3A_181 : memref<96xi32, #tpu.memory_space<vmem>>) target_semaphore(%arg20 : memref<!tpu.dma_semaphore, #tpu.memory_space<semaphore_mem>>)
    } else {
    }
    %scan3A = arith.constant 0 : i32
    %scan3A_12 = arith.constant 0 : i32
    %scan3A_13 = arith.constant 6 : i32
    %scan3A_14 = arith.addi %scan3A_12, %scan3A_13 : i32
    %scan3A_15 = arith.constant 1 : i32
    %scan3A_16 = scf.for %scan3A_18 = %scan3A_12 to %scan3A_14 step %scan3A_15 iter_args(%scan3A_19 = %scan3A) -> (i32)  : i32 {
      %mul3A_20 = arith.constant 5 : i32
      %mul3A_21 = arith.muli %scan3A_18, %mul3A_20 : i32
      %add3A_22 = arith.constant 0 : i32
      %add3A_23 = arith.addi %mul3A_21, %add3A_22 : i32
      %sub3A = arith.constant 5 : i32
      %sub3A_24 = arith.subi %add3A_23, %sub3A : i32
      %mul3A_25 = arith.constant 32 : i32
      %mul3A_26 = arith.muli %sub3A_24, %mul3A_25 : i32
      %add3A_27 = arith.addi %add3A, %mul3A_26 : i32
      %ge3A = arith.constant 0 : i32
      %ge3A_28 = arith.cmpi sge, %sub3A_24, %ge3A : i32
      %lt3A_29 = arith.constant 781 : i32
      %lt3A_30 = arith.cmpi slt, %add3A_27, %lt3A_29 : i32
      %and3A_31 = arith.andi %ge3A_28, %lt3A_30 : i1
      %convert_element_type3A_32 = arith.extui %and3A_31 : i1 to i32
      %cond3A_33 = arith.constant 0 : i32
      %cond3A_34 = arith.cmpi ne, %convert_element_type3A_32, %cond3A_33 : i32
      scf.if %cond3A_34 {
        %mul3A_691 = arith.constant 128 : i32
        %mul3A_692 = arith.muli %add3A_27, %mul3A_691 : i32
        %dma_wait3A = arith.constant 0 : i32
        %dma_wait3A_693 = tpu.memref_slice %arg9[%mul3A_692, %dma_wait3A] : memref<100000x128xf32, #tpu.memory_space<hbm>> -> memref<128x128xf32, #tpu.memory_space<hbm>>
        %dma_wait3A_694 = arith.constant 0 : i32
        %dma_wait3A_695 = tpu.memref_slice %arg9[%mul3A_692, %dma_wait3A_694] : memref<100000x128xf32, #tpu.memory_space<hbm>> -> memref<128x128xf32, #tpu.memory_space<hbm>>
        tpu.wait_dma2 semaphore(%arg35 : memref<!tpu.dma_semaphore, #tpu.memory_space<semaphore_mem>>) src(%arg15 : memref<128x128xf32, #tpu.memory_space<vmem>>) dst(%dma_wait3A_695 : memref<128x128xf32, #tpu.memory_space<hbm>>)
      } else {
      }
      %ge3A_35 = arith.constant 0 : i32
      %ge3A_36 = arith.cmpi sge, %sub3A_24, %ge3A_35 : i32
      %eq3A_37 = arith.constant 781 : i32
      %eq3A_38 = arith.cmpi eq, %add3A_27, %eq3A_37 : i32
      %and3A_39 = arith.andi %ge3A_36, %eq3A_38 : i1
      %convert_element_type3A_40 = arith.extui %and3A_39 : i1 to i32
      %cond3A_41 = arith.constant 0 : i32
      %cond3A_42 = arith.cmpi ne, %convert_element_type3A_40, %cond3A_41 : i32
      scf.if %cond3A_42 {
        %dma_wait3A = arith.constant 0 : i32
        %dma_wait3A_691 = arith.constant 0 : i32
        %dma_wait3A_692 = tpu.memref_slice %arg15[%dma_wait3A, %dma_wait3A_691] : memref<128x128xf32, #tpu.memory_space<vmem>> -> memref<32x128xf32, #tpu.memory_space<vmem>>
        %dma_wait3A_693 = arith.constant 99968 : i32
        %dma_wait3A_694 = arith.constant 0 : i32
        %dma_wait3A_695 = tpu.memref_slice %arg9[%dma_wait3A_693, %dma_wait3A_694] : memref<100000x128xf32, #tpu.memory_space<hbm>> -> memref<32x128xf32, #tpu.memory_space<hbm>>
        %dma_wait3A_696 = arith.constant 99968 : i32
        %dma_wait3A_697 = arith.constant 0 : i32
        %dma_wait3A_698 = tpu.memref_slice %arg9[%dma_wait3A_696, %dma_wait3A_697] : memref<100000x128xf32, #tpu.memory_space<hbm>> -> memref<32x128xf32, #tpu.memory_space<hbm>>
        %dma_wait3A_699 = arith.constant 0 : i32
        %dma_wait3A_700 = arith.constant 0 : i32
        %dma_wait3A_701 = tpu.memref_slice %arg15[%dma_wait3A_699, %dma_wait3A_700] : memref<128x128xf32, #tpu.memory_space<vmem>> -> memref<32x128xf32, #tpu.memory_space<vmem>>
        tpu.wait_dma2 semaphore(%arg35 : memref<!tpu.dma_semaphore, #tpu.memory_space<semaphore_mem>>) src(%dma_wait3A_701 : memref<32x128xf32, #tpu.memory_space<vmem>>) dst(%dma_wait3A_698 : memref<32x128xf32, #tpu.memory_space<hbm>>)
      } else {
      }
      %mul3A_43 = arith.constant 32 : i32
      %mul3A_44 = arith.muli %add3A_23, %mul3A_43 : i32
      %add3A_45 = arith.addi %add3A, %mul3A_44 : i32
      %ge3A_46 = arith.constant 0 : i32
      %ge3A_47 = arith.cmpi sge, %add3A_23, %ge3A_46 : i32
      %lt3A_48 = arith.constant 781 : i32
      %lt3A_49 = arith.cmpi slt, %add3A_45, %lt3A_48 : i32
      %and3A_50 = arith.andi %ge3A_47, %lt3A_49 : i1
      %convert_element_type3A_51 = arith.extui %and3A_50 : i1 to i32
      %cond3A_52 = arith.constant 0 : i32
      %cond3A_53 = arith.cmpi ne, %convert_element_type3A_51, %cond3A_52 : i32
      scf.if %cond3A_53 {
        %mul3A_691 = arith.constant 128 : i32
        %mul3A_692 = arith.muli %add3A_45, %mul3A_691 : i32
        %dma_wait3A = arith.constant 0 : i32
        %dma_wait3A_693 = tpu.memref_slice %arg2[%dma_wait3A, %mul3A_692] : memref<6x100000xi32, #tpu.memory_space<hbm>> -> memref<6x128xi32, #tpu.memory_space<hbm>>
        %dma_wait3A_694 = arith.constant 0 : i32
        %dma_wait3A_695 = tpu.memref_slice %arg2[%dma_wait3A_694, %mul3A_692] : memref<6x100000xi32, #tpu.memory_space<hbm>> -> memref<6x128xi32, #tpu.memory_space<hbm>>
        tpu.wait_dma2 semaphore(%arg20 : memref<!tpu.dma_semaphore, #tpu.memory_space<semaphore_mem>>) src(%dma_wait3A_695 : memref<6x128xi32, #tpu.memory_space<hbm>>) dst(%arg10 : memref<6x128xi32, #tpu.memory_space<vmem>>)
      } else {
      }
      %ge3A_54 = arith.constant 0 : i32
      %ge3A_55 = arith.cmpi sge, %add3A_23, %ge3A_54 : i32
      %eq3A_56 = arith.constant 781 : i32
      %eq3A_57 = arith.cmpi eq, %add3A_45, %eq3A_56 : i32
      %and3A_58 = arith.andi %ge3A_55, %eq3A_57 : i1
      %convert_element_type3A_59 = arith.extui %and3A_58 : i1 to i32
      %cond3A_60 = arith.constant 0 : i32
      %cond3A_61 = arith.cmpi ne, %convert_element_type3A_59, %cond3A_60 : i32
      scf.if %cond3A_61 {
        %dma_wait3A = arith.constant 0 : i32
        %dma_wait3A_691 = arith.constant 0 : i32
        %dma_wait3A_692 = arith.constant 0 : i32
        %dma_wait3A_693 = tpu.memref_slice %arg10[%dma_wait3A_691, %dma_wait3A_692] : memref<6x128xi32, #tpu.memory_space<vmem>> -> memref<1x32xi32, #tpu.memory_space<vmem>>
        %dma_wait3A_694 = tpu.memref_squeeze %dma_wait3A_693 : memref<1x32xi32, #tpu.memory_space<vmem>> -> memref<32xi32, #tpu.memory_space<vmem>>
        %dma_wait3A_695 = arith.constant 99968 : i32
        %dma_wait3A_696 = tpu.memref_slice %arg2[%dma_wait3A, %dma_wait3A_695] : memref<6x100000xi32, #tpu.memory_space<hbm>> -> memref<1x32xi32, #tpu.memory_space<hbm>>
        %dma_wait3A_697 = tpu.memref_squeeze %dma_wait3A_696 : memref<1x32xi32, #tpu.memory_space<hbm>> -> memref<32xi32, #tpu.memory_space<hbm>>
        %dma_wait3A_698 = arith.constant 0 : i32
        %dma_wait3A_699 = tpu.memref_slice %arg10[%dma_wait3A_691, %dma_wait3A_698] : memref<6x128xi32, #tpu.memory_space<vmem>> -> memref<1x32xi32, #tpu.memory_space<vmem>>
        %dma_wait3A_700 = tpu.memref_squeeze %dma_wait3A_699 : memref<1x32xi32, #tpu.memory_space<vmem>> -> memref<32xi32, #tpu.memory_space<vmem>>
        %dma_wait3A_701 = arith.constant 99968 : i32
        %dma_wait3A_702 = tpu.memref_slice %arg2[%dma_wait3A, %dma_wait3A_701] : memref<6x100000xi32, #tpu.memory_space<hbm>> -> memref<1x32xi32, #tpu.memory_space<hbm>>
        %dma_wait3A_703 = tpu.memref_squeeze %dma_wait3A_702 : memref<1x32xi32, #tpu.memory_space<hbm>> -> memref<32xi32, #tpu.memory_space<hbm>>
        tpu.wait_dma2 semaphore(%arg20 : memref<!tpu.dma_semaphore, #tpu.memory_space<semaphore_mem>>) src(%dma_wait3A_703 : memref<32xi32, #tpu.memory_space<hbm>>) dst(%dma_wait3A_700 : memref<32xi32, #tpu.memory_space<vmem>>)
        %dma_wait3A_704 = arith.constant 0 : i32
        %dma_wait3A_705 = arith.constant 0 : i32
        %dma_wait3A_706 = arith.constant 32 : i32
        %dma_wait3A_707 = tpu.memref_slice %arg10[%dma_wait3A_705, %dma_wait3A_706] : memref<6x128xi32, #tpu.memory_space<vmem>> -> memref<1x96xi32, #tpu.memory_space<vmem>>
        %dma_wait3A_708 = tpu.memref_squeeze %dma_wait3A_707 : memref<1x96xi32, #tpu.memory_space<vmem>> -> memref<96xi32, #tpu.memory_space<vmem>>
        %dma_wait3A_709 = arith.constant 0 : i32
        %dma_wait3A_710 = tpu.memref_slice %arg2[%dma_wait3A_704, %dma_wait3A_709] : memref<6x100000xi32, #tpu.memory_space<hbm>> -> memref<1x96xi32, #tpu.memory_space<hbm>>
        %dma_wait3A_711 = tpu.memref_squeeze %dma_wait3A_710 : memref<1x96xi32, #tpu.memory_space<hbm>> -> memref<96xi32, #tpu.memory_space<hbm>>
        %dma_wait3A_712 = arith.constant 32 : i32
        %dma_wait3A_713 = tpu.memref_slice %arg10[%dma_wait3A_705, %dma_wait3A_712] : memref<6x128xi32, #tpu.memory_space<vmem>> -> memref<1x96xi32, #tpu.memory_space<vmem>>
        %dma_wait3A_714 = tpu.memref_squeeze %dma_wait3A_713 : memref<1x96xi32, #tpu.memory_space<vmem>> -> memref<96xi32, #tpu.memory_space<vmem>>
        %dma_wait3A_715 = arith.constant 0 : i32
        %dma_wait3A_716 = tpu.memref_slice %arg2[%dma_wait3A_704, %dma_wait3A_715] : memref<6x100000xi32, #tpu.memory_space<hbm>> -> memref<1x96xi32, #tpu.memory_space<hbm>>
        %dma_wait3A_717 = tpu.memref_squeeze %dma_wait3A_716 : memref<1x96xi32, #tpu.memory_space<hbm>> -> memref<96xi32, #tpu.memory_space<hbm>>
        tpu.wait_dma2 semaphore(%arg20 : memref<!tpu.dma_semaphore, #tpu.memory_space<semaphore_mem>>) src(%dma_wait3A_717 : memref<96xi32, #tpu.memory_space<hbm>>) dst(%dma_wait3A_714 : memref<96xi32, #tpu.memory_space<vmem>>)
        %dma_wait3A_718 = arith.constant 1 : i32
        %dma_wait3A_719 = arith.constant 1 : i32
        %dma_wait3A_720 = arith.constant 0 : i32
        %dma_wait3A_721 = tpu.memref_slice %arg10[%dma_wait3A_719, %dma_wait3A_720] : memref<6x128xi32, #tpu.memory_space<vmem>> -> memref<1x32xi32, #tpu.memory_space<vmem>>
        %dma_wait3A_722 = tpu.memref_squeeze %dma_wait3A_721 : memref<1x32xi32, #tpu.memory_space<vmem>> -> memref<32xi32, #tpu.memory_space<vmem>>
        %dma_wait3A_723 = arith.constant 99968 : i32
        %dma_wait3A_724 = tpu.memref_slice %arg2[%dma_wait3A_718, %dma_wait3A_723] : memref<6x100000xi32, #tpu.memory_space<hbm>> -> memref<1x32xi32, #tpu.memory_space<hbm>>
        %dma_wait3A_725 = tpu.memref_squeeze %dma_wait3A_724 : memref<1x32xi32, #tpu.memory_space<hbm>> -> memref<32xi32, #tpu.memory_space<hbm>>
        %dma_wait3A_726 = arith.constant 0 : i32
        %dma_wait3A_727 = tpu.memref_slice %arg10[%dma_wait3A_719, %dma_wait3A_726] : memref<6x128xi32, #tpu.memory_space<vmem>> -> memref<1x32xi32, #tpu.memory_space<vmem>>
        %dma_wait3A_728 = tpu.memref_squeeze %dma_wait3A_727 : memref<1x32xi32, #tpu.memory_space<vmem>> -> memref<32xi32, #tpu.memory_space<vmem>>
        %dma_wait3A_729 = arith.constant 99968 : i32
        %dma_wait3A_730 = tpu.memref_slice %arg2[%dma_wait3A_718, %dma_wait3A_729] : memref<6x100000xi32, #tpu.memory_space<hbm>> -> memref<1x32xi32, #tpu.memory_space<hbm>>
        %dma_wait3A_731 = tpu.memref_squeeze %dma_wait3A_730 : memref<1x32xi32, #tpu.memory_space<hbm>> -> memref<32xi32, #tpu.memory_space<hbm>>
        tpu.wait_dma2 semaphore(%arg20 : memref<!tpu.dma_semaphore, #tpu.memory_space<semaphore_mem>>) src(%dma_wait3A_731 : memref<32xi32, #tpu.memory_space<hbm>>) dst(%dma_wait3A_728 : memref<32xi32, #tpu.memory_space<vmem>>)
        %dma_wait3A_732 = arith.constant 1 : i32
        %dma_wait3A_733 = arith.constant 1 : i32
        %dma_wait3A_734 = arith.constant 32 : i32
        %dma_wait3A_735 = tpu.memref_slice %arg10[%dma_wait3A_733, %dma_wait3A_734] : memref<6x128xi32, #tpu.memory_space<vmem>> -> memref<1x96xi32, #tpu.memory_space<vmem>>
        %dma_wait3A_736 = tpu.memref_squeeze %dma_wait3A_735 : memref<1x96xi32, #tpu.memory_space<vmem>> -> memref<96xi32, #tpu.memory_space<vmem>>
        %dma_wait3A_737 = arith.constant 0 : i32
        %dma_wait3A_738 = tpu.memref_slice %arg2[%dma_wait3A_732, %dma_wait3A_737] : memref<6x100000xi32, #tpu.memory_space<hbm>> -> memref<1x96xi32, #tpu.memory_space<hbm>>
        %dma_wait3A_739 = tpu.memref_squeeze %dma_wait3A_738 : memref<1x96xi32, #tpu.memory_space<hbm>> -> memref<96xi32, #tpu.memory_space<hbm>>
        %dma_wait3A_740 = arith.constant 32 : i32
        %dma_wait3A_741 = tpu.memref_slice %arg10[%dma_wait3A_733, %dma_wait3A_740] : memref<6x128xi32, #tpu.memory_space<vmem>> -> memref<1x96xi32, #tpu.memory_space<vmem>>
        %dma_wait3A_742 = tpu.memref_squeeze %dma_wait3A_741 : memref<1x96xi32, #tpu.memory_space<vmem>> -> memref<96xi32, #tpu.memory_space<vmem>>
        %dma_wait3A_743 = arith.constant 0 : i32
        %dma_wait3A_744 = tpu.memref_slice %arg2[%dma_wait3A_732, %dma_wait3A_743] : memref<6x100000xi32, #tpu.memory_space<hbm>> -> memref<1x96xi32, #tpu.memory_space<hbm>>
        %dma_wait3A_745 = tpu.memref_squeeze %dma_wait3A_744 : memref<1x96xi32, #tpu.memory_space<hbm>> -> memref<96xi32, #tpu.memory_space<hbm>>
        tpu.wait_dma2 semaphore(%arg20 : memref<!tpu.dma_semaphore, #tpu.memory_space<semaphore_mem>>) src(%dma_wait3A_745 : memref<96xi32, #tpu.memory_space<hbm>>) dst(%dma_wait3A_742 : memref<96xi32, #tpu.memory_space<vmem>>)
        %dma_wait3A_746 = arith.constant 2 : i32
        %dma_wait3A_747 = arith.constant 2 : i32
        %dma_wait3A_748 = arith.constant 0 : i32
        %dma_wait3A_749 = tpu.memref_slice %arg10[%dma_wait3A_747, %dma_wait3A_748] : memref<6x128xi32, #tpu.memory_space<vmem>> -> memref<1x32xi32, #tpu.memory_space<vmem>>
        %dma_wait3A_750 = tpu.memref_squeeze %dma_wait3A_749 : memref<1x32xi32, #tpu.memory_space<vmem>> -> memref<32xi32, #tpu.memory_space<vmem>>
        %dma_wait3A_751 = arith.constant 99968 : i32
        %dma_wait3A_752 = tpu.memref_slice %arg2[%dma_wait3A_746, %dma_wait3A_751] : memref<6x100000xi32, #tpu.memory_space<hbm>> -> memref<1x32xi32, #tpu.memory_space<hbm>>
        %dma_wait3A_753 = tpu.memref_squeeze %dma_wait3A_752 : memref<1x32xi32, #tpu.memory_space<hbm>> -> memref<32xi32, #tpu.memory_space<hbm>>
        %dma_wait3A_754 = arith.constant 0 : i32
        %dma_wait3A_755 = tpu.memref_slice %arg10[%dma_wait3A_747, %dma_wait3A_754] : memref<6x128xi32, #tpu.memory_space<vmem>> -> memref<1x32xi32, #tpu.memory_space<vmem>>
        %dma_wait3A_756 = tpu.memref_squeeze %dma_wait3A_755 : memref<1x32xi32, #tpu.memory_space<vmem>> -> memref<32xi32, #tpu.memory_space<vmem>>
        %dma_wait3A_757 = arith.constant 99968 : i32
        %dma_wait3A_758 = tpu.memref_slice %arg2[%dma_wait3A_746, %dma_wait3A_757] : memref<6x100000xi32, #tpu.memory_space<hbm>> -> memref<1x32xi32, #tpu.memory_space<hbm>>
        %dma_wait3A_759 = tpu.memref_squeeze %dma_wait3A_758 : memref<1x32xi32, #tpu.memory_space<hbm>> -> memref<32xi32, #tpu.memory_space<hbm>>
        tpu.wait_dma2 semaphore(%arg20 : memref<!tpu.dma_semaphore, #tpu.memory_space<semaphore_mem>>) src(%dma_wait3A_759 : memref<32xi32, #tpu.memory_space<hbm>>) dst(%dma_wait3A_756 : memref<32xi32, #tpu.memory_space<vmem>>)
        %dma_wait3A_760 = arith.constant 2 : i32
        %dma_wait3A_761 = arith.constant 2 : i32
        %dma_wait3A_762 = arith.constant 32 : i32
        %dma_wait3A_763 = tpu.memref_slice %arg10[%dma_wait3A_761, %dma_wait3A_762] : memref<6x128xi32, #tpu.memory_space<vmem>> -> memref<1x96xi32, #tpu.memory_space<vmem>>
        %dma_wait3A_764 = tpu.memref_squeeze %dma_wait3A_763 : memref<1x96xi32, #tpu.memory_space<vmem>> -> memref<96xi32, #tpu.memory_space<vmem>>
        %dma_wait3A_765 = arith.constant 0 : i32
        %dma_wait3A_766 = tpu.memref_slice %arg2[%dma_wait3A_760, %dma_wait3A_765] : memref<6x100000xi32, #tpu.memory_space<hbm>> -> memref<1x96xi32, #tpu.memory_space<hbm>>
        %dma_wait3A_767 = tpu.memref_squeeze %dma_wait3A_766 : memref<1x96xi32, #tpu.memory_space<hbm>> -> memref<96xi32, #tpu.memory_space<hbm>>
        %dma_wait3A_768 = arith.constant 32 : i32
        %dma_wait3A_769 = tpu.memref_slice %arg10[%dma_wait3A_761, %dma_wait3A_768] : memref<6x128xi32, #tpu.memory_space<vmem>> -> memref<1x96xi32, #tpu.memory_space<vmem>>
        %dma_wait3A_770 = tpu.memref_squeeze %dma_wait3A_769 : memref<1x96xi32, #tpu.memory_space<vmem>> -> memref<96xi32, #tpu.memory_space<vmem>>
        %dma_wait3A_771 = arith.constant 0 : i32
        %dma_wait3A_772 = tpu.memref_slice %arg2[%dma_wait3A_760, %dma_wait3A_771] : memref<6x100000xi32, #tpu.memory_space<hbm>> -> memref<1x96xi32, #tpu.memory_space<hbm>>
        %dma_wait3A_773 = tpu.memref_squeeze %dma_wait3A_772 : memref<1x96xi32, #tpu.memory_space<hbm>> -> memref<96xi32, #tpu.memory_space<hbm>>
        tpu.wait_dma2 semaphore(%arg20 : memref<!tpu.dma_semaphore, #tpu.memory_space<semaphore_mem>>) src(%dma_wait3A_773 : memref<96xi32, #tpu.memory_space<hbm>>) dst(%dma_wait3A_770 : memref<96xi32, #tpu.memory_space<vmem>>)
        %dma_wait3A_774 = arith.constant 3 : i32
        %dma_wait3A_775 = arith.constant 3 : i32
        %dma_wait3A_776 = arith.constant 0 : i32
        %dma_wait3A_777 = tpu.memref_slice %arg10[%dma_wait3A_775, %dma_wait3A_776] : memref<6x128xi32, #tpu.memory_space<vmem>> -> memref<1x32xi32, #tpu.memory_space<vmem>>
        %dma_wait3A_778 = tpu.memref_squeeze %dma_wait3A_777 : memref<1x32xi32, #tpu.memory_space<vmem>> -> memref<32xi32, #tpu.memory_space<vmem>>
        %dma_wait3A_779 = arith.constant 99968 : i32
        %dma_wait3A_780 = tpu.memref_slice %arg2[%dma_wait3A_774, %dma_wait3A_779] : memref<6x100000xi32, #tpu.memory_space<hbm>> -> memref<1x32xi32, #tpu.memory_space<hbm>>
        %dma_wait3A_781 = tpu.memref_squeeze %dma_wait3A_780 : memref<1x32xi32, #tpu.memory_space<hbm>> -> memref<32xi32, #tpu.memory_space<hbm>>
        %dma_wait3A_782 = arith.constant 0 : i32
        %dma_wait3A_783 = tpu.memref_slice %arg10[%dma_wait3A_775, %dma_wait3A_782] : memref<6x128xi32, #tpu.memory_space<vmem>> -> memref<1x32xi32, #tpu.memory_space<vmem>>
        %dma_wait3A_784 = tpu.memref_squeeze %dma_wait3A_783 : memref<1x32xi32, #tpu.memory_space<vmem>> -> memref<32xi32, #tpu.memory_space<vmem>>
        %dma_wait3A_785 = arith.constant 99968 : i32
        %dma_wait3A_786 = tpu.memref_slice %arg2[%dma_wait3A_774, %dma_wait3A_785] : memref<6x100000xi32, #tpu.memory_space<hbm>> -> memref<1x32xi32, #tpu.memory_space<hbm>>
        %dma_wait3A_787 = tpu.memref_squeeze %dma_wait3A_786 : memref<1x32xi32, #tpu.memory_space<hbm>> -> memref<32xi32, #tpu.memory_space<hbm>>
        tpu.wait_dma2 semaphore(%arg20 : memref<!tpu.dma_semaphore, #tpu.memory_space<semaphore_mem>>) src(%dma_wait3A_787 : memref<32xi32, #tpu.memory_space<hbm>>) dst(%dma_wait3A_784 : memref<32xi32, #tpu.memory_space<vmem>>)
        %dma_wait3A_788 = arith.constant 3 : i32
        %dma_wait3A_789 = arith.constant 3 : i32
        %dma_wait3A_790 = arith.constant 32 : i32
        %dma_wait3A_791 = tpu.memref_slice %arg10[%dma_wait3A_789, %dma_wait3A_790] : memref<6x128xi32, #tpu.memory_space<vmem>> -> memref<1x96xi32, #tpu.memory_space<vmem>>
        %dma_wait3A_792 = tpu.memref_squeeze %dma_wait3A_791 : memref<1x96xi32, #tpu.memory_space<vmem>> -> memref<96xi32, #tpu.memory_space<vmem>>
        %dma_wait3A_793 = arith.constant 0 : i32
        %dma_wait3A_794 = tpu.memref_slice %arg2[%dma_wait3A_788, %dma_wait3A_793] : memref<6x100000xi32, #tpu.memory_space<hbm>> -> memref<1x96xi32, #tpu.memory_space<hbm>>
        %dma_wait3A_795 = tpu.memref_squeeze %dma_wait3A_794 : memref<1x96xi32, #tpu.memory_space<hbm>> -> memref<96xi32, #tpu.memory_space<hbm>>
        %dma_wait3A_796 = arith.constant 32 : i32
        %dma_wait3A_797 = tpu.memref_slice %arg10[%dma_wait3A_789, %dma_wait3A_796] : memref<6x128xi32, #tpu.memory_space<vmem>> -> memref<1x96xi32, #tpu.memory_space<vmem>>
        %dma_wait3A_798 = tpu.memref_squeeze %dma_wait3A_797 : memref<1x96xi32, #tpu.memory_space<vmem>> -> memref<96xi32, #tpu.memory_space<vmem>>
        %dma_wait3A_799 = arith.constant 0 : i32
        %dma_wait3A_800 = tpu.memref_slice %arg2[%dma_wait3A_788, %dma_wait3A_799] : memref<6x100000xi32, #tpu.memory_space<hbm>> -> memref<1x96xi32, #tpu.memory_space<hbm>>
        %dma_wait3A_801 = tpu.memref_squeeze %dma_wait3A_800 : memref<1x96xi32, #tpu.memory_space<hbm>> -> memref<96xi32, #tpu.memory_space<hbm>>
        tpu.wait_dma2 semaphore(%arg20 : memref<!tpu.dma_semaphore, #tpu.memory_space<semaphore_mem>>) src(%dma_wait3A_801 : memref<96xi32, #tpu.memory_space<hbm>>) dst(%dma_wait3A_798 : memref<96xi32, #tpu.memory_space<vmem>>)
        %dma_wait3A_802 = arith.constant 4 : i32
        %dma_wait3A_803 = arith.constant 4 : i32
        %dma_wait3A_804 = arith.constant 0 : i32
        %dma_wait3A_805 = tpu.memref_slice %arg10[%dma_wait3A_803, %dma_wait3A_804] : memref<6x128xi32, #tpu.memory_space<vmem>> -> memref<1x32xi32, #tpu.memory_space<vmem>>
        %dma_wait3A_806 = tpu.memref_squeeze %dma_wait3A_805 : memref<1x32xi32, #tpu.memory_space<vmem>> -> memref<32xi32, #tpu.memory_space<vmem>>
        %dma_wait3A_807 = arith.constant 99968 : i32
        %dma_wait3A_808 = tpu.memref_slice %arg2[%dma_wait3A_802, %dma_wait3A_807] : memref<6x100000xi32, #tpu.memory_space<hbm>> -> memref<1x32xi32, #tpu.memory_space<hbm>>
        %dma_wait3A_809 = tpu.memref_squeeze %dma_wait3A_808 : memref<1x32xi32, #tpu.memory_space<hbm>> -> memref<32xi32, #tpu.memory_space<hbm>>
        %dma_wait3A_810 = arith.constant 0 : i32
        %dma_wait3A_811 = tpu.memref_slice %arg10[%dma_wait3A_803, %dma_wait3A_810] : memref<6x128xi32, #tpu.memory_space<vmem>> -> memref<1x32xi32, #tpu.memory_space<vmem>>
        %dma_wait3A_812 = tpu.memref_squeeze %dma_wait3A_811 : memref<1x32xi32, #tpu.memory_space<vmem>> -> memref<32xi32, #tpu.memory_space<vmem>>
        %dma_wait3A_813 = arith.constant 99968 : i32
        %dma_wait3A_814 = tpu.memref_slice %arg2[%dma_wait3A_802, %dma_wait3A_813] : memref<6x100000xi32, #tpu.memory_space<hbm>> -> memref<1x32xi32, #tpu.memory_space<hbm>>
        %dma_wait3A_815 = tpu.memref_squeeze %dma_wait3A_814 : memref<1x32xi32, #tpu.memory_space<hbm>> -> memref<32xi32, #tpu.memory_space<hbm>>
        tpu.wait_dma2 semaphore(%arg20 : memref<!tpu.dma_semaphore, #tpu.memory_space<semaphore_mem>>) src(%dma_wait3A_815 : memref<32xi32, #tpu.memory_space<hbm>>) dst(%dma_wait3A_812 : memref<32xi32, #tpu.memory_space<vmem>>)
        %dma_wait3A_816 = arith.constant 4 : i32
        %dma_wait3A_817 = arith.constant 4 : i32
        %dma_wait3A_818 = arith.constant 32 : i32
        %dma_wait3A_819 = tpu.memref_slice %arg10[%dma_wait3A_817, %dma_wait3A_818] : memref<6x128xi32, #tpu.memory_space<vmem>> -> memref<1x96xi32, #tpu.memory_space<vmem>>
        %dma_wait3A_820 = tpu.memref_squeeze %dma_wait3A_819 : memref<1x96xi32, #tpu.memory_space<vmem>> -> memref<96xi32, #tpu.memory_space<vmem>>
        %dma_wait3A_821 = arith.constant 0 : i32
        %dma_wait3A_822 = tpu.memref_slice %arg2[%dma_wait3A_816, %dma_wait3A_821] : memref<6x100000xi32, #tpu.memory_space<hbm>> -> memref<1x96xi32, #tpu.memory_space<hbm>>
        %dma_wait3A_823 = tpu.memref_squeeze %dma_wait3A_822 : memref<1x96xi32, #tpu.memory_space<hbm>> -> memref<96xi32, #tpu.memory_space<hbm>>
        %dma_wait3A_824 = arith.constant 32 : i32
        %dma_wait3A_825 = tpu.memref_slice %arg10[%dma_wait3A_817, %dma_wait3A_824] : memref<6x128xi32, #tpu.memory_space<vmem>> -> memref<1x96xi32, #tpu.memory_space<vmem>>
        %dma_wait3A_826 = tpu.memref_squeeze %dma_wait3A_825 : memref<1x96xi32, #tpu.memory_space<vmem>> -> memref<96xi32, #tpu.memory_space<vmem>>
        %dma_wait3A_827 = arith.constant 0 : i32
        %dma_wait3A_828 = tpu.memref_slice %arg2[%dma_wait3A_816, %dma_wait3A_827] : memref<6x100000xi32, #tpu.memory_space<hbm>> -> memref<1x96xi32, #tpu.memory_space<hbm>>
        %dma_wait3A_829 = tpu.memref_squeeze %dma_wait3A_828 : memref<1x96xi32, #tpu.memory_space<hbm>> -> memref<96xi32, #tpu.memory_space<hbm>>
        tpu.wait_dma2 semaphore(%arg20 : memref<!tpu.dma_semaphore, #tpu.memory_space<semaphore_mem>>) src(%dma_wait3A_829 : memref<96xi32, #tpu.memory_space<hbm>>) dst(%dma_wait3A_826 : memref<96xi32, #tpu.memory_space<vmem>>)
        %dma_wait3A_830 = arith.constant 5 : i32
        %dma_wait3A_831 = arith.constant 5 : i32
        %dma_wait3A_832 = arith.constant 0 : i32
        %dma_wait3A_833 = tpu.memref_slice %arg10[%dma_wait3A_831, %dma_wait3A_832] : memref<6x128xi32, #tpu.memory_space<vmem>> -> memref<1x32xi32, #tpu.memory_space<vmem>>
        %dma_wait3A_834 = tpu.memref_squeeze %dma_wait3A_833 : memref<1x32xi32, #tpu.memory_space<vmem>> -> memref<32xi32, #tpu.memory_space<vmem>>
        %dma_wait3A_835 = arith.constant 99968 : i32
        %dma_wait3A_836 = tpu.memref_slice %arg2[%dma_wait3A_830, %dma_wait3A_835] : memref<6x100000xi32, #tpu.memory_space<hbm>> -> memref<1x32xi32, #tpu.memory_space<hbm>>
        %dma_wait3A_837 = tpu.memref_squeeze %dma_wait3A_836 : memref<1x32xi32, #tpu.memory_space<hbm>> -> memref<32xi32, #tpu.memory_space<hbm>>
        %dma_wait3A_838 = arith.constant 0 : i32
        %dma_wait3A_839 = tpu.memref_slice %arg10[%dma_wait3A_831, %dma_wait3A_838] : memref<6x128xi32, #tpu.memory_space<vmem>> -> memref<1x32xi32, #tpu.memory_space<vmem>>
        %dma_wait3A_840 = tpu.memref_squeeze %dma_wait3A_839 : memref<1x32xi32, #tpu.memory_space<vmem>> -> memref<32xi32, #tpu.memory_space<vmem>>
        %dma_wait3A_841 = arith.constant 99968 : i32
        %dma_wait3A_842 = tpu.memref_slice %arg2[%dma_wait3A_830, %dma_wait3A_841] : memref<6x100000xi32, #tpu.memory_space<hbm>> -> memref<1x32xi32, #tpu.memory_space<hbm>>
        %dma_wait3A_843 = tpu.memref_squeeze %dma_wait3A_842 : memref<1x32xi32, #tpu.memory_space<hbm>> -> memref<32xi32, #tpu.memory_space<hbm>>
        tpu.wait_dma2 semaphore(%arg20 : memref<!tpu.dma_semaphore, #tpu.memory_space<semaphore_mem>>) src(%dma_wait3A_843 : memref<32xi32, #tpu.memory_space<hbm>>) dst(%dma_wait3A_840 : memref<32xi32, #tpu.memory_space<vmem>>)
        %dma_wait3A_844 = arith.constant 5 : i32
        %dma_wait3A_845 = arith.constant 5 : i32
        %dma_wait3A_846 = arith.constant 32 : i32
        %dma_wait3A_847 = tpu.memref_slice %arg10[%dma_wait3A_845, %dma_wait3A_846] : memref<6x128xi32, #tpu.memory_space<vmem>> -> memref<1x96xi32, #tpu.memory_space<vmem>>
        %dma_wait3A_848 = tpu.memref_squeeze %dma_wait3A_847 : memref<1x96xi32, #tpu.memory_space<vmem>> -> memref<96xi32, #tpu.memory_space<vmem>>
        %dma_wait3A_849 = arith.constant 0 : i32
        %dma_wait3A_850 = tpu.memref_slice %arg2[%dma_wait3A_844, %dma_wait3A_849] : memref<6x100000xi32, #tpu.memory_space<hbm>> -> memref<1x96xi32, #tpu.memory_space<hbm>>
        %dma_wait3A_851 = tpu.memref_squeeze %dma_wait3A_850 : memref<1x96xi32, #tpu.memory_space<hbm>> -> memref<96xi32, #tpu.memory_space<hbm>>
        %dma_wait3A_852 = arith.constant 32 : i32
        %dma_wait3A_853 = tpu.memref_slice %arg10[%dma_wait3A_845, %dma_wait3A_852] : memref<6x128xi32, #tpu.memory_space<vmem>> -> memref<1x96xi32, #tpu.memory_space<vmem>>
        %dma_wait3A_854 = tpu.memref_squeeze %dma_wait3A_853 : memref<1x96xi32, #tpu.memory_space<vmem>> -> memref<96xi32, #tpu.memory_space<vmem>>
        %dma_wait3A_855 = arith.constant 0 : i32
        %dma_wait3A_856 = tpu.memref_slice %arg2[%dma_wait3A_844, %dma_wait3A_855] : memref<6x100000xi32, #tpu.memory_space<hbm>> -> memref<1x96xi32, #tpu.memory_space<hbm>>
        %dma_wait3A_857 = tpu.memref_squeeze %dma_wait3A_856 : memref<1x96xi32, #tpu.memory_space<hbm>> -> memref<96xi32, #tpu.memory_space<hbm>>
        tpu.wait_dma2 semaphore(%arg20 : memref<!tpu.dma_semaphore, #tpu.memory_space<semaphore_mem>>) src(%dma_wait3A_857 : memref<96xi32, #tpu.memory_space<hbm>>) dst(%dma_wait3A_854 : memref<96xi32, #tpu.memory_space<vmem>>)
      } else {
      }
      %ge3A_62 = arith.constant 0 : i32
      %ge3A_63 = arith.cmpi sge, %add3A_23, %ge3A_62 : i32
      %mul3A_64 = arith.constant 32 : i32
      %mul3A_65 = arith.muli %add3A_23, %mul3A_64 : i32
      %add3A_66 = arith.addi %add3A, %mul3A_65 : i32
      %lt3A_67 = arith.constant 782 : i32
      %lt3A_68 = arith.cmpi slt, %add3A_66, %lt3A_67 : i32
      %and3A_69 = arith.andi %ge3A_63, %lt3A_68 : i1
      %convert_element_type3A_70 = arith.extui %and3A_69 : i1 to i32
      %cond3A_71 = arith.constant 0 : i32
      %cond3A_72 = arith.cmpi ne, %convert_element_type3A_70, %cond3A_71 : i32
      scf.if %cond3A_72 {
        %dma_start3A = arith.constant 0 : i32
        %dma_start3A_691 = arith.constant 0 : i32
        %dma_start3A_692 = tpu.memref_slice %arg10[%dma_start3A, %dma_start3A_691] : memref<6x128xi32, #tpu.memory_space<vmem>> -> memref<1x128xi32, #tpu.memory_space<vmem>>
        %dma_start3A_693 = tpu.memref_squeeze %dma_start3A_692 : memref<1x128xi32, #tpu.memory_space<vmem>> -> memref<128xi32, #tpu.memory_space<vmem>>
        %dma_start3A_694 = arith.constant 0 : i32
        %dma_start3A_695 = arith.constant 0 : i32
        %dma_start3A_696 = tpu.memref_slice %arg3[%dma_start3A_694, %dma_start3A_695] : memref<100000x128xf32, #tpu.memory_space<hbm>> -> memref<100000x128xf32, #tpu.memory_space<hbm>>
        tpu.enqueue_indirect_dma source(%dma_start3A_696 : memref<100000x128xf32, #tpu.memory_space<hbm>>) target(%arg15 : memref<128x128xf32, #tpu.memory_space<vmem>>) offsets(%dma_start3A_693 : memref<128xi32, #tpu.memory_space<vmem>>) semaphore(%arg25 : memref<!tpu.dma_semaphore, #tpu.memory_space<semaphore_mem>>)
      } else {
      }
      %sub3A_73 = arith.constant 1 : i32
      %sub3A_74 = arith.subi %add3A_23, %sub3A_73 : i32
      %ge3A_75 = arith.constant 0 : i32
      %ge3A_76 = arith.cmpi sge, %sub3A_74, %ge3A_75 : i32
      %mul3A_77 = arith.constant 32 : i32
      %mul3A_78 = arith.muli %sub3A_74, %mul3A_77 : i32
      %add3A_79 = arith.addi %add3A, %mul3A_78 : i32
      %lt3A_80 = arith.constant 782 : i32
      %lt3A_81 = arith.cmpi slt, %add3A_79, %lt3A_80 : i32
      %and3A_82 = arith.andi %ge3A_76, %lt3A_81 : i1
      %convert_element_type3A_83 = arith.extui %and3A_82 : i1 to i32
      %cond3A_84 = arith.constant 0 : i32
      %cond3A_85 = arith.cmpi ne, %convert_element_type3A_83, %cond3A_84 : i32
      scf.if %cond3A_85 {
        %dma_wait3A = arith.constant 0 : i32
        %dma_wait3A_691 = arith.constant 0 : i32
        %dma_wait3A_692 = tpu.memref_slice %arg14[%dma_wait3A, %dma_wait3A_691] : memref<6x128xi32, #tpu.memory_space<vmem>> -> memref<1x128xi32, #tpu.memory_space<vmem>>
        %dma_wait3A_693 = tpu.memref_squeeze %dma_wait3A_692 : memref<1x128xi32, #tpu.memory_space<vmem>> -> memref<128xi32, #tpu.memory_space<vmem>>
        %dma_wait3A_694 = arith.constant 0 : i32
        %dma_wait3A_695 = arith.constant 0 : i32
        %dma_wait3A_696 = tpu.memref_slice %arg3[%dma_wait3A_694, %dma_wait3A_695] : memref<100000x128xf32, #tpu.memory_space<hbm>> -> memref<100000x128xf32, #tpu.memory_space<hbm>>
        tpu.wait_indirect_dma semaphore(%arg29 : memref<!tpu.dma_semaphore, #tpu.memory_space<semaphore_mem>>) src(%dma_wait3A_696 : memref<100000x128xf32, #tpu.memory_space<hbm>>) dst(%arg19 : memref<128x128xf32, #tpu.memory_space<vmem>>)
      } else {
      }
      %sub3A_86 = arith.constant 1 : i32
      %sub3A_87 = arith.subi %add3A_23, %sub3A_86 : i32
      %ge3A_88 = arith.constant 0 : i32
      %ge3A_89 = arith.cmpi sge, %sub3A_87, %ge3A_88 : i32
      %mul3A_90 = arith.constant 32 : i32
      %mul3A_91 = arith.muli %sub3A_87, %mul3A_90 : i32
      %add3A_92 = arith.addi %add3A, %mul3A_91 : i32
      %lt3A_93 = arith.constant 782 : i32
      %lt3A_94 = arith.cmpi slt, %add3A_92, %lt3A_93 : i32
      %and3A_95 = arith.andi %ge3A_89, %lt3A_94 : i1
      %convert_element_type3A_96 = arith.extui %and3A_95 : i1 to i32
      %cond3A_97 = arith.constant 0 : i32
      %cond3A_98 = arith.cmpi ne, %convert_element_type3A_96, %cond3A_97 : i32
      scf.if %cond3A_98 {
        %dma_start3A = arith.constant 1 : i32
        %dma_start3A_691 = arith.constant 0 : i32
        %dma_start3A_692 = tpu.memref_slice %arg14[%dma_start3A, %dma_start3A_691] : memref<6x128xi32, #tpu.memory_space<vmem>> -> memref<1x128xi32, #tpu.memory_space<vmem>>
        %dma_start3A_693 = tpu.memref_squeeze %dma_start3A_692 : memref<1x128xi32, #tpu.memory_space<vmem>> -> memref<128xi32, #tpu.memory_space<vmem>>
        %dma_start3A_694 = arith.constant 0 : i32
        %dma_start3A_695 = arith.constant 0 : i32
        %dma_start3A_696 = tpu.memref_slice %arg4[%dma_start3A_694, %dma_start3A_695] : memref<100000x128xf32, #tpu.memory_space<hbm>> -> memref<100000x128xf32, #tpu.memory_space<hbm>>
        tpu.enqueue_indirect_dma source(%dma_start3A_696 : memref<100000x128xf32, #tpu.memory_space<hbm>>) target(%arg19 : memref<128x128xf32, #tpu.memory_space<vmem>>) offsets(%dma_start3A_693 : memref<128xi32, #tpu.memory_space<vmem>>) semaphore(%arg34 : memref<!tpu.dma_semaphore, #tpu.memory_space<semaphore_mem>>) {add = true}
        %dma_start3A_697 = arith.constant 2 : i32
        %dma_start3A_698 = arith.constant 0 : i32
        %dma_start3A_699 = tpu.memref_slice %arg14[%dma_start3A_697, %dma_start3A_698] : memref<6x128xi32, #tpu.memory_space<vmem>> -> memref<1x128xi32, #tpu.memory_space<vmem>>
        %dma_start3A_700 = tpu.memref_squeeze %dma_start3A_699 : memref<1x128xi32, #tpu.memory_space<vmem>> -> memref<128xi32, #tpu.memory_space<vmem>>
        %dma_start3A_701 = arith.constant 0 : i32
        %dma_start3A_702 = arith.constant 0 : i32
        %dma_start3A_703 = tpu.memref_slice %arg5[%dma_start3A_701, %dma_start3A_702] : memref<100000x128xf32, #tpu.memory_space<hbm>> -> memref<100000x128xf32, #tpu.memory_space<hbm>>
        tpu.enqueue_indirect_dma source(%dma_start3A_703 : memref<100000x128xf32, #tpu.memory_space<hbm>>) target(%arg19 : memref<128x128xf32, #tpu.memory_space<vmem>>) offsets(%dma_start3A_700 : memref<128xi32, #tpu.memory_space<vmem>>) semaphore(%arg34 : memref<!tpu.dma_semaphore, #tpu.memory_space<semaphore_mem>>) {add = true}
        %dma_start3A_704 = arith.constant 3 : i32
        %dma_start3A_705 = arith.constant 0 : i32
        %dma_start3A_706 = tpu.memref_slice %arg14[%dma_start3A_704, %dma_start3A_705] : memref<6x128xi32, #tpu.memory_space<vmem>> -> memref<1x128xi32, #tpu.memory_space<vmem>>
        %dma_start3A_707 = tpu.memref_squeeze %dma_start3A_706 : memref<1x128xi32, #tpu.memory_space<vmem>> -> memref<128xi32, #tpu.memory_space<vmem>>
        %dma_start3A_708 = arith.constant 0 : i32
        %dma_start3A_709 = arith.constant 0 : i32
        %dma_start3A_710 = tpu.memref_slice %arg6[%dma_start3A_708, %dma_start3A_709] : memref<100000x128xf32, #tpu.memory_space<hbm>> -> memref<100000x128xf32, #tpu.memory_space<hbm>>
        tpu.enqueue_indirect_dma source(%dma_start3A_710 : memref<100000x128xf32, #tpu.memory_space<hbm>>) target(%arg19 : memref<128x128xf32, #tpu.memory_space<vmem>>) offsets(%dma_start3A_707 : memref<128xi32, #tpu.memory_space<vmem>>) semaphore(%arg34 : memref<!tpu.dma_semaphore, #tpu.memory_space<semaphore_mem>>) {add = true}
        %dma_start3A_711 = arith.constant 4 : i32
        %dma_start3A_712 = arith.constant 0 : i32
        %dma_start3A_713 = tpu.memref_slice %arg14[%dma_start3A_711, %dma_start3A_712] : memref<6x128xi32, #tpu.memory_space<vmem>> -> memref<1x128xi32, #tpu.memory_space<vmem>>
        %dma_start3A_714 = tpu.memref_squeeze %dma_start3A_713 : memref<1x128xi32, #tpu.memory_space<vmem>> -> memref<128xi32, #tpu.memory_space<vmem>>
        %dma_start3A_715 = arith.constant 0 : i32
        %dma_start3A_716 = arith.constant 0 : i32
        %dma_start3A_717 = tpu.memref_slice %arg7[%dma_start3A_715, %dma_start3A_716] : memref<100000x128xf32, #tpu.memory_space<hbm>> -> memref<100000x128xf32, #tpu.memory_space<hbm>>
        tpu.enqueue_indirect_dma source(%dma_start3A_717 : memref<100000x128xf32, #tpu.memory_space<hbm>>) target(%arg19 : memref<128x128xf32, #tpu.memory_space<vmem>>) offsets(%dma_start3A_714 : memref<128xi32, #tpu.memory_space<vmem>>) semaphore(%arg34 : memref<!tpu.dma_semaphore, #tpu.memory_space<semaphore_mem>>) {add = true}
        %dma_start3A_718 = arith.constant 5 : i32
        %dma_start3A_719 = arith.constant 0 : i32
        %dma_start3A_720 = tpu.memref_slice %arg14[%dma_start3A_718, %dma_start3A_719] : memref<6x128xi32, #tpu.memory_space<vmem>> -> memref<1x128xi32, #tpu.memory_space<vmem>>
        %dma_start3A_721 = tpu.memref_squeeze %dma_start3A_720 : memref<1x128xi32, #tpu.memory_space<vmem>> -> memref<128xi32, #tpu.memory_space<vmem>>
        %dma_start3A_722 = arith.constant 0 : i32
        %dma_start3A_723 = arith.constant 0 : i32
        %dma_start3A_724 = tpu.memref_slice %arg8[%dma_start3A_722, %dma_start3A_723] : memref<100000x128xf32, #tpu.memory_space<hbm>> -> memref<100000x128xf32, #tpu.memory_space<hbm>>
        tpu.enqueue_indirect_dma source(%dma_start3A_724 : memref<100000x128xf32, #tpu.memory_space<hbm>>) target(%arg19 : memref<128x128xf32, #tpu.memory_space<vmem>>) offsets(%dma_start3A_721 : memref<128xi32, #tpu.memory_space<vmem>>) semaphore(%arg34 : memref<!tpu.dma_semaphore, #tpu.memory_space<semaphore_mem>>) {add = true}
      } else {
      }
      %sub3A_99 = arith.constant 3 : i32
      %sub3A_100 = arith.subi %add3A_23, %sub3A_99 : i32
      %ge3A_101 = arith.constant 0 : i32
      %ge3A_102 = arith.cmpi sge, %sub3A_100, %ge3A_101 : i32
      %mul3A_103 = arith.constant 32 : i32
      %mul3A_104 = arith.muli %sub3A_100, %mul3A_103 : i32
      %add3A_105 = arith.addi %add3A, %mul3A_104 : i32
      %lt3A_106 = arith.constant 782 : i32
      %lt3A_107 = arith.cmpi slt, %add3A_105, %lt3A_106 : i32
      %and3A_108 = arith.andi %ge3A_102, %lt3A_107 : i1
      %convert_element_type3A_109 = arith.extui %and3A_108 : i1 to i32
      %cond3A_110 = arith.constant 0 : i32
      %cond3A_111 = arith.cmpi ne, %convert_element_type3A_109, %cond3A_110 : i32
      scf.if %cond3A_111 {
        %dma_wait3A = arith.constant 1 : i32
        %dma_wait3A_691 = arith.constant 0 : i32
        %dma_wait3A_692 = tpu.memref_slice %arg12[%dma_wait3A, %dma_wait3A_691] : memref<6x128xi32, #tpu.memory_space<vmem>> -> memref<1x128xi32, #tpu.memory_space<vmem>>
        %dma_wait3A_693 = tpu.memref_squeeze %dma_wait3A_692 : memref<1x128xi32, #tpu.memory_space<vmem>> -> memref<128xi32, #tpu.memory_space<vmem>>
        %dma_wait3A_694 = arith.constant 0 : i32
        %dma_wait3A_695 = arith.constant 0 : i32
        %dma_wait3A_696 = tpu.memref_slice %arg4[%dma_wait3A_694, %dma_wait3A_695] : memref<100000x128xf32, #tpu.memory_space<hbm>> -> memref<100000x128xf32, #tpu.memory_space<hbm>>
        tpu.wait_indirect_dma semaphore(%arg32 : memref<!tpu.dma_semaphore, #tpu.memory_space<semaphore_mem>>) src(%dma_wait3A_696 : memref<100000x128xf32, #tpu.memory_space<hbm>>) dst(%arg17 : memref<128x128xf32, #tpu.memory_space<vmem>>)
        %dma_wait3A_697 = arith.constant 2 : i32
        %dma_wait3A_698 = arith.constant 0 : i32
        %dma_wait3A_699 = tpu.memref_slice %arg12[%dma_wait3A_697, %dma_wait3A_698] : memref<6x128xi32, #tpu.memory_space<vmem>> -> memref<1x128xi32, #tpu.memory_space<vmem>>
        %dma_wait3A_700 = tpu.memref_squeeze %dma_wait3A_699 : memref<1x128xi32, #tpu.memory_space<vmem>> -> memref<128xi32, #tpu.memory_space<vmem>>
        %dma_wait3A_701 = arith.constant 0 : i32
        %dma_wait3A_702 = arith.constant 0 : i32
        %dma_wait3A_703 = tpu.memref_slice %arg5[%dma_wait3A_701, %dma_wait3A_702] : memref<100000x128xf32, #tpu.memory_space<hbm>> -> memref<100000x128xf32, #tpu.memory_space<hbm>>
        tpu.wait_indirect_dma semaphore(%arg32 : memref<!tpu.dma_semaphore, #tpu.memory_space<semaphore_mem>>) src(%dma_wait3A_703 : memref<100000x128xf32, #tpu.memory_space<hbm>>) dst(%arg17 : memref<128x128xf32, #tpu.memory_space<vmem>>)
        %dma_wait3A_704 = arith.constant 3 : i32
        %dma_wait3A_705 = arith.constant 0 : i32
        %dma_wait3A_706 = tpu.memref_slice %arg12[%dma_wait3A_704, %dma_wait3A_705] : memref<6x128xi32, #tpu.memory_space<vmem>> -> memref<1x128xi32, #tpu.memory_space<vmem>>
        %dma_wait3A_707 = tpu.memref_squeeze %dma_wait3A_706 : memref<1x128xi32, #tpu.memory_space<vmem>> -> memref<128xi32, #tpu.memory_space<vmem>>
        %dma_wait3A_708 = arith.constant 0 : i32
        %dma_wait3A_709 = arith.constant 0 : i32
        %dma_wait3A_710 = tpu.memref_slice %arg6[%dma_wait3A_708, %dma_wait3A_709] : memref<100000x128xf32, #tpu.memory_space<hbm>> -> memref<100000x128xf32, #tpu.memory_space<hbm>>
        tpu.wait_indirect_dma semaphore(%arg32 : memref<!tpu.dma_semaphore, #tpu.memory_space<semaphore_mem>>) src(%dma_wait3A_710 : memref<100000x128xf32, #tpu.memory_space<hbm>>) dst(%arg17 : memref<128x128xf32, #tpu.memory_space<vmem>>)
        %dma_wait3A_711 = arith.constant 4 : i32
        %dma_wait3A_712 = arith.constant 0 : i32
        %dma_wait3A_713 = tpu.memref_slice %arg12[%dma_wait3A_711, %dma_wait3A_712] : memref<6x128xi32, #tpu.memory_space<vmem>> -> memref<1x128xi32, #tpu.memory_space<vmem>>
        %dma_wait3A_714 = tpu.memref_squeeze %dma_wait3A_713 : memref<1x128xi32, #tpu.memory_space<vmem>> -> memref<128xi32, #tpu.memory_space<vmem>>
        %dma_wait3A_715 = arith.constant 0 : i32
        %dma_wait3A_716 = arith.constant 0 : i32
        %dma_wait3A_717 = tpu.memref_slice %arg7[%dma_wait3A_715, %dma_wait3A_716] : memref<100000x128xf32, #tpu.memory_space<hbm>> -> memref<100000x128xf32, #tpu.memory_space<hbm>>
        tpu.wait_indirect_dma semaphore(%arg32 : memref<!tpu.dma_semaphore, #tpu.memory_space<semaphore_mem>>) src(%dma_wait3A_717 : memref<100000x128xf32, #tpu.memory_space<hbm>>) dst(%arg17 : memref<128x128xf32, #tpu.memory_space<vmem>>)
        %dma_wait3A_718 = arith.constant 5 : i32
        %dma_wait3A_719 = arith.constant 0 : i32
        %dma_wait3A_720 = tpu.memref_slice %arg12[%dma_wait3A_718, %dma_wait3A_719] : memref<6x128xi32, #tpu.memory_space<vmem>> -> memref<1x128xi32, #tpu.memory_space<vmem>>
        %dma_wait3A_721 = tpu.memref_squeeze %dma_wait3A_720 : memref<1x128xi32, #tpu.memory_space<vmem>> -> memref<128xi32, #tpu.memory_space<vmem>>
        %dma_wait3A_722 = arith.constant 0 : i32
        %dma_wait3A_723 = arith.constant 0 : i32
        %dma_wait3A_724 = tpu.memref_slice %arg8[%dma_wait3A_722, %dma_wait3A_723] : memref<100000x128xf32, #tpu.memory_space<hbm>> -> memref<100000x128xf32, #tpu.memory_space<hbm>>
        tpu.wait_indirect_dma semaphore(%arg32 : memref<!tpu.dma_semaphore, #tpu.memory_space<semaphore_mem>>) src(%dma_wait3A_724 : memref<100000x128xf32, #tpu.memory_space<hbm>>) dst(%arg17 : memref<128x128xf32, #tpu.memory_space<vmem>>)
      } else {
      }
      %sub3A_112 = arith.constant 3 : i32
      %sub3A_113 = arith.subi %add3A_23, %sub3A_112 : i32
      %mul3A_114 = arith.constant 32 : i32
      %mul3A_115 = arith.muli %sub3A_113, %mul3A_114 : i32
      %add3A_116 = arith.addi %add3A, %mul3A_115 : i32
      %ge3A_117 = arith.constant 0 : i32
      %ge3A_118 = arith.cmpi sge, %sub3A_113, %ge3A_117 : i32
      %lt3A_119 = arith.constant 781 : i32
      %lt3A_120 = arith.cmpi slt, %add3A_116, %lt3A_119 : i32
      %and3A_121 = arith.andi %ge3A_118, %lt3A_120 : i1
      %convert_element_type3A_122 = arith.extui %and3A_121 : i1 to i32
      %cond3A_123 = arith.constant 0 : i32
      %cond3A_124 = arith.cmpi ne, %convert_element_type3A_122, %cond3A_123 : i32
      scf.if %cond3A_124 {
        %mul3A_691 = arith.constant 128 : i32
        %mul3A_692 = arith.muli %add3A_116, %mul3A_691 : i32
        %dma_start3A = arith.constant 0 : i32
        %dma_start3A_693 = tpu.memref_slice %arg9[%mul3A_692, %dma_start3A] : memref<100000x128xf32, #tpu.memory_space<hbm>> -> memref<128x128xf32, #tpu.memory_space<hbm>>
        %dma_start3A_694 = arith.constant 0 : i32
        %dma_start3A_695 = tpu.memref_slice %arg9[%mul3A_692, %dma_start3A_694] : memref<100000x128xf32, #tpu.memory_space<hbm>> -> memref<128x128xf32, #tpu.memory_space<hbm>>
        tpu.enqueue_dma source(%arg17 : memref<128x128xf32, #tpu.memory_space<vmem>>) target(%dma_start3A_695 : memref<128x128xf32, #tpu.memory_space<hbm>>) target_semaphore(%arg37 : memref<!tpu.dma_semaphore, #tpu.memory_space<semaphore_mem>>)
      } else {
      }
      %ge3A_125 = arith.constant 0 : i32
      %ge3A_126 = arith.cmpi sge, %sub3A_113, %ge3A_125 : i32
      %eq3A_127 = arith.constant 781 : i32
      %eq3A_128 = arith.cmpi eq, %add3A_116, %eq3A_127 : i32
      %and3A_129 = arith.andi %ge3A_126, %eq3A_128 : i1
      %convert_element_type3A_130 = arith.extui %and3A_129 : i1 to i32
      %cond3A_131 = arith.constant 0 : i32
      %cond3A_132 = arith.cmpi ne, %convert_element_type3A_130, %cond3A_131 : i32
      scf.if %cond3A_132 {
        %dma_start3A = arith.constant 0 : i32
        %dma_start3A_691 = arith.constant 0 : i32
        %dma_start3A_692 = tpu.memref_slice %arg17[%dma_start3A, %dma_start3A_691] : memref<128x128xf32, #tpu.memory_space<vmem>> -> memref<32x128xf32, #tpu.memory_space<vmem>>
        %dma_start3A_693 = arith.constant 99968 : i32
        %dma_start3A_694 = arith.constant 0 : i32
        %dma_start3A_695 = tpu.memref_slice %arg9[%dma_start3A_693, %dma_start3A_694] : memref<100000x128xf32, #tpu.memory_space<hbm>> -> memref<32x128xf32, #tpu.memory_space<hbm>>
        %dma_start3A_696 = arith.constant 99968 : i32
        %dma_start3A_697 = arith.constant 0 : i32
        %dma_start3A_698 = tpu.memref_slice %arg9[%dma_start3A_696, %dma_start3A_697] : memref<100000x128xf32, #tpu.memory_space<hbm>> -> memref<32x128xf32, #tpu.memory_space<hbm>>
        %dma_start3A_699 = arith.constant 0 : i32
        %dma_start3A_700 = arith.constant 0 : i32
        %dma_start3A_701 = tpu.memref_slice %arg17[%dma_start3A_699, %dma_start3A_700] : memref<128x128xf32, #tpu.memory_space<vmem>> -> memref<32x128xf32, #tpu.memory_space<vmem>>
        tpu.enqueue_dma source(%dma_start3A_701 : memref<32x128xf32, #tpu.memory_space<vmem>>) target(%dma_start3A_698 : memref<32x128xf32, #tpu.memory_space<hbm>>) target_semaphore(%arg37 : memref<!tpu.dma_semaphore, #tpu.memory_space<semaphore_mem>>)
      } else {
      }
      %add3A_133 = arith.constant 1 : i32
      %add3A_134 = arith.addi %add3A_23, %add3A_133 : i32
      %mul3A_135 = arith.constant 32 : i32
      %mul3A_136 = arith.muli %add3A_134, %mul3A_135 : i32
      %add3A_137 = arith.addi %add3A, %mul3A_136 : i32
      %ge3A_138 = arith.constant 0 : i32
      %ge3A_139 = arith.cmpi sge, %add3A_134, %ge3A_138 : i32
      %lt3A_140 = arith.constant 781 : i32
      %lt3A_141 = arith.cmpi slt, %add3A_137, %lt3A_140 : i32
      %and3A_142 = arith.andi %ge3A_139, %lt3A_141 : i1
      %convert_element_type3A_143 = arith.extui %and3A_142 : i1 to i32
      %cond3A_144 = arith.constant 0 : i32
      %cond3A_145 = arith.cmpi ne, %convert_element_type3A_143, %cond3A_144 : i32
      scf.if %cond3A_145 {
        %mul3A_691 = arith.constant 128 : i32
        %mul3A_692 = arith.muli %add3A_137, %mul3A_691 : i32
        %dma_start3A = arith.constant 0 : i32
        %dma_start3A_693 = tpu.memref_slice %arg2[%dma_start3A, %mul3A_692] : memref<6x100000xi32, #tpu.memory_space<hbm>> -> memref<6x128xi32, #tpu.memory_space<hbm>>
        %dma_start3A_694 = arith.constant 0 : i32
        %dma_start3A_695 = tpu.memref_slice %arg2[%dma_start3A_694, %mul3A_692] : memref<6x100000xi32, #tpu.memory_space<hbm>> -> memref<6x128xi32, #tpu.memory_space<hbm>>
        tpu.enqueue_dma source(%dma_start3A_695 : memref<6x128xi32, #tpu.memory_space<hbm>>) target(%arg11 : memref<6x128xi32, #tpu.memory_space<vmem>>) target_semaphore(%arg21 : memref<!tpu.dma_semaphore, #tpu.memory_space<semaphore_mem>>)
      } else {
      }
      %ge3A_146 = arith.constant 0 : i32
      %ge3A_147 = arith.cmpi sge, %add3A_134, %ge3A_146 : i32
      %eq3A_148 = arith.constant 781 : i32
      %eq3A_149 = arith.cmpi eq, %add3A_137, %eq3A_148 : i32
      %and3A_150 = arith.andi %ge3A_147, %eq3A_149 : i1
      %convert_element_type3A_151 = arith.extui %and3A_150 : i1 to i32
      %cond3A_152 = arith.constant 0 : i32
      %cond3A_153 = arith.cmpi ne, %convert_element_type3A_151, %cond3A_152 : i32
      scf.if %cond3A_153 {
        %dma_start3A = arith.constant 0 : i32
        %dma_start3A_691 = arith.constant 0 : i32
        %dma_start3A_692 = arith.constant 0 : i32
        %dma_start3A_693 = tpu.memref_slice %arg11[%dma_start3A_691, %dma_start3A_692] : memref<6x128xi32, #tpu.memory_space<vmem>> -> memref<1x32xi32, #tpu.memory_space<vmem>>
        %dma_start3A_694 = tpu.memref_squeeze %dma_start3A_693 : memref<1x32xi32, #tpu.memory_space<vmem>> -> memref<32xi32, #tpu.memory_space<vmem>>
        %dma_start3A_695 = arith.constant 99968 : i32
        %dma_start3A_696 = tpu.memref_slice %arg2[%dma_start3A, %dma_start3A_695] : memref<6x100000xi32, #tpu.memory_space<hbm>> -> memref<1x32xi32, #tpu.memory_space<hbm>>
        %dma_start3A_697 = tpu.memref_squeeze %dma_start3A_696 : memref<1x32xi32, #tpu.memory_space<hbm>> -> memref<32xi32, #tpu.memory_space<hbm>>
        %dma_start3A_698 = arith.constant 0 : i32
        %dma_start3A_699 = tpu.memref_slice %arg11[%dma_start3A_691, %dma_start3A_698] : memref<6x128xi32, #tpu.memory_space<vmem>> -> memref<1x32xi32, #tpu.memory_space<vmem>>
        %dma_start3A_700 = tpu.memref_squeeze %dma_start3A_699 : memref<1x32xi32, #tpu.memory_space<vmem>> -> memref<32xi32, #tpu.memory_space<vmem>>
        %dma_start3A_701 = arith.constant 99968 : i32
        %dma_start3A_702 = tpu.memref_slice %arg2[%dma_start3A, %dma_start3A_701] : memref<6x100000xi32, #tpu.memory_space<hbm>> -> memref<1x32xi32, #tpu.memory_space<hbm>>
        %dma_start3A_703 = tpu.memref_squeeze %dma_start3A_702 : memref<1x32xi32, #tpu.memory_space<hbm>> -> memref<32xi32, #tpu.memory_space<hbm>>
        tpu.enqueue_dma source(%dma_start3A_703 : memref<32xi32, #tpu.memory_space<hbm>>) target(%dma_start3A_700 : memref<32xi32, #tpu.memory_space<vmem>>) target_semaphore(%arg21 : memref<!tpu.dma_semaphore, #tpu.memory_space<semaphore_mem>>)
        %dma_start3A_704 = arith.constant 0 : i32
        %dma_start3A_705 = arith.constant 0 : i32
        %dma_start3A_706 = arith.constant 32 : i32
        %dma_start3A_707 = tpu.memref_slice %arg11[%dma_start3A_705, %dma_start3A_706] : memref<6x128xi32, #tpu.memory_space<vmem>> -> memref<1x96xi32, #tpu.memory_space<vmem>>
        %dma_start3A_708 = tpu.memref_squeeze %dma_start3A_707 : memref<1x96xi32, #tpu.memory_space<vmem>> -> memref<96xi32, #tpu.memory_space<vmem>>
        %dma_start3A_709 = arith.constant 0 : i32
        %dma_start3A_710 = tpu.memref_slice %arg2[%dma_start3A_704, %dma_start3A_709] : memref<6x100000xi32, #tpu.memory_space<hbm>> -> memref<1x96xi32, #tpu.memory_space<hbm>>
        %dma_start3A_711 = tpu.memref_squeeze %dma_start3A_710 : memref<1x96xi32, #tpu.memory_space<hbm>> -> memref<96xi32, #tpu.memory_space<hbm>>
        %dma_start3A_712 = arith.constant 32 : i32
        %dma_start3A_713 = tpu.memref_slice %arg11[%dma_start3A_705, %dma_start3A_712] : memref<6x128xi32, #tpu.memory_space<vmem>> -> memref<1x96xi32, #tpu.memory_space<vmem>>
        %dma_start3A_714 = tpu.memref_squeeze %dma_start3A_713 : memref<1x96xi32, #tpu.memory_space<vmem>> -> memref<96xi32, #tpu.memory_space<vmem>>
        %dma_start3A_715 = arith.constant 0 : i32
        %dma_start3A_716 = tpu.memref_slice %arg2[%dma_start3A_704, %dma_start3A_715] : memref<6x100000xi32, #tpu.memory_space<hbm>> -> memref<1x96xi32, #tpu.memory_space<hbm>>
        %dma_start3A_717 = tpu.memref_squeeze %dma_start3A_716 : memref<1x96xi32, #tpu.memory_space<hbm>> -> memref<96xi32, #tpu.memory_space<hbm>>
        tpu.enqueue_dma source(%dma_start3A_717 : memref<96xi32, #tpu.memory_space<hbm>>) target(%dma_start3A_714 : memref<96xi32, #tpu.memory_space<vmem>>) target_semaphore(%arg21 : memref<!tpu.dma_semaphore, #tpu.memory_space<semaphore_mem>>)
        %dma_start3A_718 = arith.constant 1 : i32
        %dma_start3A_719 = arith.constant 1 : i32
        %dma_start3A_720 = arith.constant 0 : i32
        %dma_start3A_721 = tpu.memref_slice %arg11[%dma_start3A_719, %dma_start3A_720] : memref<6x128xi32, #tpu.memory_space<vmem>> -> memref<1x32xi32, #tpu.memory_space<vmem>>
        %dma_start3A_722 = tpu.memref_squeeze %dma_start3A_721 : memref<1x32xi32, #tpu.memory_space<vmem>> -> memref<32xi32, #tpu.memory_space<vmem>>
        %dma_start3A_723 = arith.constant 99968 : i32
        %dma_start3A_724 = tpu.memref_slice %arg2[%dma_start3A_718, %dma_start3A_723] : memref<6x100000xi32, #tpu.memory_space<hbm>> -> memref<1x32xi32, #tpu.memory_space<hbm>>
        %dma_start3A_725 = tpu.memref_squeeze %dma_start3A_724 : memref<1x32xi32, #tpu.memory_space<hbm>> -> memref<32xi32, #tpu.memory_space<hbm>>
        %dma_start3A_726 = arith.constant 0 : i32
        %dma_start3A_727 = tpu.memref_slice %arg11[%dma_start3A_719, %dma_start3A_726] : memref<6x128xi32, #tpu.memory_space<vmem>> -> memref<1x32xi32, #tpu.memory_space<vmem>>
        %dma_start3A_728 = tpu.memref_squeeze %dma_start3A_727 : memref<1x32xi32, #tpu.memory_space<vmem>> -> memref<32xi32, #tpu.memory_space<vmem>>
        %dma_start3A_729 = arith.constant 99968 : i32
        %dma_start3A_730 = tpu.memref_slice %arg2[%dma_start3A_718, %dma_start3A_729] : memref<6x100000xi32, #tpu.memory_space<hbm>> -> memref<1x32xi32, #tpu.memory_space<hbm>>
        %dma_start3A_731 = tpu.memref_squeeze %dma_start3A_730 : memref<1x32xi32, #tpu.memory_space<hbm>> -> memref<32xi32, #tpu.memory_space<hbm>>
        tpu.enqueue_dma source(%dma_start3A_731 : memref<32xi32, #tpu.memory_space<hbm>>) target(%dma_start3A_728 : memref<32xi32, #tpu.memory_space<vmem>>) target_semaphore(%arg21 : memref<!tpu.dma_semaphore, #tpu.memory_space<semaphore_mem>>)
        %dma_start3A_732 = arith.constant 1 : i32
        %dma_start3A_733 = arith.constant 1 : i32
        %dma_start3A_734 = arith.constant 32 : i32
        %dma_start3A_735 = tpu.memref_slice %arg11[%dma_start3A_733, %dma_start3A_734] : memref<6x128xi32, #tpu.memory_space<vmem>> -> memref<1x96xi32, #tpu.memory_space<vmem>>
        %dma_start3A_736 = tpu.memref_squeeze %dma_start3A_735 : memref<1x96xi32, #tpu.memory_space<vmem>> -> memref<96xi32, #tpu.memory_space<vmem>>
        %dma_start3A_737 = arith.constant 0 : i32
        %dma_start3A_738 = tpu.memref_slice %arg2[%dma_start3A_732, %dma_start3A_737] : memref<6x100000xi32, #tpu.memory_space<hbm>> -> memref<1x96xi32, #tpu.memory_space<hbm>>
        %dma_start3A_739 = tpu.memref_squeeze %dma_start3A_738 : memref<1x96xi32, #tpu.memory_space<hbm>> -> memref<96xi32, #tpu.memory_space<hbm>>
        %dma_start3A_740 = arith.constant 32 : i32
        %dma_start3A_741 = tpu.memref_slice %arg11[%dma_start3A_733, %dma_start3A_740] : memref<6x128xi32, #tpu.memory_space<vmem>> -> memref<1x96xi32, #tpu.memory_space<vmem>>
        %dma_start3A_742 = tpu.memref_squeeze %dma_start3A_741 : memref<1x96xi32, #tpu.memory_space<vmem>> -> memref<96xi32, #tpu.memory_space<vmem>>
        %dma_start3A_743 = arith.constant 0 : i32
        %dma_start3A_744 = tpu.memref_slice %arg2[%dma_start3A_732, %dma_start3A_743] : memref<6x100000xi32, #tpu.memory_space<hbm>> -> memref<1x96xi32, #tpu.memory_space<hbm>>
        %dma_start3A_745 = tpu.memref_squeeze %dma_start3A_744 : memref<1x96xi32, #tpu.memory_space<hbm>> -> memref<96xi32, #tpu.memory_space<hbm>>
        tpu.enqueue_dma source(%dma_start3A_745 : memref<96xi32, #tpu.memory_space<hbm>>) target(%dma_start3A_742 : memref<96xi32, #tpu.memory_space<vmem>>) target_semaphore(%arg21 : memref<!tpu.dma_semaphore, #tpu.memory_space<semaphore_mem>>)
        %dma_start3A_746 = arith.constant 2 : i32
        %dma_start3A_747 = arith.constant 2 : i32
        %dma_start3A_748 = arith.constant 0 : i32
        %dma_start3A_749 = tpu.memref_slice %arg11[%dma_start3A_747, %dma_start3A_748] : memref<6x128xi32, #tpu.memory_space<vmem>> -> memref<1x32xi32, #tpu.memory_space<vmem>>
        %dma_start3A_750 = tpu.memref_squeeze %dma_start3A_749 : memref<1x32xi32, #tpu.memory_space<vmem>> -> memref<32xi32, #tpu.memory_space<vmem>>
        %dma_start3A_751 = arith.constant 99968 : i32
        %dma_start3A_752 = tpu.memref_slice %arg2[%dma_start3A_746, %dma_start3A_751] : memref<6x100000xi32, #tpu.memory_space<hbm>> -> memref<1x32xi32, #tpu.memory_space<hbm>>
        %dma_start3A_753 = tpu.memref_squeeze %dma_start3A_752 : memref<1x32xi32, #tpu.memory_space<hbm>> -> memref<32xi32, #tpu.memory_space<hbm>>
        %dma_start3A_754 = arith.constant 0 : i32
        %dma_start3A_755 = tpu.memref_slice %arg11[%dma_start3A_747, %dma_start3A_754] : memref<6x128xi32, #tpu.memory_space<vmem>> -> memref<1x32xi32, #tpu.memory_space<vmem>>
        %dma_start3A_756 = tpu.memref_squeeze %dma_start3A_755 : memref<1x32xi32, #tpu.memory_space<vmem>> -> memref<32xi32, #tpu.memory_space<vmem>>
        %dma_start3A_757 = arith.constant 99968 : i32
        %dma_start3A_758 = tpu.memref_slice %arg2[%dma_start3A_746, %dma_start3A_757] : memref<6x100000xi32, #tpu.memory_space<hbm>> -> memref<1x32xi32, #tpu.memory_space<hbm>>
        %dma_start3A_759 = tpu.memref_squeeze %dma_start3A_758 : memref<1x32xi32, #tpu.memory_space<hbm>> -> memref<32xi32, #tpu.memory_space<hbm>>
        tpu.enqueue_dma source(%dma_start3A_759 : memref<32xi32, #tpu.memory_space<hbm>>) target(%dma_start3A_756 : memref<32xi32, #tpu.memory_space<vmem>>) target_semaphore(%arg21 : memref<!tpu.dma_semaphore, #tpu.memory_space<semaphore_mem>>)
        %dma_start3A_760 = arith.constant 2 : i32
        %dma_start3A_761 = arith.constant 2 : i32
        %dma_start3A_762 = arith.constant 32 : i32
        %dma_start3A_763 = tpu.memref_slice %arg11[%dma_start3A_761, %dma_start3A_762] : memref<6x128xi32, #tpu.memory_space<vmem>> -> memref<1x96xi32, #tpu.memory_space<vmem>>
        %dma_start3A_764 = tpu.memref_squeeze %dma_start3A_763 : memref<1x96xi32, #tpu.memory_space<vmem>> -> memref<96xi32, #tpu.memory_space<vmem>>
        %dma_start3A_765 = arith.constant 0 : i32
        %dma_start3A_766 = tpu.memref_slice %arg2[%dma_start3A_760, %dma_start3A_765] : memref<6x100000xi32, #tpu.memory_space<hbm>> -> memref<1x96xi32, #tpu.memory_space<hbm>>
        %dma_start3A_767 = tpu.memref_squeeze %dma_start3A_766 : memref<1x96xi32, #tpu.memory_space<hbm>> -> memref<96xi32, #tpu.memory_space<hbm>>
        %dma_start3A_768 = arith.constant 32 : i32
        %dma_start3A_769 = tpu.memref_slice %arg11[%dma_start3A_761, %dma_start3A_768] : memref<6x128xi32, #tpu.memory_space<vmem>> -> memref<1x96xi32, #tpu.memory_space<vmem>>
        %dma_start3A_770 = tpu.memref_squeeze %dma_start3A_769 : memref<1x96xi32, #tpu.memory_space<vmem>> -> memref<96xi32, #tpu.memory_space<vmem>>
        %dma_start3A_771 = arith.constant 0 : i32
        %dma_start3A_772 = tpu.memref_slice %arg2[%dma_start3A_760, %dma_start3A_771] : memref<6x100000xi32, #tpu.memory_space<hbm>> -> memref<1x96xi32, #tpu.memory_space<hbm>>
        %dma_start3A_773 = tpu.memref_squeeze %dma_start3A_772 : memref<1x96xi32, #tpu.memory_space<hbm>> -> memref<96xi32, #tpu.memory_space<hbm>>
        tpu.enqueue_dma source(%dma_start3A_773 : memref<96xi32, #tpu.memory_space<hbm>>) target(%dma_start3A_770 : memref<96xi32, #tpu.memory_space<vmem>>) target_semaphore(%arg21 : memref<!tpu.dma_semaphore, #tpu.memory_space<semaphore_mem>>)
        %dma_start3A_774 = arith.constant 3 : i32
        %dma_start3A_775 = arith.constant 3 : i32
        %dma_start3A_776 = arith.constant 0 : i32
        %dma_start3A_777 = tpu.memref_slice %arg11[%dma_start3A_775, %dma_start3A_776] : memref<6x128xi32, #tpu.memory_space<vmem>> -> memref<1x32xi32, #tpu.memory_space<vmem>>
        %dma_start3A_778 = tpu.memref_squeeze %dma_start3A_777 : memref<1x32xi32, #tpu.memory_space<vmem>> -> memref<32xi32, #tpu.memory_space<vmem>>
        %dma_start3A_779 = arith.constant 99968 : i32
        %dma_start3A_780 = tpu.memref_slice %arg2[%dma_start3A_774, %dma_start3A_779] : memref<6x100000xi32, #tpu.memory_space<hbm>> -> memref<1x32xi32, #tpu.memory_space<hbm>>
        %dma_start3A_781 = tpu.memref_squeeze %dma_start3A_780 : memref<1x32xi32, #tpu.memory_space<hbm>> -> memref<32xi32, #tpu.memory_space<hbm>>
        %dma_start3A_782 = arith.constant 0 : i32
        %dma_start3A_783 = tpu.memref_slice %arg11[%dma_start3A_775, %dma_start3A_782] : memref<6x128xi32, #tpu.memory_space<vmem>> -> memref<1x32xi32, #tpu.memory_space<vmem>>
        %dma_start3A_784 = tpu.memref_squeeze %dma_start3A_783 : memref<1x32xi32, #tpu.memory_space<vmem>> -> memref<32xi32, #tpu.memory_space<vmem>>
        %dma_start3A_785 = arith.constant 99968 : i32
        %dma_start3A_786 = tpu.memref_slice %arg2[%dma_start3A_774, %dma_start3A_785] : memref<6x100000xi32, #tpu.memory_space<hbm>> -> memref<1x32xi32, #tpu.memory_space<hbm>>
        %dma_start3A_787 = tpu.memref_squeeze %dma_start3A_786 : memref<1x32xi32, #tpu.memory_space<hbm>> -> memref<32xi32, #tpu.memory_space<hbm>>
        tpu.enqueue_dma source(%dma_start3A_787 : memref<32xi32, #tpu.memory_space<hbm>>) target(%dma_start3A_784 : memref<32xi32, #tpu.memory_space<vmem>>) target_semaphore(%arg21 : memref<!tpu.dma_semaphore, #tpu.memory_space<semaphore_mem>>)
        %dma_start3A_788 = arith.constant 3 : i32
        %dma_start3A_789 = arith.constant 3 : i32
        %dma_start3A_790 = arith.constant 32 : i32
        %dma_start3A_791 = tpu.memref_slice %arg11[%dma_start3A_789, %dma_start3A_790] : memref<6x128xi32, #tpu.memory_space<vmem>> -> memref<1x96xi32, #tpu.memory_space<vmem>>
        %dma_start3A_792 = tpu.memref_squeeze %dma_start3A_791 : memref<1x96xi32, #tpu.memory_space<vmem>> -> memref<96xi32, #tpu.memory_space<vmem>>
        %dma_start3A_793 = arith.constant 0 : i32
        %dma_start3A_794 = tpu.memref_slice %arg2[%dma_start3A_788, %dma_start3A_793] : memref<6x100000xi32, #tpu.memory_space<hbm>> -> memref<1x96xi32, #tpu.memory_space<hbm>>
        %dma_start3A_795 = tpu.memref_squeeze %dma_start3A_794 : memref<1x96xi32, #tpu.memory_space<hbm>> -> memref<96xi32, #tpu.memory_space<hbm>>
        %dma_start3A_796 = arith.constant 32 : i32
        %dma_start3A_797 = tpu.memref_slice %arg11[%dma_start3A_789, %dma_start3A_796] : memref<6x128xi32, #tpu.memory_space<vmem>> -> memref<1x96xi32, #tpu.memory_space<vmem>>
        %dma_start3A_798 = tpu.memref_squeeze %dma_start3A_797 : memref<1x96xi32, #tpu.memory_space<vmem>> -> memref<96xi32, #tpu.memory_space<vmem>>
        %dma_start3A_799 = arith.constant 0 : i32
        %dma_start3A_800 = tpu.memref_slice %arg2[%dma_start3A_788, %dma_start3A_799] : memref<6x100000xi32, #tpu.memory_space<hbm>> -> memref<1x96xi32, #tpu.memory_space<hbm>>
        %dma_start3A_801 = tpu.memref_squeeze %dma_start3A_800 : memref<1x96xi32, #tpu.memory_space<hbm>> -> memref<96xi32, #tpu.memory_space<hbm>>
        tpu.enqueue_dma source(%dma_start3A_801 : memref<96xi32, #tpu.memory_space<hbm>>) target(%dma_start3A_798 : memref<96xi32, #tpu.memory_space<vmem>>) target_semaphore(%arg21 : memref<!tpu.dma_semaphore, #tpu.memory_space<semaphore_mem>>)
        %dma_start3A_802 = arith.constant 4 : i32
        %dma_start3A_803 = arith.constant 4 : i32
        %dma_start3A_804 = arith.constant 0 : i32
        %dma_start3A_805 = tpu.memref_slice %arg11[%dma_start3A_803, %dma_start3A_804] : memref<6x128xi32, #tpu.memory_space<vmem>> -> memref<1x32xi32, #tpu.memory_space<vmem>>
        %dma_start3A_806 = tpu.memref_squeeze %dma_start3A_805 : memref<1x32xi32, #tpu.memory_space<vmem>> -> memref<32xi32, #tpu.memory_space<vmem>>
        %dma_start3A_807 = arith.constant 99968 : i32
        %dma_start3A_808 = tpu.memref_slice %arg2[%dma_start3A_802, %dma_start3A_807] : memref<6x100000xi32, #tpu.memory_space<hbm>> -> memref<1x32xi32, #tpu.memory_space<hbm>>
        %dma_start3A_809 = tpu.memref_squeeze %dma_start3A_808 : memref<1x32xi32, #tpu.memory_space<hbm>> -> memref<32xi32, #tpu.memory_space<hbm>>
        %dma_start3A_810 = arith.constant 0 : i32
        %dma_start3A_811 = tpu.memref_slice %arg11[%dma_start3A_803, %dma_start3A_810] : memref<6x128xi32, #tpu.memory_space<vmem>> -> memref<1x32xi32, #tpu.memory_space<vmem>>
        %dma_start3A_812 = tpu.memref_squeeze %dma_start3A_811 : memref<1x32xi32, #tpu.memory_space<vmem>> -> memref<32xi32, #tpu.memory_space<vmem>>
        %dma_start3A_813 = arith.constant 99968 : i32
        %dma_start3A_814 = tpu.memref_slice %arg2[%dma_start3A_802, %dma_start3A_813] : memref<6x100000xi32, #tpu.memory_space<hbm>> -> memref<1x32xi32, #tpu.memory_space<hbm>>
        %dma_start3A_815 = tpu.memref_squeeze %dma_start3A_814 : memref<1x32xi32, #tpu.memory_space<hbm>> -> memref<32xi32, #tpu.memory_space<hbm>>
        tpu.enqueue_dma source(%dma_start3A_815 : memref<32xi32, #tpu.memory_space<hbm>>) target(%dma_start3A_812 : memref<32xi32, #tpu.memory_space<vmem>>) target_semaphore(%arg21 : memref<!tpu.dma_semaphore, #tpu.memory_space<semaphore_mem>>)
        %dma_start3A_816 = arith.constant 4 : i32
        %dma_start3A_817 = arith.constant 4 : i32
        %dma_start3A_818 = arith.constant 32 : i32
        %dma_start3A_819 = tpu.memref_slice %arg11[%dma_start3A_817, %dma_start3A_818] : memref<6x128xi32, #tpu.memory_space<vmem>> -> memref<1x96xi32, #tpu.memory_space<vmem>>
        %dma_start3A_820 = tpu.memref_squeeze %dma_start3A_819 : memref<1x96xi32, #tpu.memory_space<vmem>> -> memref<96xi32, #tpu.memory_space<vmem>>
        %dma_start3A_821 = arith.constant 0 : i32
        %dma_start3A_822 = tpu.memref_slice %arg2[%dma_start3A_816, %dma_start3A_821] : memref<6x100000xi32, #tpu.memory_space<hbm>> -> memref<1x96xi32, #tpu.memory_space<hbm>>
        %dma_start3A_823 = tpu.memref_squeeze %dma_start3A_822 : memref<1x96xi32, #tpu.memory_space<hbm>> -> memref<96xi32, #tpu.memory_space<hbm>>
        %dma_start3A_824 = arith.constant 32 : i32
        %dma_start3A_825 = tpu.memref_slice %arg11[%dma_start3A_817, %dma_start3A_824] : memref<6x128xi32, #tpu.memory_space<vmem>> -> memref<1x96xi32, #tpu.memory_space<vmem>>
        %dma_start3A_826 = tpu.memref_squeeze %dma_start3A_825 : memref<1x96xi32, #tpu.memory_space<vmem>> -> memref<96xi32, #tpu.memory_space<vmem>>
        %dma_start3A_827 = arith.constant 0 : i32
        %dma_start3A_828 = tpu.memref_slice %arg2[%dma_start3A_816, %dma_start3A_827] : memref<6x100000xi32, #tpu.memory_space<hbm>> -> memref<1x96xi32, #tpu.memory_space<hbm>>
        %dma_start3A_829 = tpu.memref_squeeze %dma_start3A_828 : memref<1x96xi32, #tpu.memory_space<hbm>> -> memref<96xi32, #tpu.memory_space<hbm>>
        tpu.enqueue_dma source(%dma_start3A_829 : memref<96xi32, #tpu.memory_space<hbm>>) target(%dma_start3A_826 : memref<96xi32, #tpu.memory_space<vmem>>) target_semaphore(%arg21 : memref<!tpu.dma_semaphore, #tpu.memory_space<semaphore_mem>>)
        %dma_start3A_830 = arith.constant 5 : i32
        %dma_start3A_831 = arith.constant 5 : i32
        %dma_start3A_832 = arith.constant 0 : i32
        %dma_start3A_833 = tpu.memref_slice %arg11[%dma_start3A_831, %dma_start3A_832] : memref<6x128xi32, #tpu.memory_space<vmem>> -> memref<1x32xi32, #tpu.memory_space<vmem>>
        %dma_start3A_834 = tpu.memref_squeeze %dma_start3A_833 : memref<1x32xi32, #tpu.memory_space<vmem>> -> memref<32xi32, #tpu.memory_space<vmem>>
        %dma_start3A_835 = arith.constant 99968 : i32
        %dma_start3A_836 = tpu.memref_slice %arg2[%dma_start3A_830, %dma_start3A_835] : memref<6x100000xi32, #tpu.memory_space<hbm>> -> memref<1x32xi32, #tpu.memory_space<hbm>>
        %dma_start3A_837 = tpu.memref_squeeze %dma_start3A_836 : memref<1x32xi32, #tpu.memory_space<hbm>> -> memref<32xi32, #tpu.memory_space<hbm>>
        %dma_start3A_838 = arith.constant 0 : i32
        %dma_start3A_839 = tpu.memref_slice %arg11[%dma_start3A_831, %dma_start3A_838] : memref<6x128xi32, #tpu.memory_space<vmem>> -> memref<1x32xi32, #tpu.memory_space<vmem>>
        %dma_start3A_840 = tpu.memref_squeeze %dma_start3A_839 : memref<1x32xi32, #tpu.memory_space<vmem>> -> memref<32xi32, #tpu.memory_space<vmem>>
        %dma_start3A_841 = arith.constant 99968 : i32
        %dma_start3A_842 = tpu.memref_slice %arg2[%dma_start3A_830, %dma_start3A_841] : memref<6x100000xi32, #tpu.memory_space<hbm>> -> memref<1x32xi32, #tpu.memory_space<hbm>>
        %dma_start3A_843 = tpu.memref_squeeze %dma_start3A_842 : memref<1x32xi32, #tpu.memory_space<hbm>> -> memref<32xi32, #tpu.memory_space<hbm>>
        tpu.enqueue_dma source(%dma_start3A_843 : memref<32xi32, #tpu.memory_space<hbm>>) target(%dma_start3A_840 : memref<32xi32, #tpu.memory_space<vmem>>) target_semaphore(%arg21 : memref<!tpu.dma_semaphore, #tpu.memory_space<semaphore_mem>>)
        %dma_start3A_844 = arith.constant 5 : i32
        %dma_start3A_845 = arith.constant 5 : i32
        %dma_start3A_846 = arith.constant 32 : i32
        %dma_start3A_847 = tpu.memref_slice %arg11[%dma_start3A_845, %dma_start3A_846] : memref<6x128xi32, #tpu.memory_space<vmem>> -> memref<1x96xi32, #tpu.memory_space<vmem>>
        %dma_start3A_848 = tpu.memref_squeeze %dma_start3A_847 : memref<1x96xi32, #tpu.memory_space<vmem>> -> memref<96xi32, #tpu.memory_space<vmem>>
        %dma_start3A_849 = arith.constant 0 : i32
        %dma_start3A_850 = tpu.memref_slice %arg2[%dma_start3A_844, %dma_start3A_849] : memref<6x100000xi32, #tpu.memory_space<hbm>> -> memref<1x96xi32, #tpu.memory_space<hbm>>
        %dma_start3A_851 = tpu.memref_squeeze %dma_start3A_850 : memref<1x96xi32, #tpu.memory_space<hbm>> -> memref<96xi32, #tpu.memory_space<hbm>>
        %dma_start3A_852 = arith.constant 32 : i32
        %dma_start3A_853 = tpu.memref_slice %arg11[%dma_start3A_845, %dma_start3A_852] : memref<6x128xi32, #tpu.memory_space<vmem>> -> memref<1x96xi32, #tpu.memory_space<vmem>>
        %dma_start3A_854 = tpu.memref_squeeze %dma_start3A_853 : memref<1x96xi32, #tpu.memory_space<vmem>> -> memref<96xi32, #tpu.memory_space<vmem>>
        %dma_start3A_855 = arith.constant 0 : i32
        %dma_start3A_856 = tpu.memref_slice %arg2[%dma_start3A_844, %dma_start3A_855] : memref<6x100000xi32, #tpu.memory_space<hbm>> -> memref<1x96xi32, #tpu.memory_space<hbm>>
        %dma_start3A_857 = tpu.memref_squeeze %dma_start3A_856 : memref<1x96xi32, #tpu.memory_space<hbm>> -> memref<96xi32, #tpu.memory_space<hbm>>
        tpu.enqueue_dma source(%dma_start3A_857 : memref<96xi32, #tpu.memory_space<hbm>>) target(%dma_start3A_854 : memref<96xi32, #tpu.memory_space<vmem>>) target_semaphore(%arg21 : memref<!tpu.dma_semaphore, #tpu.memory_space<semaphore_mem>>)
      } else {
      }
      %add3A_154 = arith.constant 1 : i32
      %add3A_155 = arith.addi %mul3A_21, %add3A_154 : i32
      %sub3A_156 = arith.constant 5 : i32
      %sub3A_157 = arith.subi %add3A_155, %sub3A_156 : i32
      %mul3A_158 = arith.constant 32 : i32
      %mul3A_159 = arith.muli %sub3A_157, %mul3A_158 : i32
      %add3A_160 = arith.addi %add3A, %mul3A_159 : i32
      %ge3A_161 = arith.constant 0 : i32
      %ge3A_162 = arith.cmpi sge, %sub3A_157, %ge3A_161 : i32
      %lt3A_163 = arith.constant 781 : i32
      %lt3A_164 = arith.cmpi slt, %add3A_160, %lt3A_163 : i32
      %and3A_165 = arith.andi %ge3A_162, %lt3A_164 : i1
      %convert_element_type3A_166 = arith.extui %and3A_165 : i1 to i32
      %cond3A_167 = arith.constant 0 : i32
      %cond3A_168 = arith.cmpi ne, %convert_element_type3A_166, %cond3A_167 : i32
      scf.if %cond3A_168 {
        %mul3A_691 = arith.constant 128 : i32
        %mul3A_692 = arith.muli %add3A_160, %mul3A_691 : i32
        %dma_wait3A = arith.constant 0 : i32
        %dma_wait3A_693 = tpu.memref_slice %arg9[%mul3A_692, %dma_wait3A] : memref<100000x128xf32, #tpu.memory_space<hbm>> -> memref<128x128xf32, #tpu.memory_space<hbm>>
        %dma_wait3A_694 = arith.constant 0 : i32
        %dma_wait3A_695 = tpu.memref_slice %arg9[%mul3A_692, %dma_wait3A_694] : memref<100000x128xf32, #tpu.memory_space<hbm>> -> memref<128x128xf32, #tpu.memory_space<hbm>>
        tpu.wait_dma2 semaphore(%arg36 : memref<!tpu.dma_semaphore, #tpu.memory_space<semaphore_mem>>) src(%arg16 : memref<128x128xf32, #tpu.memory_space<vmem>>) dst(%dma_wait3A_695 : memref<128x128xf32, #tpu.memory_space<hbm>>)
      } else {
      }
      %ge3A_169 = arith.constant 0 : i32
      %ge3A_170 = arith.cmpi sge, %sub3A_157, %ge3A_169 : i32
      %eq3A_171 = arith.constant 781 : i32
      %eq3A_172 = arith.cmpi eq, %add3A_160, %eq3A_171 : i32
      %and3A_173 = arith.andi %ge3A_170, %eq3A_172 : i1
      %convert_element_type3A_174 = arith.extui %and3A_173 : i1 to i32
      %cond3A_175 = arith.constant 0 : i32
      %cond3A_176 = arith.cmpi ne, %convert_element_type3A_174, %cond3A_175 : i32
      scf.if %cond3A_176 {
        %dma_wait3A = arith.constant 0 : i32
        %dma_wait3A_691 = arith.constant 0 : i32
        %dma_wait3A_692 = tpu.memref_slice %arg16[%dma_wait3A, %dma_wait3A_691] : memref<128x128xf32, #tpu.memory_space<vmem>> -> memref<32x128xf32, #tpu.memory_space<vmem>>
        %dma_wait3A_693 = arith.constant 99968 : i32
        %dma_wait3A_694 = arith.constant 0 : i32
        %dma_wait3A_695 = tpu.memref_slice %arg9[%dma_wait3A_693, %dma_wait3A_694] : memref<100000x128xf32, #tpu.memory_space<hbm>> -> memref<32x128xf32, #tpu.memory_space<hbm>>
        %dma_wait3A_696 = arith.constant 99968 : i32
        %dma_wait3A_697 = arith.constant 0 : i32
        %dma_wait3A_698 = tpu.memref_slice %arg9[%dma_wait3A_696, %dma_wait3A_697] : memref<100000x128xf32, #tpu.memory_space<hbm>> -> memref<32x128xf32, #tpu.memory_space<hbm>>
        %dma_wait3A_699 = arith.constant 0 : i32
        %dma_wait3A_700 = arith.constant 0 : i32
        %dma_wait3A_701 = tpu.memref_slice %arg16[%dma_wait3A_699, %dma_wait3A_700] : memref<128x128xf32, #tpu.memory_space<vmem>> -> memref<32x128xf32, #tpu.memory_space<vmem>>
        tpu.wait_dma2 semaphore(%arg36 : memref<!tpu.dma_semaphore, #tpu.memory_space<semaphore_mem>>) src(%dma_wait3A_701 : memref<32x128xf32, #tpu.memory_space<vmem>>) dst(%dma_wait3A_698 : memref<32x128xf32, #tpu.memory_space<hbm>>)
      } else {
      }
      %mul3A_177 = arith.constant 32 : i32
      %mul3A_178 = arith.muli %add3A_155, %mul3A_177 : i32
      %add3A_179 = arith.addi %add3A, %mul3A_178 : i32
      %ge3A_180 = arith.constant 0 : i32
      %ge3A_181 = arith.cmpi sge, %add3A_155, %ge3A_180 : i32
      %lt3A_182 = arith.constant 781 : i32
      %lt3A_183 = arith.cmpi slt, %add3A_179, %lt3A_182 : i32
      %and3A_184 = arith.andi %ge3A_181, %lt3A_183 : i1
      %convert_element_type3A_185 = arith.extui %and3A_184 : i1 to i32
      %cond3A_186 = arith.constant 0 : i32
      %cond3A_187 = arith.cmpi ne, %convert_element_type3A_185, %cond3A_186 : i32
      scf.if %cond3A_187 {
        %mul3A_691 = arith.constant 128 : i32
        %mul3A_692 = arith.muli %add3A_179, %mul3A_691 : i32
        %dma_wait3A = arith.constant 0 : i32
        %dma_wait3A_693 = tpu.memref_slice %arg2[%dma_wait3A, %mul3A_692] : memref<6x100000xi32, #tpu.memory_space<hbm>> -> memref<6x128xi32, #tpu.memory_space<hbm>>
        %dma_wait3A_694 = arith.constant 0 : i32
        %dma_wait3A_695 = tpu.memref_slice %arg2[%dma_wait3A_694, %mul3A_692] : memref<6x100000xi32, #tpu.memory_space<hbm>> -> memref<6x128xi32, #tpu.memory_space<hbm>>
        tpu.wait_dma2 semaphore(%arg21 : memref<!tpu.dma_semaphore, #tpu.memory_space<semaphore_mem>>) src(%dma_wait3A_695 : memref<6x128xi32, #tpu.memory_space<hbm>>) dst(%arg11 : memref<6x128xi32, #tpu.memory_space<vmem>>)
      } else {
      }
      %ge3A_188 = arith.constant 0 : i32
      %ge3A_189 = arith.cmpi sge, %add3A_155, %ge3A_188 : i32
      %eq3A_190 = arith.constant 781 : i32
      %eq3A_191 = arith.cmpi eq, %add3A_179, %eq3A_190 : i32
      %and3A_192 = arith.andi %ge3A_189, %eq3A_191 : i1
      %convert_element_type3A_193 = arith.extui %and3A_192 : i1 to i32
      %cond3A_194 = arith.constant 0 : i32
      %cond3A_195 = arith.cmpi ne, %convert_element_type3A_193, %cond3A_194 : i32
      scf.if %cond3A_195 {
        %dma_wait3A = arith.constant 0 : i32
        %dma_wait3A_691 = arith.constant 0 : i32
        %dma_wait3A_692 = arith.constant 0 : i32
        %dma_wait3A_693 = tpu.memref_slice %arg11[%dma_wait3A_691, %dma_wait3A_692] : memref<6x128xi32, #tpu.memory_space<vmem>> -> memref<1x32xi32, #tpu.memory_space<vmem>>
        %dma_wait3A_694 = tpu.memref_squeeze %dma_wait3A_693 : memref<1x32xi32, #tpu.memory_space<vmem>> -> memref<32xi32, #tpu.memory_space<vmem>>
        %dma_wait3A_695 = arith.constant 99968 : i32
        %dma_wait3A_696 = tpu.memref_slice %arg2[%dma_wait3A, %dma_wait3A_695] : memref<6x100000xi32, #tpu.memory_space<hbm>> -> memref<1x32xi32, #tpu.memory_space<hbm>>
        %dma_wait3A_697 = tpu.memref_squeeze %dma_wait3A_696 : memref<1x32xi32, #tpu.memory_space<hbm>> -> memref<32xi32, #tpu.memory_space<hbm>>
        %dma_wait3A_698 = arith.constant 0 : i32
        %dma_wait3A_699 = tpu.memref_slice %arg11[%dma_wait3A_691, %dma_wait3A_698] : memref<6x128xi32, #tpu.memory_space<vmem>> -> memref<1x32xi32, #tpu.memory_space<vmem>>
        %dma_wait3A_700 = tpu.memref_squeeze %dma_wait3A_699 : memref<1x32xi32, #tpu.memory_space<vmem>> -> memref<32xi32, #tpu.memory_space<vmem>>
        %dma_wait3A_701 = arith.constant 99968 : i32
        %dma_wait3A_702 = tpu.memref_slice %arg2[%dma_wait3A, %dma_wait3A_701] : memref<6x100000xi32, #tpu.memory_space<hbm>> -> memref<1x32xi32, #tpu.memory_space<hbm>>
        %dma_wait3A_703 = tpu.memref_squeeze %dma_wait3A_702 : memref<1x32xi32, #tpu.memory_space<hbm>> -> memref<32xi32, #tpu.memory_space<hbm>>
        tpu.wait_dma2 semaphore(%arg21 : memref<!tpu.dma_semaphore, #tpu.memory_space<semaphore_mem>>) src(%dma_wait3A_703 : memref<32xi32, #tpu.memory_space<hbm>>) dst(%dma_wait3A_700 : memref<32xi32, #tpu.memory_space<vmem>>)
        %dma_wait3A_704 = arith.constant 0 : i32
        %dma_wait3A_705 = arith.constant 0 : i32
        %dma_wait3A_706 = arith.constant 32 : i32
        %dma_wait3A_707 = tpu.memref_slice %arg11[%dma_wait3A_705, %dma_wait3A_706] : memref<6x128xi32, #tpu.memory_space<vmem>> -> memref<1x96xi32, #tpu.memory_space<vmem>>
        %dma_wait3A_708 = tpu.memref_squeeze %dma_wait3A_707 : memref<1x96xi32, #tpu.memory_space<vmem>> -> memref<96xi32, #tpu.memory_space<vmem>>
        %dma_wait3A_709 = arith.constant 0 : i32
        %dma_wait3A_710 = tpu.memref_slice %arg2[%dma_wait3A_704, %dma_wait3A_709] : memref<6x100000xi32, #tpu.memory_space<hbm>> -> memref<1x96xi32, #tpu.memory_space<hbm>>
        %dma_wait3A_711 = tpu.memref_squeeze %dma_wait3A_710 : memref<1x96xi32, #tpu.memory_space<hbm>> -> memref<96xi32, #tpu.memory_space<hbm>>
        %dma_wait3A_712 = arith.constant 32 : i32
        %dma_wait3A_713 = tpu.memref_slice %arg11[%dma_wait3A_705, %dma_wait3A_712] : memref<6x128xi32, #tpu.memory_space<vmem>> -> memref<1x96xi32, #tpu.memory_space<vmem>>
        %dma_wait3A_714 = tpu.memref_squeeze %dma_wait3A_713 : memref<1x96xi32, #tpu.memory_space<vmem>> -> memref<96xi32, #tpu.memory_space<vmem>>
        %dma_wait3A_715 = arith.constant 0 : i32
        %dma_wait3A_716 = tpu.memref_slice %arg2[%dma_wait3A_704, %dma_wait3A_715] : memref<6x100000xi32, #tpu.memory_space<hbm>> -> memref<1x96xi32, #tpu.memory_space<hbm>>
        %dma_wait3A_717 = tpu.memref_squeeze %dma_wait3A_716 : memref<1x96xi32, #tpu.memory_space<hbm>> -> memref<96xi32, #tpu.memory_space<hbm>>
        tpu.wait_dma2 semaphore(%arg21 : memref<!tpu.dma_semaphore, #tpu.memory_space<semaphore_mem>>) src(%dma_wait3A_717 : memref<96xi32, #tpu.memory_space<hbm>>) dst(%dma_wait3A_714 : memref<96xi32, #tpu.memory_space<vmem>>)
        %dma_wait3A_718 = arith.constant 1 : i32
        %dma_wait3A_719 = arith.constant 1 : i32
        %dma_wait3A_720 = arith.constant 0 : i32
        %dma_wait3A_721 = tpu.memref_slice %arg11[%dma_wait3A_719, %dma_wait3A_720] : memref<6x128xi32, #tpu.memory_space<vmem>> -> memref<1x32xi32, #tpu.memory_space<vmem>>
        %dma_wait3A_722 = tpu.memref_squeeze %dma_wait3A_721 : memref<1x32xi32, #tpu.memory_space<vmem>> -> memref<32xi32, #tpu.memory_space<vmem>>
        %dma_wait3A_723 = arith.constant 99968 : i32
        %dma_wait3A_724 = tpu.memref_slice %arg2[%dma_wait3A_718, %dma_wait3A_723] : memref<6x100000xi32, #tpu.memory_space<hbm>> -> memref<1x32xi32, #tpu.memory_space<hbm>>
        %dma_wait3A_725 = tpu.memref_squeeze %dma_wait3A_724 : memref<1x32xi32, #tpu.memory_space<hbm>> -> memref<32xi32, #tpu.memory_space<hbm>>
        %dma_wait3A_726 = arith.constant 0 : i32
        %dma_wait3A_727 = tpu.memref_slice %arg11[%dma_wait3A_719, %dma_wait3A_726] : memref<6x128xi32, #tpu.memory_space<vmem>> -> memref<1x32xi32, #tpu.memory_space<vmem>>
        %dma_wait3A_728 = tpu.memref_squeeze %dma_wait3A_727 : memref<1x32xi32, #tpu.memory_space<vmem>> -> memref<32xi32, #tpu.memory_space<vmem>>
        %dma_wait3A_729 = arith.constant 99968 : i32
        %dma_wait3A_730 = tpu.memref_slice %arg2[%dma_wait3A_718, %dma_wait3A_729] : memref<6x100000xi32, #tpu.memory_space<hbm>> -> memref<1x32xi32, #tpu.memory_space<hbm>>
        %dma_wait3A_731 = tpu.memref_squeeze %dma_wait3A_730 : memref<1x32xi32, #tpu.memory_space<hbm>> -> memref<32xi32, #tpu.memory_space<hbm>>
        tpu.wait_dma2 semaphore(%arg21 : memref<!tpu.dma_semaphore, #tpu.memory_space<semaphore_mem>>) src(%dma_wait3A_731 : memref<32xi32, #tpu.memory_space<hbm>>) dst(%dma_wait3A_728 : memref<32xi32, #tpu.memory_space<vmem>>)
        %dma_wait3A_732 = arith.constant 1 : i32
        %dma_wait3A_733 = arith.constant 1 : i32
        %dma_wait3A_734 = arith.constant 32 : i32
        %dma_wait3A_735 = tpu.memref_slice %arg11[%dma_wait3A_733, %dma_wait3A_734] : memref<6x128xi32, #tpu.memory_space<vmem>> -> memref<1x96xi32, #tpu.memory_space<vmem>>
        %dma_wait3A_736 = tpu.memref_squeeze %dma_wait3A_735 : memref<1x96xi32, #tpu.memory_space<vmem>> -> memref<96xi32, #tpu.memory_space<vmem>>
        %dma_wait3A_737 = arith.constant 0 : i32
        %dma_wait3A_738 = tpu.memref_slice %arg2[%dma_wait3A_732, %dma_wait3A_737] : memref<6x100000xi32, #tpu.memory_space<hbm>> -> memref<1x96xi32, #tpu.memory_space<hbm>>
        %dma_wait3A_739 = tpu.memref_squeeze %dma_wait3A_738 : memref<1x96xi32, #tpu.memory_space<hbm>> -> memref<96xi32, #tpu.memory_space<hbm>>
        %dma_wait3A_740 = arith.constant 32 : i32
        %dma_wait3A_741 = tpu.memref_slice %arg11[%dma_wait3A_733, %dma_wait3A_740] : memref<6x128xi32, #tpu.memory_space<vmem>> -> memref<1x96xi32, #tpu.memory_space<vmem>>
        %dma_wait3A_742 = tpu.memref_squeeze %dma_wait3A_741 : memref<1x96xi32, #tpu.memory_space<vmem>> -> memref<96xi32, #tpu.memory_space<vmem>>
        %dma_wait3A_743 = arith.constant 0 : i32
        %dma_wait3A_744 = tpu.memref_slice %arg2[%dma_wait3A_732, %dma_wait3A_743] : memref<6x100000xi32, #tpu.memory_space<hbm>> -> memref<1x96xi32, #tpu.memory_space<hbm>>
        %dma_wait3A_745 = tpu.memref_squeeze %dma_wait3A_744 : memref<1x96xi32, #tpu.memory_space<hbm>> -> memref<96xi32, #tpu.memory_space<hbm>>
        tpu.wait_dma2 semaphore(%arg21 : memref<!tpu.dma_semaphore, #tpu.memory_space<semaphore_mem>>) src(%dma_wait3A_745 : memref<96xi32, #tpu.memory_space<hbm>>) dst(%dma_wait3A_742 : memref<96xi32, #tpu.memory_space<vmem>>)
        %dma_wait3A_746 = arith.constant 2 : i32
        %dma_wait3A_747 = arith.constant 2 : i32
        %dma_wait3A_748 = arith.constant 0 : i32
        %dma_wait3A_749 = tpu.memref_slice %arg11[%dma_wait3A_747, %dma_wait3A_748] : memref<6x128xi32, #tpu.memory_space<vmem>> -> memref<1x32xi32, #tpu.memory_space<vmem>>
        %dma_wait3A_750 = tpu.memref_squeeze %dma_wait3A_749 : memref<1x32xi32, #tpu.memory_space<vmem>> -> memref<32xi32, #tpu.memory_space<vmem>>
        %dma_wait3A_751 = arith.constant 99968 : i32
        %dma_wait3A_752 = tpu.memref_slice %arg2[%dma_wait3A_746, %dma_wait3A_751] : memref<6x100000xi32, #tpu.memory_space<hbm>> -> memref<1x32xi32, #tpu.memory_space<hbm>>
        %dma_wait3A_753 = tpu.memref_squeeze %dma_wait3A_752 : memref<1x32xi32, #tpu.memory_space<hbm>> -> memref<32xi32, #tpu.memory_space<hbm>>
        %dma_wait3A_754 = arith.constant 0 : i32
        %dma_wait3A_755 = tpu.memref_slice %arg11[%dma_wait3A_747, %dma_wait3A_754] : memref<6x128xi32, #tpu.memory_space<vmem>> -> memref<1x32xi32, #tpu.memory_space<vmem>>
        %dma_wait3A_756 = tpu.memref_squeeze %dma_wait3A_755 : memref<1x32xi32, #tpu.memory_space<vmem>> -> memref<32xi32, #tpu.memory_space<vmem>>
        %dma_wait3A_757 = arith.constant 99968 : i32
        %dma_wait3A_758 = tpu.memref_slice %arg2[%dma_wait3A_746, %dma_wait3A_757] : memref<6x100000xi32, #tpu.memory_space<hbm>> -> memref<1x32xi32, #tpu.memory_space<hbm>>
        %dma_wait3A_759 = tpu.memref_squeeze %dma_wait3A_758 : memref<1x32xi32, #tpu.memory_space<hbm>> -> memref<32xi32, #tpu.memory_space<hbm>>
        tpu.wait_dma2 semaphore(%arg21 : memref<!tpu.dma_semaphore, #tpu.memory_space<semaphore_mem>>) src(%dma_wait3A_759 : memref<32xi32, #tpu.memory_space<hbm>>) dst(%dma_wait3A_756 : memref<32xi32, #tpu.memory_space<vmem>>)
        %dma_wait3A_760 = arith.constant 2 : i32
        %dma_wait3A_761 = arith.constant 2 : i32
        %dma_wait3A_762 = arith.constant 32 : i32
        %dma_wait3A_763 = tpu.memref_slice %arg11[%dma_wait3A_761, %dma_wait3A_762] : memref<6x128xi32, #tpu.memory_space<vmem>> -> memref<1x96xi32, #tpu.memory_space<vmem>>
        %dma_wait3A_764 = tpu.memref_squeeze %dma_wait3A_763 : memref<1x96xi32, #tpu.memory_space<vmem>> -> memref<96xi32, #tpu.memory_space<vmem>>
        %dma_wait3A_765 = arith.constant 0 : i32
        %dma_wait3A_766 = tpu.memref_slice %arg2[%dma_wait3A_760, %dma_wait3A_765] : memref<6x100000xi32, #tpu.memory_space<hbm>> -> memref<1x96xi32, #tpu.memory_space<hbm>>
        %dma_wait3A_767 = tpu.memref_squeeze %dma_wait3A_766 : memref<1x96xi32, #tpu.memory_space<hbm>> -> memref<96xi32, #tpu.memory_space<hbm>>
        %dma_wait3A_768 = arith.constant 32 : i32
        %dma_wait3A_769 = tpu.memref_slice %arg11[%dma_wait3A_761, %dma_wait3A_768] : memref<6x128xi32, #tpu.memory_space<vmem>> -> memref<1x96xi32, #tpu.memory_space<vmem>>
        %dma_wait3A_770 = tpu.memref_squeeze %dma_wait3A_769 : memref<1x96xi32, #tpu.memory_space<vmem>> -> memref<96xi32, #tpu.memory_space<vmem>>
        %dma_wait3A_771 = arith.constant 0 : i32
        %dma_wait3A_772 = tpu.memref_slice %arg2[%dma_wait3A_760, %dma_wait3A_771] : memref<6x100000xi32, #tpu.memory_space<hbm>> -> memref<1x96xi32, #tpu.memory_space<hbm>>
        %dma_wait3A_773 = tpu.memref_squeeze %dma_wait3A_772 : memref<1x96xi32, #tpu.memory_space<hbm>> -> memref<96xi32, #tpu.memory_space<hbm>>
        tpu.wait_dma2 semaphore(%arg21 : memref<!tpu.dma_semaphore, #tpu.memory_space<semaphore_mem>>) src(%dma_wait3A_773 : memref<96xi32, #tpu.memory_space<hbm>>) dst(%dma_wait3A_770 : memref<96xi32, #tpu.memory_space<vmem>>)
        %dma_wait3A_774 = arith.constant 3 : i32
        %dma_wait3A_775 = arith.constant 3 : i32
        %dma_wait3A_776 = arith.constant 0 : i32
        %dma_wait3A_777 = tpu.memref_slice %arg11[%dma_wait3A_775, %dma_wait3A_776] : memref<6x128xi32, #tpu.memory_space<vmem>> -> memref<1x32xi32, #tpu.memory_space<vmem>>
        %dma_wait3A_778 = tpu.memref_squeeze %dma_wait3A_777 : memref<1x32xi32, #tpu.memory_space<vmem>> -> memref<32xi32, #tpu.memory_space<vmem>>
        %dma_wait3A_779 = arith.constant 99968 : i32
        %dma_wait3A_780 = tpu.memref_slice %arg2[%dma_wait3A_774, %dma_wait3A_779] : memref<6x100000xi32, #tpu.memory_space<hbm>> -> memref<1x32xi32, #tpu.memory_space<hbm>>
        %dma_wait3A_781 = tpu.memref_squeeze %dma_wait3A_780 : memref<1x32xi32, #tpu.memory_space<hbm>> -> memref<32xi32, #tpu.memory_space<hbm>>
        %dma_wait3A_782 = arith.constant 0 : i32
        %dma_wait3A_783 = tpu.memref_slice %arg11[%dma_wait3A_775, %dma_wait3A_782] : memref<6x128xi32, #tpu.memory_space<vmem>> -> memref<1x32xi32, #tpu.memory_space<vmem>>
        %dma_wait3A_784 = tpu.memref_squeeze %dma_wait3A_783 : memref<1x32xi32, #tpu.memory_space<vmem>> -> memref<32xi32, #tpu.memory_space<vmem>>
        %dma_wait3A_785 = arith.constant 99968 : i32
        %dma_wait3A_786 = tpu.memref_slice %arg2[%dma_wait3A_774, %dma_wait3A_785] : memref<6x100000xi32, #tpu.memory_space<hbm>> -> memref<1x32xi32, #tpu.memory_space<hbm>>
        %dma_wait3A_787 = tpu.memref_squeeze %dma_wait3A_786 : memref<1x32xi32, #tpu.memory_space<hbm>> -> memref<32xi32, #tpu.memory_space<hbm>>
        tpu.wait_dma2 semaphore(%arg21 : memref<!tpu.dma_semaphore, #tpu.memory_space<semaphore_mem>>) src(%dma_wait3A_787 : memref<32xi32, #tpu.memory_space<hbm>>) dst(%dma_wait3A_784 : memref<32xi32, #tpu.memory_space<vmem>>)
        %dma_wait3A_788 = arith.constant 3 : i32
        %dma_wait3A_789 = arith.constant 3 : i32
        %dma_wait3A_790 = arith.constant 32 : i32
        %dma_wait3A_791 = tpu.memref_slice %arg11[%dma_wait3A_789, %dma_wait3A_790] : memref<6x128xi32, #tpu.memory_space<vmem>> -> memref<1x96xi32, #tpu.memory_space<vmem>>
        %dma_wait3A_792 = tpu.memref_squeeze %dma_wait3A_791 : memref<1x96xi32, #tpu.memory_space<vmem>> -> memref<96xi32, #tpu.memory_space<vmem>>
        %dma_wait3A_793 = arith.constant 0 : i32
        %dma_wait3A_794 = tpu.memref_slice %arg2[%dma_wait3A_788, %dma_wait3A_793] : memref<6x100000xi32, #tpu.memory_space<hbm>> -> memref<1x96xi32, #tpu.memory_space<hbm>>
        %dma_wait3A_795 = tpu.memref_squeeze %dma_wait3A_794 : memref<1x96xi32, #tpu.memory_space<hbm>> -> memref<96xi32, #tpu.memory_space<hbm>>
        %dma_wait3A_796 = arith.constant 32 : i32
        %dma_wait3A_797 = tpu.memref_slice %arg11[%dma_wait3A_789, %dma_wait3A_796] : memref<6x128xi32, #tpu.memory_space<vmem>> -> memref<1x96xi32, #tpu.memory_space<vmem>>
        %dma_wait3A_798 = tpu.memref_squeeze %dma_wait3A_797 : memref<1x96xi32, #tpu.memory_space<vmem>> -> memref<96xi32, #tpu.memory_space<vmem>>
        %dma_wait3A_799 = arith.constant 0 : i32
        %dma_wait3A_800 = tpu.memref_slice %arg2[%dma_wait3A_788, %dma_wait3A_799] : memref<6x100000xi32, #tpu.memory_space<hbm>> -> memref<1x96xi32, #tpu.memory_space<hbm>>
        %dma_wait3A_801 = tpu.memref_squeeze %dma_wait3A_800 : memref<1x96xi32, #tpu.memory_space<hbm>> -> memref<96xi32, #tpu.memory_space<hbm>>
        tpu.wait_dma2 semaphore(%arg21 : memref<!tpu.dma_semaphore, #tpu.memory_space<semaphore_mem>>) src(%dma_wait3A_801 : memref<96xi32, #tpu.memory_space<hbm>>) dst(%dma_wait3A_798 : memref<96xi32, #tpu.memory_space<vmem>>)
        %dma_wait3A_802 = arith.constant 4 : i32
        %dma_wait3A_803 = arith.constant 4 : i32
        %dma_wait3A_804 = arith.constant 0 : i32
        %dma_wait3A_805 = tpu.memref_slice %arg11[%dma_wait3A_803, %dma_wait3A_804] : memref<6x128xi32, #tpu.memory_space<vmem>> -> memref<1x32xi32, #tpu.memory_space<vmem>>
        %dma_wait3A_806 = tpu.memref_squeeze %dma_wait3A_805 : memref<1x32xi32, #tpu.memory_space<vmem>> -> memref<32xi32, #tpu.memory_space<vmem>>
        %dma_wait3A_807 = arith.constant 99968 : i32
        %dma_wait3A_808 = tpu.memref_slice %arg2[%dma_wait3A_802, %dma_wait3A_807] : memref<6x100000xi32, #tpu.memory_space<hbm>> -> memref<1x32xi32, #tpu.memory_space<hbm>>
        %dma_wait3A_809 = tpu.memref_squeeze %dma_wait3A_808 : memref<1x32xi32, #tpu.memory_space<hbm>> -> memref<32xi32, #tpu.memory_space<hbm>>
        %dma_wait3A_810 = arith.constant 0 : i32
        %dma_wait3A_811 = tpu.memref_slice %arg11[%dma_wait3A_803, %dma_wait3A_810] : memref<6x128xi32, #tpu.memory_space<vmem>> -> memref<1x32xi32, #tpu.memory_space<vmem>>
        %dma_wait3A_812 = tpu.memref_squeeze %dma_wait3A_811 : memref<1x32xi32, #tpu.memory_space<vmem>> -> memref<32xi32, #tpu.memory_space<vmem>>
        %dma_wait3A_813 = arith.constant 99968 : i32
        %dma_wait3A_814 = tpu.memref_slice %arg2[%dma_wait3A_802, %dma_wait3A_813] : memref<6x100000xi32, #tpu.memory_space<hbm>> -> memref<1x32xi32, #tpu.memory_space<hbm>>
        %dma_wait3A_815 = tpu.memref_squeeze %dma_wait3A_814 : memref<1x32xi32, #tpu.memory_space<hbm>> -> memref<32xi32, #tpu.memory_space<hbm>>
        tpu.wait_dma2 semaphore(%arg21 : memref<!tpu.dma_semaphore, #tpu.memory_space<semaphore_mem>>) src(%dma_wait3A_815 : memref<32xi32, #tpu.memory_space<hbm>>) dst(%dma_wait3A_812 : memref<32xi32, #tpu.memory_space<vmem>>)
        %dma_wait3A_816 = arith.constant 4 : i32
        %dma_wait3A_817 = arith.constant 4 : i32
        %dma_wait3A_818 = arith.constant 32 : i32
        %dma_wait3A_819 = tpu.memref_slice %arg11[%dma_wait3A_817, %dma_wait3A_818] : memref<6x128xi32, #tpu.memory_space<vmem>> -> memref<1x96xi32, #tpu.memory_space<vmem>>
        %dma_wait3A_820 = tpu.memref_squeeze %dma_wait3A_819 : memref<1x96xi32, #tpu.memory_space<vmem>> -> memref<96xi32, #tpu.memory_space<vmem>>
        %dma_wait3A_821 = arith.constant 0 : i32
        %dma_wait3A_822 = tpu.memref_slice %arg2[%dma_wait3A_816, %dma_wait3A_821] : memref<6x100000xi32, #tpu.memory_space<hbm>> -> memref<1x96xi32, #tpu.memory_space<hbm>>
        %dma_wait3A_823 = tpu.memref_squeeze %dma_wait3A_822 : memref<1x96xi32, #tpu.memory_space<hbm>> -> memref<96xi32, #tpu.memory_space<hbm>>
        %dma_wait3A_824 = arith.constant 32 : i32
        %dma_wait3A_825 = tpu.memref_slice %arg11[%dma_wait3A_817, %dma_wait3A_824] : memref<6x128xi32, #tpu.memory_space<vmem>> -> memref<1x96xi32, #tpu.memory_space<vmem>>
        %dma_wait3A_826 = tpu.memref_squeeze %dma_wait3A_825 : memref<1x96xi32, #tpu.memory_space<vmem>> -> memref<96xi32, #tpu.memory_space<vmem>>
        %dma_wait3A_827 = arith.constant 0 : i32
        %dma_wait3A_828 = tpu.memref_slice %arg2[%dma_wait3A_816, %dma_wait3A_827] : memref<6x100000xi32, #tpu.memory_space<hbm>> -> memref<1x96xi32, #tpu.memory_space<hbm>>
        %dma_wait3A_829 = tpu.memref_squeeze %dma_wait3A_828 : memref<1x96xi32, #tpu.memory_space<hbm>> -> memref<96xi32, #tpu.memory_space<hbm>>
        tpu.wait_dma2 semaphore(%arg21 : memref<!tpu.dma_semaphore, #tpu.memory_space<semaphore_mem>>) src(%dma_wait3A_829 : memref<96xi32, #tpu.memory_space<hbm>>) dst(%dma_wait3A_826 : memref<96xi32, #tpu.memory_space<vmem>>)
        %dma_wait3A_830 = arith.constant 5 : i32
        %dma_wait3A_831 = arith.constant 5 : i32
        %dma_wait3A_832 = arith.constant 0 : i32
        %dma_wait3A_833 = tpu.memref_slice %arg11[%dma_wait3A_831, %dma_wait3A_832] : memref<6x128xi32, #tpu.memory_space<vmem>> -> memref<1x32xi32, #tpu.memory_space<vmem>>
        %dma_wait3A_834 = tpu.memref_squeeze %dma_wait3A_833 : memref<1x32xi32, #tpu.memory_space<vmem>> -> memref<32xi32, #tpu.memory_space<vmem>>
        %dma_wait3A_835 = arith.constant 99968 : i32
        %dma_wait3A_836 = tpu.memref_slice %arg2[%dma_wait3A_830, %dma_wait3A_835] : memref<6x100000xi32, #tpu.memory_space<hbm>> -> memref<1x32xi32, #tpu.memory_space<hbm>>
        %dma_wait3A_837 = tpu.memref_squeeze %dma_wait3A_836 : memref<1x32xi32, #tpu.memory_space<hbm>> -> memref<32xi32, #tpu.memory_space<hbm>>
        %dma_wait3A_838 = arith.constant 0 : i32
        %dma_wait3A_839 = tpu.memref_slice %arg11[%dma_wait3A_831, %dma_wait3A_838] : memref<6x128xi32, #tpu.memory_space<vmem>> -> memref<1x32xi32, #tpu.memory_space<vmem>>
        %dma_wait3A_840 = tpu.memref_squeeze %dma_wait3A_839 : memref<1x32xi32, #tpu.memory_space<vmem>> -> memref<32xi32, #tpu.memory_space<vmem>>
        %dma_wait3A_841 = arith.constant 99968 : i32
        %dma_wait3A_842 = tpu.memref_slice %arg2[%dma_wait3A_830, %dma_wait3A_841] : memref<6x100000xi32, #tpu.memory_space<hbm>> -> memref<1x32xi32, #tpu.memory_space<hbm>>
        %dma_wait3A_843 = tpu.memref_squeeze %dma_wait3A_842 : memref<1x32xi32, #tpu.memory_space<hbm>> -> memref<32xi32, #tpu.memory_space<hbm>>
        tpu.wait_dma2 semaphore(%arg21 : memref<!tpu.dma_semaphore, #tpu.memory_space<semaphore_mem>>) src(%dma_wait3A_843 : memref<32xi32, #tpu.memory_space<hbm>>) dst(%dma_wait3A_840 : memref<32xi32, #tpu.memory_space<vmem>>)
        %dma_wait3A_844 = arith.constant 5 : i32
        %dma_wait3A_845 = arith.constant 5 : i32
        %dma_wait3A_846 = arith.constant 32 : i32
        %dma_wait3A_847 = tpu.memref_slice %arg11[%dma_wait3A_845, %dma_wait3A_846] : memref<6x128xi32, #tpu.memory_space<vmem>> -> memref<1x96xi32, #tpu.memory_space<vmem>>
        %dma_wait3A_848 = tpu.memref_squeeze %dma_wait3A_847 : memref<1x96xi32, #tpu.memory_space<vmem>> -> memref<96xi32, #tpu.memory_space<vmem>>
        %dma_wait3A_849 = arith.constant 0 : i32
        %dma_wait3A_850 = tpu.memref_slice %arg2[%dma_wait3A_844, %dma_wait3A_849] : memref<6x100000xi32, #tpu.memory_space<hbm>> -> memref<1x96xi32, #tpu.memory_space<hbm>>
        %dma_wait3A_851 = tpu.memref_squeeze %dma_wait3A_850 : memref<1x96xi32, #tpu.memory_space<hbm>> -> memref<96xi32, #tpu.memory_space<hbm>>
        %dma_wait3A_852 = arith.constant 32 : i32
        %dma_wait3A_853 = tpu.memref_slice %arg11[%dma_wait3A_845, %dma_wait3A_852] : memref<6x128xi32, #tpu.memory_space<vmem>> -> memref<1x96xi32, #tpu.memory_space<vmem>>
        %dma_wait3A_854 = tpu.memref_squeeze %dma_wait3A_853 : memref<1x96xi32, #tpu.memory_space<vmem>> -> memref<96xi32, #tpu.memory_space<vmem>>
        %dma_wait3A_855 = arith.constant 0 : i32
        %dma_wait3A_856 = tpu.memref_slice %arg2[%dma_wait3A_844, %dma_wait3A_855] : memref<6x100000xi32, #tpu.memory_space<hbm>> -> memref<1x96xi32, #tpu.memory_space<hbm>>
        %dma_wait3A_857 = tpu.memref_squeeze %dma_wait3A_856 : memref<1x96xi32, #tpu.memory_space<hbm>> -> memref<96xi32, #tpu.memory_space<hbm>>
        tpu.wait_dma2 semaphore(%arg21 : memref<!tpu.dma_semaphore, #tpu.memory_space<semaphore_mem>>) src(%dma_wait3A_857 : memref<96xi32, #tpu.memory_space<hbm>>) dst(%dma_wait3A_854 : memref<96xi32, #tpu.memory_space<vmem>>)
      } else {
      }
      %ge3A_196 = arith.constant 0 : i32
      %ge3A_197 = arith.cmpi sge, %add3A_155, %ge3A_196 : i32
      %mul3A_198 = arith.constant 32 : i32
      %mul3A_199 = arith.muli %add3A_155, %mul3A_198 : i32
      %add3A_200 = arith.addi %add3A, %mul3A_199 : i32
      %lt3A_201 = arith.constant 782 : i32
      %lt3A_202 = arith.cmpi slt, %add3A_200, %lt3A_201 : i32
      %and3A_203 = arith.andi %ge3A_197, %lt3A_202 : i1
      %convert_element_type3A_204 = arith.extui %and3A_203 : i1 to i32
      %cond3A_205 = arith.constant 0 : i32
      %cond3A_206 = arith.cmpi ne, %convert_element_type3A_204, %cond3A_205 : i32
      scf.if %cond3A_206 {
        %dma_start3A = arith.constant 0 : i32
        %dma_start3A_691 = arith.constant 0 : i32
        %dma_start3A_692 = tpu.memref_slice %arg11[%dma_start3A, %dma_start3A_691] : memref<6x128xi32, #tpu.memory_space<vmem>> -> memref<1x128xi32, #tpu.memory_space<vmem>>
        %dma_start3A_693 = tpu.memref_squeeze %dma_start3A_692 : memref<1x128xi32, #tpu.memory_space<vmem>> -> memref<128xi32, #tpu.memory_space<vmem>>
        %dma_start3A_694 = arith.constant 0 : i32
        %dma_start3A_695 = arith.constant 0 : i32
        %dma_start3A_696 = tpu.memref_slice %arg3[%dma_start3A_694, %dma_start3A_695] : memref<100000x128xf32, #tpu.memory_space<hbm>> -> memref<100000x128xf32, #tpu.memory_space<hbm>>
        tpu.enqueue_indirect_dma source(%dma_start3A_696 : memref<100000x128xf32, #tpu.memory_space<hbm>>) target(%arg16 : memref<128x128xf32, #tpu.memory_space<vmem>>) offsets(%dma_start3A_693 : memref<128xi32, #tpu.memory_space<vmem>>) semaphore(%arg26 : memref<!tpu.dma_semaphore, #tpu.memory_space<semaphore_mem>>)
      } else {
      }
      %sub3A_207 = arith.constant 1 : i32
      %sub3A_208 = arith.subi %add3A_155, %sub3A_207 : i32
      %ge3A_209 = arith.constant 0 : i32
      %ge3A_210 = arith.cmpi sge, %sub3A_208, %ge3A_209 : i32
      %mul3A_211 = arith.constant 32 : i32
      %mul3A_212 = arith.muli %sub3A_208, %mul3A_211 : i32
      %add3A_213 = arith.addi %add3A, %mul3A_212 : i32
      %lt3A_214 = arith.constant 782 : i32
      %lt3A_215 = arith.cmpi slt, %add3A_213, %lt3A_214 : i32
      %and3A_216 = arith.andi %ge3A_210, %lt3A_215 : i1
      %convert_element_type3A_217 = arith.extui %and3A_216 : i1 to i32
      %cond3A_218 = arith.constant 0 : i32
      %cond3A_219 = arith.cmpi ne, %convert_element_type3A_217, %cond3A_218 : i32
      scf.if %cond3A_219 {
        %dma_wait3A = arith.constant 0 : i32
        %dma_wait3A_691 = arith.constant 0 : i32
        %dma_wait3A_692 = tpu.memref_slice %arg10[%dma_wait3A, %dma_wait3A_691] : memref<6x128xi32, #tpu.memory_space<vmem>> -> memref<1x128xi32, #tpu.memory_space<vmem>>
        %dma_wait3A_693 = tpu.memref_squeeze %dma_wait3A_692 : memref<1x128xi32, #tpu.memory_space<vmem>> -> memref<128xi32, #tpu.memory_space<vmem>>
        %dma_wait3A_694 = arith.constant 0 : i32
        %dma_wait3A_695 = arith.constant 0 : i32
        %dma_wait3A_696 = tpu.memref_slice %arg3[%dma_wait3A_694, %dma_wait3A_695] : memref<100000x128xf32, #tpu.memory_space<hbm>> -> memref<100000x128xf32, #tpu.memory_space<hbm>>
        tpu.wait_indirect_dma semaphore(%arg25 : memref<!tpu.dma_semaphore, #tpu.memory_space<semaphore_mem>>) src(%dma_wait3A_696 : memref<100000x128xf32, #tpu.memory_space<hbm>>) dst(%arg15 : memref<128x128xf32, #tpu.memory_space<vmem>>)
      } else {
      }
      %sub3A_220 = arith.constant 1 : i32
      %sub3A_221 = arith.subi %add3A_155, %sub3A_220 : i32
      %ge3A_222 = arith.constant 0 : i32
      %ge3A_223 = arith.cmpi sge, %sub3A_221, %ge3A_222 : i32
      %mul3A_224 = arith.constant 32 : i32
      %mul3A_225 = arith.muli %sub3A_221, %mul3A_224 : i32
      %add3A_226 = arith.addi %add3A, %mul3A_225 : i32
      %lt3A_227 = arith.constant 782 : i32
      %lt3A_228 = arith.cmpi slt, %add3A_226, %lt3A_227 : i32
      %and3A_229 = arith.andi %ge3A_223, %lt3A_228 : i1
      %convert_element_type3A_230 = arith.extui %and3A_229 : i1 to i32
      %cond3A_231 = arith.constant 0 : i32
      %cond3A_232 = arith.cmpi ne, %convert_element_type3A_230, %cond3A_231 : i32
      scf.if %cond3A_232 {
        %dma_start3A = arith.constant 1 : i32
        %dma_start3A_691 = arith.constant 0 : i32
        %dma_start3A_692 = tpu.memref_slice %arg10[%dma_start3A, %dma_start3A_691] : memref<6x128xi32, #tpu.memory_space<vmem>> -> memref<1x128xi32, #tpu.memory_space<vmem>>
        %dma_start3A_693 = tpu.memref_squeeze %dma_start3A_692 : memref<1x128xi32, #tpu.memory_space<vmem>> -> memref<128xi32, #tpu.memory_space<vmem>>
        %dma_start3A_694 = arith.constant 0 : i32
        %dma_start3A_695 = arith.constant 0 : i32
        %dma_start3A_696 = tpu.memref_slice %arg4[%dma_start3A_694, %dma_start3A_695] : memref<100000x128xf32, #tpu.memory_space<hbm>> -> memref<100000x128xf32, #tpu.memory_space<hbm>>
        tpu.enqueue_indirect_dma source(%dma_start3A_696 : memref<100000x128xf32, #tpu.memory_space<hbm>>) target(%arg15 : memref<128x128xf32, #tpu.memory_space<vmem>>) offsets(%dma_start3A_693 : memref<128xi32, #tpu.memory_space<vmem>>) semaphore(%arg30 : memref<!tpu.dma_semaphore, #tpu.memory_space<semaphore_mem>>) {add = true}
        %dma_start3A_697 = arith.constant 2 : i32
        %dma_start3A_698 = arith.constant 0 : i32
        %dma_start3A_699 = tpu.memref_slice %arg10[%dma_start3A_697, %dma_start3A_698] : memref<6x128xi32, #tpu.memory_space<vmem>> -> memref<1x128xi32, #tpu.memory_space<vmem>>
        %dma_start3A_700 = tpu.memref_squeeze %dma_start3A_699 : memref<1x128xi32, #tpu.memory_space<vmem>> -> memref<128xi32, #tpu.memory_space<vmem>>
        %dma_start3A_701 = arith.constant 0 : i32
        %dma_start3A_702 = arith.constant 0 : i32
        %dma_start3A_703 = tpu.memref_slice %arg5[%dma_start3A_701, %dma_start3A_702] : memref<100000x128xf32, #tpu.memory_space<hbm>> -> memref<100000x128xf32, #tpu.memory_space<hbm>>
        tpu.enqueue_indirect_dma source(%dma_start3A_703 : memref<100000x128xf32, #tpu.memory_space<hbm>>) target(%arg15 : memref<128x128xf32, #tpu.memory_space<vmem>>) offsets(%dma_start3A_700 : memref<128xi32, #tpu.memory_space<vmem>>) semaphore(%arg30 : memref<!tpu.dma_semaphore, #tpu.memory_space<semaphore_mem>>) {add = true}
        %dma_start3A_704 = arith.constant 3 : i32
        %dma_start3A_705 = arith.constant 0 : i32
        %dma_start3A_706 = tpu.memref_slice %arg10[%dma_start3A_704, %dma_start3A_705] : memref<6x128xi32, #tpu.memory_space<vmem>> -> memref<1x128xi32, #tpu.memory_space<vmem>>
        %dma_start3A_707 = tpu.memref_squeeze %dma_start3A_706 : memref<1x128xi32, #tpu.memory_space<vmem>> -> memref<128xi32, #tpu.memory_space<vmem>>
        %dma_start3A_708 = arith.constant 0 : i32
        %dma_start3A_709 = arith.constant 0 : i32
        %dma_start3A_710 = tpu.memref_slice %arg6[%dma_start3A_708, %dma_start3A_709] : memref<100000x128xf32, #tpu.memory_space<hbm>> -> memref<100000x128xf32, #tpu.memory_space<hbm>>
        tpu.enqueue_indirect_dma source(%dma_start3A_710 : memref<100000x128xf32, #tpu.memory_space<hbm>>) target(%arg15 : memref<128x128xf32, #tpu.memory_space<vmem>>) offsets(%dma_start3A_707 : memref<128xi32, #tpu.memory_space<vmem>>) semaphore(%arg30 : memref<!tpu.dma_semaphore, #tpu.memory_space<semaphore_mem>>) {add = true}
        %dma_start3A_711 = arith.constant 4 : i32
        %dma_start3A_712 = arith.constant 0 : i32
        %dma_start3A_713 = tpu.memref_slice %arg10[%dma_start3A_711, %dma_start3A_712] : memref<6x128xi32, #tpu.memory_space<vmem>> -> memref<1x128xi32, #tpu.memory_space<vmem>>
        %dma_start3A_714 = tpu.memref_squeeze %dma_start3A_713 : memref<1x128xi32, #tpu.memory_space<vmem>> -> memref<128xi32, #tpu.memory_space<vmem>>
        %dma_start3A_715 = arith.constant 0 : i32
        %dma_start3A_716 = arith.constant 0 : i32
        %dma_start3A_717 = tpu.memref_slice %arg7[%dma_start3A_715, %dma_start3A_716] : memref<100000x128xf32, #tpu.memory_space<hbm>> -> memref<100000x128xf32, #tpu.memory_space<hbm>>
        tpu.enqueue_indirect_dma source(%dma_start3A_717 : memref<100000x128xf32, #tpu.memory_space<hbm>>) target(%arg15 : memref<128x128xf32, #tpu.memory_space<vmem>>) offsets(%dma_start3A_714 : memref<128xi32, #tpu.memory_space<vmem>>) semaphore(%arg30 : memref<!tpu.dma_semaphore, #tpu.memory_space<semaphore_mem>>) {add = true}
        %dma_start3A_718 = arith.constant 5 : i32
        %dma_start3A_719 = arith.constant 0 : i32
        %dma_start3A_720 = tpu.memref_slice %arg10[%dma_start3A_718, %dma_start3A_719] : memref<6x128xi32, #tpu.memory_space<vmem>> -> memref<1x128xi32, #tpu.memory_space<vmem>>
        %dma_start3A_721 = tpu.memref_squeeze %dma_start3A_720 : memref<1x128xi32, #tpu.memory_space<vmem>> -> memref<128xi32, #tpu.memory_space<vmem>>
        %dma_start3A_722 = arith.constant 0 : i32
        %dma_start3A_723 = arith.constant 0 : i32
        %dma_start3A_724 = tpu.memref_slice %arg8[%dma_start3A_722, %dma_start3A_723] : memref<100000x128xf32, #tpu.memory_space<hbm>> -> memref<100000x128xf32, #tpu.memory_space<hbm>>
        tpu.enqueue_indirect_dma source(%dma_start3A_724 : memref<100000x128xf32, #tpu.memory_space<hbm>>) target(%arg15 : memref<128x128xf32, #tpu.memory_space<vmem>>) offsets(%dma_start3A_721 : memref<128xi32, #tpu.memory_space<vmem>>) semaphore(%arg30 : memref<!tpu.dma_semaphore, #tpu.memory_space<semaphore_mem>>) {add = true}
      } else {
      }
      %sub3A_233 = arith.constant 3 : i32
      %sub3A_234 = arith.subi %add3A_155, %sub3A_233 : i32
      %ge3A_235 = arith.constant 0 : i32
      %ge3A_236 = arith.cmpi sge, %sub3A_234, %ge3A_235 : i32
      %mul3A_237 = arith.constant 32 : i32
      %mul3A_238 = arith.muli %sub3A_234, %mul3A_237 : i32
      %add3A_239 = arith.addi %add3A, %mul3A_238 : i32
      %lt3A_240 = arith.constant 782 : i32
      %lt3A_241 = arith.cmpi slt, %add3A_239, %lt3A_240 : i32
      %and3A_242 = arith.andi %ge3A_236, %lt3A_241 : i1
      %convert_element_type3A_243 = arith.extui %and3A_242 : i1 to i32
      %cond3A_244 = arith.constant 0 : i32
      %cond3A_245 = arith.cmpi ne, %convert_element_type3A_243, %cond3A_244 : i32
      scf.if %cond3A_245 {
        %dma_wait3A = arith.constant 1 : i32
        %dma_wait3A_691 = arith.constant 0 : i32
        %dma_wait3A_692 = tpu.memref_slice %arg13[%dma_wait3A, %dma_wait3A_691] : memref<6x128xi32, #tpu.memory_space<vmem>> -> memref<1x128xi32, #tpu.memory_space<vmem>>
        %dma_wait3A_693 = tpu.memref_squeeze %dma_wait3A_692 : memref<1x128xi32, #tpu.memory_space<vmem>> -> memref<128xi32, #tpu.memory_space<vmem>>
        %dma_wait3A_694 = arith.constant 0 : i32
        %dma_wait3A_695 = arith.constant 0 : i32
        %dma_wait3A_696 = tpu.memref_slice %arg4[%dma_wait3A_694, %dma_wait3A_695] : memref<100000x128xf32, #tpu.memory_space<hbm>> -> memref<100000x128xf32, #tpu.memory_space<hbm>>
        tpu.wait_indirect_dma semaphore(%arg33 : memref<!tpu.dma_semaphore, #tpu.memory_space<semaphore_mem>>) src(%dma_wait3A_696 : memref<100000x128xf32, #tpu.memory_space<hbm>>) dst(%arg18 : memref<128x128xf32, #tpu.memory_space<vmem>>)
        %dma_wait3A_697 = arith.constant 2 : i32
        %dma_wait3A_698 = arith.constant 0 : i32
        %dma_wait3A_699 = tpu.memref_slice %arg13[%dma_wait3A_697, %dma_wait3A_698] : memref<6x128xi32, #tpu.memory_space<vmem>> -> memref<1x128xi32, #tpu.memory_space<vmem>>
        %dma_wait3A_700 = tpu.memref_squeeze %dma_wait3A_699 : memref<1x128xi32, #tpu.memory_space<vmem>> -> memref<128xi32, #tpu.memory_space<vmem>>
        %dma_wait3A_701 = arith.constant 0 : i32
        %dma_wait3A_702 = arith.constant 0 : i32
        %dma_wait3A_703 = tpu.memref_slice %arg5[%dma_wait3A_701, %dma_wait3A_702] : memref<100000x128xf32, #tpu.memory_space<hbm>> -> memref<100000x128xf32, #tpu.memory_space<hbm>>
        tpu.wait_indirect_dma semaphore(%arg33 : memref<!tpu.dma_semaphore, #tpu.memory_space<semaphore_mem>>) src(%dma_wait3A_703 : memref<100000x128xf32, #tpu.memory_space<hbm>>) dst(%arg18 : memref<128x128xf32, #tpu.memory_space<vmem>>)
        %dma_wait3A_704 = arith.constant 3 : i32
        %dma_wait3A_705 = arith.constant 0 : i32
        %dma_wait3A_706 = tpu.memref_slice %arg13[%dma_wait3A_704, %dma_wait3A_705] : memref<6x128xi32, #tpu.memory_space<vmem>> -> memref<1x128xi32, #tpu.memory_space<vmem>>
        %dma_wait3A_707 = tpu.memref_squeeze %dma_wait3A_706 : memref<1x128xi32, #tpu.memory_space<vmem>> -> memref<128xi32, #tpu.memory_space<vmem>>
        %dma_wait3A_708 = arith.constant 0 : i32
        %dma_wait3A_709 = arith.constant 0 : i32
        %dma_wait3A_710 = tpu.memref_slice %arg6[%dma_wait3A_708, %dma_wait3A_709] : memref<100000x128xf32, #tpu.memory_space<hbm>> -> memref<100000x128xf32, #tpu.memory_space<hbm>>
        tpu.wait_indirect_dma semaphore(%arg33 : memref<!tpu.dma_semaphore, #tpu.memory_space<semaphore_mem>>) src(%dma_wait3A_710 : memref<100000x128xf32, #tpu.memory_space<hbm>>) dst(%arg18 : memref<128x128xf32, #tpu.memory_space<vmem>>)
        %dma_wait3A_711 = arith.constant 4 : i32
        %dma_wait3A_712 = arith.constant 0 : i32
        %dma_wait3A_713 = tpu.memref_slice %arg13[%dma_wait3A_711, %dma_wait3A_712] : memref<6x128xi32, #tpu.memory_space<vmem>> -> memref<1x128xi32, #tpu.memory_space<vmem>>
        %dma_wait3A_714 = tpu.memref_squeeze %dma_wait3A_713 : memref<1x128xi32, #tpu.memory_space<vmem>> -> memref<128xi32, #tpu.memory_space<vmem>>
        %dma_wait3A_715 = arith.constant 0 : i32
        %dma_wait3A_716 = arith.constant 0 : i32
        %dma_wait3A_717 = tpu.memref_slice %arg7[%dma_wait3A_715, %dma_wait3A_716] : memref<100000x128xf32, #tpu.memory_space<hbm>> -> memref<100000x128xf32, #tpu.memory_space<hbm>>
        tpu.wait_indirect_dma semaphore(%arg33 : memref<!tpu.dma_semaphore, #tpu.memory_space<semaphore_mem>>) src(%dma_wait3A_717 : memref<100000x128xf32, #tpu.memory_space<hbm>>) dst(%arg18 : memref<128x128xf32, #tpu.memory_space<vmem>>)
        %dma_wait3A_718 = arith.constant 5 : i32
        %dma_wait3A_719 = arith.constant 0 : i32
        %dma_wait3A_720 = tpu.memref_slice %arg13[%dma_wait3A_718, %dma_wait3A_719] : memref<6x128xi32, #tpu.memory_space<vmem>> -> memref<1x128xi32, #tpu.memory_space<vmem>>
        %dma_wait3A_721 = tpu.memref_squeeze %dma_wait3A_720 : memref<1x128xi32, #tpu.memory_space<vmem>> -> memref<128xi32, #tpu.memory_space<vmem>>
        %dma_wait3A_722 = arith.constant 0 : i32
        %dma_wait3A_723 = arith.constant 0 : i32
        %dma_wait3A_724 = tpu.memref_slice %arg8[%dma_wait3A_722, %dma_wait3A_723] : memref<100000x128xf32, #tpu.memory_space<hbm>> -> memref<100000x128xf32, #tpu.memory_space<hbm>>
        tpu.wait_indirect_dma semaphore(%arg33 : memref<!tpu.dma_semaphore, #tpu.memory_space<semaphore_mem>>) src(%dma_wait3A_724 : memref<100000x128xf32, #tpu.memory_space<hbm>>) dst(%arg18 : memref<128x128xf32, #tpu.memory_space<vmem>>)
      } else {
      }
      %sub3A_246 = arith.constant 3 : i32
      %sub3A_247 = arith.subi %add3A_155, %sub3A_246 : i32
      %mul3A_248 = arith.constant 32 : i32
      %mul3A_249 = arith.muli %sub3A_247, %mul3A_248 : i32
      %add3A_250 = arith.addi %add3A, %mul3A_249 : i32
      %ge3A_251 = arith.constant 0 : i32
      %ge3A_252 = arith.cmpi sge, %sub3A_247, %ge3A_251 : i32
      %lt3A_253 = arith.constant 781 : i32
      %lt3A_254 = arith.cmpi slt, %add3A_250, %lt3A_253 : i32
      %and3A_255 = arith.andi %ge3A_252, %lt3A_254 : i1
      %convert_element_type3A_256 = arith.extui %and3A_255 : i1 to i32
      %cond3A_257 = arith.constant 0 : i32
      %cond3A_258 = arith.cmpi ne, %convert_element_type3A_256, %cond3A_257 : i32
      scf.if %cond3A_258 {
        %mul3A_691 = arith.constant 128 : i32
        %mul3A_692 = arith.muli %add3A_250, %mul3A_691 : i32
        %dma_start3A = arith.constant 0 : i32
        %dma_start3A_693 = tpu.memref_slice %arg9[%mul3A_692, %dma_start3A] : memref<100000x128xf32, #tpu.memory_space<hbm>> -> memref<128x128xf32, #tpu.memory_space<hbm>>
        %dma_start3A_694 = arith.constant 0 : i32
        %dma_start3A_695 = tpu.memref_slice %arg9[%mul3A_692, %dma_start3A_694] : memref<100000x128xf32, #tpu.memory_space<hbm>> -> memref<128x128xf32, #tpu.memory_space<hbm>>
        tpu.enqueue_dma source(%arg18 : memref<128x128xf32, #tpu.memory_space<vmem>>) target(%dma_start3A_695 : memref<128x128xf32, #tpu.memory_space<hbm>>) target_semaphore(%arg38 : memref<!tpu.dma_semaphore, #tpu.memory_space<semaphore_mem>>)
      } else {
      }
      %ge3A_259 = arith.constant 0 : i32
      %ge3A_260 = arith.cmpi sge, %sub3A_247, %ge3A_259 : i32
      %eq3A_261 = arith.constant 781 : i32
      %eq3A_262 = arith.cmpi eq, %add3A_250, %eq3A_261 : i32
      %and3A_263 = arith.andi %ge3A_260, %eq3A_262 : i1
      %convert_element_type3A_264 = arith.extui %and3A_263 : i1 to i32
      %cond3A_265 = arith.constant 0 : i32
      %cond3A_266 = arith.cmpi ne, %convert_element_type3A_264, %cond3A_265 : i32
      scf.if %cond3A_266 {
        %dma_start3A = arith.constant 0 : i32
        %dma_start3A_691 = arith.constant 0 : i32
        %dma_start3A_692 = tpu.memref_slice %arg18[%dma_start3A, %dma_start3A_691] : memref<128x128xf32, #tpu.memory_space<vmem>> -> memref<32x128xf32, #tpu.memory_space<vmem>>
        %dma_start3A_693 = arith.constant 99968 : i32
        %dma_start3A_694 = arith.constant 0 : i32
        %dma_start3A_695 = tpu.memref_slice %arg9[%dma_start3A_693, %dma_start3A_694] : memref<100000x128xf32, #tpu.memory_space<hbm>> -> memref<32x128xf32, #tpu.memory_space<hbm>>
        %dma_start3A_696 = arith.constant 99968 : i32
        %dma_start3A_697 = arith.constant 0 : i32
        %dma_start3A_698 = tpu.memref_slice %arg9[%dma_start3A_696, %dma_start3A_697] : memref<100000x128xf32, #tpu.memory_space<hbm>> -> memref<32x128xf32, #tpu.memory_space<hbm>>
        %dma_start3A_699 = arith.constant 0 : i32
        %dma_start3A_700 = arith.constant 0 : i32
        %dma_start3A_701 = tpu.memref_slice %arg18[%dma_start3A_699, %dma_start3A_700] : memref<128x128xf32, #tpu.memory_space<vmem>> -> memref<32x128xf32, #tpu.memory_space<vmem>>
        tpu.enqueue_dma source(%dma_start3A_701 : memref<32x128xf32, #tpu.memory_space<vmem>>) target(%dma_start3A_698 : memref<32x128xf32, #tpu.memory_space<hbm>>) target_semaphore(%arg38 : memref<!tpu.dma_semaphore, #tpu.memory_space<semaphore_mem>>)
      } else {
      }
      %add3A_267 = arith.constant 1 : i32
      %add3A_268 = arith.addi %add3A_155, %add3A_267 : i32
      %mul3A_269 = arith.constant 32 : i32
      %mul3A_270 = arith.muli %add3A_268, %mul3A_269 : i32
      %add3A_271 = arith.addi %add3A, %mul3A_270 : i32
      %ge3A_272 = arith.constant 0 : i32
      %ge3A_273 = arith.cmpi sge, %add3A_268, %ge3A_272 : i32
      %lt3A_274 = arith.constant 781 : i32
      %lt3A_275 = arith.cmpi slt, %add3A_271, %lt3A_274 : i32
      %and3A_276 = arith.andi %ge3A_273, %lt3A_275 : i1
      %convert_element_type3A_277 = arith.extui %and3A_276 : i1 to i32
      %cond3A_278 = arith.constant 0 : i32
      %cond3A_279 = arith.cmpi ne, %convert_element_type3A_277, %cond3A_278 : i32
      scf.if %cond3A_279 {
        %mul3A_691 = arith.constant 128 : i32
        %mul3A_692 = arith.muli %add3A_271, %mul3A_691 : i32
        %dma_start3A = arith.constant 0 : i32
        %dma_start3A_693 = tpu.memref_slice %arg2[%dma_start3A, %mul3A_692] : memref<6x100000xi32, #tpu.memory_space<hbm>> -> memref<6x128xi32, #tpu.memory_space<hbm>>
        %dma_start3A_694 = arith.constant 0 : i32
        %dma_start3A_695 = tpu.memref_slice %arg2[%dma_start3A_694, %mul3A_692] : memref<6x100000xi32, #tpu.memory_space<hbm>> -> memref<6x128xi32, #tpu.memory_space<hbm>>
        tpu.enqueue_dma source(%dma_start3A_695 : memref<6x128xi32, #tpu.memory_space<hbm>>) target(%arg12 : memref<6x128xi32, #tpu.memory_space<vmem>>) target_semaphore(%arg22 : memref<!tpu.dma_semaphore, #tpu.memory_space<semaphore_mem>>)
      } else {
      }
      %ge3A_280 = arith.constant 0 : i32
      %ge3A_281 = arith.cmpi sge, %add3A_268, %ge3A_280 : i32
      %eq3A_282 = arith.constant 781 : i32
      %eq3A_283 = arith.cmpi eq, %add3A_271, %eq3A_282 : i32
      %and3A_284 = arith.andi %ge3A_281, %eq3A_283 : i1
      %convert_element_type3A_285 = arith.extui %and3A_284 : i1 to i32
      %cond3A_286 = arith.constant 0 : i32
      %cond3A_287 = arith.cmpi ne, %convert_element_type3A_285, %cond3A_286 : i32
      scf.if %cond3A_287 {
        %dma_start3A = arith.constant 0 : i32
        %dma_start3A_691 = arith.constant 0 : i32
        %dma_start3A_692 = arith.constant 0 : i32
        %dma_start3A_693 = tpu.memref_slice %arg12[%dma_start3A_691, %dma_start3A_692] : memref<6x128xi32, #tpu.memory_space<vmem>> -> memref<1x32xi32, #tpu.memory_space<vmem>>
        %dma_start3A_694 = tpu.memref_squeeze %dma_start3A_693 : memref<1x32xi32, #tpu.memory_space<vmem>> -> memref<32xi32, #tpu.memory_space<vmem>>
        %dma_start3A_695 = arith.constant 99968 : i32
        %dma_start3A_696 = tpu.memref_slice %arg2[%dma_start3A, %dma_start3A_695] : memref<6x100000xi32, #tpu.memory_space<hbm>> -> memref<1x32xi32, #tpu.memory_space<hbm>>
        %dma_start3A_697 = tpu.memref_squeeze %dma_start3A_696 : memref<1x32xi32, #tpu.memory_space<hbm>> -> memref<32xi32, #tpu.memory_space<hbm>>
        %dma_start3A_698 = arith.constant 0 : i32
        %dma_start3A_699 = tpu.memref_slice %arg12[%dma_start3A_691, %dma_start3A_698] : memref<6x128xi32, #tpu.memory_space<vmem>> -> memref<1x32xi32, #tpu.memory_space<vmem>>
        %dma_start3A_700 = tpu.memref_squeeze %dma_start3A_699 : memref<1x32xi32, #tpu.memory_space<vmem>> -> memref<32xi32, #tpu.memory_space<vmem>>
        %dma_start3A_701 = arith.constant 99968 : i32
        %dma_start3A_702 = tpu.memref_slice %arg2[%dma_start3A, %dma_start3A_701] : memref<6x100000xi32, #tpu.memory_space<hbm>> -> memref<1x32xi32, #tpu.memory_space<hbm>>
        %dma_start3A_703 = tpu.memref_squeeze %dma_start3A_702 : memref<1x32xi32, #tpu.memory_space<hbm>> -> memref<32xi32, #tpu.memory_space<hbm>>
        tpu.enqueue_dma source(%dma_start3A_703 : memref<32xi32, #tpu.memory_space<hbm>>) target(%dma_start3A_700 : memref<32xi32, #tpu.memory_space<vmem>>) target_semaphore(%arg22 : memref<!tpu.dma_semaphore, #tpu.memory_space<semaphore_mem>>)
        %dma_start3A_704 = arith.constant 0 : i32
        %dma_start3A_705 = arith.constant 0 : i32
        %dma_start3A_706 = arith.constant 32 : i32
        %dma_start3A_707 = tpu.memref_slice %arg12[%dma_start3A_705, %dma_start3A_706] : memref<6x128xi32, #tpu.memory_space<vmem>> -> memref<1x96xi32, #tpu.memory_space<vmem>>
        %dma_start3A_708 = tpu.memref_squeeze %dma_start3A_707 : memref<1x96xi32, #tpu.memory_space<vmem>> -> memref<96xi32, #tpu.memory_space<vmem>>
        %dma_start3A_709 = arith.constant 0 : i32
        %dma_start3A_710 = tpu.memref_slice %arg2[%dma_start3A_704, %dma_start3A_709] : memref<6x100000xi32, #tpu.memory_space<hbm>> -> memref<1x96xi32, #tpu.memory_space<hbm>>
        %dma_start3A_711 = tpu.memref_squeeze %dma_start3A_710 : memref<1x96xi32, #tpu.memory_space<hbm>> -> memref<96xi32, #tpu.memory_space<hbm>>
        %dma_start3A_712 = arith.constant 32 : i32
        %dma_start3A_713 = tpu.memref_slice %arg12[%dma_start3A_705, %dma_start3A_712] : memref<6x128xi32, #tpu.memory_space<vmem>> -> memref<1x96xi32, #tpu.memory_space<vmem>>
        %dma_start3A_714 = tpu.memref_squeeze %dma_start3A_713 : memref<1x96xi32, #tpu.memory_space<vmem>> -> memref<96xi32, #tpu.memory_space<vmem>>
        %dma_start3A_715 = arith.constant 0 : i32
        %dma_start3A_716 = tpu.memref_slice %arg2[%dma_start3A_704, %dma_start3A_715] : memref<6x100000xi32, #tpu.memory_space<hbm>> -> memref<1x96xi32, #tpu.memory_space<hbm>>
        %dma_start3A_717 = tpu.memref_squeeze %dma_start3A_716 : memref<1x96xi32, #tpu.memory_space<hbm>> -> memref<96xi32, #tpu.memory_space<hbm>>
        tpu.enqueue_dma source(%dma_start3A_717 : memref<96xi32, #tpu.memory_space<hbm>>) target(%dma_start3A_714 : memref<96xi32, #tpu.memory_space<vmem>>) target_semaphore(%arg22 : memref<!tpu.dma_semaphore, #tpu.memory_space<semaphore_mem>>)
        %dma_start3A_718 = arith.constant 1 : i32
        %dma_start3A_719 = arith.constant 1 : i32
        %dma_start3A_720 = arith.constant 0 : i32
        %dma_start3A_721 = tpu.memref_slice %arg12[%dma_start3A_719, %dma_start3A_720] : memref<6x128xi32, #tpu.memory_space<vmem>> -> memref<1x32xi32, #tpu.memory_space<vmem>>
        %dma_start3A_722 = tpu.memref_squeeze %dma_start3A_721 : memref<1x32xi32, #tpu.memory_space<vmem>> -> memref<32xi32, #tpu.memory_space<vmem>>
        %dma_start3A_723 = arith.constant 99968 : i32
        %dma_start3A_724 = tpu.memref_slice %arg2[%dma_start3A_718, %dma_start3A_723] : memref<6x100000xi32, #tpu.memory_space<hbm>> -> memref<1x32xi32, #tpu.memory_space<hbm>>
        %dma_start3A_725 = tpu.memref_squeeze %dma_start3A_724 : memref<1x32xi32, #tpu.memory_space<hbm>> -> memref<32xi32, #tpu.memory_space<hbm>>
        %dma_start3A_726 = arith.constant 0 : i32
        %dma_start3A_727 = tpu.memref_slice %arg12[%dma_start3A_719, %dma_start3A_726] : memref<6x128xi32, #tpu.memory_space<vmem>> -> memref<1x32xi32, #tpu.memory_space<vmem>>
        %dma_start3A_728 = tpu.memref_squeeze %dma_start3A_727 : memref<1x32xi32, #tpu.memory_space<vmem>> -> memref<32xi32, #tpu.memory_space<vmem>>
        %dma_start3A_729 = arith.constant 99968 : i32
        %dma_start3A_730 = tpu.memref_slice %arg2[%dma_start3A_718, %dma_start3A_729] : memref<6x100000xi32, #tpu.memory_space<hbm>> -> memref<1x32xi32, #tpu.memory_space<hbm>>
        %dma_start3A_731 = tpu.memref_squeeze %dma_start3A_730 : memref<1x32xi32, #tpu.memory_space<hbm>> -> memref<32xi32, #tpu.memory_space<hbm>>
        tpu.enqueue_dma source(%dma_start3A_731 : memref<32xi32, #tpu.memory_space<hbm>>) target(%dma_start3A_728 : memref<32xi32, #tpu.memory_space<vmem>>) target_semaphore(%arg22 : memref<!tpu.dma_semaphore, #tpu.memory_space<semaphore_mem>>)
        %dma_start3A_732 = arith.constant 1 : i32
        %dma_start3A_733 = arith.constant 1 : i32
        %dma_start3A_734 = arith.constant 32 : i32
        %dma_start3A_735 = tpu.memref_slice %arg12[%dma_start3A_733, %dma_start3A_734] : memref<6x128xi32, #tpu.memory_space<vmem>> -> memref<1x96xi32, #tpu.memory_space<vmem>>
        %dma_start3A_736 = tpu.memref_squeeze %dma_start3A_735 : memref<1x96xi32, #tpu.memory_space<vmem>> -> memref<96xi32, #tpu.memory_space<vmem>>
        %dma_start3A_737 = arith.constant 0 : i32
        %dma_start3A_738 = tpu.memref_slice %arg2[%dma_start3A_732, %dma_start3A_737] : memref<6x100000xi32, #tpu.memory_space<hbm>> -> memref<1x96xi32, #tpu.memory_space<hbm>>
        %dma_start3A_739 = tpu.memref_squeeze %dma_start3A_738 : memref<1x96xi32, #tpu.memory_space<hbm>> -> memref<96xi32, #tpu.memory_space<hbm>>
        %dma_start3A_740 = arith.constant 32 : i32
        %dma_start3A_741 = tpu.memref_slice %arg12[%dma_start3A_733, %dma_start3A_740] : memref<6x128xi32, #tpu.memory_space<vmem>> -> memref<1x96xi32, #tpu.memory_space<vmem>>
        %dma_start3A_742 = tpu.memref_squeeze %dma_start3A_741 : memref<1x96xi32, #tpu.memory_space<vmem>> -> memref<96xi32, #tpu.memory_space<vmem>>
        %dma_start3A_743 = arith.constant 0 : i32
        %dma_start3A_744 = tpu.memref_slice %arg2[%dma_start3A_732, %dma_start3A_743] : memref<6x100000xi32, #tpu.memory_space<hbm>> -> memref<1x96xi32, #tpu.memory_space<hbm>>
        %dma_start3A_745 = tpu.memref_squeeze %dma_start3A_744 : memref<1x96xi32, #tpu.memory_space<hbm>> -> memref<96xi32, #tpu.memory_space<hbm>>
        tpu.enqueue_dma source(%dma_start3A_745 : memref<96xi32, #tpu.memory_space<hbm>>) target(%dma_start3A_742 : memref<96xi32, #tpu.memory_space<vmem>>) target_semaphore(%arg22 : memref<!tpu.dma_semaphore, #tpu.memory_space<semaphore_mem>>)
        %dma_start3A_746 = arith.constant 2 : i32
        %dma_start3A_747 = arith.constant 2 : i32
        %dma_start3A_748 = arith.constant 0 : i32
        %dma_start3A_749 = tpu.memref_slice %arg12[%dma_start3A_747, %dma_start3A_748] : memref<6x128xi32, #tpu.memory_space<vmem>> -> memref<1x32xi32, #tpu.memory_space<vmem>>
        %dma_start3A_750 = tpu.memref_squeeze %dma_start3A_749 : memref<1x32xi32, #tpu.memory_space<vmem>> -> memref<32xi32, #tpu.memory_space<vmem>>
        %dma_start3A_751 = arith.constant 99968 : i32
        %dma_start3A_752 = tpu.memref_slice %arg2[%dma_start3A_746, %dma_start3A_751] : memref<6x100000xi32, #tpu.memory_space<hbm>> -> memref<1x32xi32, #tpu.memory_space<hbm>>
        %dma_start3A_753 = tpu.memref_squeeze %dma_start3A_752 : memref<1x32xi32, #tpu.memory_space<hbm>> -> memref<32xi32, #tpu.memory_space<hbm>>
        %dma_start3A_754 = arith.constant 0 : i32
        %dma_start3A_755 = tpu.memref_slice %arg12[%dma_start3A_747, %dma_start3A_754] : memref<6x128xi32, #tpu.memory_space<vmem>> -> memref<1x32xi32, #tpu.memory_space<vmem>>
        %dma_start3A_756 = tpu.memref_squeeze %dma_start3A_755 : memref<1x32xi32, #tpu.memory_space<vmem>> -> memref<32xi32, #tpu.memory_space<vmem>>
        %dma_start3A_757 = arith.constant 99968 : i32
        %dma_start3A_758 = tpu.memref_slice %arg2[%dma_start3A_746, %dma_start3A_757] : memref<6x100000xi32, #tpu.memory_space<hbm>> -> memref<1x32xi32, #tpu.memory_space<hbm>>
        %dma_start3A_759 = tpu.memref_squeeze %dma_start3A_758 : memref<1x32xi32, #tpu.memory_space<hbm>> -> memref<32xi32, #tpu.memory_space<hbm>>
        tpu.enqueue_dma source(%dma_start3A_759 : memref<32xi32, #tpu.memory_space<hbm>>) target(%dma_start3A_756 : memref<32xi32, #tpu.memory_space<vmem>>) target_semaphore(%arg22 : memref<!tpu.dma_semaphore, #tpu.memory_space<semaphore_mem>>)
        %dma_start3A_760 = arith.constant 2 : i32
        %dma_start3A_761 = arith.constant 2 : i32
        %dma_start3A_762 = arith.constant 32 : i32
        %dma_start3A_763 = tpu.memref_slice %arg12[%dma_start3A_761, %dma_start3A_762] : memref<6x128xi32, #tpu.memory_space<vmem>> -> memref<1x96xi32, #tpu.memory_space<vmem>>
        %dma_start3A_764 = tpu.memref_squeeze %dma_start3A_763 : memref<1x96xi32, #tpu.memory_space<vmem>> -> memref<96xi32, #tpu.memory_space<vmem>>
        %dma_start3A_765 = arith.constant 0 : i32
        %dma_start3A_766 = tpu.memref_slice %arg2[%dma_start3A_760, %dma_start3A_765] : memref<6x100000xi32, #tpu.memory_space<hbm>> -> memref<1x96xi32, #tpu.memory_space<hbm>>
        %dma_start3A_767 = tpu.memref_squeeze %dma_start3A_766 : memref<1x96xi32, #tpu.memory_space<hbm>> -> memref<96xi32, #tpu.memory_space<hbm>>
        %dma_start3A_768 = arith.constant 32 : i32
        %dma_start3A_769 = tpu.memref_slice %arg12[%dma_start3A_761, %dma_start3A_768] : memref<6x128xi32, #tpu.memory_space<vmem>> -> memref<1x96xi32, #tpu.memory_space<vmem>>
        %dma_start3A_770 = tpu.memref_squeeze %dma_start3A_769 : memref<1x96xi32, #tpu.memory_space<vmem>> -> memref<96xi32, #tpu.memory_space<vmem>>
        %dma_start3A_771 = arith.constant 0 : i32
        %dma_start3A_772 = tpu.memref_slice %arg2[%dma_start3A_760, %dma_start3A_771] : memref<6x100000xi32, #tpu.memory_space<hbm>> -> memref<1x96xi32, #tpu.memory_space<hbm>>
        %dma_start3A_773 = tpu.memref_squeeze %dma_start3A_772 : memref<1x96xi32, #tpu.memory_space<hbm>> -> memref<96xi32, #tpu.memory_space<hbm>>
        tpu.enqueue_dma source(%dma_start3A_773 : memref<96xi32, #tpu.memory_space<hbm>>) target(%dma_start3A_770 : memref<96xi32, #tpu.memory_space<vmem>>) target_semaphore(%arg22 : memref<!tpu.dma_semaphore, #tpu.memory_space<semaphore_mem>>)
        %dma_start3A_774 = arith.constant 3 : i32
        %dma_start3A_775 = arith.constant 3 : i32
        %dma_start3A_776 = arith.constant 0 : i32
        %dma_start3A_777 = tpu.memref_slice %arg12[%dma_start3A_775, %dma_start3A_776] : memref<6x128xi32, #tpu.memory_space<vmem>> -> memref<1x32xi32, #tpu.memory_space<vmem>>
        %dma_start3A_778 = tpu.memref_squeeze %dma_start3A_777 : memref<1x32xi32, #tpu.memory_space<vmem>> -> memref<32xi32, #tpu.memory_space<vmem>>
        %dma_start3A_779 = arith.constant 99968 : i32
        %dma_start3A_780 = tpu.memref_slice %arg2[%dma_start3A_774, %dma_start3A_779] : memref<6x100000xi32, #tpu.memory_space<hbm>> -> memref<1x32xi32, #tpu.memory_space<hbm>>
        %dma_start3A_781 = tpu.memref_squeeze %dma_start3A_780 : memref<1x32xi32, #tpu.memory_space<hbm>> -> memref<32xi32, #tpu.memory_space<hbm>>
        %dma_start3A_782 = arith.constant 0 : i32
        %dma_start3A_783 = tpu.memref_slice %arg12[%dma_start3A_775, %dma_start3A_782] : memref<6x128xi32, #tpu.memory_space<vmem>> -> memref<1x32xi32, #tpu.memory_space<vmem>>
        %dma_start3A_784 = tpu.memref_squeeze %dma_start3A_783 : memref<1x32xi32, #tpu.memory_space<vmem>> -> memref<32xi32, #tpu.memory_space<vmem>>
        %dma_start3A_785 = arith.constant 99968 : i32
        %dma_start3A_786 = tpu.memref_slice %arg2[%dma_start3A_774, %dma_start3A_785] : memref<6x100000xi32, #tpu.memory_space<hbm>> -> memref<1x32xi32, #tpu.memory_space<hbm>>
        %dma_start3A_787 = tpu.memref_squeeze %dma_start3A_786 : memref<1x32xi32, #tpu.memory_space<hbm>> -> memref<32xi32, #tpu.memory_space<hbm>>
        tpu.enqueue_dma source(%dma_start3A_787 : memref<32xi32, #tpu.memory_space<hbm>>) target(%dma_start3A_784 : memref<32xi32, #tpu.memory_space<vmem>>) target_semaphore(%arg22 : memref<!tpu.dma_semaphore, #tpu.memory_space<semaphore_mem>>)
        %dma_start3A_788 = arith.constant 3 : i32
        %dma_start3A_789 = arith.constant 3 : i32
        %dma_start3A_790 = arith.constant 32 : i32
        %dma_start3A_791 = tpu.memref_slice %arg12[%dma_start3A_789, %dma_start3A_790] : memref<6x128xi32, #tpu.memory_space<vmem>> -> memref<1x96xi32, #tpu.memory_space<vmem>>
        %dma_start3A_792 = tpu.memref_squeeze %dma_start3A_791 : memref<1x96xi32, #tpu.memory_space<vmem>> -> memref<96xi32, #tpu.memory_space<vmem>>
        %dma_start3A_793 = arith.constant 0 : i32
        %dma_start3A_794 = tpu.memref_slice %arg2[%dma_start3A_788, %dma_start3A_793] : memref<6x100000xi32, #tpu.memory_space<hbm>> -> memref<1x96xi32, #tpu.memory_space<hbm>>
        %dma_start3A_795 = tpu.memref_squeeze %dma_start3A_794 : memref<1x96xi32, #tpu.memory_space<hbm>> -> memref<96xi32, #tpu.memory_space<hbm>>
        %dma_start3A_796 = arith.constant 32 : i32
        %dma_start3A_797 = tpu.memref_slice %arg12[%dma_start3A_789, %dma_start3A_796] : memref<6x128xi32, #tpu.memory_space<vmem>> -> memref<1x96xi32, #tpu.memory_space<vmem>>
        %dma_start3A_798 = tpu.memref_squeeze %dma_start3A_797 : memref<1x96xi32, #tpu.memory_space<vmem>> -> memref<96xi32, #tpu.memory_space<vmem>>
        %dma_start3A_799 = arith.constant 0 : i32
        %dma_start3A_800 = tpu.memref_slice %arg2[%dma_start3A_788, %dma_start3A_799] : memref<6x100000xi32, #tpu.memory_space<hbm>> -> memref<1x96xi32, #tpu.memory_space<hbm>>
        %dma_start3A_801 = tpu.memref_squeeze %dma_start3A_800 : memref<1x96xi32, #tpu.memory_space<hbm>> -> memref<96xi32, #tpu.memory_space<hbm>>
        tpu.enqueue_dma source(%dma_start3A_801 : memref<96xi32, #tpu.memory_space<hbm>>) target(%dma_start3A_798 : memref<96xi32, #tpu.memory_space<vmem>>) target_semaphore(%arg22 : memref<!tpu.dma_semaphore, #tpu.memory_space<semaphore_mem>>)
        %dma_start3A_802 = arith.constant 4 : i32
        %dma_start3A_803 = arith.constant 4 : i32
        %dma_start3A_804 = arith.constant 0 : i32
        %dma_start3A_805 = tpu.memref_slice %arg12[%dma_start3A_803, %dma_start3A_804] : memref<6x128xi32, #tpu.memory_space<vmem>> -> memref<1x32xi32, #tpu.memory_space<vmem>>
        %dma_start3A_806 = tpu.memref_squeeze %dma_start3A_805 : memref<1x32xi32, #tpu.memory_space<vmem>> -> memref<32xi32, #tpu.memory_space<vmem>>
        %dma_start3A_807 = arith.constant 99968 : i32
        %dma_start3A_808 = tpu.memref_slice %arg2[%dma_start3A_802, %dma_start3A_807] : memref<6x100000xi32, #tpu.memory_space<hbm>> -> memref<1x32xi32, #tpu.memory_space<hbm>>
        %dma_start3A_809 = tpu.memref_squeeze %dma_start3A_808 : memref<1x32xi32, #tpu.memory_space<hbm>> -> memref<32xi32, #tpu.memory_space<hbm>>
        %dma_start3A_810 = arith.constant 0 : i32
        %dma_start3A_811 = tpu.memref_slice %arg12[%dma_start3A_803, %dma_start3A_810] : memref<6x128xi32, #tpu.memory_space<vmem>> -> memref<1x32xi32, #tpu.memory_space<vmem>>
        %dma_start3A_812 = tpu.memref_squeeze %dma_start3A_811 : memref<1x32xi32, #tpu.memory_space<vmem>> -> memref<32xi32, #tpu.memory_space<vmem>>
        %dma_start3A_813 = arith.constant 99968 : i32
        %dma_start3A_814 = tpu.memref_slice %arg2[%dma_start3A_802, %dma_start3A_813] : memref<6x100000xi32, #tpu.memory_space<hbm>> -> memref<1x32xi32, #tpu.memory_space<hbm>>
        %dma_start3A_815 = tpu.memref_squeeze %dma_start3A_814 : memref<1x32xi32, #tpu.memory_space<hbm>> -> memref<32xi32, #tpu.memory_space<hbm>>
        tpu.enqueue_dma source(%dma_start3A_815 : memref<32xi32, #tpu.memory_space<hbm>>) target(%dma_start3A_812 : memref<32xi32, #tpu.memory_space<vmem>>) target_semaphore(%arg22 : memref<!tpu.dma_semaphore, #tpu.memory_space<semaphore_mem>>)
        %dma_start3A_816 = arith.constant 4 : i32
        %dma_start3A_817 = arith.constant 4 : i32
        %dma_start3A_818 = arith.constant 32 : i32
        %dma_start3A_819 = tpu.memref_slice %arg12[%dma_start3A_817, %dma_start3A_818] : memref<6x128xi32, #tpu.memory_space<vmem>> -> memref<1x96xi32, #tpu.memory_space<vmem>>
        %dma_start3A_820 = tpu.memref_squeeze %dma_start3A_819 : memref<1x96xi32, #tpu.memory_space<vmem>> -> memref<96xi32, #tpu.memory_space<vmem>>
        %dma_start3A_821 = arith.constant 0 : i32
        %dma_start3A_822 = tpu.memref_slice %arg2[%dma_start3A_816, %dma_start3A_821] : memref<6x100000xi32, #tpu.memory_space<hbm>> -> memref<1x96xi32, #tpu.memory_space<hbm>>
        %dma_start3A_823 = tpu.memref_squeeze %dma_start3A_822 : memref<1x96xi32, #tpu.memory_space<hbm>> -> memref<96xi32, #tpu.memory_space<hbm>>
        %dma_start3A_824 = arith.constant 32 : i32
        %dma_start3A_825 = tpu.memref_slice %arg12[%dma_start3A_817, %dma_start3A_824] : memref<6x128xi32, #tpu.memory_space<vmem>> -> memref<1x96xi32, #tpu.memory_space<vmem>>
        %dma_start3A_826 = tpu.memref_squeeze %dma_start3A_825 : memref<1x96xi32, #tpu.memory_space<vmem>> -> memref<96xi32, #tpu.memory_space<vmem>>
        %dma_start3A_827 = arith.constant 0 : i32
        %dma_start3A_828 = tpu.memref_slice %arg2[%dma_start3A_816, %dma_start3A_827] : memref<6x100000xi32, #tpu.memory_space<hbm>> -> memref<1x96xi32, #tpu.memory_space<hbm>>
        %dma_start3A_829 = tpu.memref_squeeze %dma_start3A_828 : memref<1x96xi32, #tpu.memory_space<hbm>> -> memref<96xi32, #tpu.memory_space<hbm>>
        tpu.enqueue_dma source(%dma_start3A_829 : memref<96xi32, #tpu.memory_space<hbm>>) target(%dma_start3A_826 : memref<96xi32, #tpu.memory_space<vmem>>) target_semaphore(%arg22 : memref<!tpu.dma_semaphore, #tpu.memory_space<semaphore_mem>>)
        %dma_start3A_830 = arith.constant 5 : i32
        %dma_start3A_831 = arith.constant 5 : i32
        %dma_start3A_832 = arith.constant 0 : i32
        %dma_start3A_833 = tpu.memref_slice %arg12[%dma_start3A_831, %dma_start3A_832] : memref<6x128xi32, #tpu.memory_space<vmem>> -> memref<1x32xi32, #tpu.memory_space<vmem>>
        %dma_start3A_834 = tpu.memref_squeeze %dma_start3A_833 : memref<1x32xi32, #tpu.memory_space<vmem>> -> memref<32xi32, #tpu.memory_space<vmem>>
        %dma_start3A_835 = arith.constant 99968 : i32
        %dma_start3A_836 = tpu.memref_slice %arg2[%dma_start3A_830, %dma_start3A_835] : memref<6x100000xi32, #tpu.memory_space<hbm>> -> memref<1x32xi32, #tpu.memory_space<hbm>>
        %dma_start3A_837 = tpu.memref_squeeze %dma_start3A_836 : memref<1x32xi32, #tpu.memory_space<hbm>> -> memref<32xi32, #tpu.memory_space<hbm>>
        %dma_start3A_838 = arith.constant 0 : i32
        %dma_start3A_839 = tpu.memref_slice %arg12[%dma_start3A_831, %dma_start3A_838] : memref<6x128xi32, #tpu.memory_space<vmem>> -> memref<1x32xi32, #tpu.memory_space<vmem>>
        %dma_start3A_840 = tpu.memref_squeeze %dma_start3A_839 : memref<1x32xi32, #tpu.memory_space<vmem>> -> memref<32xi32, #tpu.memory_space<vmem>>
        %dma_start3A_841 = arith.constant 99968 : i32
        %dma_start3A_842 = tpu.memref_slice %arg2[%dma_start3A_830, %dma_start3A_841] : memref<6x100000xi32, #tpu.memory_space<hbm>> -> memref<1x32xi32, #tpu.memory_space<hbm>>
        %dma_start3A_843 = tpu.memref_squeeze %dma_start3A_842 : memref<1x32xi32, #tpu.memory_space<hbm>> -> memref<32xi32, #tpu.memory_space<hbm>>
        tpu.enqueue_dma source(%dma_start3A_843 : memref<32xi32, #tpu.memory_space<hbm>>) target(%dma_start3A_840 : memref<32xi32, #tpu.memory_space<vmem>>) target_semaphore(%arg22 : memref<!tpu.dma_semaphore, #tpu.memory_space<semaphore_mem>>)
        %dma_start3A_844 = arith.constant 5 : i32
        %dma_start3A_845 = arith.constant 5 : i32
        %dma_start3A_846 = arith.constant 32 : i32
        %dma_start3A_847 = tpu.memref_slice %arg12[%dma_start3A_845, %dma_start3A_846] : memref<6x128xi32, #tpu.memory_space<vmem>> -> memref<1x96xi32, #tpu.memory_space<vmem>>
        %dma_start3A_848 = tpu.memref_squeeze %dma_start3A_847 : memref<1x96xi32, #tpu.memory_space<vmem>> -> memref<96xi32, #tpu.memory_space<vmem>>
        %dma_start3A_849 = arith.constant 0 : i32
        %dma_start3A_850 = tpu.memref_slice %arg2[%dma_start3A_844, %dma_start3A_849] : memref<6x100000xi32, #tpu.memory_space<hbm>> -> memref<1x96xi32, #tpu.memory_space<hbm>>
        %dma_start3A_851 = tpu.memref_squeeze %dma_start3A_850 : memref<1x96xi32, #tpu.memory_space<hbm>> -> memref<96xi32, #tpu.memory_space<hbm>>
        %dma_start3A_852 = arith.constant 32 : i32
        %dma_start3A_853 = tpu.memref_slice %arg12[%dma_start3A_845, %dma_start3A_852] : memref<6x128xi32, #tpu.memory_space<vmem>> -> memref<1x96xi32, #tpu.memory_space<vmem>>
        %dma_start3A_854 = tpu.memref_squeeze %dma_start3A_853 : memref<1x96xi32, #tpu.memory_space<vmem>> -> memref<96xi32, #tpu.memory_space<vmem>>
        %dma_start3A_855 = arith.constant 0 : i32
        %dma_start3A_856 = tpu.memref_slice %arg2[%dma_start3A_844, %dma_start3A_855] : memref<6x100000xi32, #tpu.memory_space<hbm>> -> memref<1x96xi32, #tpu.memory_space<hbm>>
        %dma_start3A_857 = tpu.memref_squeeze %dma_start3A_856 : memref<1x96xi32, #tpu.memory_space<hbm>> -> memref<96xi32, #tpu.memory_space<hbm>>
        tpu.enqueue_dma source(%dma_start3A_857 : memref<96xi32, #tpu.memory_space<hbm>>) target(%dma_start3A_854 : memref<96xi32, #tpu.memory_space<vmem>>) target_semaphore(%arg22 : memref<!tpu.dma_semaphore, #tpu.memory_space<semaphore_mem>>)
      } else {
      }
      %add3A_288 = arith.constant 2 : i32
      %add3A_289 = arith.addi %mul3A_21, %add3A_288 : i32
      %sub3A_290 = arith.constant 5 : i32
      %sub3A_291 = arith.subi %add3A_289, %sub3A_290 : i32
      %mul3A_292 = arith.constant 32 : i32
      %mul3A_293 = arith.muli %sub3A_291, %mul3A_292 : i32
      %add3A_294 = arith.addi %add3A, %mul3A_293 : i32
      %ge3A_295 = arith.constant 0 : i32
      %ge3A_296 = arith.cmpi sge, %sub3A_291, %ge3A_295 : i32
      %lt3A_297 = arith.constant 781 : i32
      %lt3A_298 = arith.cmpi slt, %add3A_294, %lt3A_297 : i32
      %and3A_299 = arith.andi %ge3A_296, %lt3A_298 : i1
      %convert_element_type3A_300 = arith.extui %and3A_299 : i1 to i32
      %cond3A_301 = arith.constant 0 : i32
      %cond3A_302 = arith.cmpi ne, %convert_element_type3A_300, %cond3A_301 : i32
      scf.if %cond3A_302 {
        %mul3A_691 = arith.constant 128 : i32
        %mul3A_692 = arith.muli %add3A_294, %mul3A_691 : i32
        %dma_wait3A = arith.constant 0 : i32
        %dma_wait3A_693 = tpu.memref_slice %arg9[%mul3A_692, %dma_wait3A] : memref<100000x128xf32, #tpu.memory_space<hbm>> -> memref<128x128xf32, #tpu.memory_space<hbm>>
        %dma_wait3A_694 = arith.constant 0 : i32
        %dma_wait3A_695 = tpu.memref_slice %arg9[%mul3A_692, %dma_wait3A_694] : memref<100000x128xf32, #tpu.memory_space<hbm>> -> memref<128x128xf32, #tpu.memory_space<hbm>>
        tpu.wait_dma2 semaphore(%arg37 : memref<!tpu.dma_semaphore, #tpu.memory_space<semaphore_mem>>) src(%arg17 : memref<128x128xf32, #tpu.memory_space<vmem>>) dst(%dma_wait3A_695 : memref<128x128xf32, #tpu.memory_space<hbm>>)
      } else {
      }
      %ge3A_303 = arith.constant 0 : i32
      %ge3A_304 = arith.cmpi sge, %sub3A_291, %ge3A_303 : i32
      %eq3A_305 = arith.constant 781 : i32
      %eq3A_306 = arith.cmpi eq, %add3A_294, %eq3A_305 : i32
      %and3A_307 = arith.andi %ge3A_304, %eq3A_306 : i1
      %convert_element_type3A_308 = arith.extui %and3A_307 : i1 to i32
      %cond3A_309 = arith.constant 0 : i32
      %cond3A_310 = arith.cmpi ne, %convert_element_type3A_308, %cond3A_309 : i32
      scf.if %cond3A_310 {
        %dma_wait3A = arith.constant 0 : i32
        %dma_wait3A_691 = arith.constant 0 : i32
        %dma_wait3A_692 = tpu.memref_slice %arg17[%dma_wait3A, %dma_wait3A_691] : memref<128x128xf32, #tpu.memory_space<vmem>> -> memref<32x128xf32, #tpu.memory_space<vmem>>
        %dma_wait3A_693 = arith.constant 99968 : i32
        %dma_wait3A_694 = arith.constant 0 : i32
        %dma_wait3A_695 = tpu.memref_slice %arg9[%dma_wait3A_693, %dma_wait3A_694] : memref<100000x128xf32, #tpu.memory_space<hbm>> -> memref<32x128xf32, #tpu.memory_space<hbm>>
        %dma_wait3A_696 = arith.constant 99968 : i32
        %dma_wait3A_697 = arith.constant 0 : i32
        %dma_wait3A_698 = tpu.memref_slice %arg9[%dma_wait3A_696, %dma_wait3A_697] : memref<100000x128xf32, #tpu.memory_space<hbm>> -> memref<32x128xf32, #tpu.memory_space<hbm>>
        %dma_wait3A_699 = arith.constant 0 : i32
        %dma_wait3A_700 = arith.constant 0 : i32
        %dma_wait3A_701 = tpu.memref_slice %arg17[%dma_wait3A_699, %dma_wait3A_700] : memref<128x128xf32, #tpu.memory_space<vmem>> -> memref<32x128xf32, #tpu.memory_space<vmem>>
        tpu.wait_dma2 semaphore(%arg37 : memref<!tpu.dma_semaphore, #tpu.memory_space<semaphore_mem>>) src(%dma_wait3A_701 : memref<32x128xf32, #tpu.memory_space<vmem>>) dst(%dma_wait3A_698 : memref<32x128xf32, #tpu.memory_space<hbm>>)
      } else {
      }
      %mul3A_311 = arith.constant 32 : i32
      %mul3A_312 = arith.muli %add3A_289, %mul3A_311 : i32
      %add3A_313 = arith.addi %add3A, %mul3A_312 : i32
      %ge3A_314 = arith.constant 0 : i32
      %ge3A_315 = arith.cmpi sge, %add3A_289, %ge3A_314 : i32
      %lt3A_316 = arith.constant 781 : i32
      %lt3A_317 = arith.cmpi slt, %add3A_313, %lt3A_316 : i32
      %and3A_318 = arith.andi %ge3A_315, %lt3A_317 : i1
      %convert_element_type3A_319 = arith.extui %and3A_318 : i1 to i32
      %cond3A_320 = arith.constant 0 : i32
      %cond3A_321 = arith.cmpi ne, %convert_element_type3A_319, %cond3A_320 : i32
      scf.if %cond3A_321 {
        %mul3A_691 = arith.constant 128 : i32
        %mul3A_692 = arith.muli %add3A_313, %mul3A_691 : i32
        %dma_wait3A = arith.constant 0 : i32
        %dma_wait3A_693 = tpu.memref_slice %arg2[%dma_wait3A, %mul3A_692] : memref<6x100000xi32, #tpu.memory_space<hbm>> -> memref<6x128xi32, #tpu.memory_space<hbm>>
        %dma_wait3A_694 = arith.constant 0 : i32
        %dma_wait3A_695 = tpu.memref_slice %arg2[%dma_wait3A_694, %mul3A_692] : memref<6x100000xi32, #tpu.memory_space<hbm>> -> memref<6x128xi32, #tpu.memory_space<hbm>>
        tpu.wait_dma2 semaphore(%arg22 : memref<!tpu.dma_semaphore, #tpu.memory_space<semaphore_mem>>) src(%dma_wait3A_695 : memref<6x128xi32, #tpu.memory_space<hbm>>) dst(%arg12 : memref<6x128xi32, #tpu.memory_space<vmem>>)
      } else {
      }
      %ge3A_322 = arith.constant 0 : i32
      %ge3A_323 = arith.cmpi sge, %add3A_289, %ge3A_322 : i32
      %eq3A_324 = arith.constant 781 : i32
      %eq3A_325 = arith.cmpi eq, %add3A_313, %eq3A_324 : i32
      %and3A_326 = arith.andi %ge3A_323, %eq3A_325 : i1
      %convert_element_type3A_327 = arith.extui %and3A_326 : i1 to i32
      %cond3A_328 = arith.constant 0 : i32
      %cond3A_329 = arith.cmpi ne, %convert_element_type3A_327, %cond3A_328 : i32
      scf.if %cond3A_329 {
        %dma_wait3A = arith.constant 0 : i32
        %dma_wait3A_691 = arith.constant 0 : i32
        %dma_wait3A_692 = arith.constant 0 : i32
        %dma_wait3A_693 = tpu.memref_slice %arg12[%dma_wait3A_691, %dma_wait3A_692] : memref<6x128xi32, #tpu.memory_space<vmem>> -> memref<1x32xi32, #tpu.memory_space<vmem>>
        %dma_wait3A_694 = tpu.memref_squeeze %dma_wait3A_693 : memref<1x32xi32, #tpu.memory_space<vmem>> -> memref<32xi32, #tpu.memory_space<vmem>>
        %dma_wait3A_695 = arith.constant 99968 : i32
        %dma_wait3A_696 = tpu.memref_slice %arg2[%dma_wait3A, %dma_wait3A_695] : memref<6x100000xi32, #tpu.memory_space<hbm>> -> memref<1x32xi32, #tpu.memory_space<hbm>>
        %dma_wait3A_697 = tpu.memref_squeeze %dma_wait3A_696 : memref<1x32xi32, #tpu.memory_space<hbm>> -> memref<32xi32, #tpu.memory_space<hbm>>
        %dma_wait3A_698 = arith.constant 0 : i32
        %dma_wait3A_699 = tpu.memref_slice %arg12[%dma_wait3A_691, %dma_wait3A_698] : memref<6x128xi32, #tpu.memory_space<vmem>> -> memref<1x32xi32, #tpu.memory_space<vmem>>
        %dma_wait3A_700 = tpu.memref_squeeze %dma_wait3A_699 : memref<1x32xi32, #tpu.memory_space<vmem>> -> memref<32xi32, #tpu.memory_space<vmem>>
        %dma_wait3A_701 = arith.constant 99968 : i32
        %dma_wait3A_702 = tpu.memref_slice %arg2[%dma_wait3A, %dma_wait3A_701] : memref<6x100000xi32, #tpu.memory_space<hbm>> -> memref<1x32xi32, #tpu.memory_space<hbm>>
        %dma_wait3A_703 = tpu.memref_squeeze %dma_wait3A_702 : memref<1x32xi32, #tpu.memory_space<hbm>> -> memref<32xi32, #tpu.memory_space<hbm>>
        tpu.wait_dma2 semaphore(%arg22 : memref<!tpu.dma_semaphore, #tpu.memory_space<semaphore_mem>>) src(%dma_wait3A_703 : memref<32xi32, #tpu.memory_space<hbm>>) dst(%dma_wait3A_700 : memref<32xi32, #tpu.memory_space<vmem>>)
        %dma_wait3A_704 = arith.constant 0 : i32
        %dma_wait3A_705 = arith.constant 0 : i32
        %dma_wait3A_706 = arith.constant 32 : i32
        %dma_wait3A_707 = tpu.memref_slice %arg12[%dma_wait3A_705, %dma_wait3A_706] : memref<6x128xi32, #tpu.memory_space<vmem>> -> memref<1x96xi32, #tpu.memory_space<vmem>>
        %dma_wait3A_708 = tpu.memref_squeeze %dma_wait3A_707 : memref<1x96xi32, #tpu.memory_space<vmem>> -> memref<96xi32, #tpu.memory_space<vmem>>
        %dma_wait3A_709 = arith.constant 0 : i32
        %dma_wait3A_710 = tpu.memref_slice %arg2[%dma_wait3A_704, %dma_wait3A_709] : memref<6x100000xi32, #tpu.memory_space<hbm>> -> memref<1x96xi32, #tpu.memory_space<hbm>>
        %dma_wait3A_711 = tpu.memref_squeeze %dma_wait3A_710 : memref<1x96xi32, #tpu.memory_space<hbm>> -> memref<96xi32, #tpu.memory_space<hbm>>
        %dma_wait3A_712 = arith.constant 32 : i32
        %dma_wait3A_713 = tpu.memref_slice %arg12[%dma_wait3A_705, %dma_wait3A_712] : memref<6x128xi32, #tpu.memory_space<vmem>> -> memref<1x96xi32, #tpu.memory_space<vmem>>
        %dma_wait3A_714 = tpu.memref_squeeze %dma_wait3A_713 : memref<1x96xi32, #tpu.memory_space<vmem>> -> memref<96xi32, #tpu.memory_space<vmem>>
        %dma_wait3A_715 = arith.constant 0 : i32
        %dma_wait3A_716 = tpu.memref_slice %arg2[%dma_wait3A_704, %dma_wait3A_715] : memref<6x100000xi32, #tpu.memory_space<hbm>> -> memref<1x96xi32, #tpu.memory_space<hbm>>
        %dma_wait3A_717 = tpu.memref_squeeze %dma_wait3A_716 : memref<1x96xi32, #tpu.memory_space<hbm>> -> memref<96xi32, #tpu.memory_space<hbm>>
        tpu.wait_dma2 semaphore(%arg22 : memref<!tpu.dma_semaphore, #tpu.memory_space<semaphore_mem>>) src(%dma_wait3A_717 : memref<96xi32, #tpu.memory_space<hbm>>) dst(%dma_wait3A_714 : memref<96xi32, #tpu.memory_space<vmem>>)
        %dma_wait3A_718 = arith.constant 1 : i32
        %dma_wait3A_719 = arith.constant 1 : i32
        %dma_wait3A_720 = arith.constant 0 : i32
        %dma_wait3A_721 = tpu.memref_slice %arg12[%dma_wait3A_719, %dma_wait3A_720] : memref<6x128xi32, #tpu.memory_space<vmem>> -> memref<1x32xi32, #tpu.memory_space<vmem>>
        %dma_wait3A_722 = tpu.memref_squeeze %dma_wait3A_721 : memref<1x32xi32, #tpu.memory_space<vmem>> -> memref<32xi32, #tpu.memory_space<vmem>>
        %dma_wait3A_723 = arith.constant 99968 : i32
        %dma_wait3A_724 = tpu.memref_slice %arg2[%dma_wait3A_718, %dma_wait3A_723] : memref<6x100000xi32, #tpu.memory_space<hbm>> -> memref<1x32xi32, #tpu.memory_space<hbm>>
        %dma_wait3A_725 = tpu.memref_squeeze %dma_wait3A_724 : memref<1x32xi32, #tpu.memory_space<hbm>> -> memref<32xi32, #tpu.memory_space<hbm>>
        %dma_wait3A_726 = arith.constant 0 : i32
        %dma_wait3A_727 = tpu.memref_slice %arg12[%dma_wait3A_719, %dma_wait3A_726] : memref<6x128xi32, #tpu.memory_space<vmem>> -> memref<1x32xi32, #tpu.memory_space<vmem>>
        %dma_wait3A_728 = tpu.memref_squeeze %dma_wait3A_727 : memref<1x32xi32, #tpu.memory_space<vmem>> -> memref<32xi32, #tpu.memory_space<vmem>>
        %dma_wait3A_729 = arith.constant 99968 : i32
        %dma_wait3A_730 = tpu.memref_slice %arg2[%dma_wait3A_718, %dma_wait3A_729] : memref<6x100000xi32, #tpu.memory_space<hbm>> -> memref<1x32xi32, #tpu.memory_space<hbm>>
        %dma_wait3A_731 = tpu.memref_squeeze %dma_wait3A_730 : memref<1x32xi32, #tpu.memory_space<hbm>> -> memref<32xi32, #tpu.memory_space<hbm>>
        tpu.wait_dma2 semaphore(%arg22 : memref<!tpu.dma_semaphore, #tpu.memory_space<semaphore_mem>>) src(%dma_wait3A_731 : memref<32xi32, #tpu.memory_space<hbm>>) dst(%dma_wait3A_728 : memref<32xi32, #tpu.memory_space<vmem>>)
        %dma_wait3A_732 = arith.constant 1 : i32
        %dma_wait3A_733 = arith.constant 1 : i32
        %dma_wait3A_734 = arith.constant 32 : i32
        %dma_wait3A_735 = tpu.memref_slice %arg12[%dma_wait3A_733, %dma_wait3A_734] : memref<6x128xi32, #tpu.memory_space<vmem>> -> memref<1x96xi32, #tpu.memory_space<vmem>>
        %dma_wait3A_736 = tpu.memref_squeeze %dma_wait3A_735 : memref<1x96xi32, #tpu.memory_space<vmem>> -> memref<96xi32, #tpu.memory_space<vmem>>
        %dma_wait3A_737 = arith.constant 0 : i32
        %dma_wait3A_738 = tpu.memref_slice %arg2[%dma_wait3A_732, %dma_wait3A_737] : memref<6x100000xi32, #tpu.memory_space<hbm>> -> memref<1x96xi32, #tpu.memory_space<hbm>>
        %dma_wait3A_739 = tpu.memref_squeeze %dma_wait3A_738 : memref<1x96xi32, #tpu.memory_space<hbm>> -> memref<96xi32, #tpu.memory_space<hbm>>
        %dma_wait3A_740 = arith.constant 32 : i32
        %dma_wait3A_741 = tpu.memref_slice %arg12[%dma_wait3A_733, %dma_wait3A_740] : memref<6x128xi32, #tpu.memory_space<vmem>> -> memref<1x96xi32, #tpu.memory_space<vmem>>
        %dma_wait3A_742 = tpu.memref_squeeze %dma_wait3A_741 : memref<1x96xi32, #tpu.memory_space<vmem>> -> memref<96xi32, #tpu.memory_space<vmem>>
        %dma_wait3A_743 = arith.constant 0 : i32
        %dma_wait3A_744 = tpu.memref_slice %arg2[%dma_wait3A_732, %dma_wait3A_743] : memref<6x100000xi32, #tpu.memory_space<hbm>> -> memref<1x96xi32, #tpu.memory_space<hbm>>
        %dma_wait3A_745 = tpu.memref_squeeze %dma_wait3A_744 : memref<1x96xi32, #tpu.memory_space<hbm>> -> memref<96xi32, #tpu.memory_space<hbm>>
        tpu.wait_dma2 semaphore(%arg22 : memref<!tpu.dma_semaphore, #tpu.memory_space<semaphore_mem>>) src(%dma_wait3A_745 : memref<96xi32, #tpu.memory_space<hbm>>) dst(%dma_wait3A_742 : memref<96xi32, #tpu.memory_space<vmem>>)
        %dma_wait3A_746 = arith.constant 2 : i32
        %dma_wait3A_747 = arith.constant 2 : i32
        %dma_wait3A_748 = arith.constant 0 : i32
        %dma_wait3A_749 = tpu.memref_slice %arg12[%dma_wait3A_747, %dma_wait3A_748] : memref<6x128xi32, #tpu.memory_space<vmem>> -> memref<1x32xi32, #tpu.memory_space<vmem>>
        %dma_wait3A_750 = tpu.memref_squeeze %dma_wait3A_749 : memref<1x32xi32, #tpu.memory_space<vmem>> -> memref<32xi32, #tpu.memory_space<vmem>>
        %dma_wait3A_751 = arith.constant 99968 : i32
        %dma_wait3A_752 = tpu.memref_slice %arg2[%dma_wait3A_746, %dma_wait3A_751] : memref<6x100000xi32, #tpu.memory_space<hbm>> -> memref<1x32xi32, #tpu.memory_space<hbm>>
        %dma_wait3A_753 = tpu.memref_squeeze %dma_wait3A_752 : memref<1x32xi32, #tpu.memory_space<hbm>> -> memref<32xi32, #tpu.memory_space<hbm>>
        %dma_wait3A_754 = arith.constant 0 : i32
        %dma_wait3A_755 = tpu.memref_slice %arg12[%dma_wait3A_747, %dma_wait3A_754] : memref<6x128xi32, #tpu.memory_space<vmem>> -> memref<1x32xi32, #tpu.memory_space<vmem>>
        %dma_wait3A_756 = tpu.memref_squeeze %dma_wait3A_755 : memref<1x32xi32, #tpu.memory_space<vmem>> -> memref<32xi32, #tpu.memory_space<vmem>>
        %dma_wait3A_757 = arith.constant 99968 : i32
        %dma_wait3A_758 = tpu.memref_slice %arg2[%dma_wait3A_746, %dma_wait3A_757] : memref<6x100000xi32, #tpu.memory_space<hbm>> -> memref<1x32xi32, #tpu.memory_space<hbm>>
        %dma_wait3A_759 = tpu.memref_squeeze %dma_wait3A_758 : memref<1x32xi32, #tpu.memory_space<hbm>> -> memref<32xi32, #tpu.memory_space<hbm>>
        tpu.wait_dma2 semaphore(%arg22 : memref<!tpu.dma_semaphore, #tpu.memory_space<semaphore_mem>>) src(%dma_wait3A_759 : memref<32xi32, #tpu.memory_space<hbm>>) dst(%dma_wait3A_756 : memref<32xi32, #tpu.memory_space<vmem>>)
        %dma_wait3A_760 = arith.constant 2 : i32
        %dma_wait3A_761 = arith.constant 2 : i32
        %dma_wait3A_762 = arith.constant 32 : i32
        %dma_wait3A_763 = tpu.memref_slice %arg12[%dma_wait3A_761, %dma_wait3A_762] : memref<6x128xi32, #tpu.memory_space<vmem>> -> memref<1x96xi32, #tpu.memory_space<vmem>>
        %dma_wait3A_764 = tpu.memref_squeeze %dma_wait3A_763 : memref<1x96xi32, #tpu.memory_space<vmem>> -> memref<96xi32, #tpu.memory_space<vmem>>
        %dma_wait3A_765 = arith.constant 0 : i32
        %dma_wait3A_766 = tpu.memref_slice %arg2[%dma_wait3A_760, %dma_wait3A_765] : memref<6x100000xi32, #tpu.memory_space<hbm>> -> memref<1x96xi32, #tpu.memory_space<hbm>>
        %dma_wait3A_767 = tpu.memref_squeeze %dma_wait3A_766 : memref<1x96xi32, #tpu.memory_space<hbm>> -> memref<96xi32, #tpu.memory_space<hbm>>
        %dma_wait3A_768 = arith.constant 32 : i32
        %dma_wait3A_769 = tpu.memref_slice %arg12[%dma_wait3A_761, %dma_wait3A_768] : memref<6x128xi32, #tpu.memory_space<vmem>> -> memref<1x96xi32, #tpu.memory_space<vmem>>
        %dma_wait3A_770 = tpu.memref_squeeze %dma_wait3A_769 : memref<1x96xi32, #tpu.memory_space<vmem>> -> memref<96xi32, #tpu.memory_space<vmem>>
        %dma_wait3A_771 = arith.constant 0 : i32
        %dma_wait3A_772 = tpu.memref_slice %arg2[%dma_wait3A_760, %dma_wait3A_771] : memref<6x100000xi32, #tpu.memory_space<hbm>> -> memref<1x96xi32, #tpu.memory_space<hbm>>
        %dma_wait3A_773 = tpu.memref_squeeze %dma_wait3A_772 : memref<1x96xi32, #tpu.memory_space<hbm>> -> memref<96xi32, #tpu.memory_space<hbm>>
        tpu.wait_dma2 semaphore(%arg22 : memref<!tpu.dma_semaphore, #tpu.memory_space<semaphore_mem>>) src(%dma_wait3A_773 : memref<96xi32, #tpu.memory_space<hbm>>) dst(%dma_wait3A_770 : memref<96xi32, #tpu.memory_space<vmem>>)
        %dma_wait3A_774 = arith.constant 3 : i32
        %dma_wait3A_775 = arith.constant 3 : i32
        %dma_wait3A_776 = arith.constant 0 : i32
        %dma_wait3A_777 = tpu.memref_slice %arg12[%dma_wait3A_775, %dma_wait3A_776] : memref<6x128xi32, #tpu.memory_space<vmem>> -> memref<1x32xi32, #tpu.memory_space<vmem>>
        %dma_wait3A_778 = tpu.memref_squeeze %dma_wait3A_777 : memref<1x32xi32, #tpu.memory_space<vmem>> -> memref<32xi32, #tpu.memory_space<vmem>>
        %dma_wait3A_779 = arith.constant 99968 : i32
        %dma_wait3A_780 = tpu.memref_slice %arg2[%dma_wait3A_774, %dma_wait3A_779] : memref<6x100000xi32, #tpu.memory_space<hbm>> -> memref<1x32xi32, #tpu.memory_space<hbm>>
        %dma_wait3A_781 = tpu.memref_squeeze %dma_wait3A_780 : memref<1x32xi32, #tpu.memory_space<hbm>> -> memref<32xi32, #tpu.memory_space<hbm>>
        %dma_wait3A_782 = arith.constant 0 : i32
        %dma_wait3A_783 = tpu.memref_slice %arg12[%dma_wait3A_775, %dma_wait3A_782] : memref<6x128xi32, #tpu.memory_space<vmem>> -> memref<1x32xi32, #tpu.memory_space<vmem>>
        %dma_wait3A_784 = tpu.memref_squeeze %dma_wait3A_783 : memref<1x32xi32, #tpu.memory_space<vmem>> -> memref<32xi32, #tpu.memory_space<vmem>>
        %dma_wait3A_785 = arith.constant 99968 : i32
        %dma_wait3A_786 = tpu.memref_slice %arg2[%dma_wait3A_774, %dma_wait3A_785] : memref<6x100000xi32, #tpu.memory_space<hbm>> -> memref<1x32xi32, #tpu.memory_space<hbm>>
        %dma_wait3A_787 = tpu.memref_squeeze %dma_wait3A_786 : memref<1x32xi32, #tpu.memory_space<hbm>> -> memref<32xi32, #tpu.memory_space<hbm>>
        tpu.wait_dma2 semaphore(%arg22 : memref<!tpu.dma_semaphore, #tpu.memory_space<semaphore_mem>>) src(%dma_wait3A_787 : memref<32xi32, #tpu.memory_space<hbm>>) dst(%dma_wait3A_784 : memref<32xi32, #tpu.memory_space<vmem>>)
        %dma_wait3A_788 = arith.constant 3 : i32
        %dma_wait3A_789 = arith.constant 3 : i32
        %dma_wait3A_790 = arith.constant 32 : i32
        %dma_wait3A_791 = tpu.memref_slice %arg12[%dma_wait3A_789, %dma_wait3A_790] : memref<6x128xi32, #tpu.memory_space<vmem>> -> memref<1x96xi32, #tpu.memory_space<vmem>>
        %dma_wait3A_792 = tpu.memref_squeeze %dma_wait3A_791 : memref<1x96xi32, #tpu.memory_space<vmem>> -> memref<96xi32, #tpu.memory_space<vmem>>
        %dma_wait3A_793 = arith.constant 0 : i32
        %dma_wait3A_794 = tpu.memref_slice %arg2[%dma_wait3A_788, %dma_wait3A_793] : memref<6x100000xi32, #tpu.memory_space<hbm>> -> memref<1x96xi32, #tpu.memory_space<hbm>>
        %dma_wait3A_795 = tpu.memref_squeeze %dma_wait3A_794 : memref<1x96xi32, #tpu.memory_space<hbm>> -> memref<96xi32, #tpu.memory_space<hbm>>
        %dma_wait3A_796 = arith.constant 32 : i32
        %dma_wait3A_797 = tpu.memref_slice %arg12[%dma_wait3A_789, %dma_wait3A_796] : memref<6x128xi32, #tpu.memory_space<vmem>> -> memref<1x96xi32, #tpu.memory_space<vmem>>
        %dma_wait3A_798 = tpu.memref_squeeze %dma_wait3A_797 : memref<1x96xi32, #tpu.memory_space<vmem>> -> memref<96xi32, #tpu.memory_space<vmem>>
        %dma_wait3A_799 = arith.constant 0 : i32
        %dma_wait3A_800 = tpu.memref_slice %arg2[%dma_wait3A_788, %dma_wait3A_799] : memref<6x100000xi32, #tpu.memory_space<hbm>> -> memref<1x96xi32, #tpu.memory_space<hbm>>
        %dma_wait3A_801 = tpu.memref_squeeze %dma_wait3A_800 : memref<1x96xi32, #tpu.memory_space<hbm>> -> memref<96xi32, #tpu.memory_space<hbm>>
        tpu.wait_dma2 semaphore(%arg22 : memref<!tpu.dma_semaphore, #tpu.memory_space<semaphore_mem>>) src(%dma_wait3A_801 : memref<96xi32, #tpu.memory_space<hbm>>) dst(%dma_wait3A_798 : memref<96xi32, #tpu.memory_space<vmem>>)
        %dma_wait3A_802 = arith.constant 4 : i32
        %dma_wait3A_803 = arith.constant 4 : i32
        %dma_wait3A_804 = arith.constant 0 : i32
        %dma_wait3A_805 = tpu.memref_slice %arg12[%dma_wait3A_803, %dma_wait3A_804] : memref<6x128xi32, #tpu.memory_space<vmem>> -> memref<1x32xi32, #tpu.memory_space<vmem>>
        %dma_wait3A_806 = tpu.memref_squeeze %dma_wait3A_805 : memref<1x32xi32, #tpu.memory_space<vmem>> -> memref<32xi32, #tpu.memory_space<vmem>>
        %dma_wait3A_807 = arith.constant 99968 : i32
        %dma_wait3A_808 = tpu.memref_slice %arg2[%dma_wait3A_802, %dma_wait3A_807] : memref<6x100000xi32, #tpu.memory_space<hbm>> -> memref<1x32xi32, #tpu.memory_space<hbm>>
        %dma_wait3A_809 = tpu.memref_squeeze %dma_wait3A_808 : memref<1x32xi32, #tpu.memory_space<hbm>> -> memref<32xi32, #tpu.memory_space<hbm>>
        %dma_wait3A_810 = arith.constant 0 : i32
        %dma_wait3A_811 = tpu.memref_slice %arg12[%dma_wait3A_803, %dma_wait3A_810] : memref<6x128xi32, #tpu.memory_space<vmem>> -> memref<1x32xi32, #tpu.memory_space<vmem>>
        %dma_wait3A_812 = tpu.memref_squeeze %dma_wait3A_811 : memref<1x32xi32, #tpu.memory_space<vmem>> -> memref<32xi32, #tpu.memory_space<vmem>>
        %dma_wait3A_813 = arith.constant 99968 : i32
        %dma_wait3A_814 = tpu.memref_slice %arg2[%dma_wait3A_802, %dma_wait3A_813] : memref<6x100000xi32, #tpu.memory_space<hbm>> -> memref<1x32xi32, #tpu.memory_space<hbm>>
        %dma_wait3A_815 = tpu.memref_squeeze %dma_wait3A_814 : memref<1x32xi32, #tpu.memory_space<hbm>> -> memref<32xi32, #tpu.memory_space<hbm>>
        tpu.wait_dma2 semaphore(%arg22 : memref<!tpu.dma_semaphore, #tpu.memory_space<semaphore_mem>>) src(%dma_wait3A_815 : memref<32xi32, #tpu.memory_space<hbm>>) dst(%dma_wait3A_812 : memref<32xi32, #tpu.memory_space<vmem>>)
        %dma_wait3A_816 = arith.constant 4 : i32
        %dma_wait3A_817 = arith.constant 4 : i32
        %dma_wait3A_818 = arith.constant 32 : i32
        %dma_wait3A_819 = tpu.memref_slice %arg12[%dma_wait3A_817, %dma_wait3A_818] : memref<6x128xi32, #tpu.memory_space<vmem>> -> memref<1x96xi32, #tpu.memory_space<vmem>>
        %dma_wait3A_820 = tpu.memref_squeeze %dma_wait3A_819 : memref<1x96xi32, #tpu.memory_space<vmem>> -> memref<96xi32, #tpu.memory_space<vmem>>
        %dma_wait3A_821 = arith.constant 0 : i32
        %dma_wait3A_822 = tpu.memref_slice %arg2[%dma_wait3A_816, %dma_wait3A_821] : memref<6x100000xi32, #tpu.memory_space<hbm>> -> memref<1x96xi32, #tpu.memory_space<hbm>>
        %dma_wait3A_823 = tpu.memref_squeeze %dma_wait3A_822 : memref<1x96xi32, #tpu.memory_space<hbm>> -> memref<96xi32, #tpu.memory_space<hbm>>
        %dma_wait3A_824 = arith.constant 32 : i32
        %dma_wait3A_825 = tpu.memref_slice %arg12[%dma_wait3A_817, %dma_wait3A_824] : memref<6x128xi32, #tpu.memory_space<vmem>> -> memref<1x96xi32, #tpu.memory_space<vmem>>
        %dma_wait3A_826 = tpu.memref_squeeze %dma_wait3A_825 : memref<1x96xi32, #tpu.memory_space<vmem>> -> memref<96xi32, #tpu.memory_space<vmem>>
        %dma_wait3A_827 = arith.constant 0 : i32
        %dma_wait3A_828 = tpu.memref_slice %arg2[%dma_wait3A_816, %dma_wait3A_827] : memref<6x100000xi32, #tpu.memory_space<hbm>> -> memref<1x96xi32, #tpu.memory_space<hbm>>
        %dma_wait3A_829 = tpu.memref_squeeze %dma_wait3A_828 : memref<1x96xi32, #tpu.memory_space<hbm>> -> memref<96xi32, #tpu.memory_space<hbm>>
        tpu.wait_dma2 semaphore(%arg22 : memref<!tpu.dma_semaphore, #tpu.memory_space<semaphore_mem>>) src(%dma_wait3A_829 : memref<96xi32, #tpu.memory_space<hbm>>) dst(%dma_wait3A_826 : memref<96xi32, #tpu.memory_space<vmem>>)
        %dma_wait3A_830 = arith.constant 5 : i32
        %dma_wait3A_831 = arith.constant 5 : i32
        %dma_wait3A_832 = arith.constant 0 : i32
        %dma_wait3A_833 = tpu.memref_slice %arg12[%dma_wait3A_831, %dma_wait3A_832] : memref<6x128xi32, #tpu.memory_space<vmem>> -> memref<1x32xi32, #tpu.memory_space<vmem>>
        %dma_wait3A_834 = tpu.memref_squeeze %dma_wait3A_833 : memref<1x32xi32, #tpu.memory_space<vmem>> -> memref<32xi32, #tpu.memory_space<vmem>>
        %dma_wait3A_835 = arith.constant 99968 : i32
        %dma_wait3A_836 = tpu.memref_slice %arg2[%dma_wait3A_830, %dma_wait3A_835] : memref<6x100000xi32, #tpu.memory_space<hbm>> -> memref<1x32xi32, #tpu.memory_space<hbm>>
        %dma_wait3A_837 = tpu.memref_squeeze %dma_wait3A_836 : memref<1x32xi32, #tpu.memory_space<hbm>> -> memref<32xi32, #tpu.memory_space<hbm>>
        %dma_wait3A_838 = arith.constant 0 : i32
        %dma_wait3A_839 = tpu.memref_slice %arg12[%dma_wait3A_831, %dma_wait3A_838] : memref<6x128xi32, #tpu.memory_space<vmem>> -> memref<1x32xi32, #tpu.memory_space<vmem>>
        %dma_wait3A_840 = tpu.memref_squeeze %dma_wait3A_839 : memref<1x32xi32, #tpu.memory_space<vmem>> -> memref<32xi32, #tpu.memory_space<vmem>>
        %dma_wait3A_841 = arith.constant 99968 : i32
        %dma_wait3A_842 = tpu.memref_slice %arg2[%dma_wait3A_830, %dma_wait3A_841] : memref<6x100000xi32, #tpu.memory_space<hbm>> -> memref<1x32xi32, #tpu.memory_space<hbm>>
        %dma_wait3A_843 = tpu.memref_squeeze %dma_wait3A_842 : memref<1x32xi32, #tpu.memory_space<hbm>> -> memref<32xi32, #tpu.memory_space<hbm>>
        tpu.wait_dma2 semaphore(%arg22 : memref<!tpu.dma_semaphore, #tpu.memory_space<semaphore_mem>>) src(%dma_wait3A_843 : memref<32xi32, #tpu.memory_space<hbm>>) dst(%dma_wait3A_840 : memref<32xi32, #tpu.memory_space<vmem>>)
        %dma_wait3A_844 = arith.constant 5 : i32
        %dma_wait3A_845 = arith.constant 5 : i32
        %dma_wait3A_846 = arith.constant 32 : i32
        %dma_wait3A_847 = tpu.memref_slice %arg12[%dma_wait3A_845, %dma_wait3A_846] : memref<6x128xi32, #tpu.memory_space<vmem>> -> memref<1x96xi32, #tpu.memory_space<vmem>>
        %dma_wait3A_848 = tpu.memref_squeeze %dma_wait3A_847 : memref<1x96xi32, #tpu.memory_space<vmem>> -> memref<96xi32, #tpu.memory_space<vmem>>
        %dma_wait3A_849 = arith.constant 0 : i32
        %dma_wait3A_850 = tpu.memref_slice %arg2[%dma_wait3A_844, %dma_wait3A_849] : memref<6x100000xi32, #tpu.memory_space<hbm>> -> memref<1x96xi32, #tpu.memory_space<hbm>>
        %dma_wait3A_851 = tpu.memref_squeeze %dma_wait3A_850 : memref<1x96xi32, #tpu.memory_space<hbm>> -> memref<96xi32, #tpu.memory_space<hbm>>
        %dma_wait3A_852 = arith.constant 32 : i32
        %dma_wait3A_853 = tpu.memref_slice %arg12[%dma_wait3A_845, %dma_wait3A_852] : memref<6x128xi32, #tpu.memory_space<vmem>> -> memref<1x96xi32, #tpu.memory_space<vmem>>
        %dma_wait3A_854 = tpu.memref_squeeze %dma_wait3A_853 : memref<1x96xi32, #tpu.memory_space<vmem>> -> memref<96xi32, #tpu.memory_space<vmem>>
        %dma_wait3A_855 = arith.constant 0 : i32
        %dma_wait3A_856 = tpu.memref_slice %arg2[%dma_wait3A_844, %dma_wait3A_855] : memref<6x100000xi32, #tpu.memory_space<hbm>> -> memref<1x96xi32, #tpu.memory_space<hbm>>
        %dma_wait3A_857 = tpu.memref_squeeze %dma_wait3A_856 : memref<1x96xi32, #tpu.memory_space<hbm>> -> memref<96xi32, #tpu.memory_space<hbm>>
        tpu.wait_dma2 semaphore(%arg22 : memref<!tpu.dma_semaphore, #tpu.memory_space<semaphore_mem>>) src(%dma_wait3A_857 : memref<96xi32, #tpu.memory_space<hbm>>) dst(%dma_wait3A_854 : memref<96xi32, #tpu.memory_space<vmem>>)
      } else {
      }
      %ge3A_330 = arith.constant 0 : i32
      %ge3A_331 = arith.cmpi sge, %add3A_289, %ge3A_330 : i32
      %mul3A_332 = arith.constant 32 : i32
      %mul3A_333 = arith.muli %add3A_289, %mul3A_332 : i32
      %add3A_334 = arith.addi %add3A, %mul3A_333 : i32
      %lt3A_335 = arith.constant 782 : i32
      %lt3A_336 = arith.cmpi slt, %add3A_334, %lt3A_335 : i32
      %and3A_337 = arith.andi %ge3A_331, %lt3A_336 : i1
      %convert_element_type3A_338 = arith.extui %and3A_337 : i1 to i32
      %cond3A_339 = arith.constant 0 : i32
      %cond3A_340 = arith.cmpi ne, %convert_element_type3A_338, %cond3A_339 : i32
      scf.if %cond3A_340 {
        %dma_start3A = arith.constant 0 : i32
        %dma_start3A_691 = arith.constant 0 : i32
        %dma_start3A_692 = tpu.memref_slice %arg12[%dma_start3A, %dma_start3A_691] : memref<6x128xi32, #tpu.memory_space<vmem>> -> memref<1x128xi32, #tpu.memory_space<vmem>>
        %dma_start3A_693 = tpu.memref_squeeze %dma_start3A_692 : memref<1x128xi32, #tpu.memory_space<vmem>> -> memref<128xi32, #tpu.memory_space<vmem>>
        %dma_start3A_694 = arith.constant 0 : i32
        %dma_start3A_695 = arith.constant 0 : i32
        %dma_start3A_696 = tpu.memref_slice %arg3[%dma_start3A_694, %dma_start3A_695] : memref<100000x128xf32, #tpu.memory_space<hbm>> -> memref<100000x128xf32, #tpu.memory_space<hbm>>
        tpu.enqueue_indirect_dma source(%dma_start3A_696 : memref<100000x128xf32, #tpu.memory_space<hbm>>) target(%arg17 : memref<128x128xf32, #tpu.memory_space<vmem>>) offsets(%dma_start3A_693 : memref<128xi32, #tpu.memory_space<vmem>>) semaphore(%arg27 : memref<!tpu.dma_semaphore, #tpu.memory_space<semaphore_mem>>)
      } else {
      }
      %sub3A_341 = arith.constant 1 : i32
      %sub3A_342 = arith.subi %add3A_289, %sub3A_341 : i32
      %ge3A_343 = arith.constant 0 : i32
      %ge3A_344 = arith.cmpi sge, %sub3A_342, %ge3A_343 : i32
      %mul3A_345 = arith.constant 32 : i32
      %mul3A_346 = arith.muli %sub3A_342, %mul3A_345 : i32
      %add3A_347 = arith.addi %add3A, %mul3A_346 : i32
      %lt3A_348 = arith.constant 782 : i32
      %lt3A_349 = arith.cmpi slt, %add3A_347, %lt3A_348 : i32
      %and3A_350 = arith.andi %ge3A_344, %lt3A_349 : i1
      %convert_element_type3A_351 = arith.extui %and3A_350 : i1 to i32
      %cond3A_352 = arith.constant 0 : i32
      %cond3A_353 = arith.cmpi ne, %convert_element_type3A_351, %cond3A_352 : i32
      scf.if %cond3A_353 {
        %dma_wait3A = arith.constant 0 : i32
        %dma_wait3A_691 = arith.constant 0 : i32
        %dma_wait3A_692 = tpu.memref_slice %arg11[%dma_wait3A, %dma_wait3A_691] : memref<6x128xi32, #tpu.memory_space<vmem>> -> memref<1x128xi32, #tpu.memory_space<vmem>>
        %dma_wait3A_693 = tpu.memref_squeeze %dma_wait3A_692 : memref<1x128xi32, #tpu.memory_space<vmem>> -> memref<128xi32, #tpu.memory_space<vmem>>
        %dma_wait3A_694 = arith.constant 0 : i32
        %dma_wait3A_695 = arith.constant 0 : i32
        %dma_wait3A_696 = tpu.memref_slice %arg3[%dma_wait3A_694, %dma_wait3A_695] : memref<100000x128xf32, #tpu.memory_space<hbm>> -> memref<100000x128xf32, #tpu.memory_space<hbm>>
        tpu.wait_indirect_dma semaphore(%arg26 : memref<!tpu.dma_semaphore, #tpu.memory_space<semaphore_mem>>) src(%dma_wait3A_696 : memref<100000x128xf32, #tpu.memory_space<hbm>>) dst(%arg16 : memref<128x128xf32, #tpu.memory_space<vmem>>)
      } else {
      }
      %sub3A_354 = arith.constant 1 : i32
      %sub3A_355 = arith.subi %add3A_289, %sub3A_354 : i32
      %ge3A_356 = arith.constant 0 : i32
      %ge3A_357 = arith.cmpi sge, %sub3A_355, %ge3A_356 : i32
      %mul3A_358 = arith.constant 32 : i32
      %mul3A_359 = arith.muli %sub3A_355, %mul3A_358 : i32
      %add3A_360 = arith.addi %add3A, %mul3A_359 : i32
      %lt3A_361 = arith.constant 782 : i32
      %lt3A_362 = arith.cmpi slt, %add3A_360, %lt3A_361 : i32
      %and3A_363 = arith.andi %ge3A_357, %lt3A_362 : i1
      %convert_element_type3A_364 = arith.extui %and3A_363 : i1 to i32
      %cond3A_365 = arith.constant 0 : i32
      %cond3A_366 = arith.cmpi ne, %convert_element_type3A_364, %cond3A_365 : i32
      scf.if %cond3A_366 {
        %dma_start3A = arith.constant 1 : i32
        %dma_start3A_691 = arith.constant 0 : i32
        %dma_start3A_692 = tpu.memref_slice %arg11[%dma_start3A, %dma_start3A_691] : memref<6x128xi32, #tpu.memory_space<vmem>> -> memref<1x128xi32, #tpu.memory_space<vmem>>
        %dma_start3A_693 = tpu.memref_squeeze %dma_start3A_692 : memref<1x128xi32, #tpu.memory_space<vmem>> -> memref<128xi32, #tpu.memory_space<vmem>>
        %dma_start3A_694 = arith.constant 0 : i32
        %dma_start3A_695 = arith.constant 0 : i32
        %dma_start3A_696 = tpu.memref_slice %arg4[%dma_start3A_694, %dma_start3A_695] : memref<100000x128xf32, #tpu.memory_space<hbm>> -> memref<100000x128xf32, #tpu.memory_space<hbm>>
        tpu.enqueue_indirect_dma source(%dma_start3A_696 : memref<100000x128xf32, #tpu.memory_space<hbm>>) target(%arg16 : memref<128x128xf32, #tpu.memory_space<vmem>>) offsets(%dma_start3A_693 : memref<128xi32, #tpu.memory_space<vmem>>) semaphore(%arg31 : memref<!tpu.dma_semaphore, #tpu.memory_space<semaphore_mem>>) {add = true}
        %dma_start3A_697 = arith.constant 2 : i32
        %dma_start3A_698 = arith.constant 0 : i32
        %dma_start3A_699 = tpu.memref_slice %arg11[%dma_start3A_697, %dma_start3A_698] : memref<6x128xi32, #tpu.memory_space<vmem>> -> memref<1x128xi32, #tpu.memory_space<vmem>>
        %dma_start3A_700 = tpu.memref_squeeze %dma_start3A_699 : memref<1x128xi32, #tpu.memory_space<vmem>> -> memref<128xi32, #tpu.memory_space<vmem>>
        %dma_start3A_701 = arith.constant 0 : i32
        %dma_start3A_702 = arith.constant 0 : i32
        %dma_start3A_703 = tpu.memref_slice %arg5[%dma_start3A_701, %dma_start3A_702] : memref<100000x128xf32, #tpu.memory_space<hbm>> -> memref<100000x128xf32, #tpu.memory_space<hbm>>
        tpu.enqueue_indirect_dma source(%dma_start3A_703 : memref<100000x128xf32, #tpu.memory_space<hbm>>) target(%arg16 : memref<128x128xf32, #tpu.memory_space<vmem>>) offsets(%dma_start3A_700 : memref<128xi32, #tpu.memory_space<vmem>>) semaphore(%arg31 : memref<!tpu.dma_semaphore, #tpu.memory_space<semaphore_mem>>) {add = true}
        %dma_start3A_704 = arith.constant 3 : i32
        %dma_start3A_705 = arith.constant 0 : i32
        %dma_start3A_706 = tpu.memref_slice %arg11[%dma_start3A_704, %dma_start3A_705] : memref<6x128xi32, #tpu.memory_space<vmem>> -> memref<1x128xi32, #tpu.memory_space<vmem>>
        %dma_start3A_707 = tpu.memref_squeeze %dma_start3A_706 : memref<1x128xi32, #tpu.memory_space<vmem>> -> memref<128xi32, #tpu.memory_space<vmem>>
        %dma_start3A_708 = arith.constant 0 : i32
        %dma_start3A_709 = arith.constant 0 : i32
        %dma_start3A_710 = tpu.memref_slice %arg6[%dma_start3A_708, %dma_start3A_709] : memref<100000x128xf32, #tpu.memory_space<hbm>> -> memref<100000x128xf32, #tpu.memory_space<hbm>>
        tpu.enqueue_indirect_dma source(%dma_start3A_710 : memref<100000x128xf32, #tpu.memory_space<hbm>>) target(%arg16 : memref<128x128xf32, #tpu.memory_space<vmem>>) offsets(%dma_start3A_707 : memref<128xi32, #tpu.memory_space<vmem>>) semaphore(%arg31 : memref<!tpu.dma_semaphore, #tpu.memory_space<semaphore_mem>>) {add = true}
        %dma_start3A_711 = arith.constant 4 : i32
        %dma_start3A_712 = arith.constant 0 : i32
        %dma_start3A_713 = tpu.memref_slice %arg11[%dma_start3A_711, %dma_start3A_712] : memref<6x128xi32, #tpu.memory_space<vmem>> -> memref<1x128xi32, #tpu.memory_space<vmem>>
        %dma_start3A_714 = tpu.memref_squeeze %dma_start3A_713 : memref<1x128xi32, #tpu.memory_space<vmem>> -> memref<128xi32, #tpu.memory_space<vmem>>
        %dma_start3A_715 = arith.constant 0 : i32
        %dma_start3A_716 = arith.constant 0 : i32
        %dma_start3A_717 = tpu.memref_slice %arg7[%dma_start3A_715, %dma_start3A_716] : memref<100000x128xf32, #tpu.memory_space<hbm>> -> memref<100000x128xf32, #tpu.memory_space<hbm>>
        tpu.enqueue_indirect_dma source(%dma_start3A_717 : memref<100000x128xf32, #tpu.memory_space<hbm>>) target(%arg16 : memref<128x128xf32, #tpu.memory_space<vmem>>) offsets(%dma_start3A_714 : memref<128xi32, #tpu.memory_space<vmem>>) semaphore(%arg31 : memref<!tpu.dma_semaphore, #tpu.memory_space<semaphore_mem>>) {add = true}
        %dma_start3A_718 = arith.constant 5 : i32
        %dma_start3A_719 = arith.constant 0 : i32
        %dma_start3A_720 = tpu.memref_slice %arg11[%dma_start3A_718, %dma_start3A_719] : memref<6x128xi32, #tpu.memory_space<vmem>> -> memref<1x128xi32, #tpu.memory_space<vmem>>
        %dma_start3A_721 = tpu.memref_squeeze %dma_start3A_720 : memref<1x128xi32, #tpu.memory_space<vmem>> -> memref<128xi32, #tpu.memory_space<vmem>>
        %dma_start3A_722 = arith.constant 0 : i32
        %dma_start3A_723 = arith.constant 0 : i32
        %dma_start3A_724 = tpu.memref_slice %arg8[%dma_start3A_722, %dma_start3A_723] : memref<100000x128xf32, #tpu.memory_space<hbm>> -> memref<100000x128xf32, #tpu.memory_space<hbm>>
        tpu.enqueue_indirect_dma source(%dma_start3A_724 : memref<100000x128xf32, #tpu.memory_space<hbm>>) target(%arg16 : memref<128x128xf32, #tpu.memory_space<vmem>>) offsets(%dma_start3A_721 : memref<128xi32, #tpu.memory_space<vmem>>) semaphore(%arg31 : memref<!tpu.dma_semaphore, #tpu.memory_space<semaphore_mem>>) {add = true}
      } else {
      }
      %sub3A_367 = arith.constant 3 : i32
      %sub3A_368 = arith.subi %add3A_289, %sub3A_367 : i32
      %ge3A_369 = arith.constant 0 : i32
      %ge3A_370 = arith.cmpi sge, %sub3A_368, %ge3A_369 : i32
      %mul3A_371 = arith.constant 32 : i32
      %mul3A_372 = arith.muli %sub3A_368, %mul3A_371 : i32
      %add3A_373 = arith.addi %add3A, %mul3A_372 : i32
      %lt3A_374 = arith.constant 782 : i32
      %lt3A_375 = arith.cmpi slt, %add3A_373, %lt3A_374 : i32
      %and3A_376 = arith.andi %ge3A_370, %lt3A_375 : i1
      %convert_element_type3A_377 = arith.extui %and3A_376 : i1 to i32
      %cond3A_378 = arith.constant 0 : i32
      %cond3A_379 = arith.cmpi ne, %convert_element_type3A_377, %cond3A_378 : i32
      scf.if %cond3A_379 {
        %dma_wait3A = arith.constant 1 : i32
        %dma_wait3A_691 = arith.constant 0 : i32
        %dma_wait3A_692 = tpu.memref_slice %arg14[%dma_wait3A, %dma_wait3A_691] : memref<6x128xi32, #tpu.memory_space<vmem>> -> memref<1x128xi32, #tpu.memory_space<vmem>>
        %dma_wait3A_693 = tpu.memref_squeeze %dma_wait3A_692 : memref<1x128xi32, #tpu.memory_space<vmem>> -> memref<128xi32, #tpu.memory_space<vmem>>
        %dma_wait3A_694 = arith.constant 0 : i32
        %dma_wait3A_695 = arith.constant 0 : i32
        %dma_wait3A_696 = tpu.memref_slice %arg4[%dma_wait3A_694, %dma_wait3A_695] : memref<100000x128xf32, #tpu.memory_space<hbm>> -> memref<100000x128xf32, #tpu.memory_space<hbm>>
        tpu.wait_indirect_dma semaphore(%arg34 : memref<!tpu.dma_semaphore, #tpu.memory_space<semaphore_mem>>) src(%dma_wait3A_696 : memref<100000x128xf32, #tpu.memory_space<hbm>>) dst(%arg19 : memref<128x128xf32, #tpu.memory_space<vmem>>)
        %dma_wait3A_697 = arith.constant 2 : i32
        %dma_wait3A_698 = arith.constant 0 : i32
        %dma_wait3A_699 = tpu.memref_slice %arg14[%dma_wait3A_697, %dma_wait3A_698] : memref<6x128xi32, #tpu.memory_space<vmem>> -> memref<1x128xi32, #tpu.memory_space<vmem>>
        %dma_wait3A_700 = tpu.memref_squeeze %dma_wait3A_699 : memref<1x128xi32, #tpu.memory_space<vmem>> -> memref<128xi32, #tpu.memory_space<vmem>>
        %dma_wait3A_701 = arith.constant 0 : i32
        %dma_wait3A_702 = arith.constant 0 : i32
        %dma_wait3A_703 = tpu.memref_slice %arg5[%dma_wait3A_701, %dma_wait3A_702] : memref<100000x128xf32, #tpu.memory_space<hbm>> -> memref<100000x128xf32, #tpu.memory_space<hbm>>
        tpu.wait_indirect_dma semaphore(%arg34 : memref<!tpu.dma_semaphore, #tpu.memory_space<semaphore_mem>>) src(%dma_wait3A_703 : memref<100000x128xf32, #tpu.memory_space<hbm>>) dst(%arg19 : memref<128x128xf32, #tpu.memory_space<vmem>>)
        %dma_wait3A_704 = arith.constant 3 : i32
        %dma_wait3A_705 = arith.constant 0 : i32
        %dma_wait3A_706 = tpu.memref_slice %arg14[%dma_wait3A_704, %dma_wait3A_705] : memref<6x128xi32, #tpu.memory_space<vmem>> -> memref<1x128xi32, #tpu.memory_space<vmem>>
        %dma_wait3A_707 = tpu.memref_squeeze %dma_wait3A_706 : memref<1x128xi32, #tpu.memory_space<vmem>> -> memref<128xi32, #tpu.memory_space<vmem>>
        %dma_wait3A_708 = arith.constant 0 : i32
        %dma_wait3A_709 = arith.constant 0 : i32
        %dma_wait3A_710 = tpu.memref_slice %arg6[%dma_wait3A_708, %dma_wait3A_709] : memref<100000x128xf32, #tpu.memory_space<hbm>> -> memref<100000x128xf32, #tpu.memory_space<hbm>>
        tpu.wait_indirect_dma semaphore(%arg34 : memref<!tpu.dma_semaphore, #tpu.memory_space<semaphore_mem>>) src(%dma_wait3A_710 : memref<100000x128xf32, #tpu.memory_space<hbm>>) dst(%arg19 : memref<128x128xf32, #tpu.memory_space<vmem>>)
        %dma_wait3A_711 = arith.constant 4 : i32
        %dma_wait3A_712 = arith.constant 0 : i32
        %dma_wait3A_713 = tpu.memref_slice %arg14[%dma_wait3A_711, %dma_wait3A_712] : memref<6x128xi32, #tpu.memory_space<vmem>> -> memref<1x128xi32, #tpu.memory_space<vmem>>
        %dma_wait3A_714 = tpu.memref_squeeze %dma_wait3A_713 : memref<1x128xi32, #tpu.memory_space<vmem>> -> memref<128xi32, #tpu.memory_space<vmem>>
        %dma_wait3A_715 = arith.constant 0 : i32
        %dma_wait3A_716 = arith.constant 0 : i32
        %dma_wait3A_717 = tpu.memref_slice %arg7[%dma_wait3A_715, %dma_wait3A_716] : memref<100000x128xf32, #tpu.memory_space<hbm>> -> memref<100000x128xf32, #tpu.memory_space<hbm>>
        tpu.wait_indirect_dma semaphore(%arg34 : memref<!tpu.dma_semaphore, #tpu.memory_space<semaphore_mem>>) src(%dma_wait3A_717 : memref<100000x128xf32, #tpu.memory_space<hbm>>) dst(%arg19 : memref<128x128xf32, #tpu.memory_space<vmem>>)
        %dma_wait3A_718 = arith.constant 5 : i32
        %dma_wait3A_719 = arith.constant 0 : i32
        %dma_wait3A_720 = tpu.memref_slice %arg14[%dma_wait3A_718, %dma_wait3A_719] : memref<6x128xi32, #tpu.memory_space<vmem>> -> memref<1x128xi32, #tpu.memory_space<vmem>>
        %dma_wait3A_721 = tpu.memref_squeeze %dma_wait3A_720 : memref<1x128xi32, #tpu.memory_space<vmem>> -> memref<128xi32, #tpu.memory_space<vmem>>
        %dma_wait3A_722 = arith.constant 0 : i32
        %dma_wait3A_723 = arith.constant 0 : i32
        %dma_wait3A_724 = tpu.memref_slice %arg8[%dma_wait3A_722, %dma_wait3A_723] : memref<100000x128xf32, #tpu.memory_space<hbm>> -> memref<100000x128xf32, #tpu.memory_space<hbm>>
        tpu.wait_indirect_dma semaphore(%arg34 : memref<!tpu.dma_semaphore, #tpu.memory_space<semaphore_mem>>) src(%dma_wait3A_724 : memref<100000x128xf32, #tpu.memory_space<hbm>>) dst(%arg19 : memref<128x128xf32, #tpu.memory_space<vmem>>)
      } else {
      }
      %sub3A_380 = arith.constant 3 : i32
      %sub3A_381 = arith.subi %add3A_289, %sub3A_380 : i32
      %mul3A_382 = arith.constant 32 : i32
      %mul3A_383 = arith.muli %sub3A_381, %mul3A_382 : i32
      %add3A_384 = arith.addi %add3A, %mul3A_383 : i32
      %ge3A_385 = arith.constant 0 : i32
      %ge3A_386 = arith.cmpi sge, %sub3A_381, %ge3A_385 : i32
      %lt3A_387 = arith.constant 781 : i32
      %lt3A_388 = arith.cmpi slt, %add3A_384, %lt3A_387 : i32
      %and3A_389 = arith.andi %ge3A_386, %lt3A_388 : i1
      %convert_element_type3A_390 = arith.extui %and3A_389 : i1 to i32
      %cond3A_391 = arith.constant 0 : i32
      %cond3A_392 = arith.cmpi ne, %convert_element_type3A_390, %cond3A_391 : i32
      scf.if %cond3A_392 {
        %mul3A_691 = arith.constant 128 : i32
        %mul3A_692 = arith.muli %add3A_384, %mul3A_691 : i32
        %dma_start3A = arith.constant 0 : i32
        %dma_start3A_693 = tpu.memref_slice %arg9[%mul3A_692, %dma_start3A] : memref<100000x128xf32, #tpu.memory_space<hbm>> -> memref<128x128xf32, #tpu.memory_space<hbm>>
        %dma_start3A_694 = arith.constant 0 : i32
        %dma_start3A_695 = tpu.memref_slice %arg9[%mul3A_692, %dma_start3A_694] : memref<100000x128xf32, #tpu.memory_space<hbm>> -> memref<128x128xf32, #tpu.memory_space<hbm>>
        tpu.enqueue_dma source(%arg19 : memref<128x128xf32, #tpu.memory_space<vmem>>) target(%dma_start3A_695 : memref<128x128xf32, #tpu.memory_space<hbm>>) target_semaphore(%arg39 : memref<!tpu.dma_semaphore, #tpu.memory_space<semaphore_mem>>)
      } else {
      }
      %ge3A_393 = arith.constant 0 : i32
      %ge3A_394 = arith.cmpi sge, %sub3A_381, %ge3A_393 : i32
      %eq3A_395 = arith.constant 781 : i32
      %eq3A_396 = arith.cmpi eq, %add3A_384, %eq3A_395 : i32
      %and3A_397 = arith.andi %ge3A_394, %eq3A_396 : i1
      %convert_element_type3A_398 = arith.extui %and3A_397 : i1 to i32
      %cond3A_399 = arith.constant 0 : i32
      %cond3A_400 = arith.cmpi ne, %convert_element_type3A_398, %cond3A_399 : i32
      scf.if %cond3A_400 {
        %dma_start3A = arith.constant 0 : i32
        %dma_start3A_691 = arith.constant 0 : i32
        %dma_start3A_692 = tpu.memref_slice %arg19[%dma_start3A, %dma_start3A_691] : memref<128x128xf32, #tpu.memory_space<vmem>> -> memref<32x128xf32, #tpu.memory_space<vmem>>
        %dma_start3A_693 = arith.constant 99968 : i32
        %dma_start3A_694 = arith.constant 0 : i32
        %dma_start3A_695 = tpu.memref_slice %arg9[%dma_start3A_693, %dma_start3A_694] : memref<100000x128xf32, #tpu.memory_space<hbm>> -> memref<32x128xf32, #tpu.memory_space<hbm>>
        %dma_start3A_696 = arith.constant 99968 : i32
        %dma_start3A_697 = arith.constant 0 : i32
        %dma_start3A_698 = tpu.memref_slice %arg9[%dma_start3A_696, %dma_start3A_697] : memref<100000x128xf32, #tpu.memory_space<hbm>> -> memref<32x128xf32, #tpu.memory_space<hbm>>
        %dma_start3A_699 = arith.constant 0 : i32
        %dma_start3A_700 = arith.constant 0 : i32
        %dma_start3A_701 = tpu.memref_slice %arg19[%dma_start3A_699, %dma_start3A_700] : memref<128x128xf32, #tpu.memory_space<vmem>> -> memref<32x128xf32, #tpu.memory_space<vmem>>
        tpu.enqueue_dma source(%dma_start3A_701 : memref<32x128xf32, #tpu.memory_space<vmem>>) target(%dma_start3A_698 : memref<32x128xf32, #tpu.memory_space<hbm>>) target_semaphore(%arg39 : memref<!tpu.dma_semaphore, #tpu.memory_space<semaphore_mem>>)
      } else {
      }
      %add3A_401 = arith.constant 1 : i32
      %add3A_402 = arith.addi %add3A_289, %add3A_401 : i32
      %mul3A_403 = arith.constant 32 : i32
      %mul3A_404 = arith.muli %add3A_402, %mul3A_403 : i32
      %add3A_405 = arith.addi %add3A, %mul3A_404 : i32
      %ge3A_406 = arith.constant 0 : i32
      %ge3A_407 = arith.cmpi sge, %add3A_402, %ge3A_406 : i32
      %lt3A_408 = arith.constant 781 : i32
      %lt3A_409 = arith.cmpi slt, %add3A_405, %lt3A_408 : i32
      %and3A_410 = arith.andi %ge3A_407, %lt3A_409 : i1
      %convert_element_type3A_411 = arith.extui %and3A_410 : i1 to i32
      %cond3A_412 = arith.constant 0 : i32
      %cond3A_413 = arith.cmpi ne, %convert_element_type3A_411, %cond3A_412 : i32
      scf.if %cond3A_413 {
        %mul3A_691 = arith.constant 128 : i32
        %mul3A_692 = arith.muli %add3A_405, %mul3A_691 : i32
        %dma_start3A = arith.constant 0 : i32
        %dma_start3A_693 = tpu.memref_slice %arg2[%dma_start3A, %mul3A_692] : memref<6x100000xi32, #tpu.memory_space<hbm>> -> memref<6x128xi32, #tpu.memory_space<hbm>>
        %dma_start3A_694 = arith.constant 0 : i32
        %dma_start3A_695 = tpu.memref_slice %arg2[%dma_start3A_694, %mul3A_692] : memref<6x100000xi32, #tpu.memory_space<hbm>> -> memref<6x128xi32, #tpu.memory_space<hbm>>
        tpu.enqueue_dma source(%dma_start3A_695 : memref<6x128xi32, #tpu.memory_space<hbm>>) target(%arg13 : memref<6x128xi32, #tpu.memory_space<vmem>>) target_semaphore(%arg23 : memref<!tpu.dma_semaphore, #tpu.memory_space<semaphore_mem>>)
      } else {
      }
      %ge3A_414 = arith.constant 0 : i32
      %ge3A_415 = arith.cmpi sge, %add3A_402, %ge3A_414 : i32
      %eq3A_416 = arith.constant 781 : i32
      %eq3A_417 = arith.cmpi eq, %add3A_405, %eq3A_416 : i32
      %and3A_418 = arith.andi %ge3A_415, %eq3A_417 : i1
      %convert_element_type3A_419 = arith.extui %and3A_418 : i1 to i32
      %cond3A_420 = arith.constant 0 : i32
      %cond3A_421 = arith.cmpi ne, %convert_element_type3A_419, %cond3A_420 : i32
      scf.if %cond3A_421 {
        %dma_start3A = arith.constant 0 : i32
        %dma_start3A_691 = arith.constant 0 : i32
        %dma_start3A_692 = arith.constant 0 : i32
        %dma_start3A_693 = tpu.memref_slice %arg13[%dma_start3A_691, %dma_start3A_692] : memref<6x128xi32, #tpu.memory_space<vmem>> -> memref<1x32xi32, #tpu.memory_space<vmem>>
        %dma_start3A_694 = tpu.memref_squeeze %dma_start3A_693 : memref<1x32xi32, #tpu.memory_space<vmem>> -> memref<32xi32, #tpu.memory_space<vmem>>
        %dma_start3A_695 = arith.constant 99968 : i32
        %dma_start3A_696 = tpu.memref_slice %arg2[%dma_start3A, %dma_start3A_695] : memref<6x100000xi32, #tpu.memory_space<hbm>> -> memref<1x32xi32, #tpu.memory_space<hbm>>
        %dma_start3A_697 = tpu.memref_squeeze %dma_start3A_696 : memref<1x32xi32, #tpu.memory_space<hbm>> -> memref<32xi32, #tpu.memory_space<hbm>>
        %dma_start3A_698 = arith.constant 0 : i32
        %dma_start3A_699 = tpu.memref_slice %arg13[%dma_start3A_691, %dma_start3A_698] : memref<6x128xi32, #tpu.memory_space<vmem>> -> memref<1x32xi32, #tpu.memory_space<vmem>>
        %dma_start3A_700 = tpu.memref_squeeze %dma_start3A_699 : memref<1x32xi32, #tpu.memory_space<vmem>> -> memref<32xi32, #tpu.memory_space<vmem>>
        %dma_start3A_701 = arith.constant 99968 : i32
        %dma_start3A_702 = tpu.memref_slice %arg2[%dma_start3A, %dma_start3A_701] : memref<6x100000xi32, #tpu.memory_space<hbm>> -> memref<1x32xi32, #tpu.memory_space<hbm>>
        %dma_start3A_703 = tpu.memref_squeeze %dma_start3A_702 : memref<1x32xi32, #tpu.memory_space<hbm>> -> memref<32xi32, #tpu.memory_space<hbm>>
        tpu.enqueue_dma source(%dma_start3A_703 : memref<32xi32, #tpu.memory_space<hbm>>) target(%dma_start3A_700 : memref<32xi32, #tpu.memory_space<vmem>>) target_semaphore(%arg23 : memref<!tpu.dma_semaphore, #tpu.memory_space<semaphore_mem>>)
        %dma_start3A_704 = arith.constant 0 : i32
        %dma_start3A_705 = arith.constant 0 : i32
        %dma_start3A_706 = arith.constant 32 : i32
        %dma_start3A_707 = tpu.memref_slice %arg13[%dma_start3A_705, %dma_start3A_706] : memref<6x128xi32, #tpu.memory_space<vmem>> -> memref<1x96xi32, #tpu.memory_space<vmem>>
        %dma_start3A_708 = tpu.memref_squeeze %dma_start3A_707 : memref<1x96xi32, #tpu.memory_space<vmem>> -> memref<96xi32, #tpu.memory_space<vmem>>
        %dma_start3A_709 = arith.constant 0 : i32
        %dma_start3A_710 = tpu.memref_slice %arg2[%dma_start3A_704, %dma_start3A_709] : memref<6x100000xi32, #tpu.memory_space<hbm>> -> memref<1x96xi32, #tpu.memory_space<hbm>>
        %dma_start3A_711 = tpu.memref_squeeze %dma_start3A_710 : memref<1x96xi32, #tpu.memory_space<hbm>> -> memref<96xi32, #tpu.memory_space<hbm>>
        %dma_start3A_712 = arith.constant 32 : i32
        %dma_start3A_713 = tpu.memref_slice %arg13[%dma_start3A_705, %dma_start3A_712] : memref<6x128xi32, #tpu.memory_space<vmem>> -> memref<1x96xi32, #tpu.memory_space<vmem>>
        %dma_start3A_714 = tpu.memref_squeeze %dma_start3A_713 : memref<1x96xi32, #tpu.memory_space<vmem>> -> memref<96xi32, #tpu.memory_space<vmem>>
        %dma_start3A_715 = arith.constant 0 : i32
        %dma_start3A_716 = tpu.memref_slice %arg2[%dma_start3A_704, %dma_start3A_715] : memref<6x100000xi32, #tpu.memory_space<hbm>> -> memref<1x96xi32, #tpu.memory_space<hbm>>
        %dma_start3A_717 = tpu.memref_squeeze %dma_start3A_716 : memref<1x96xi32, #tpu.memory_space<hbm>> -> memref<96xi32, #tpu.memory_space<hbm>>
        tpu.enqueue_dma source(%dma_start3A_717 : memref<96xi32, #tpu.memory_space<hbm>>) target(%dma_start3A_714 : memref<96xi32, #tpu.memory_space<vmem>>) target_semaphore(%arg23 : memref<!tpu.dma_semaphore, #tpu.memory_space<semaphore_mem>>)
        %dma_start3A_718 = arith.constant 1 : i32
        %dma_start3A_719 = arith.constant 1 : i32
        %dma_start3A_720 = arith.constant 0 : i32
        %dma_start3A_721 = tpu.memref_slice %arg13[%dma_start3A_719, %dma_start3A_720] : memref<6x128xi32, #tpu.memory_space<vmem>> -> memref<1x32xi32, #tpu.memory_space<vmem>>
        %dma_start3A_722 = tpu.memref_squeeze %dma_start3A_721 : memref<1x32xi32, #tpu.memory_space<vmem>> -> memref<32xi32, #tpu.memory_space<vmem>>
        %dma_start3A_723 = arith.constant 99968 : i32
        %dma_start3A_724 = tpu.memref_slice %arg2[%dma_start3A_718, %dma_start3A_723] : memref<6x100000xi32, #tpu.memory_space<hbm>> -> memref<1x32xi32, #tpu.memory_space<hbm>>
        %dma_start3A_725 = tpu.memref_squeeze %dma_start3A_724 : memref<1x32xi32, #tpu.memory_space<hbm>> -> memref<32xi32, #tpu.memory_space<hbm>>
        %dma_start3A_726 = arith.constant 0 : i32
        %dma_start3A_727 = tpu.memref_slice %arg13[%dma_start3A_719, %dma_start3A_726] : memref<6x128xi32, #tpu.memory_space<vmem>> -> memref<1x32xi32, #tpu.memory_space<vmem>>
        %dma_start3A_728 = tpu.memref_squeeze %dma_start3A_727 : memref<1x32xi32, #tpu.memory_space<vmem>> -> memref<32xi32, #tpu.memory_space<vmem>>
        %dma_start3A_729 = arith.constant 99968 : i32
        %dma_start3A_730 = tpu.memref_slice %arg2[%dma_start3A_718, %dma_start3A_729] : memref<6x100000xi32, #tpu.memory_space<hbm>> -> memref<1x32xi32, #tpu.memory_space<hbm>>
        %dma_start3A_731 = tpu.memref_squeeze %dma_start3A_730 : memref<1x32xi32, #tpu.memory_space<hbm>> -> memref<32xi32, #tpu.memory_space<hbm>>
        tpu.enqueue_dma source(%dma_start3A_731 : memref<32xi32, #tpu.memory_space<hbm>>) target(%dma_start3A_728 : memref<32xi32, #tpu.memory_space<vmem>>) target_semaphore(%arg23 : memref<!tpu.dma_semaphore, #tpu.memory_space<semaphore_mem>>)
        %dma_start3A_732 = arith.constant 1 : i32
        %dma_start3A_733 = arith.constant 1 : i32
        %dma_start3A_734 = arith.constant 32 : i32
        %dma_start3A_735 = tpu.memref_slice %arg13[%dma_start3A_733, %dma_start3A_734] : memref<6x128xi32, #tpu.memory_space<vmem>> -> memref<1x96xi32, #tpu.memory_space<vmem>>
        %dma_start3A_736 = tpu.memref_squeeze %dma_start3A_735 : memref<1x96xi32, #tpu.memory_space<vmem>> -> memref<96xi32, #tpu.memory_space<vmem>>
        %dma_start3A_737 = arith.constant 0 : i32
        %dma_start3A_738 = tpu.memref_slice %arg2[%dma_start3A_732, %dma_start3A_737] : memref<6x100000xi32, #tpu.memory_space<hbm>> -> memref<1x96xi32, #tpu.memory_space<hbm>>
        %dma_start3A_739 = tpu.memref_squeeze %dma_start3A_738 : memref<1x96xi32, #tpu.memory_space<hbm>> -> memref<96xi32, #tpu.memory_space<hbm>>
        %dma_start3A_740 = arith.constant 32 : i32
        %dma_start3A_741 = tpu.memref_slice %arg13[%dma_start3A_733, %dma_start3A_740] : memref<6x128xi32, #tpu.memory_space<vmem>> -> memref<1x96xi32, #tpu.memory_space<vmem>>
        %dma_start3A_742 = tpu.memref_squeeze %dma_start3A_741 : memref<1x96xi32, #tpu.memory_space<vmem>> -> memref<96xi32, #tpu.memory_space<vmem>>
        %dma_start3A_743 = arith.constant 0 : i32
        %dma_start3A_744 = tpu.memref_slice %arg2[%dma_start3A_732, %dma_start3A_743] : memref<6x100000xi32, #tpu.memory_space<hbm>> -> memref<1x96xi32, #tpu.memory_space<hbm>>
        %dma_start3A_745 = tpu.memref_squeeze %dma_start3A_744 : memref<1x96xi32, #tpu.memory_space<hbm>> -> memref<96xi32, #tpu.memory_space<hbm>>
        tpu.enqueue_dma source(%dma_start3A_745 : memref<96xi32, #tpu.memory_space<hbm>>) target(%dma_start3A_742 : memref<96xi32, #tpu.memory_space<vmem>>) target_semaphore(%arg23 : memref<!tpu.dma_semaphore, #tpu.memory_space<semaphore_mem>>)
        %dma_start3A_746 = arith.constant 2 : i32
        %dma_start3A_747 = arith.constant 2 : i32
        %dma_start3A_748 = arith.constant 0 : i32
        %dma_start3A_749 = tpu.memref_slice %arg13[%dma_start3A_747, %dma_start3A_748] : memref<6x128xi32, #tpu.memory_space<vmem>> -> memref<1x32xi32, #tpu.memory_space<vmem>>
        %dma_start3A_750 = tpu.memref_squeeze %dma_start3A_749 : memref<1x32xi32, #tpu.memory_space<vmem>> -> memref<32xi32, #tpu.memory_space<vmem>>
        %dma_start3A_751 = arith.constant 99968 : i32
        %dma_start3A_752 = tpu.memref_slice %arg2[%dma_start3A_746, %dma_start3A_751] : memref<6x100000xi32, #tpu.memory_space<hbm>> -> memref<1x32xi32, #tpu.memory_space<hbm>>
        %dma_start3A_753 = tpu.memref_squeeze %dma_start3A_752 : memref<1x32xi32, #tpu.memory_space<hbm>> -> memref<32xi32, #tpu.memory_space<hbm>>
        %dma_start3A_754 = arith.constant 0 : i32
        %dma_start3A_755 = tpu.memref_slice %arg13[%dma_start3A_747, %dma_start3A_754] : memref<6x128xi32, #tpu.memory_space<vmem>> -> memref<1x32xi32, #tpu.memory_space<vmem>>
        %dma_start3A_756 = tpu.memref_squeeze %dma_start3A_755 : memref<1x32xi32, #tpu.memory_space<vmem>> -> memref<32xi32, #tpu.memory_space<vmem>>
        %dma_start3A_757 = arith.constant 99968 : i32
        %dma_start3A_758 = tpu.memref_slice %arg2[%dma_start3A_746, %dma_start3A_757] : memref<6x100000xi32, #tpu.memory_space<hbm>> -> memref<1x32xi32, #tpu.memory_space<hbm>>
        %dma_start3A_759 = tpu.memref_squeeze %dma_start3A_758 : memref<1x32xi32, #tpu.memory_space<hbm>> -> memref<32xi32, #tpu.memory_space<hbm>>
        tpu.enqueue_dma source(%dma_start3A_759 : memref<32xi32, #tpu.memory_space<hbm>>) target(%dma_start3A_756 : memref<32xi32, #tpu.memory_space<vmem>>) target_semaphore(%arg23 : memref<!tpu.dma_semaphore, #tpu.memory_space<semaphore_mem>>)
        %dma_start3A_760 = arith.constant 2 : i32
        %dma_start3A_761 = arith.constant 2 : i32
        %dma_start3A_762 = arith.constant 32 : i32
        %dma_start3A_763 = tpu.memref_slice %arg13[%dma_start3A_761, %dma_start3A_762] : memref<6x128xi32, #tpu.memory_space<vmem>> -> memref<1x96xi32, #tpu.memory_space<vmem>>
        %dma_start3A_764 = tpu.memref_squeeze %dma_start3A_763 : memref<1x96xi32, #tpu.memory_space<vmem>> -> memref<96xi32, #tpu.memory_space<vmem>>
        %dma_start3A_765 = arith.constant 0 : i32
        %dma_start3A_766 = tpu.memref_slice %arg2[%dma_start3A_760, %dma_start3A_765] : memref<6x100000xi32, #tpu.memory_space<hbm>> -> memref<1x96xi32, #tpu.memory_space<hbm>>
        %dma_start3A_767 = tpu.memref_squeeze %dma_start3A_766 : memref<1x96xi32, #tpu.memory_space<hbm>> -> memref<96xi32, #tpu.memory_space<hbm>>
        %dma_start3A_768 = arith.constant 32 : i32
        %dma_start3A_769 = tpu.memref_slice %arg13[%dma_start3A_761, %dma_start3A_768] : memref<6x128xi32, #tpu.memory_space<vmem>> -> memref<1x96xi32, #tpu.memory_space<vmem>>
        %dma_start3A_770 = tpu.memref_squeeze %dma_start3A_769 : memref<1x96xi32, #tpu.memory_space<vmem>> -> memref<96xi32, #tpu.memory_space<vmem>>
        %dma_start3A_771 = arith.constant 0 : i32
        %dma_start3A_772 = tpu.memref_slice %arg2[%dma_start3A_760, %dma_start3A_771] : memref<6x100000xi32, #tpu.memory_space<hbm>> -> memref<1x96xi32, #tpu.memory_space<hbm>>
        %dma_start3A_773 = tpu.memref_squeeze %dma_start3A_772 : memref<1x96xi32, #tpu.memory_space<hbm>> -> memref<96xi32, #tpu.memory_space<hbm>>
        tpu.enqueue_dma source(%dma_start3A_773 : memref<96xi32, #tpu.memory_space<hbm>>) target(%dma_start3A_770 : memref<96xi32, #tpu.memory_space<vmem>>) target_semaphore(%arg23 : memref<!tpu.dma_semaphore, #tpu.memory_space<semaphore_mem>>)
        %dma_start3A_774 = arith.constant 3 : i32
        %dma_start3A_775 = arith.constant 3 : i32
        %dma_start3A_776 = arith.constant 0 : i32
        %dma_start3A_777 = tpu.memref_slice %arg13[%dma_start3A_775, %dma_start3A_776] : memref<6x128xi32, #tpu.memory_space<vmem>> -> memref<1x32xi32, #tpu.memory_space<vmem>>
        %dma_start3A_778 = tpu.memref_squeeze %dma_start3A_777 : memref<1x32xi32, #tpu.memory_space<vmem>> -> memref<32xi32, #tpu.memory_space<vmem>>
        %dma_start3A_779 = arith.constant 99968 : i32
        %dma_start3A_780 = tpu.memref_slice %arg2[%dma_start3A_774, %dma_start3A_779] : memref<6x100000xi32, #tpu.memory_space<hbm>> -> memref<1x32xi32, #tpu.memory_space<hbm>>
        %dma_start3A_781 = tpu.memref_squeeze %dma_start3A_780 : memref<1x32xi32, #tpu.memory_space<hbm>> -> memref<32xi32, #tpu.memory_space<hbm>>
        %dma_start3A_782 = arith.constant 0 : i32
        %dma_start3A_783 = tpu.memref_slice %arg13[%dma_start3A_775, %dma_start3A_782] : memref<6x128xi32, #tpu.memory_space<vmem>> -> memref<1x32xi32, #tpu.memory_space<vmem>>
        %dma_start3A_784 = tpu.memref_squeeze %dma_start3A_783 : memref<1x32xi32, #tpu.memory_space<vmem>> -> memref<32xi32, #tpu.memory_space<vmem>>
        %dma_start3A_785 = arith.constant 99968 : i32
        %dma_start3A_786 = tpu.memref_slice %arg2[%dma_start3A_774, %dma_start3A_785] : memref<6x100000xi32, #tpu.memory_space<hbm>> -> memref<1x32xi32, #tpu.memory_space<hbm>>
        %dma_start3A_787 = tpu.memref_squeeze %dma_start3A_786 : memref<1x32xi32, #tpu.memory_space<hbm>> -> memref<32xi32, #tpu.memory_space<hbm>>
        tpu.enqueue_dma source(%dma_start3A_787 : memref<32xi32, #tpu.memory_space<hbm>>) target(%dma_start3A_784 : memref<32xi32, #tpu.memory_space<vmem>>) target_semaphore(%arg23 : memref<!tpu.dma_semaphore, #tpu.memory_space<semaphore_mem>>)
        %dma_start3A_788 = arith.constant 3 : i32
        %dma_start3A_789 = arith.constant 3 : i32
        %dma_start3A_790 = arith.constant 32 : i32
        %dma_start3A_791 = tpu.memref_slice %arg13[%dma_start3A_789, %dma_start3A_790] : memref<6x128xi32, #tpu.memory_space<vmem>> -> memref<1x96xi32, #tpu.memory_space<vmem>>
        %dma_start3A_792 = tpu.memref_squeeze %dma_start3A_791 : memref<1x96xi32, #tpu.memory_space<vmem>> -> memref<96xi32, #tpu.memory_space<vmem>>
        %dma_start3A_793 = arith.constant 0 : i32
        %dma_start3A_794 = tpu.memref_slice %arg2[%dma_start3A_788, %dma_start3A_793] : memref<6x100000xi32, #tpu.memory_space<hbm>> -> memref<1x96xi32, #tpu.memory_space<hbm>>
        %dma_start3A_795 = tpu.memref_squeeze %dma_start3A_794 : memref<1x96xi32, #tpu.memory_space<hbm>> -> memref<96xi32, #tpu.memory_space<hbm>>
        %dma_start3A_796 = arith.constant 32 : i32
        %dma_start3A_797 = tpu.memref_slice %arg13[%dma_start3A_789, %dma_start3A_796] : memref<6x128xi32, #tpu.memory_space<vmem>> -> memref<1x96xi32, #tpu.memory_space<vmem>>
        %dma_start3A_798 = tpu.memref_squeeze %dma_start3A_797 : memref<1x96xi32, #tpu.memory_space<vmem>> -> memref<96xi32, #tpu.memory_space<vmem>>
        %dma_start3A_799 = arith.constant 0 : i32
        %dma_start3A_800 = tpu.memref_slice %arg2[%dma_start3A_788, %dma_start3A_799] : memref<6x100000xi32, #tpu.memory_space<hbm>> -> memref<1x96xi32, #tpu.memory_space<hbm>>
        %dma_start3A_801 = tpu.memref_squeeze %dma_start3A_800 : memref<1x96xi32, #tpu.memory_space<hbm>> -> memref<96xi32, #tpu.memory_space<hbm>>
        tpu.enqueue_dma source(%dma_start3A_801 : memref<96xi32, #tpu.memory_space<hbm>>) target(%dma_start3A_798 : memref<96xi32, #tpu.memory_space<vmem>>) target_semaphore(%arg23 : memref<!tpu.dma_semaphore, #tpu.memory_space<semaphore_mem>>)
        %dma_start3A_802 = arith.constant 4 : i32
        %dma_start3A_803 = arith.constant 4 : i32
        %dma_start3A_804 = arith.constant 0 : i32
        %dma_start3A_805 = tpu.memref_slice %arg13[%dma_start3A_803, %dma_start3A_804] : memref<6x128xi32, #tpu.memory_space<vmem>> -> memref<1x32xi32, #tpu.memory_space<vmem>>
        %dma_start3A_806 = tpu.memref_squeeze %dma_start3A_805 : memref<1x32xi32, #tpu.memory_space<vmem>> -> memref<32xi32, #tpu.memory_space<vmem>>
        %dma_start3A_807 = arith.constant 99968 : i32
        %dma_start3A_808 = tpu.memref_slice %arg2[%dma_start3A_802, %dma_start3A_807] : memref<6x100000xi32, #tpu.memory_space<hbm>> -> memref<1x32xi32, #tpu.memory_space<hbm>>
        %dma_start3A_809 = tpu.memref_squeeze %dma_start3A_808 : memref<1x32xi32, #tpu.memory_space<hbm>> -> memref<32xi32, #tpu.memory_space<hbm>>
        %dma_start3A_810 = arith.constant 0 : i32
        %dma_start3A_811 = tpu.memref_slice %arg13[%dma_start3A_803, %dma_start3A_810] : memref<6x128xi32, #tpu.memory_space<vmem>> -> memref<1x32xi32, #tpu.memory_space<vmem>>
        %dma_start3A_812 = tpu.memref_squeeze %dma_start3A_811 : memref<1x32xi32, #tpu.memory_space<vmem>> -> memref<32xi32, #tpu.memory_space<vmem>>
        %dma_start3A_813 = arith.constant 99968 : i32
        %dma_start3A_814 = tpu.memref_slice %arg2[%dma_start3A_802, %dma_start3A_813] : memref<6x100000xi32, #tpu.memory_space<hbm>> -> memref<1x32xi32, #tpu.memory_space<hbm>>
        %dma_start3A_815 = tpu.memref_squeeze %dma_start3A_814 : memref<1x32xi32, #tpu.memory_space<hbm>> -> memref<32xi32, #tpu.memory_space<hbm>>
        tpu.enqueue_dma source(%dma_start3A_815 : memref<32xi32, #tpu.memory_space<hbm>>) target(%dma_start3A_812 : memref<32xi32, #tpu.memory_space<vmem>>) target_semaphore(%arg23 : memref<!tpu.dma_semaphore, #tpu.memory_space<semaphore_mem>>)
        %dma_start3A_816 = arith.constant 4 : i32
        %dma_start3A_817 = arith.constant 4 : i32
        %dma_start3A_818 = arith.constant 32 : i32
        %dma_start3A_819 = tpu.memref_slice %arg13[%dma_start3A_817, %dma_start3A_818] : memref<6x128xi32, #tpu.memory_space<vmem>> -> memref<1x96xi32, #tpu.memory_space<vmem>>
        %dma_start3A_820 = tpu.memref_squeeze %dma_start3A_819 : memref<1x96xi32, #tpu.memory_space<vmem>> -> memref<96xi32, #tpu.memory_space<vmem>>
        %dma_start3A_821 = arith.constant 0 : i32
        %dma_start3A_822 = tpu.memref_slice %arg2[%dma_start3A_816, %dma_start3A_821] : memref<6x100000xi32, #tpu.memory_space<hbm>> -> memref<1x96xi32, #tpu.memory_space<hbm>>
        %dma_start3A_823 = tpu.memref_squeeze %dma_start3A_822 : memref<1x96xi32, #tpu.memory_space<hbm>> -> memref<96xi32, #tpu.memory_space<hbm>>
        %dma_start3A_824 = arith.constant 32 : i32
        %dma_start3A_825 = tpu.memref_slice %arg13[%dma_start3A_817, %dma_start3A_824] : memref<6x128xi32, #tpu.memory_space<vmem>> -> memref<1x96xi32, #tpu.memory_space<vmem>>
        %dma_start3A_826 = tpu.memref_squeeze %dma_start3A_825 : memref<1x96xi32, #tpu.memory_space<vmem>> -> memref<96xi32, #tpu.memory_space<vmem>>
        %dma_start3A_827 = arith.constant 0 : i32
        %dma_start3A_828 = tpu.memref_slice %arg2[%dma_start3A_816, %dma_start3A_827] : memref<6x100000xi32, #tpu.memory_space<hbm>> -> memref<1x96xi32, #tpu.memory_space<hbm>>
        %dma_start3A_829 = tpu.memref_squeeze %dma_start3A_828 : memref<1x96xi32, #tpu.memory_space<hbm>> -> memref<96xi32, #tpu.memory_space<hbm>>
        tpu.enqueue_dma source(%dma_start3A_829 : memref<96xi32, #tpu.memory_space<hbm>>) target(%dma_start3A_826 : memref<96xi32, #tpu.memory_space<vmem>>) target_semaphore(%arg23 : memref<!tpu.dma_semaphore, #tpu.memory_space<semaphore_mem>>)
        %dma_start3A_830 = arith.constant 5 : i32
        %dma_start3A_831 = arith.constant 5 : i32
        %dma_start3A_832 = arith.constant 0 : i32
        %dma_start3A_833 = tpu.memref_slice %arg13[%dma_start3A_831, %dma_start3A_832] : memref<6x128xi32, #tpu.memory_space<vmem>> -> memref<1x32xi32, #tpu.memory_space<vmem>>
        %dma_start3A_834 = tpu.memref_squeeze %dma_start3A_833 : memref<1x32xi32, #tpu.memory_space<vmem>> -> memref<32xi32, #tpu.memory_space<vmem>>
        %dma_start3A_835 = arith.constant 99968 : i32
        %dma_start3A_836 = tpu.memref_slice %arg2[%dma_start3A_830, %dma_start3A_835] : memref<6x100000xi32, #tpu.memory_space<hbm>> -> memref<1x32xi32, #tpu.memory_space<hbm>>
        %dma_start3A_837 = tpu.memref_squeeze %dma_start3A_836 : memref<1x32xi32, #tpu.memory_space<hbm>> -> memref<32xi32, #tpu.memory_space<hbm>>
        %dma_start3A_838 = arith.constant 0 : i32
        %dma_start3A_839 = tpu.memref_slice %arg13[%dma_start3A_831, %dma_start3A_838] : memref<6x128xi32, #tpu.memory_space<vmem>> -> memref<1x32xi32, #tpu.memory_space<vmem>>
        %dma_start3A_840 = tpu.memref_squeeze %dma_start3A_839 : memref<1x32xi32, #tpu.memory_space<vmem>> -> memref<32xi32, #tpu.memory_space<vmem>>
        %dma_start3A_841 = arith.constant 99968 : i32
        %dma_start3A_842 = tpu.memref_slice %arg2[%dma_start3A_830, %dma_start3A_841] : memref<6x100000xi32, #tpu.memory_space<hbm>> -> memref<1x32xi32, #tpu.memory_space<hbm>>
        %dma_start3A_843 = tpu.memref_squeeze %dma_start3A_842 : memref<1x32xi32, #tpu.memory_space<hbm>> -> memref<32xi32, #tpu.memory_space<hbm>>
        tpu.enqueue_dma source(%dma_start3A_843 : memref<32xi32, #tpu.memory_space<hbm>>) target(%dma_start3A_840 : memref<32xi32, #tpu.memory_space<vmem>>) target_semaphore(%arg23 : memref<!tpu.dma_semaphore, #tpu.memory_space<semaphore_mem>>)
        %dma_start3A_844 = arith.constant 5 : i32
        %dma_start3A_845 = arith.constant 5 : i32
        %dma_start3A_846 = arith.constant 32 : i32
        %dma_start3A_847 = tpu.memref_slice %arg13[%dma_start3A_845, %dma_start3A_846] : memref<6x128xi32, #tpu.memory_space<vmem>> -> memref<1x96xi32, #tpu.memory_space<vmem>>
        %dma_start3A_848 = tpu.memref_squeeze %dma_start3A_847 : memref<1x96xi32, #tpu.memory_space<vmem>> -> memref<96xi32, #tpu.memory_space<vmem>>
        %dma_start3A_849 = arith.constant 0 : i32
        %dma_start3A_850 = tpu.memref_slice %arg2[%dma_start3A_844, %dma_start3A_849] : memref<6x100000xi32, #tpu.memory_space<hbm>> -> memref<1x96xi32, #tpu.memory_space<hbm>>
        %dma_start3A_851 = tpu.memref_squeeze %dma_start3A_850 : memref<1x96xi32, #tpu.memory_space<hbm>> -> memref<96xi32, #tpu.memory_space<hbm>>
        %dma_start3A_852 = arith.constant 32 : i32
        %dma_start3A_853 = tpu.memref_slice %arg13[%dma_start3A_845, %dma_start3A_852] : memref<6x128xi32, #tpu.memory_space<vmem>> -> memref<1x96xi32, #tpu.memory_space<vmem>>
        %dma_start3A_854 = tpu.memref_squeeze %dma_start3A_853 : memref<1x96xi32, #tpu.memory_space<vmem>> -> memref<96xi32, #tpu.memory_space<vmem>>
        %dma_start3A_855 = arith.constant 0 : i32
        %dma_start3A_856 = tpu.memref_slice %arg2[%dma_start3A_844, %dma_start3A_855] : memref<6x100000xi32, #tpu.memory_space<hbm>> -> memref<1x96xi32, #tpu.memory_space<hbm>>
        %dma_start3A_857 = tpu.memref_squeeze %dma_start3A_856 : memref<1x96xi32, #tpu.memory_space<hbm>> -> memref<96xi32, #tpu.memory_space<hbm>>
        tpu.enqueue_dma source(%dma_start3A_857 : memref<96xi32, #tpu.memory_space<hbm>>) target(%dma_start3A_854 : memref<96xi32, #tpu.memory_space<vmem>>) target_semaphore(%arg23 : memref<!tpu.dma_semaphore, #tpu.memory_space<semaphore_mem>>)
      } else {
      }
      %add3A_422 = arith.constant 3 : i32
      %add3A_423 = arith.addi %mul3A_21, %add3A_422 : i32
      %sub3A_424 = arith.constant 5 : i32
      %sub3A_425 = arith.subi %add3A_423, %sub3A_424 : i32
      %mul3A_426 = arith.constant 32 : i32
      %mul3A_427 = arith.muli %sub3A_425, %mul3A_426 : i32
      %add3A_428 = arith.addi %add3A, %mul3A_427 : i32
      %ge3A_429 = arith.constant 0 : i32
      %ge3A_430 = arith.cmpi sge, %sub3A_425, %ge3A_429 : i32
      %lt3A_431 = arith.constant 781 : i32
      %lt3A_432 = arith.cmpi slt, %add3A_428, %lt3A_431 : i32
      %and3A_433 = arith.andi %ge3A_430, %lt3A_432 : i1
      %convert_element_type3A_434 = arith.extui %and3A_433 : i1 to i32
      %cond3A_435 = arith.constant 0 : i32
      %cond3A_436 = arith.cmpi ne, %convert_element_type3A_434, %cond3A_435 : i32
      scf.if %cond3A_436 {
        %mul3A_691 = arith.constant 128 : i32
        %mul3A_692 = arith.muli %add3A_428, %mul3A_691 : i32
        %dma_wait3A = arith.constant 0 : i32
        %dma_wait3A_693 = tpu.memref_slice %arg9[%mul3A_692, %dma_wait3A] : memref<100000x128xf32, #tpu.memory_space<hbm>> -> memref<128x128xf32, #tpu.memory_space<hbm>>
        %dma_wait3A_694 = arith.constant 0 : i32
        %dma_wait3A_695 = tpu.memref_slice %arg9[%mul3A_692, %dma_wait3A_694] : memref<100000x128xf32, #tpu.memory_space<hbm>> -> memref<128x128xf32, #tpu.memory_space<hbm>>
        tpu.wait_dma2 semaphore(%arg38 : memref<!tpu.dma_semaphore, #tpu.memory_space<semaphore_mem>>) src(%arg18 : memref<128x128xf32, #tpu.memory_space<vmem>>) dst(%dma_wait3A_695 : memref<128x128xf32, #tpu.memory_space<hbm>>)
      } else {
      }
      %ge3A_437 = arith.constant 0 : i32
      %ge3A_438 = arith.cmpi sge, %sub3A_425, %ge3A_437 : i32
      %eq3A_439 = arith.constant 781 : i32
      %eq3A_440 = arith.cmpi eq, %add3A_428, %eq3A_439 : i32
      %and3A_441 = arith.andi %ge3A_438, %eq3A_440 : i1
      %convert_element_type3A_442 = arith.extui %and3A_441 : i1 to i32
      %cond3A_443 = arith.constant 0 : i32
      %cond3A_444 = arith.cmpi ne, %convert_element_type3A_442, %cond3A_443 : i32
      scf.if %cond3A_444 {
        %dma_wait3A = arith.constant 0 : i32
        %dma_wait3A_691 = arith.constant 0 : i32
        %dma_wait3A_692 = tpu.memref_slice %arg18[%dma_wait3A, %dma_wait3A_691] : memref<128x128xf32, #tpu.memory_space<vmem>> -> memref<32x128xf32, #tpu.memory_space<vmem>>
        %dma_wait3A_693 = arith.constant 99968 : i32
        %dma_wait3A_694 = arith.constant 0 : i32
        %dma_wait3A_695 = tpu.memref_slice %arg9[%dma_wait3A_693, %dma_wait3A_694] : memref<100000x128xf32, #tpu.memory_space<hbm>> -> memref<32x128xf32, #tpu.memory_space<hbm>>
        %dma_wait3A_696 = arith.constant 99968 : i32
        %dma_wait3A_697 = arith.constant 0 : i32
        %dma_wait3A_698 = tpu.memref_slice %arg9[%dma_wait3A_696, %dma_wait3A_697] : memref<100000x128xf32, #tpu.memory_space<hbm>> -> memref<32x128xf32, #tpu.memory_space<hbm>>
        %dma_wait3A_699 = arith.constant 0 : i32
        %dma_wait3A_700 = arith.constant 0 : i32
        %dma_wait3A_701 = tpu.memref_slice %arg18[%dma_wait3A_699, %dma_wait3A_700] : memref<128x128xf32, #tpu.memory_space<vmem>> -> memref<32x128xf32, #tpu.memory_space<vmem>>
        tpu.wait_dma2 semaphore(%arg38 : memref<!tpu.dma_semaphore, #tpu.memory_space<semaphore_mem>>) src(%dma_wait3A_701 : memref<32x128xf32, #tpu.memory_space<vmem>>) dst(%dma_wait3A_698 : memref<32x128xf32, #tpu.memory_space<hbm>>)
      } else {
      }
      %mul3A_445 = arith.constant 32 : i32
      %mul3A_446 = arith.muli %add3A_423, %mul3A_445 : i32
      %add3A_447 = arith.addi %add3A, %mul3A_446 : i32
      %ge3A_448 = arith.constant 0 : i32
      %ge3A_449 = arith.cmpi sge, %add3A_423, %ge3A_448 : i32
      %lt3A_450 = arith.constant 781 : i32
      %lt3A_451 = arith.cmpi slt, %add3A_447, %lt3A_450 : i32
      %and3A_452 = arith.andi %ge3A_449, %lt3A_451 : i1
      %convert_element_type3A_453 = arith.extui %and3A_452 : i1 to i32
      %cond3A_454 = arith.constant 0 : i32
      %cond3A_455 = arith.cmpi ne, %convert_element_type3A_453, %cond3A_454 : i32
      scf.if %cond3A_455 {
        %mul3A_691 = arith.constant 128 : i32
        %mul3A_692 = arith.muli %add3A_447, %mul3A_691 : i32
        %dma_wait3A = arith.constant 0 : i32
        %dma_wait3A_693 = tpu.memref_slice %arg2[%dma_wait3A, %mul3A_692] : memref<6x100000xi32, #tpu.memory_space<hbm>> -> memref<6x128xi32, #tpu.memory_space<hbm>>
        %dma_wait3A_694 = arith.constant 0 : i32
        %dma_wait3A_695 = tpu.memref_slice %arg2[%dma_wait3A_694, %mul3A_692] : memref<6x100000xi32, #tpu.memory_space<hbm>> -> memref<6x128xi32, #tpu.memory_space<hbm>>
        tpu.wait_dma2 semaphore(%arg23 : memref<!tpu.dma_semaphore, #tpu.memory_space<semaphore_mem>>) src(%dma_wait3A_695 : memref<6x128xi32, #tpu.memory_space<hbm>>) dst(%arg13 : memref<6x128xi32, #tpu.memory_space<vmem>>)
      } else {
      }
      %ge3A_456 = arith.constant 0 : i32
      %ge3A_457 = arith.cmpi sge, %add3A_423, %ge3A_456 : i32
      %eq3A_458 = arith.constant 781 : i32
      %eq3A_459 = arith.cmpi eq, %add3A_447, %eq3A_458 : i32
      %and3A_460 = arith.andi %ge3A_457, %eq3A_459 : i1
      %convert_element_type3A_461 = arith.extui %and3A_460 : i1 to i32
      %cond3A_462 = arith.constant 0 : i32
      %cond3A_463 = arith.cmpi ne, %convert_element_type3A_461, %cond3A_462 : i32
      scf.if %cond3A_463 {
        %dma_wait3A = arith.constant 0 : i32
        %dma_wait3A_691 = arith.constant 0 : i32
        %dma_wait3A_692 = arith.constant 0 : i32
        %dma_wait3A_693 = tpu.memref_slice %arg13[%dma_wait3A_691, %dma_wait3A_692] : memref<6x128xi32, #tpu.memory_space<vmem>> -> memref<1x32xi32, #tpu.memory_space<vmem>>
        %dma_wait3A_694 = tpu.memref_squeeze %dma_wait3A_693 : memref<1x32xi32, #tpu.memory_space<vmem>> -> memref<32xi32, #tpu.memory_space<vmem>>
        %dma_wait3A_695 = arith.constant 99968 : i32
        %dma_wait3A_696 = tpu.memref_slice %arg2[%dma_wait3A, %dma_wait3A_695] : memref<6x100000xi32, #tpu.memory_space<hbm>> -> memref<1x32xi32, #tpu.memory_space<hbm>>
        %dma_wait3A_697 = tpu.memref_squeeze %dma_wait3A_696 : memref<1x32xi32, #tpu.memory_space<hbm>> -> memref<32xi32, #tpu.memory_space<hbm>>
        %dma_wait3A_698 = arith.constant 0 : i32
        %dma_wait3A_699 = tpu.memref_slice %arg13[%dma_wait3A_691, %dma_wait3A_698] : memref<6x128xi32, #tpu.memory_space<vmem>> -> memref<1x32xi32, #tpu.memory_space<vmem>>
        %dma_wait3A_700 = tpu.memref_squeeze %dma_wait3A_699 : memref<1x32xi32, #tpu.memory_space<vmem>> -> memref<32xi32, #tpu.memory_space<vmem>>
        %dma_wait3A_701 = arith.constant 99968 : i32
        %dma_wait3A_702 = tpu.memref_slice %arg2[%dma_wait3A, %dma_wait3A_701] : memref<6x100000xi32, #tpu.memory_space<hbm>> -> memref<1x32xi32, #tpu.memory_space<hbm>>
        %dma_wait3A_703 = tpu.memref_squeeze %dma_wait3A_702 : memref<1x32xi32, #tpu.memory_space<hbm>> -> memref<32xi32, #tpu.memory_space<hbm>>
        tpu.wait_dma2 semaphore(%arg23 : memref<!tpu.dma_semaphore, #tpu.memory_space<semaphore_mem>>) src(%dma_wait3A_703 : memref<32xi32, #tpu.memory_space<hbm>>) dst(%dma_wait3A_700 : memref<32xi32, #tpu.memory_space<vmem>>)
        %dma_wait3A_704 = arith.constant 0 : i32
        %dma_wait3A_705 = arith.constant 0 : i32
        %dma_wait3A_706 = arith.constant 32 : i32
        %dma_wait3A_707 = tpu.memref_slice %arg13[%dma_wait3A_705, %dma_wait3A_706] : memref<6x128xi32, #tpu.memory_space<vmem>> -> memref<1x96xi32, #tpu.memory_space<vmem>>
        %dma_wait3A_708 = tpu.memref_squeeze %dma_wait3A_707 : memref<1x96xi32, #tpu.memory_space<vmem>> -> memref<96xi32, #tpu.memory_space<vmem>>
        %dma_wait3A_709 = arith.constant 0 : i32
        %dma_wait3A_710 = tpu.memref_slice %arg2[%dma_wait3A_704, %dma_wait3A_709] : memref<6x100000xi32, #tpu.memory_space<hbm>> -> memref<1x96xi32, #tpu.memory_space<hbm>>
        %dma_wait3A_711 = tpu.memref_squeeze %dma_wait3A_710 : memref<1x96xi32, #tpu.memory_space<hbm>> -> memref<96xi32, #tpu.memory_space<hbm>>
        %dma_wait3A_712 = arith.constant 32 : i32
        %dma_wait3A_713 = tpu.memref_slice %arg13[%dma_wait3A_705, %dma_wait3A_712] : memref<6x128xi32, #tpu.memory_space<vmem>> -> memref<1x96xi32, #tpu.memory_space<vmem>>
        %dma_wait3A_714 = tpu.memref_squeeze %dma_wait3A_713 : memref<1x96xi32, #tpu.memory_space<vmem>> -> memref<96xi32, #tpu.memory_space<vmem>>
        %dma_wait3A_715 = arith.constant 0 : i32
        %dma_wait3A_716 = tpu.memref_slice %arg2[%dma_wait3A_704, %dma_wait3A_715] : memref<6x100000xi32, #tpu.memory_space<hbm>> -> memref<1x96xi32, #tpu.memory_space<hbm>>
        %dma_wait3A_717 = tpu.memref_squeeze %dma_wait3A_716 : memref<1x96xi32, #tpu.memory_space<hbm>> -> memref<96xi32, #tpu.memory_space<hbm>>
        tpu.wait_dma2 semaphore(%arg23 : memref<!tpu.dma_semaphore, #tpu.memory_space<semaphore_mem>>) src(%dma_wait3A_717 : memref<96xi32, #tpu.memory_space<hbm>>) dst(%dma_wait3A_714 : memref<96xi32, #tpu.memory_space<vmem>>)
        %dma_wait3A_718 = arith.constant 1 : i32
        %dma_wait3A_719 = arith.constant 1 : i32
        %dma_wait3A_720 = arith.constant 0 : i32
        %dma_wait3A_721 = tpu.memref_slice %arg13[%dma_wait3A_719, %dma_wait3A_720] : memref<6x128xi32, #tpu.memory_space<vmem>> -> memref<1x32xi32, #tpu.memory_space<vmem>>
        %dma_wait3A_722 = tpu.memref_squeeze %dma_wait3A_721 : memref<1x32xi32, #tpu.memory_space<vmem>> -> memref<32xi32, #tpu.memory_space<vmem>>
        %dma_wait3A_723 = arith.constant 99968 : i32
        %dma_wait3A_724 = tpu.memref_slice %arg2[%dma_wait3A_718, %dma_wait3A_723] : memref<6x100000xi32, #tpu.memory_space<hbm>> -> memref<1x32xi32, #tpu.memory_space<hbm>>
        %dma_wait3A_725 = tpu.memref_squeeze %dma_wait3A_724 : memref<1x32xi32, #tpu.memory_space<hbm>> -> memref<32xi32, #tpu.memory_space<hbm>>
        %dma_wait3A_726 = arith.constant 0 : i32
        %dma_wait3A_727 = tpu.memref_slice %arg13[%dma_wait3A_719, %dma_wait3A_726] : memref<6x128xi32, #tpu.memory_space<vmem>> -> memref<1x32xi32, #tpu.memory_space<vmem>>
        %dma_wait3A_728 = tpu.memref_squeeze %dma_wait3A_727 : memref<1x32xi32, #tpu.memory_space<vmem>> -> memref<32xi32, #tpu.memory_space<vmem>>
        %dma_wait3A_729 = arith.constant 99968 : i32
        %dma_wait3A_730 = tpu.memref_slice %arg2[%dma_wait3A_718, %dma_wait3A_729] : memref<6x100000xi32, #tpu.memory_space<hbm>> -> memref<1x32xi32, #tpu.memory_space<hbm>>
        %dma_wait3A_731 = tpu.memref_squeeze %dma_wait3A_730 : memref<1x32xi32, #tpu.memory_space<hbm>> -> memref<32xi32, #tpu.memory_space<hbm>>
        tpu.wait_dma2 semaphore(%arg23 : memref<!tpu.dma_semaphore, #tpu.memory_space<semaphore_mem>>) src(%dma_wait3A_731 : memref<32xi32, #tpu.memory_space<hbm>>) dst(%dma_wait3A_728 : memref<32xi32, #tpu.memory_space<vmem>>)
        %dma_wait3A_732 = arith.constant 1 : i32
        %dma_wait3A_733 = arith.constant 1 : i32
        %dma_wait3A_734 = arith.constant 32 : i32
        %dma_wait3A_735 = tpu.memref_slice %arg13[%dma_wait3A_733, %dma_wait3A_734] : memref<6x128xi32, #tpu.memory_space<vmem>> -> memref<1x96xi32, #tpu.memory_space<vmem>>
        %dma_wait3A_736 = tpu.memref_squeeze %dma_wait3A_735 : memref<1x96xi32, #tpu.memory_space<vmem>> -> memref<96xi32, #tpu.memory_space<vmem>>
        %dma_wait3A_737 = arith.constant 0 : i32
        %dma_wait3A_738 = tpu.memref_slice %arg2[%dma_wait3A_732, %dma_wait3A_737] : memref<6x100000xi32, #tpu.memory_space<hbm>> -> memref<1x96xi32, #tpu.memory_space<hbm>>
        %dma_wait3A_739 = tpu.memref_squeeze %dma_wait3A_738 : memref<1x96xi32, #tpu.memory_space<hbm>> -> memref<96xi32, #tpu.memory_space<hbm>>
        %dma_wait3A_740 = arith.constant 32 : i32
        %dma_wait3A_741 = tpu.memref_slice %arg13[%dma_wait3A_733, %dma_wait3A_740] : memref<6x128xi32, #tpu.memory_space<vmem>> -> memref<1x96xi32, #tpu.memory_space<vmem>>
        %dma_wait3A_742 = tpu.memref_squeeze %dma_wait3A_741 : memref<1x96xi32, #tpu.memory_space<vmem>> -> memref<96xi32, #tpu.memory_space<vmem>>
        %dma_wait3A_743 = arith.constant 0 : i32
        %dma_wait3A_744 = tpu.memref_slice %arg2[%dma_wait3A_732, %dma_wait3A_743] : memref<6x100000xi32, #tpu.memory_space<hbm>> -> memref<1x96xi32, #tpu.memory_space<hbm>>
        %dma_wait3A_745 = tpu.memref_squeeze %dma_wait3A_744 : memref<1x96xi32, #tpu.memory_space<hbm>> -> memref<96xi32, #tpu.memory_space<hbm>>
        tpu.wait_dma2 semaphore(%arg23 : memref<!tpu.dma_semaphore, #tpu.memory_space<semaphore_mem>>) src(%dma_wait3A_745 : memref<96xi32, #tpu.memory_space<hbm>>) dst(%dma_wait3A_742 : memref<96xi32, #tpu.memory_space<vmem>>)
        %dma_wait3A_746 = arith.constant 2 : i32
        %dma_wait3A_747 = arith.constant 2 : i32
        %dma_wait3A_748 = arith.constant 0 : i32
        %dma_wait3A_749 = tpu.memref_slice %arg13[%dma_wait3A_747, %dma_wait3A_748] : memref<6x128xi32, #tpu.memory_space<vmem>> -> memref<1x32xi32, #tpu.memory_space<vmem>>
        %dma_wait3A_750 = tpu.memref_squeeze %dma_wait3A_749 : memref<1x32xi32, #tpu.memory_space<vmem>> -> memref<32xi32, #tpu.memory_space<vmem>>
        %dma_wait3A_751 = arith.constant 99968 : i32
        %dma_wait3A_752 = tpu.memref_slice %arg2[%dma_wait3A_746, %dma_wait3A_751] : memref<6x100000xi32, #tpu.memory_space<hbm>> -> memref<1x32xi32, #tpu.memory_space<hbm>>
        %dma_wait3A_753 = tpu.memref_squeeze %dma_wait3A_752 : memref<1x32xi32, #tpu.memory_space<hbm>> -> memref<32xi32, #tpu.memory_space<hbm>>
        %dma_wait3A_754 = arith.constant 0 : i32
        %dma_wait3A_755 = tpu.memref_slice %arg13[%dma_wait3A_747, %dma_wait3A_754] : memref<6x128xi32, #tpu.memory_space<vmem>> -> memref<1x32xi32, #tpu.memory_space<vmem>>
        %dma_wait3A_756 = tpu.memref_squeeze %dma_wait3A_755 : memref<1x32xi32, #tpu.memory_space<vmem>> -> memref<32xi32, #tpu.memory_space<vmem>>
        %dma_wait3A_757 = arith.constant 99968 : i32
        %dma_wait3A_758 = tpu.memref_slice %arg2[%dma_wait3A_746, %dma_wait3A_757] : memref<6x100000xi32, #tpu.memory_space<hbm>> -> memref<1x32xi32, #tpu.memory_space<hbm>>
        %dma_wait3A_759 = tpu.memref_squeeze %dma_wait3A_758 : memref<1x32xi32, #tpu.memory_space<hbm>> -> memref<32xi32, #tpu.memory_space<hbm>>
        tpu.wait_dma2 semaphore(%arg23 : memref<!tpu.dma_semaphore, #tpu.memory_space<semaphore_mem>>) src(%dma_wait3A_759 : memref<32xi32, #tpu.memory_space<hbm>>) dst(%dma_wait3A_756 : memref<32xi32, #tpu.memory_space<vmem>>)
        %dma_wait3A_760 = arith.constant 2 : i32
        %dma_wait3A_761 = arith.constant 2 : i32
        %dma_wait3A_762 = arith.constant 32 : i32
        %dma_wait3A_763 = tpu.memref_slice %arg13[%dma_wait3A_761, %dma_wait3A_762] : memref<6x128xi32, #tpu.memory_space<vmem>> -> memref<1x96xi32, #tpu.memory_space<vmem>>
        %dma_wait3A_764 = tpu.memref_squeeze %dma_wait3A_763 : memref<1x96xi32, #tpu.memory_space<vmem>> -> memref<96xi32, #tpu.memory_space<vmem>>
        %dma_wait3A_765 = arith.constant 0 : i32
        %dma_wait3A_766 = tpu.memref_slice %arg2[%dma_wait3A_760, %dma_wait3A_765] : memref<6x100000xi32, #tpu.memory_space<hbm>> -> memref<1x96xi32, #tpu.memory_space<hbm>>
        %dma_wait3A_767 = tpu.memref_squeeze %dma_wait3A_766 : memref<1x96xi32, #tpu.memory_space<hbm>> -> memref<96xi32, #tpu.memory_space<hbm>>
        %dma_wait3A_768 = arith.constant 32 : i32
        %dma_wait3A_769 = tpu.memref_slice %arg13[%dma_wait3A_761, %dma_wait3A_768] : memref<6x128xi32, #tpu.memory_space<vmem>> -> memref<1x96xi32, #tpu.memory_space<vmem>>
        %dma_wait3A_770 = tpu.memref_squeeze %dma_wait3A_769 : memref<1x96xi32, #tpu.memory_space<vmem>> -> memref<96xi32, #tpu.memory_space<vmem>>
        %dma_wait3A_771 = arith.constant 0 : i32
        %dma_wait3A_772 = tpu.memref_slice %arg2[%dma_wait3A_760, %dma_wait3A_771] : memref<6x100000xi32, #tpu.memory_space<hbm>> -> memref<1x96xi32, #tpu.memory_space<hbm>>
        %dma_wait3A_773 = tpu.memref_squeeze %dma_wait3A_772 : memref<1x96xi32, #tpu.memory_space<hbm>> -> memref<96xi32, #tpu.memory_space<hbm>>
        tpu.wait_dma2 semaphore(%arg23 : memref<!tpu.dma_semaphore, #tpu.memory_space<semaphore_mem>>) src(%dma_wait3A_773 : memref<96xi32, #tpu.memory_space<hbm>>) dst(%dma_wait3A_770 : memref<96xi32, #tpu.memory_space<vmem>>)
        %dma_wait3A_774 = arith.constant 3 : i32
        %dma_wait3A_775 = arith.constant 3 : i32
        %dma_wait3A_776 = arith.constant 0 : i32
        %dma_wait3A_777 = tpu.memref_slice %arg13[%dma_wait3A_775, %dma_wait3A_776] : memref<6x128xi32, #tpu.memory_space<vmem>> -> memref<1x32xi32, #tpu.memory_space<vmem>>
        %dma_wait3A_778 = tpu.memref_squeeze %dma_wait3A_777 : memref<1x32xi32, #tpu.memory_space<vmem>> -> memref<32xi32, #tpu.memory_space<vmem>>
        %dma_wait3A_779 = arith.constant 99968 : i32
        %dma_wait3A_780 = tpu.memref_slice %arg2[%dma_wait3A_774, %dma_wait3A_779] : memref<6x100000xi32, #tpu.memory_space<hbm>> -> memref<1x32xi32, #tpu.memory_space<hbm>>
        %dma_wait3A_781 = tpu.memref_squeeze %dma_wait3A_780 : memref<1x32xi32, #tpu.memory_space<hbm>> -> memref<32xi32, #tpu.memory_space<hbm>>
        %dma_wait3A_782 = arith.constant 0 : i32
        %dma_wait3A_783 = tpu.memref_slice %arg13[%dma_wait3A_775, %dma_wait3A_782] : memref<6x128xi32, #tpu.memory_space<vmem>> -> memref<1x32xi32, #tpu.memory_space<vmem>>
        %dma_wait3A_784 = tpu.memref_squeeze %dma_wait3A_783 : memref<1x32xi32, #tpu.memory_space<vmem>> -> memref<32xi32, #tpu.memory_space<vmem>>
        %dma_wait3A_785 = arith.constant 99968 : i32
        %dma_wait3A_786 = tpu.memref_slice %arg2[%dma_wait3A_774, %dma_wait3A_785] : memref<6x100000xi32, #tpu.memory_space<hbm>> -> memref<1x32xi32, #tpu.memory_space<hbm>>
        %dma_wait3A_787 = tpu.memref_squeeze %dma_wait3A_786 : memref<1x32xi32, #tpu.memory_space<hbm>> -> memref<32xi32, #tpu.memory_space<hbm>>
        tpu.wait_dma2 semaphore(%arg23 : memref<!tpu.dma_semaphore, #tpu.memory_space<semaphore_mem>>) src(%dma_wait3A_787 : memref<32xi32, #tpu.memory_space<hbm>>) dst(%dma_wait3A_784 : memref<32xi32, #tpu.memory_space<vmem>>)
        %dma_wait3A_788 = arith.constant 3 : i32
        %dma_wait3A_789 = arith.constant 3 : i32
        %dma_wait3A_790 = arith.constant 32 : i32
        %dma_wait3A_791 = tpu.memref_slice %arg13[%dma_wait3A_789, %dma_wait3A_790] : memref<6x128xi32, #tpu.memory_space<vmem>> -> memref<1x96xi32, #tpu.memory_space<vmem>>
        %dma_wait3A_792 = tpu.memref_squeeze %dma_wait3A_791 : memref<1x96xi32, #tpu.memory_space<vmem>> -> memref<96xi32, #tpu.memory_space<vmem>>
        %dma_wait3A_793 = arith.constant 0 : i32
        %dma_wait3A_794 = tpu.memref_slice %arg2[%dma_wait3A_788, %dma_wait3A_793] : memref<6x100000xi32, #tpu.memory_space<hbm>> -> memref<1x96xi32, #tpu.memory_space<hbm>>
        %dma_wait3A_795 = tpu.memref_squeeze %dma_wait3A_794 : memref<1x96xi32, #tpu.memory_space<hbm>> -> memref<96xi32, #tpu.memory_space<hbm>>
        %dma_wait3A_796 = arith.constant 32 : i32
        %dma_wait3A_797 = tpu.memref_slice %arg13[%dma_wait3A_789, %dma_wait3A_796] : memref<6x128xi32, #tpu.memory_space<vmem>> -> memref<1x96xi32, #tpu.memory_space<vmem>>
        %dma_wait3A_798 = tpu.memref_squeeze %dma_wait3A_797 : memref<1x96xi32, #tpu.memory_space<vmem>> -> memref<96xi32, #tpu.memory_space<vmem>>
        %dma_wait3A_799 = arith.constant 0 : i32
        %dma_wait3A_800 = tpu.memref_slice %arg2[%dma_wait3A_788, %dma_wait3A_799] : memref<6x100000xi32, #tpu.memory_space<hbm>> -> memref<1x96xi32, #tpu.memory_space<hbm>>
        %dma_wait3A_801 = tpu.memref_squeeze %dma_wait3A_800 : memref<1x96xi32, #tpu.memory_space<hbm>> -> memref<96xi32, #tpu.memory_space<hbm>>
        tpu.wait_dma2 semaphore(%arg23 : memref<!tpu.dma_semaphore, #tpu.memory_space<semaphore_mem>>) src(%dma_wait3A_801 : memref<96xi32, #tpu.memory_space<hbm>>) dst(%dma_wait3A_798 : memref<96xi32, #tpu.memory_space<vmem>>)
        %dma_wait3A_802 = arith.constant 4 : i32
        %dma_wait3A_803 = arith.constant 4 : i32
        %dma_wait3A_804 = arith.constant 0 : i32
        %dma_wait3A_805 = tpu.memref_slice %arg13[%dma_wait3A_803, %dma_wait3A_804] : memref<6x128xi32, #tpu.memory_space<vmem>> -> memref<1x32xi32, #tpu.memory_space<vmem>>
        %dma_wait3A_806 = tpu.memref_squeeze %dma_wait3A_805 : memref<1x32xi32, #tpu.memory_space<vmem>> -> memref<32xi32, #tpu.memory_space<vmem>>
        %dma_wait3A_807 = arith.constant 99968 : i32
        %dma_wait3A_808 = tpu.memref_slice %arg2[%dma_wait3A_802, %dma_wait3A_807] : memref<6x100000xi32, #tpu.memory_space<hbm>> -> memref<1x32xi32, #tpu.memory_space<hbm>>
        %dma_wait3A_809 = tpu.memref_squeeze %dma_wait3A_808 : memref<1x32xi32, #tpu.memory_space<hbm>> -> memref<32xi32, #tpu.memory_space<hbm>>
        %dma_wait3A_810 = arith.constant 0 : i32
        %dma_wait3A_811 = tpu.memref_slice %arg13[%dma_wait3A_803, %dma_wait3A_810] : memref<6x128xi32, #tpu.memory_space<vmem>> -> memref<1x32xi32, #tpu.memory_space<vmem>>
        %dma_wait3A_812 = tpu.memref_squeeze %dma_wait3A_811 : memref<1x32xi32, #tpu.memory_space<vmem>> -> memref<32xi32, #tpu.memory_space<vmem>>
        %dma_wait3A_813 = arith.constant 99968 : i32
        %dma_wait3A_814 = tpu.memref_slice %arg2[%dma_wait3A_802, %dma_wait3A_813] : memref<6x100000xi32, #tpu.memory_space<hbm>> -> memref<1x32xi32, #tpu.memory_space<hbm>>
        %dma_wait3A_815 = tpu.memref_squeeze %dma_wait3A_814 : memref<1x32xi32, #tpu.memory_space<hbm>> -> memref<32xi32, #tpu.memory_space<hbm>>
        tpu.wait_dma2 semaphore(%arg23 : memref<!tpu.dma_semaphore, #tpu.memory_space<semaphore_mem>>) src(%dma_wait3A_815 : memref<32xi32, #tpu.memory_space<hbm>>) dst(%dma_wait3A_812 : memref<32xi32, #tpu.memory_space<vmem>>)
        %dma_wait3A_816 = arith.constant 4 : i32
        %dma_wait3A_817 = arith.constant 4 : i32
        %dma_wait3A_818 = arith.constant 32 : i32
        %dma_wait3A_819 = tpu.memref_slice %arg13[%dma_wait3A_817, %dma_wait3A_818] : memref<6x128xi32, #tpu.memory_space<vmem>> -> memref<1x96xi32, #tpu.memory_space<vmem>>
        %dma_wait3A_820 = tpu.memref_squeeze %dma_wait3A_819 : memref<1x96xi32, #tpu.memory_space<vmem>> -> memref<96xi32, #tpu.memory_space<vmem>>
        %dma_wait3A_821 = arith.constant 0 : i32
        %dma_wait3A_822 = tpu.memref_slice %arg2[%dma_wait3A_816, %dma_wait3A_821] : memref<6x100000xi32, #tpu.memory_space<hbm>> -> memref<1x96xi32, #tpu.memory_space<hbm>>
        %dma_wait3A_823 = tpu.memref_squeeze %dma_wait3A_822 : memref<1x96xi32, #tpu.memory_space<hbm>> -> memref<96xi32, #tpu.memory_space<hbm>>
        %dma_wait3A_824 = arith.constant 32 : i32
        %dma_wait3A_825 = tpu.memref_slice %arg13[%dma_wait3A_817, %dma_wait3A_824] : memref<6x128xi32, #tpu.memory_space<vmem>> -> memref<1x96xi32, #tpu.memory_space<vmem>>
        %dma_wait3A_826 = tpu.memref_squeeze %dma_wait3A_825 : memref<1x96xi32, #tpu.memory_space<vmem>> -> memref<96xi32, #tpu.memory_space<vmem>>
        %dma_wait3A_827 = arith.constant 0 : i32
        %dma_wait3A_828 = tpu.memref_slice %arg2[%dma_wait3A_816, %dma_wait3A_827] : memref<6x100000xi32, #tpu.memory_space<hbm>> -> memref<1x96xi32, #tpu.memory_space<hbm>>
        %dma_wait3A_829 = tpu.memref_squeeze %dma_wait3A_828 : memref<1x96xi32, #tpu.memory_space<hbm>> -> memref<96xi32, #tpu.memory_space<hbm>>
        tpu.wait_dma2 semaphore(%arg23 : memref<!tpu.dma_semaphore, #tpu.memory_space<semaphore_mem>>) src(%dma_wait3A_829 : memref<96xi32, #tpu.memory_space<hbm>>) dst(%dma_wait3A_826 : memref<96xi32, #tpu.memory_space<vmem>>)
        %dma_wait3A_830 = arith.constant 5 : i32
        %dma_wait3A_831 = arith.constant 5 : i32
        %dma_wait3A_832 = arith.constant 0 : i32
        %dma_wait3A_833 = tpu.memref_slice %arg13[%dma_wait3A_831, %dma_wait3A_832] : memref<6x128xi32, #tpu.memory_space<vmem>> -> memref<1x32xi32, #tpu.memory_space<vmem>>
        %dma_wait3A_834 = tpu.memref_squeeze %dma_wait3A_833 : memref<1x32xi32, #tpu.memory_space<vmem>> -> memref<32xi32, #tpu.memory_space<vmem>>
        %dma_wait3A_835 = arith.constant 99968 : i32
        %dma_wait3A_836 = tpu.memref_slice %arg2[%dma_wait3A_830, %dma_wait3A_835] : memref<6x100000xi32, #tpu.memory_space<hbm>> -> memref<1x32xi32, #tpu.memory_space<hbm>>
        %dma_wait3A_837 = tpu.memref_squeeze %dma_wait3A_836 : memref<1x32xi32, #tpu.memory_space<hbm>> -> memref<32xi32, #tpu.memory_space<hbm>>
        %dma_wait3A_838 = arith.constant 0 : i32
        %dma_wait3A_839 = tpu.memref_slice %arg13[%dma_wait3A_831, %dma_wait3A_838] : memref<6x128xi32, #tpu.memory_space<vmem>> -> memref<1x32xi32, #tpu.memory_space<vmem>>
        %dma_wait3A_840 = tpu.memref_squeeze %dma_wait3A_839 : memref<1x32xi32, #tpu.memory_space<vmem>> -> memref<32xi32, #tpu.memory_space<vmem>>
        %dma_wait3A_841 = arith.constant 99968 : i32
        %dma_wait3A_842 = tpu.memref_slice %arg2[%dma_wait3A_830, %dma_wait3A_841] : memref<6x100000xi32, #tpu.memory_space<hbm>> -> memref<1x32xi32, #tpu.memory_space<hbm>>
        %dma_wait3A_843 = tpu.memref_squeeze %dma_wait3A_842 : memref<1x32xi32, #tpu.memory_space<hbm>> -> memref<32xi32, #tpu.memory_space<hbm>>
        tpu.wait_dma2 semaphore(%arg23 : memref<!tpu.dma_semaphore, #tpu.memory_space<semaphore_mem>>) src(%dma_wait3A_843 : memref<32xi32, #tpu.memory_space<hbm>>) dst(%dma_wait3A_840 : memref<32xi32, #tpu.memory_space<vmem>>)
        %dma_wait3A_844 = arith.constant 5 : i32
        %dma_wait3A_845 = arith.constant 5 : i32
        %dma_wait3A_846 = arith.constant 32 : i32
        %dma_wait3A_847 = tpu.memref_slice %arg13[%dma_wait3A_845, %dma_wait3A_846] : memref<6x128xi32, #tpu.memory_space<vmem>> -> memref<1x96xi32, #tpu.memory_space<vmem>>
        %dma_wait3A_848 = tpu.memref_squeeze %dma_wait3A_847 : memref<1x96xi32, #tpu.memory_space<vmem>> -> memref<96xi32, #tpu.memory_space<vmem>>
        %dma_wait3A_849 = arith.constant 0 : i32
        %dma_wait3A_850 = tpu.memref_slice %arg2[%dma_wait3A_844, %dma_wait3A_849] : memref<6x100000xi32, #tpu.memory_space<hbm>> -> memref<1x96xi32, #tpu.memory_space<hbm>>
        %dma_wait3A_851 = tpu.memref_squeeze %dma_wait3A_850 : memref<1x96xi32, #tpu.memory_space<hbm>> -> memref<96xi32, #tpu.memory_space<hbm>>
        %dma_wait3A_852 = arith.constant 32 : i32
        %dma_wait3A_853 = tpu.memref_slice %arg13[%dma_wait3A_845, %dma_wait3A_852] : memref<6x128xi32, #tpu.memory_space<vmem>> -> memref<1x96xi32, #tpu.memory_space<vmem>>
        %dma_wait3A_854 = tpu.memref_squeeze %dma_wait3A_853 : memref<1x96xi32, #tpu.memory_space<vmem>> -> memref<96xi32, #tpu.memory_space<vmem>>
        %dma_wait3A_855 = arith.constant 0 : i32
        %dma_wait3A_856 = tpu.memref_slice %arg2[%dma_wait3A_844, %dma_wait3A_855] : memref<6x100000xi32, #tpu.memory_space<hbm>> -> memref<1x96xi32, #tpu.memory_space<hbm>>
        %dma_wait3A_857 = tpu.memref_squeeze %dma_wait3A_856 : memref<1x96xi32, #tpu.memory_space<hbm>> -> memref<96xi32, #tpu.memory_space<hbm>>
        tpu.wait_dma2 semaphore(%arg23 : memref<!tpu.dma_semaphore, #tpu.memory_space<semaphore_mem>>) src(%dma_wait3A_857 : memref<96xi32, #tpu.memory_space<hbm>>) dst(%dma_wait3A_854 : memref<96xi32, #tpu.memory_space<vmem>>)
      } else {
      }
      %ge3A_464 = arith.constant 0 : i32
      %ge3A_465 = arith.cmpi sge, %add3A_423, %ge3A_464 : i32
      %mul3A_466 = arith.constant 32 : i32
      %mul3A_467 = arith.muli %add3A_423, %mul3A_466 : i32
      %add3A_468 = arith.addi %add3A, %mul3A_467 : i32
      %lt3A_469 = arith.constant 782 : i32
      %lt3A_470 = arith.cmpi slt, %add3A_468, %lt3A_469 : i32
      %and3A_471 = arith.andi %ge3A_465, %lt3A_470 : i1
      %convert_element_type3A_472 = arith.extui %and3A_471 : i1 to i32
      %cond3A_473 = arith.constant 0 : i32
      %cond3A_474 = arith.cmpi ne, %convert_element_type3A_472, %cond3A_473 : i32
      scf.if %cond3A_474 {
        %dma_start3A = arith.constant 0 : i32
        %dma_start3A_691 = arith.constant 0 : i32
        %dma_start3A_692 = tpu.memref_slice %arg13[%dma_start3A, %dma_start3A_691] : memref<6x128xi32, #tpu.memory_space<vmem>> -> memref<1x128xi32, #tpu.memory_space<vmem>>
        %dma_start3A_693 = tpu.memref_squeeze %dma_start3A_692 : memref<1x128xi32, #tpu.memory_space<vmem>> -> memref<128xi32, #tpu.memory_space<vmem>>
        %dma_start3A_694 = arith.constant 0 : i32
        %dma_start3A_695 = arith.constant 0 : i32
        %dma_start3A_696 = tpu.memref_slice %arg3[%dma_start3A_694, %dma_start3A_695] : memref<100000x128xf32, #tpu.memory_space<hbm>> -> memref<100000x128xf32, #tpu.memory_space<hbm>>
        tpu.enqueue_indirect_dma source(%dma_start3A_696 : memref<100000x128xf32, #tpu.memory_space<hbm>>) target(%arg18 : memref<128x128xf32, #tpu.memory_space<vmem>>) offsets(%dma_start3A_693 : memref<128xi32, #tpu.memory_space<vmem>>) semaphore(%arg28 : memref<!tpu.dma_semaphore, #tpu.memory_space<semaphore_mem>>)
      } else {
      }
      %sub3A_475 = arith.constant 1 : i32
      %sub3A_476 = arith.subi %add3A_423, %sub3A_475 : i32
      %ge3A_477 = arith.constant 0 : i32
      %ge3A_478 = arith.cmpi sge, %sub3A_476, %ge3A_477 : i32
      %mul3A_479 = arith.constant 32 : i32
      %mul3A_480 = arith.muli %sub3A_476, %mul3A_479 : i32
      %add3A_481 = arith.addi %add3A, %mul3A_480 : i32
      %lt3A_482 = arith.constant 782 : i32
      %lt3A_483 = arith.cmpi slt, %add3A_481, %lt3A_482 : i32
      %and3A_484 = arith.andi %ge3A_478, %lt3A_483 : i1
      %convert_element_type3A_485 = arith.extui %and3A_484 : i1 to i32
      %cond3A_486 = arith.constant 0 : i32
      %cond3A_487 = arith.cmpi ne, %convert_element_type3A_485, %cond3A_486 : i32
      scf.if %cond3A_487 {
        %dma_wait3A = arith.constant 0 : i32
        %dma_wait3A_691 = arith.constant 0 : i32
        %dma_wait3A_692 = tpu.memref_slice %arg12[%dma_wait3A, %dma_wait3A_691] : memref<6x128xi32, #tpu.memory_space<vmem>> -> memref<1x128xi32, #tpu.memory_space<vmem>>
        %dma_wait3A_693 = tpu.memref_squeeze %dma_wait3A_692 : memref<1x128xi32, #tpu.memory_space<vmem>> -> memref<128xi32, #tpu.memory_space<vmem>>
        %dma_wait3A_694 = arith.constant 0 : i32
        %dma_wait3A_695 = arith.constant 0 : i32
        %dma_wait3A_696 = tpu.memref_slice %arg3[%dma_wait3A_694, %dma_wait3A_695] : memref<100000x128xf32, #tpu.memory_space<hbm>> -> memref<100000x128xf32, #tpu.memory_space<hbm>>
        tpu.wait_indirect_dma semaphore(%arg27 : memref<!tpu.dma_semaphore, #tpu.memory_space<semaphore_mem>>) src(%dma_wait3A_696 : memref<100000x128xf32, #tpu.memory_space<hbm>>) dst(%arg17 : memref<128x128xf32, #tpu.memory_space<vmem>>)
      } else {
      }
      %sub3A_488 = arith.constant 1 : i32
      %sub3A_489 = arith.subi %add3A_423, %sub3A_488 : i32
      %ge3A_490 = arith.constant 0 : i32
      %ge3A_491 = arith.cmpi sge, %sub3A_489, %ge3A_490 : i32
      %mul3A_492 = arith.constant 32 : i32
      %mul3A_493 = arith.muli %sub3A_489, %mul3A_492 : i32
      %add3A_494 = arith.addi %add3A, %mul3A_493 : i32
      %lt3A_495 = arith.constant 782 : i32
      %lt3A_496 = arith.cmpi slt, %add3A_494, %lt3A_495 : i32
      %and3A_497 = arith.andi %ge3A_491, %lt3A_496 : i1
      %convert_element_type3A_498 = arith.extui %and3A_497 : i1 to i32
      %cond3A_499 = arith.constant 0 : i32
      %cond3A_500 = arith.cmpi ne, %convert_element_type3A_498, %cond3A_499 : i32
      scf.if %cond3A_500 {
        %dma_start3A = arith.constant 1 : i32
        %dma_start3A_691 = arith.constant 0 : i32
        %dma_start3A_692 = tpu.memref_slice %arg12[%dma_start3A, %dma_start3A_691] : memref<6x128xi32, #tpu.memory_space<vmem>> -> memref<1x128xi32, #tpu.memory_space<vmem>>
        %dma_start3A_693 = tpu.memref_squeeze %dma_start3A_692 : memref<1x128xi32, #tpu.memory_space<vmem>> -> memref<128xi32, #tpu.memory_space<vmem>>
        %dma_start3A_694 = arith.constant 0 : i32
        %dma_start3A_695 = arith.constant 0 : i32
        %dma_start3A_696 = tpu.memref_slice %arg4[%dma_start3A_694, %dma_start3A_695] : memref<100000x128xf32, #tpu.memory_space<hbm>> -> memref<100000x128xf32, #tpu.memory_space<hbm>>
        tpu.enqueue_indirect_dma source(%dma_start3A_696 : memref<100000x128xf32, #tpu.memory_space<hbm>>) target(%arg17 : memref<128x128xf32, #tpu.memory_space<vmem>>) offsets(%dma_start3A_693 : memref<128xi32, #tpu.memory_space<vmem>>) semaphore(%arg32 : memref<!tpu.dma_semaphore, #tpu.memory_space<semaphore_mem>>) {add = true}
        %dma_start3A_697 = arith.constant 2 : i32
        %dma_start3A_698 = arith.constant 0 : i32
        %dma_start3A_699 = tpu.memref_slice %arg12[%dma_start3A_697, %dma_start3A_698] : memref<6x128xi32, #tpu.memory_space<vmem>> -> memref<1x128xi32, #tpu.memory_space<vmem>>
        %dma_start3A_700 = tpu.memref_squeeze %dma_start3A_699 : memref<1x128xi32, #tpu.memory_space<vmem>> -> memref<128xi32, #tpu.memory_space<vmem>>
        %dma_start3A_701 = arith.constant 0 : i32
        %dma_start3A_702 = arith.constant 0 : i32
        %dma_start3A_703 = tpu.memref_slice %arg5[%dma_start3A_701, %dma_start3A_702] : memref<100000x128xf32, #tpu.memory_space<hbm>> -> memref<100000x128xf32, #tpu.memory_space<hbm>>
        tpu.enqueue_indirect_dma source(%dma_start3A_703 : memref<100000x128xf32, #tpu.memory_space<hbm>>) target(%arg17 : memref<128x128xf32, #tpu.memory_space<vmem>>) offsets(%dma_start3A_700 : memref<128xi32, #tpu.memory_space<vmem>>) semaphore(%arg32 : memref<!tpu.dma_semaphore, #tpu.memory_space<semaphore_mem>>) {add = true}
        %dma_start3A_704 = arith.constant 3 : i32
        %dma_start3A_705 = arith.constant 0 : i32
        %dma_start3A_706 = tpu.memref_slice %arg12[%dma_start3A_704, %dma_start3A_705] : memref<6x128xi32, #tpu.memory_space<vmem>> -> memref<1x128xi32, #tpu.memory_space<vmem>>
        %dma_start3A_707 = tpu.memref_squeeze %dma_start3A_706 : memref<1x128xi32, #tpu.memory_space<vmem>> -> memref<128xi32, #tpu.memory_space<vmem>>
        %dma_start3A_708 = arith.constant 0 : i32
        %dma_start3A_709 = arith.constant 0 : i32
        %dma_start3A_710 = tpu.memref_slice %arg6[%dma_start3A_708, %dma_start3A_709] : memref<100000x128xf32, #tpu.memory_space<hbm>> -> memref<100000x128xf32, #tpu.memory_space<hbm>>
        tpu.enqueue_indirect_dma source(%dma_start3A_710 : memref<100000x128xf32, #tpu.memory_space<hbm>>) target(%arg17 : memref<128x128xf32, #tpu.memory_space<vmem>>) offsets(%dma_start3A_707 : memref<128xi32, #tpu.memory_space<vmem>>) semaphore(%arg32 : memref<!tpu.dma_semaphore, #tpu.memory_space<semaphore_mem>>) {add = true}
        %dma_start3A_711 = arith.constant 4 : i32
        %dma_start3A_712 = arith.constant 0 : i32
        %dma_start3A_713 = tpu.memref_slice %arg12[%dma_start3A_711, %dma_start3A_712] : memref<6x128xi32, #tpu.memory_space<vmem>> -> memref<1x128xi32, #tpu.memory_space<vmem>>
        %dma_start3A_714 = tpu.memref_squeeze %dma_start3A_713 : memref<1x128xi32, #tpu.memory_space<vmem>> -> memref<128xi32, #tpu.memory_space<vmem>>
        %dma_start3A_715 = arith.constant 0 : i32
        %dma_start3A_716 = arith.constant 0 : i32
        %dma_start3A_717 = tpu.memref_slice %arg7[%dma_start3A_715, %dma_start3A_716] : memref<100000x128xf32, #tpu.memory_space<hbm>> -> memref<100000x128xf32, #tpu.memory_space<hbm>>
        tpu.enqueue_indirect_dma source(%dma_start3A_717 : memref<100000x128xf32, #tpu.memory_space<hbm>>) target(%arg17 : memref<128x128xf32, #tpu.memory_space<vmem>>) offsets(%dma_start3A_714 : memref<128xi32, #tpu.memory_space<vmem>>) semaphore(%arg32 : memref<!tpu.dma_semaphore, #tpu.memory_space<semaphore_mem>>) {add = true}
        %dma_start3A_718 = arith.constant 5 : i32
        %dma_start3A_719 = arith.constant 0 : i32
        %dma_start3A_720 = tpu.memref_slice %arg12[%dma_start3A_718, %dma_start3A_719] : memref<6x128xi32, #tpu.memory_space<vmem>> -> memref<1x128xi32, #tpu.memory_space<vmem>>
        %dma_start3A_721 = tpu.memref_squeeze %dma_start3A_720 : memref<1x128xi32, #tpu.memory_space<vmem>> -> memref<128xi32, #tpu.memory_space<vmem>>
        %dma_start3A_722 = arith.constant 0 : i32
        %dma_start3A_723 = arith.constant 0 : i32
        %dma_start3A_724 = tpu.memref_slice %arg8[%dma_start3A_722, %dma_start3A_723] : memref<100000x128xf32, #tpu.memory_space<hbm>> -> memref<100000x128xf32, #tpu.memory_space<hbm>>
        tpu.enqueue_indirect_dma source(%dma_start3A_724 : memref<100000x128xf32, #tpu.memory_space<hbm>>) target(%arg17 : memref<128x128xf32, #tpu.memory_space<vmem>>) offsets(%dma_start3A_721 : memref<128xi32, #tpu.memory_space<vmem>>) semaphore(%arg32 : memref<!tpu.dma_semaphore, #tpu.memory_space<semaphore_mem>>) {add = true}
      } else {
      }
      %sub3A_501 = arith.constant 3 : i32
      %sub3A_502 = arith.subi %add3A_423, %sub3A_501 : i32
      %ge3A_503 = arith.constant 0 : i32
      %ge3A_504 = arith.cmpi sge, %sub3A_502, %ge3A_503 : i32
      %mul3A_505 = arith.constant 32 : i32
      %mul3A_506 = arith.muli %sub3A_502, %mul3A_505 : i32
      %add3A_507 = arith.addi %add3A, %mul3A_506 : i32
      %lt3A_508 = arith.constant 782 : i32
      %lt3A_509 = arith.cmpi slt, %add3A_507, %lt3A_508 : i32
      %and3A_510 = arith.andi %ge3A_504, %lt3A_509 : i1
      %convert_element_type3A_511 = arith.extui %and3A_510 : i1 to i32
      %cond3A_512 = arith.constant 0 : i32
      %cond3A_513 = arith.cmpi ne, %convert_element_type3A_511, %cond3A_512 : i32
      scf.if %cond3A_513 {
        %dma_wait3A = arith.constant 1 : i32
        %dma_wait3A_691 = arith.constant 0 : i32
        %dma_wait3A_692 = tpu.memref_slice %arg10[%dma_wait3A, %dma_wait3A_691] : memref<6x128xi32, #tpu.memory_space<vmem>> -> memref<1x128xi32, #tpu.memory_space<vmem>>
        %dma_wait3A_693 = tpu.memref_squeeze %dma_wait3A_692 : memref<1x128xi32, #tpu.memory_space<vmem>> -> memref<128xi32, #tpu.memory_space<vmem>>
        %dma_wait3A_694 = arith.constant 0 : i32
        %dma_wait3A_695 = arith.constant 0 : i32
        %dma_wait3A_696 = tpu.memref_slice %arg4[%dma_wait3A_694, %dma_wait3A_695] : memref<100000x128xf32, #tpu.memory_space<hbm>> -> memref<100000x128xf32, #tpu.memory_space<hbm>>
        tpu.wait_indirect_dma semaphore(%arg30 : memref<!tpu.dma_semaphore, #tpu.memory_space<semaphore_mem>>) src(%dma_wait3A_696 : memref<100000x128xf32, #tpu.memory_space<hbm>>) dst(%arg15 : memref<128x128xf32, #tpu.memory_space<vmem>>)
        %dma_wait3A_697 = arith.constant 2 : i32
        %dma_wait3A_698 = arith.constant 0 : i32
        %dma_wait3A_699 = tpu.memref_slice %arg10[%dma_wait3A_697, %dma_wait3A_698] : memref<6x128xi32, #tpu.memory_space<vmem>> -> memref<1x128xi32, #tpu.memory_space<vmem>>
        %dma_wait3A_700 = tpu.memref_squeeze %dma_wait3A_699 : memref<1x128xi32, #tpu.memory_space<vmem>> -> memref<128xi32, #tpu.memory_space<vmem>>
        %dma_wait3A_701 = arith.constant 0 : i32
        %dma_wait3A_702 = arith.constant 0 : i32
        %dma_wait3A_703 = tpu.memref_slice %arg5[%dma_wait3A_701, %dma_wait3A_702] : memref<100000x128xf32, #tpu.memory_space<hbm>> -> memref<100000x128xf32, #tpu.memory_space<hbm>>
        tpu.wait_indirect_dma semaphore(%arg30 : memref<!tpu.dma_semaphore, #tpu.memory_space<semaphore_mem>>) src(%dma_wait3A_703 : memref<100000x128xf32, #tpu.memory_space<hbm>>) dst(%arg15 : memref<128x128xf32, #tpu.memory_space<vmem>>)
        %dma_wait3A_704 = arith.constant 3 : i32
        %dma_wait3A_705 = arith.constant 0 : i32
        %dma_wait3A_706 = tpu.memref_slice %arg10[%dma_wait3A_704, %dma_wait3A_705] : memref<6x128xi32, #tpu.memory_space<vmem>> -> memref<1x128xi32, #tpu.memory_space<vmem>>
        %dma_wait3A_707 = tpu.memref_squeeze %dma_wait3A_706 : memref<1x128xi32, #tpu.memory_space<vmem>> -> memref<128xi32, #tpu.memory_space<vmem>>
        %dma_wait3A_708 = arith.constant 0 : i32
        %dma_wait3A_709 = arith.constant 0 : i32
        %dma_wait3A_710 = tpu.memref_slice %arg6[%dma_wait3A_708, %dma_wait3A_709] : memref<100000x128xf32, #tpu.memory_space<hbm>> -> memref<100000x128xf32, #tpu.memory_space<hbm>>
        tpu.wait_indirect_dma semaphore(%arg30 : memref<!tpu.dma_semaphore, #tpu.memory_space<semaphore_mem>>) src(%dma_wait3A_710 : memref<100000x128xf32, #tpu.memory_space<hbm>>) dst(%arg15 : memref<128x128xf32, #tpu.memory_space<vmem>>)
        %dma_wait3A_711 = arith.constant 4 : i32
        %dma_wait3A_712 = arith.constant 0 : i32
        %dma_wait3A_713 = tpu.memref_slice %arg10[%dma_wait3A_711, %dma_wait3A_712] : memref<6x128xi32, #tpu.memory_space<vmem>> -> memref<1x128xi32, #tpu.memory_space<vmem>>
        %dma_wait3A_714 = tpu.memref_squeeze %dma_wait3A_713 : memref<1x128xi32, #tpu.memory_space<vmem>> -> memref<128xi32, #tpu.memory_space<vmem>>
        %dma_wait3A_715 = arith.constant 0 : i32
        %dma_wait3A_716 = arith.constant 0 : i32
        %dma_wait3A_717 = tpu.memref_slice %arg7[%dma_wait3A_715, %dma_wait3A_716] : memref<100000x128xf32, #tpu.memory_space<hbm>> -> memref<100000x128xf32, #tpu.memory_space<hbm>>
        tpu.wait_indirect_dma semaphore(%arg30 : memref<!tpu.dma_semaphore, #tpu.memory_space<semaphore_mem>>) src(%dma_wait3A_717 : memref<100000x128xf32, #tpu.memory_space<hbm>>) dst(%arg15 : memref<128x128xf32, #tpu.memory_space<vmem>>)
        %dma_wait3A_718 = arith.constant 5 : i32
        %dma_wait3A_719 = arith.constant 0 : i32
        %dma_wait3A_720 = tpu.memref_slice %arg10[%dma_wait3A_718, %dma_wait3A_719] : memref<6x128xi32, #tpu.memory_space<vmem>> -> memref<1x128xi32, #tpu.memory_space<vmem>>
        %dma_wait3A_721 = tpu.memref_squeeze %dma_wait3A_720 : memref<1x128xi32, #tpu.memory_space<vmem>> -> memref<128xi32, #tpu.memory_space<vmem>>
        %dma_wait3A_722 = arith.constant 0 : i32
        %dma_wait3A_723 = arith.constant 0 : i32
        %dma_wait3A_724 = tpu.memref_slice %arg8[%dma_wait3A_722, %dma_wait3A_723] : memref<100000x128xf32, #tpu.memory_space<hbm>> -> memref<100000x128xf32, #tpu.memory_space<hbm>>
        tpu.wait_indirect_dma semaphore(%arg30 : memref<!tpu.dma_semaphore, #tpu.memory_space<semaphore_mem>>) src(%dma_wait3A_724 : memref<100000x128xf32, #tpu.memory_space<hbm>>) dst(%arg15 : memref<128x128xf32, #tpu.memory_space<vmem>>)
      } else {
      }
      %sub3A_514 = arith.constant 3 : i32
      %sub3A_515 = arith.subi %add3A_423, %sub3A_514 : i32
      %mul3A_516 = arith.constant 32 : i32
      %mul3A_517 = arith.muli %sub3A_515, %mul3A_516 : i32
      %add3A_518 = arith.addi %add3A, %mul3A_517 : i32
      %ge3A_519 = arith.constant 0 : i32
      %ge3A_520 = arith.cmpi sge, %sub3A_515, %ge3A_519 : i32
      %lt3A_521 = arith.constant 781 : i32
      %lt3A_522 = arith.cmpi slt, %add3A_518, %lt3A_521 : i32
      %and3A_523 = arith.andi %ge3A_520, %lt3A_522 : i1
      %convert_element_type3A_524 = arith.extui %and3A_523 : i1 to i32
      %cond3A_525 = arith.constant 0 : i32
      %cond3A_526 = arith.cmpi ne, %convert_element_type3A_524, %cond3A_525 : i32
      scf.if %cond3A_526 {
        %mul3A_691 = arith.constant 128 : i32
        %mul3A_692 = arith.muli %add3A_518, %mul3A_691 : i32
        %dma_start3A = arith.constant 0 : i32
        %dma_start3A_693 = tpu.memref_slice %arg9[%mul3A_692, %dma_start3A] : memref<100000x128xf32, #tpu.memory_space<hbm>> -> memref<128x128xf32, #tpu.memory_space<hbm>>
        %dma_start3A_694 = arith.constant 0 : i32
        %dma_start3A_695 = tpu.memref_slice %arg9[%mul3A_692, %dma_start3A_694] : memref<100000x128xf32, #tpu.memory_space<hbm>> -> memref<128x128xf32, #tpu.memory_space<hbm>>
        tpu.enqueue_dma source(%arg15 : memref<128x128xf32, #tpu.memory_space<vmem>>) target(%dma_start3A_695 : memref<128x128xf32, #tpu.memory_space<hbm>>) target_semaphore(%arg35 : memref<!tpu.dma_semaphore, #tpu.memory_space<semaphore_mem>>)
      } else {
      }
      %ge3A_527 = arith.constant 0 : i32
      %ge3A_528 = arith.cmpi sge, %sub3A_515, %ge3A_527 : i32
      %eq3A_529 = arith.constant 781 : i32
      %eq3A_530 = arith.cmpi eq, %add3A_518, %eq3A_529 : i32
      %and3A_531 = arith.andi %ge3A_528, %eq3A_530 : i1
      %convert_element_type3A_532 = arith.extui %and3A_531 : i1 to i32
      %cond3A_533 = arith.constant 0 : i32
      %cond3A_534 = arith.cmpi ne, %convert_element_type3A_532, %cond3A_533 : i32
      scf.if %cond3A_534 {
        %dma_start3A = arith.constant 0 : i32
        %dma_start3A_691 = arith.constant 0 : i32
        %dma_start3A_692 = tpu.memref_slice %arg15[%dma_start3A, %dma_start3A_691] : memref<128x128xf32, #tpu.memory_space<vmem>> -> memref<32x128xf32, #tpu.memory_space<vmem>>
        %dma_start3A_693 = arith.constant 99968 : i32
        %dma_start3A_694 = arith.constant 0 : i32
        %dma_start3A_695 = tpu.memref_slice %arg9[%dma_start3A_693, %dma_start3A_694] : memref<100000x128xf32, #tpu.memory_space<hbm>> -> memref<32x128xf32, #tpu.memory_space<hbm>>
        %dma_start3A_696 = arith.constant 99968 : i32
        %dma_start3A_697 = arith.constant 0 : i32
        %dma_start3A_698 = tpu.memref_slice %arg9[%dma_start3A_696, %dma_start3A_697] : memref<100000x128xf32, #tpu.memory_space<hbm>> -> memref<32x128xf32, #tpu.memory_space<hbm>>
        %dma_start3A_699 = arith.constant 0 : i32
        %dma_start3A_700 = arith.constant 0 : i32
        %dma_start3A_701 = tpu.memref_slice %arg15[%dma_start3A_699, %dma_start3A_700] : memref<128x128xf32, #tpu.memory_space<vmem>> -> memref<32x128xf32, #tpu.memory_space<vmem>>
        tpu.enqueue_dma source(%dma_start3A_701 : memref<32x128xf32, #tpu.memory_space<vmem>>) target(%dma_start3A_698 : memref<32x128xf32, #tpu.memory_space<hbm>>) target_semaphore(%arg35 : memref<!tpu.dma_semaphore, #tpu.memory_space<semaphore_mem>>)
      } else {
      }
      %add3A_535 = arith.constant 1 : i32
      %add3A_536 = arith.addi %add3A_423, %add3A_535 : i32
      %mul3A_537 = arith.constant 32 : i32
      %mul3A_538 = arith.muli %add3A_536, %mul3A_537 : i32
      %add3A_539 = arith.addi %add3A, %mul3A_538 : i32
      %ge3A_540 = arith.constant 0 : i32
      %ge3A_541 = arith.cmpi sge, %add3A_536, %ge3A_540 : i32
      %lt3A_542 = arith.constant 781 : i32
      %lt3A_543 = arith.cmpi slt, %add3A_539, %lt3A_542 : i32
      %and3A_544 = arith.andi %ge3A_541, %lt3A_543 : i1
      %convert_element_type3A_545 = arith.extui %and3A_544 : i1 to i32
      %cond3A_546 = arith.constant 0 : i32
      %cond3A_547 = arith.cmpi ne, %convert_element_type3A_545, %cond3A_546 : i32
      scf.if %cond3A_547 {
        %mul3A_691 = arith.constant 128 : i32
        %mul3A_692 = arith.muli %add3A_539, %mul3A_691 : i32
        %dma_start3A = arith.constant 0 : i32
        %dma_start3A_693 = tpu.memref_slice %arg2[%dma_start3A, %mul3A_692] : memref<6x100000xi32, #tpu.memory_space<hbm>> -> memref<6x128xi32, #tpu.memory_space<hbm>>
        %dma_start3A_694 = arith.constant 0 : i32
        %dma_start3A_695 = tpu.memref_slice %arg2[%dma_start3A_694, %mul3A_692] : memref<6x100000xi32, #tpu.memory_space<hbm>> -> memref<6x128xi32, #tpu.memory_space<hbm>>
        tpu.enqueue_dma source(%dma_start3A_695 : memref<6x128xi32, #tpu.memory_space<hbm>>) target(%arg14 : memref<6x128xi32, #tpu.memory_space<vmem>>) target_semaphore(%arg24 : memref<!tpu.dma_semaphore, #tpu.memory_space<semaphore_mem>>)
      } else {
      }
      %ge3A_548 = arith.constant 0 : i32
      %ge3A_549 = arith.cmpi sge, %add3A_536, %ge3A_548 : i32
      %eq3A_550 = arith.constant 781 : i32
      %eq3A_551 = arith.cmpi eq, %add3A_539, %eq3A_550 : i32
      %and3A_552 = arith.andi %ge3A_549, %eq3A_551 : i1
      %convert_element_type3A_553 = arith.extui %and3A_552 : i1 to i32
      %cond3A_554 = arith.constant 0 : i32
      %cond3A_555 = arith.cmpi ne, %convert_element_type3A_553, %cond3A_554 : i32
      scf.if %cond3A_555 {
        %dma_start3A = arith.constant 0 : i32
        %dma_start3A_691 = arith.constant 0 : i32
        %dma_start3A_692 = arith.constant 0 : i32
        %dma_start3A_693 = tpu.memref_slice %arg14[%dma_start3A_691, %dma_start3A_692] : memref<6x128xi32, #tpu.memory_space<vmem>> -> memref<1x32xi32, #tpu.memory_space<vmem>>
        %dma_start3A_694 = tpu.memref_squeeze %dma_start3A_693 : memref<1x32xi32, #tpu.memory_space<vmem>> -> memref<32xi32, #tpu.memory_space<vmem>>
        %dma_start3A_695 = arith.constant 99968 : i32
        %dma_start3A_696 = tpu.memref_slice %arg2[%dma_start3A, %dma_start3A_695] : memref<6x100000xi32, #tpu.memory_space<hbm>> -> memref<1x32xi32, #tpu.memory_space<hbm>>
        %dma_start3A_697 = tpu.memref_squeeze %dma_start3A_696 : memref<1x32xi32, #tpu.memory_space<hbm>> -> memref<32xi32, #tpu.memory_space<hbm>>
        %dma_start3A_698 = arith.constant 0 : i32
        %dma_start3A_699 = tpu.memref_slice %arg14[%dma_start3A_691, %dma_start3A_698] : memref<6x128xi32, #tpu.memory_space<vmem>> -> memref<1x32xi32, #tpu.memory_space<vmem>>
        %dma_start3A_700 = tpu.memref_squeeze %dma_start3A_699 : memref<1x32xi32, #tpu.memory_space<vmem>> -> memref<32xi32, #tpu.memory_space<vmem>>
        %dma_start3A_701 = arith.constant 99968 : i32
        %dma_start3A_702 = tpu.memref_slice %arg2[%dma_start3A, %dma_start3A_701] : memref<6x100000xi32, #tpu.memory_space<hbm>> -> memref<1x32xi32, #tpu.memory_space<hbm>>
        %dma_start3A_703 = tpu.memref_squeeze %dma_start3A_702 : memref<1x32xi32, #tpu.memory_space<hbm>> -> memref<32xi32, #tpu.memory_space<hbm>>
        tpu.enqueue_dma source(%dma_start3A_703 : memref<32xi32, #tpu.memory_space<hbm>>) target(%dma_start3A_700 : memref<32xi32, #tpu.memory_space<vmem>>) target_semaphore(%arg24 : memref<!tpu.dma_semaphore, #tpu.memory_space<semaphore_mem>>)
        %dma_start3A_704 = arith.constant 0 : i32
        %dma_start3A_705 = arith.constant 0 : i32
        %dma_start3A_706 = arith.constant 32 : i32
        %dma_start3A_707 = tpu.memref_slice %arg14[%dma_start3A_705, %dma_start3A_706] : memref<6x128xi32, #tpu.memory_space<vmem>> -> memref<1x96xi32, #tpu.memory_space<vmem>>
        %dma_start3A_708 = tpu.memref_squeeze %dma_start3A_707 : memref<1x96xi32, #tpu.memory_space<vmem>> -> memref<96xi32, #tpu.memory_space<vmem>>
        %dma_start3A_709 = arith.constant 0 : i32
        %dma_start3A_710 = tpu.memref_slice %arg2[%dma_start3A_704, %dma_start3A_709] : memref<6x100000xi32, #tpu.memory_space<hbm>> -> memref<1x96xi32, #tpu.memory_space<hbm>>
        %dma_start3A_711 = tpu.memref_squeeze %dma_start3A_710 : memref<1x96xi32, #tpu.memory_space<hbm>> -> memref<96xi32, #tpu.memory_space<hbm>>
        %dma_start3A_712 = arith.constant 32 : i32
        %dma_start3A_713 = tpu.memref_slice %arg14[%dma_start3A_705, %dma_start3A_712] : memref<6x128xi32, #tpu.memory_space<vmem>> -> memref<1x96xi32, #tpu.memory_space<vmem>>
        %dma_start3A_714 = tpu.memref_squeeze %dma_start3A_713 : memref<1x96xi32, #tpu.memory_space<vmem>> -> memref<96xi32, #tpu.memory_space<vmem>>
        %dma_start3A_715 = arith.constant 0 : i32
        %dma_start3A_716 = tpu.memref_slice %arg2[%dma_start3A_704, %dma_start3A_715] : memref<6x100000xi32, #tpu.memory_space<hbm>> -> memref<1x96xi32, #tpu.memory_space<hbm>>
        %dma_start3A_717 = tpu.memref_squeeze %dma_start3A_716 : memref<1x96xi32, #tpu.memory_space<hbm>> -> memref<96xi32, #tpu.memory_space<hbm>>
        tpu.enqueue_dma source(%dma_start3A_717 : memref<96xi32, #tpu.memory_space<hbm>>) target(%dma_start3A_714 : memref<96xi32, #tpu.memory_space<vmem>>) target_semaphore(%arg24 : memref<!tpu.dma_semaphore, #tpu.memory_space<semaphore_mem>>)
        %dma_start3A_718 = arith.constant 1 : i32
        %dma_start3A_719 = arith.constant 1 : i32
        %dma_start3A_720 = arith.constant 0 : i32
        %dma_start3A_721 = tpu.memref_slice %arg14[%dma_start3A_719, %dma_start3A_720] : memref<6x128xi32, #tpu.memory_space<vmem>> -> memref<1x32xi32, #tpu.memory_space<vmem>>
        %dma_start3A_722 = tpu.memref_squeeze %dma_start3A_721 : memref<1x32xi32, #tpu.memory_space<vmem>> -> memref<32xi32, #tpu.memory_space<vmem>>
        %dma_start3A_723 = arith.constant 99968 : i32
        %dma_start3A_724 = tpu.memref_slice %arg2[%dma_start3A_718, %dma_start3A_723] : memref<6x100000xi32, #tpu.memory_space<hbm>> -> memref<1x32xi32, #tpu.memory_space<hbm>>
        %dma_start3A_725 = tpu.memref_squeeze %dma_start3A_724 : memref<1x32xi32, #tpu.memory_space<hbm>> -> memref<32xi32, #tpu.memory_space<hbm>>
        %dma_start3A_726 = arith.constant 0 : i32
        %dma_start3A_727 = tpu.memref_slice %arg14[%dma_start3A_719, %dma_start3A_726] : memref<6x128xi32, #tpu.memory_space<vmem>> -> memref<1x32xi32, #tpu.memory_space<vmem>>
        %dma_start3A_728 = tpu.memref_squeeze %dma_start3A_727 : memref<1x32xi32, #tpu.memory_space<vmem>> -> memref<32xi32, #tpu.memory_space<vmem>>
        %dma_start3A_729 = arith.constant 99968 : i32
        %dma_start3A_730 = tpu.memref_slice %arg2[%dma_start3A_718, %dma_start3A_729] : memref<6x100000xi32, #tpu.memory_space<hbm>> -> memref<1x32xi32, #tpu.memory_space<hbm>>
        %dma_start3A_731 = tpu.memref_squeeze %dma_start3A_730 : memref<1x32xi32, #tpu.memory_space<hbm>> -> memref<32xi32, #tpu.memory_space<hbm>>
        tpu.enqueue_dma source(%dma_start3A_731 : memref<32xi32, #tpu.memory_space<hbm>>) target(%dma_start3A_728 : memref<32xi32, #tpu.memory_space<vmem>>) target_semaphore(%arg24 : memref<!tpu.dma_semaphore, #tpu.memory_space<semaphore_mem>>)
        %dma_start3A_732 = arith.constant 1 : i32
        %dma_start3A_733 = arith.constant 1 : i32
        %dma_start3A_734 = arith.constant 32 : i32
        %dma_start3A_735 = tpu.memref_slice %arg14[%dma_start3A_733, %dma_start3A_734] : memref<6x128xi32, #tpu.memory_space<vmem>> -> memref<1x96xi32, #tpu.memory_space<vmem>>
        %dma_start3A_736 = tpu.memref_squeeze %dma_start3A_735 : memref<1x96xi32, #tpu.memory_space<vmem>> -> memref<96xi32, #tpu.memory_space<vmem>>
        %dma_start3A_737 = arith.constant 0 : i32
        %dma_start3A_738 = tpu.memref_slice %arg2[%dma_start3A_732, %dma_start3A_737] : memref<6x100000xi32, #tpu.memory_space<hbm>> -> memref<1x96xi32, #tpu.memory_space<hbm>>
        %dma_start3A_739 = tpu.memref_squeeze %dma_start3A_738 : memref<1x96xi32, #tpu.memory_space<hbm>> -> memref<96xi32, #tpu.memory_space<hbm>>
        %dma_start3A_740 = arith.constant 32 : i32
        %dma_start3A_741 = tpu.memref_slice %arg14[%dma_start3A_733, %dma_start3A_740] : memref<6x128xi32, #tpu.memory_space<vmem>> -> memref<1x96xi32, #tpu.memory_space<vmem>>
        %dma_start3A_742 = tpu.memref_squeeze %dma_start3A_741 : memref<1x96xi32, #tpu.memory_space<vmem>> -> memref<96xi32, #tpu.memory_space<vmem>>
        %dma_start3A_743 = arith.constant 0 : i32
        %dma_start3A_744 = tpu.memref_slice %arg2[%dma_start3A_732, %dma_start3A_743] : memref<6x100000xi32, #tpu.memory_space<hbm>> -> memref<1x96xi32, #tpu.memory_space<hbm>>
        %dma_start3A_745 = tpu.memref_squeeze %dma_start3A_744 : memref<1x96xi32, #tpu.memory_space<hbm>> -> memref<96xi32, #tpu.memory_space<hbm>>
        tpu.enqueue_dma source(%dma_start3A_745 : memref<96xi32, #tpu.memory_space<hbm>>) target(%dma_start3A_742 : memref<96xi32, #tpu.memory_space<vmem>>) target_semaphore(%arg24 : memref<!tpu.dma_semaphore, #tpu.memory_space<semaphore_mem>>)
        %dma_start3A_746 = arith.constant 2 : i32
        %dma_start3A_747 = arith.constant 2 : i32
        %dma_start3A_748 = arith.constant 0 : i32
        %dma_start3A_749 = tpu.memref_slice %arg14[%dma_start3A_747, %dma_start3A_748] : memref<6x128xi32, #tpu.memory_space<vmem>> -> memref<1x32xi32, #tpu.memory_space<vmem>>
        %dma_start3A_750 = tpu.memref_squeeze %dma_start3A_749 : memref<1x32xi32, #tpu.memory_space<vmem>> -> memref<32xi32, #tpu.memory_space<vmem>>
        %dma_start3A_751 = arith.constant 99968 : i32
        %dma_start3A_752 = tpu.memref_slice %arg2[%dma_start3A_746, %dma_start3A_751] : memref<6x100000xi32, #tpu.memory_space<hbm>> -> memref<1x32xi32, #tpu.memory_space<hbm>>
        %dma_start3A_753 = tpu.memref_squeeze %dma_start3A_752 : memref<1x32xi32, #tpu.memory_space<hbm>> -> memref<32xi32, #tpu.memory_space<hbm>>
        %dma_start3A_754 = arith.constant 0 : i32
        %dma_start3A_755 = tpu.memref_slice %arg14[%dma_start3A_747, %dma_start3A_754] : memref<6x128xi32, #tpu.memory_space<vmem>> -> memref<1x32xi32, #tpu.memory_space<vmem>>
        %dma_start3A_756 = tpu.memref_squeeze %dma_start3A_755 : memref<1x32xi32, #tpu.memory_space<vmem>> -> memref<32xi32, #tpu.memory_space<vmem>>
        %dma_start3A_757 = arith.constant 99968 : i32
        %dma_start3A_758 = tpu.memref_slice %arg2[%dma_start3A_746, %dma_start3A_757] : memref<6x100000xi32, #tpu.memory_space<hbm>> -> memref<1x32xi32, #tpu.memory_space<hbm>>
        %dma_start3A_759 = tpu.memref_squeeze %dma_start3A_758 : memref<1x32xi32, #tpu.memory_space<hbm>> -> memref<32xi32, #tpu.memory_space<hbm>>
        tpu.enqueue_dma source(%dma_start3A_759 : memref<32xi32, #tpu.memory_space<hbm>>) target(%dma_start3A_756 : memref<32xi32, #tpu.memory_space<vmem>>) target_semaphore(%arg24 : memref<!tpu.dma_semaphore, #tpu.memory_space<semaphore_mem>>)
        %dma_start3A_760 = arith.constant 2 : i32
        %dma_start3A_761 = arith.constant 2 : i32
        %dma_start3A_762 = arith.constant 32 : i32
        %dma_start3A_763 = tpu.memref_slice %arg14[%dma_start3A_761, %dma_start3A_762] : memref<6x128xi32, #tpu.memory_space<vmem>> -> memref<1x96xi32, #tpu.memory_space<vmem>>
        %dma_start3A_764 = tpu.memref_squeeze %dma_start3A_763 : memref<1x96xi32, #tpu.memory_space<vmem>> -> memref<96xi32, #tpu.memory_space<vmem>>
        %dma_start3A_765 = arith.constant 0 : i32
        %dma_start3A_766 = tpu.memref_slice %arg2[%dma_start3A_760, %dma_start3A_765] : memref<6x100000xi32, #tpu.memory_space<hbm>> -> memref<1x96xi32, #tpu.memory_space<hbm>>
        %dma_start3A_767 = tpu.memref_squeeze %dma_start3A_766 : memref<1x96xi32, #tpu.memory_space<hbm>> -> memref<96xi32, #tpu.memory_space<hbm>>
        %dma_start3A_768 = arith.constant 32 : i32
        %dma_start3A_769 = tpu.memref_slice %arg14[%dma_start3A_761, %dma_start3A_768] : memref<6x128xi32, #tpu.memory_space<vmem>> -> memref<1x96xi32, #tpu.memory_space<vmem>>
        %dma_start3A_770 = tpu.memref_squeeze %dma_start3A_769 : memref<1x96xi32, #tpu.memory_space<vmem>> -> memref<96xi32, #tpu.memory_space<vmem>>
        %dma_start3A_771 = arith.constant 0 : i32
        %dma_start3A_772 = tpu.memref_slice %arg2[%dma_start3A_760, %dma_start3A_771] : memref<6x100000xi32, #tpu.memory_space<hbm>> -> memref<1x96xi32, #tpu.memory_space<hbm>>
        %dma_start3A_773 = tpu.memref_squeeze %dma_start3A_772 : memref<1x96xi32, #tpu.memory_space<hbm>> -> memref<96xi32, #tpu.memory_space<hbm>>
        tpu.enqueue_dma source(%dma_start3A_773 : memref<96xi32, #tpu.memory_space<hbm>>) target(%dma_start3A_770 : memref<96xi32, #tpu.memory_space<vmem>>) target_semaphore(%arg24 : memref<!tpu.dma_semaphore, #tpu.memory_space<semaphore_mem>>)
        %dma_start3A_774 = arith.constant 3 : i32
        %dma_start3A_775 = arith.constant 3 : i32
        %dma_start3A_776 = arith.constant 0 : i32
        %dma_start3A_777 = tpu.memref_slice %arg14[%dma_start3A_775, %dma_start3A_776] : memref<6x128xi32, #tpu.memory_space<vmem>> -> memref<1x32xi32, #tpu.memory_space<vmem>>
        %dma_start3A_778 = tpu.memref_squeeze %dma_start3A_777 : memref<1x32xi32, #tpu.memory_space<vmem>> -> memref<32xi32, #tpu.memory_space<vmem>>
        %dma_start3A_779 = arith.constant 99968 : i32
        %dma_start3A_780 = tpu.memref_slice %arg2[%dma_start3A_774, %dma_start3A_779] : memref<6x100000xi32, #tpu.memory_space<hbm>> -> memref<1x32xi32, #tpu.memory_space<hbm>>
        %dma_start3A_781 = tpu.memref_squeeze %dma_start3A_780 : memref<1x32xi32, #tpu.memory_space<hbm>> -> memref<32xi32, #tpu.memory_space<hbm>>
        %dma_start3A_782 = arith.constant 0 : i32
        %dma_start3A_783 = tpu.memref_slice %arg14[%dma_start3A_775, %dma_start3A_782] : memref<6x128xi32, #tpu.memory_space<vmem>> -> memref<1x32xi32, #tpu.memory_space<vmem>>
        %dma_start3A_784 = tpu.memref_squeeze %dma_start3A_783 : memref<1x32xi32, #tpu.memory_space<vmem>> -> memref<32xi32, #tpu.memory_space<vmem>>
        %dma_start3A_785 = arith.constant 99968 : i32
        %dma_start3A_786 = tpu.memref_slice %arg2[%dma_start3A_774, %dma_start3A_785] : memref<6x100000xi32, #tpu.memory_space<hbm>> -> memref<1x32xi32, #tpu.memory_space<hbm>>
        %dma_start3A_787 = tpu.memref_squeeze %dma_start3A_786 : memref<1x32xi32, #tpu.memory_space<hbm>> -> memref<32xi32, #tpu.memory_space<hbm>>
        tpu.enqueue_dma source(%dma_start3A_787 : memref<32xi32, #tpu.memory_space<hbm>>) target(%dma_start3A_784 : memref<32xi32, #tpu.memory_space<vmem>>) target_semaphore(%arg24 : memref<!tpu.dma_semaphore, #tpu.memory_space<semaphore_mem>>)
        %dma_start3A_788 = arith.constant 3 : i32
        %dma_start3A_789 = arith.constant 3 : i32
        %dma_start3A_790 = arith.constant 32 : i32
        %dma_start3A_791 = tpu.memref_slice %arg14[%dma_start3A_789, %dma_start3A_790] : memref<6x128xi32, #tpu.memory_space<vmem>> -> memref<1x96xi32, #tpu.memory_space<vmem>>
        %dma_start3A_792 = tpu.memref_squeeze %dma_start3A_791 : memref<1x96xi32, #tpu.memory_space<vmem>> -> memref<96xi32, #tpu.memory_space<vmem>>
        %dma_start3A_793 = arith.constant 0 : i32
        %dma_start3A_794 = tpu.memref_slice %arg2[%dma_start3A_788, %dma_start3A_793] : memref<6x100000xi32, #tpu.memory_space<hbm>> -> memref<1x96xi32, #tpu.memory_space<hbm>>
        %dma_start3A_795 = tpu.memref_squeeze %dma_start3A_794 : memref<1x96xi32, #tpu.memory_space<hbm>> -> memref<96xi32, #tpu.memory_space<hbm>>
        %dma_start3A_796 = arith.constant 32 : i32
        %dma_start3A_797 = tpu.memref_slice %arg14[%dma_start3A_789, %dma_start3A_796] : memref<6x128xi32, #tpu.memory_space<vmem>> -> memref<1x96xi32, #tpu.memory_space<vmem>>
        %dma_start3A_798 = tpu.memref_squeeze %dma_start3A_797 : memref<1x96xi32, #tpu.memory_space<vmem>> -> memref<96xi32, #tpu.memory_space<vmem>>
        %dma_start3A_799 = arith.constant 0 : i32
        %dma_start3A_800 = tpu.memref_slice %arg2[%dma_start3A_788, %dma_start3A_799] : memref<6x100000xi32, #tpu.memory_space<hbm>> -> memref<1x96xi32, #tpu.memory_space<hbm>>
        %dma_start3A_801 = tpu.memref_squeeze %dma_start3A_800 : memref<1x96xi32, #tpu.memory_space<hbm>> -> memref<96xi32, #tpu.memory_space<hbm>>
        tpu.enqueue_dma source(%dma_start3A_801 : memref<96xi32, #tpu.memory_space<hbm>>) target(%dma_start3A_798 : memref<96xi32, #tpu.memory_space<vmem>>) target_semaphore(%arg24 : memref<!tpu.dma_semaphore, #tpu.memory_space<semaphore_mem>>)
        %dma_start3A_802 = arith.constant 4 : i32
        %dma_start3A_803 = arith.constant 4 : i32
        %dma_start3A_804 = arith.constant 0 : i32
        %dma_start3A_805 = tpu.memref_slice %arg14[%dma_start3A_803, %dma_start3A_804] : memref<6x128xi32, #tpu.memory_space<vmem>> -> memref<1x32xi32, #tpu.memory_space<vmem>>
        %dma_start3A_806 = tpu.memref_squeeze %dma_start3A_805 : memref<1x32xi32, #tpu.memory_space<vmem>> -> memref<32xi32, #tpu.memory_space<vmem>>
        %dma_start3A_807 = arith.constant 99968 : i32
        %dma_start3A_808 = tpu.memref_slice %arg2[%dma_start3A_802, %dma_start3A_807] : memref<6x100000xi32, #tpu.memory_space<hbm>> -> memref<1x32xi32, #tpu.memory_space<hbm>>
        %dma_start3A_809 = tpu.memref_squeeze %dma_start3A_808 : memref<1x32xi32, #tpu.memory_space<hbm>> -> memref<32xi32, #tpu.memory_space<hbm>>
        %dma_start3A_810 = arith.constant 0 : i32
        %dma_start3A_811 = tpu.memref_slice %arg14[%dma_start3A_803, %dma_start3A_810] : memref<6x128xi32, #tpu.memory_space<vmem>> -> memref<1x32xi32, #tpu.memory_space<vmem>>
        %dma_start3A_812 = tpu.memref_squeeze %dma_start3A_811 : memref<1x32xi32, #tpu.memory_space<vmem>> -> memref<32xi32, #tpu.memory_space<vmem>>
        %dma_start3A_813 = arith.constant 99968 : i32
        %dma_start3A_814 = tpu.memref_slice %arg2[%dma_start3A_802, %dma_start3A_813] : memref<6x100000xi32, #tpu.memory_space<hbm>> -> memref<1x32xi32, #tpu.memory_space<hbm>>
        %dma_start3A_815 = tpu.memref_squeeze %dma_start3A_814 : memref<1x32xi32, #tpu.memory_space<hbm>> -> memref<32xi32, #tpu.memory_space<hbm>>
        tpu.enqueue_dma source(%dma_start3A_815 : memref<32xi32, #tpu.memory_space<hbm>>) target(%dma_start3A_812 : memref<32xi32, #tpu.memory_space<vmem>>) target_semaphore(%arg24 : memref<!tpu.dma_semaphore, #tpu.memory_space<semaphore_mem>>)
        %dma_start3A_816 = arith.constant 4 : i32
        %dma_start3A_817 = arith.constant 4 : i32
        %dma_start3A_818 = arith.constant 32 : i32
        %dma_start3A_819 = tpu.memref_slice %arg14[%dma_start3A_817, %dma_start3A_818] : memref<6x128xi32, #tpu.memory_space<vmem>> -> memref<1x96xi32, #tpu.memory_space<vmem>>
        %dma_start3A_820 = tpu.memref_squeeze %dma_start3A_819 : memref<1x96xi32, #tpu.memory_space<vmem>> -> memref<96xi32, #tpu.memory_space<vmem>>
        %dma_start3A_821 = arith.constant 0 : i32
        %dma_start3A_822 = tpu.memref_slice %arg2[%dma_start3A_816, %dma_start3A_821] : memref<6x100000xi32, #tpu.memory_space<hbm>> -> memref<1x96xi32, #tpu.memory_space<hbm>>
        %dma_start3A_823 = tpu.memref_squeeze %dma_start3A_822 : memref<1x96xi32, #tpu.memory_space<hbm>> -> memref<96xi32, #tpu.memory_space<hbm>>
        %dma_start3A_824 = arith.constant 32 : i32
        %dma_start3A_825 = tpu.memref_slice %arg14[%dma_start3A_817, %dma_start3A_824] : memref<6x128xi32, #tpu.memory_space<vmem>> -> memref<1x96xi32, #tpu.memory_space<vmem>>
        %dma_start3A_826 = tpu.memref_squeeze %dma_start3A_825 : memref<1x96xi32, #tpu.memory_space<vmem>> -> memref<96xi32, #tpu.memory_space<vmem>>
        %dma_start3A_827 = arith.constant 0 : i32
        %dma_start3A_828 = tpu.memref_slice %arg2[%dma_start3A_816, %dma_start3A_827] : memref<6x100000xi32, #tpu.memory_space<hbm>> -> memref<1x96xi32, #tpu.memory_space<hbm>>
        %dma_start3A_829 = tpu.memref_squeeze %dma_start3A_828 : memref<1x96xi32, #tpu.memory_space<hbm>> -> memref<96xi32, #tpu.memory_space<hbm>>
        tpu.enqueue_dma source(%dma_start3A_829 : memref<96xi32, #tpu.memory_space<hbm>>) target(%dma_start3A_826 : memref<96xi32, #tpu.memory_space<vmem>>) target_semaphore(%arg24 : memref<!tpu.dma_semaphore, #tpu.memory_space<semaphore_mem>>)
        %dma_start3A_830 = arith.constant 5 : i32
        %dma_start3A_831 = arith.constant 5 : i32
        %dma_start3A_832 = arith.constant 0 : i32
        %dma_start3A_833 = tpu.memref_slice %arg14[%dma_start3A_831, %dma_start3A_832] : memref<6x128xi32, #tpu.memory_space<vmem>> -> memref<1x32xi32, #tpu.memory_space<vmem>>
        %dma_start3A_834 = tpu.memref_squeeze %dma_start3A_833 : memref<1x32xi32, #tpu.memory_space<vmem>> -> memref<32xi32, #tpu.memory_space<vmem>>
        %dma_start3A_835 = arith.constant 99968 : i32
        %dma_start3A_836 = tpu.memref_slice %arg2[%dma_start3A_830, %dma_start3A_835] : memref<6x100000xi32, #tpu.memory_space<hbm>> -> memref<1x32xi32, #tpu.memory_space<hbm>>
        %dma_start3A_837 = tpu.memref_squeeze %dma_start3A_836 : memref<1x32xi32, #tpu.memory_space<hbm>> -> memref<32xi32, #tpu.memory_space<hbm>>
        %dma_start3A_838 = arith.constant 0 : i32
        %dma_start3A_839 = tpu.memref_slice %arg14[%dma_start3A_831, %dma_start3A_838] : memref<6x128xi32, #tpu.memory_space<vmem>> -> memref<1x32xi32, #tpu.memory_space<vmem>>
        %dma_start3A_840 = tpu.memref_squeeze %dma_start3A_839 : memref<1x32xi32, #tpu.memory_space<vmem>> -> memref<32xi32, #tpu.memory_space<vmem>>
        %dma_start3A_841 = arith.constant 99968 : i32
        %dma_start3A_842 = tpu.memref_slice %arg2[%dma_start3A_830, %dma_start3A_841] : memref<6x100000xi32, #tpu.memory_space<hbm>> -> memref<1x32xi32, #tpu.memory_space<hbm>>
        %dma_start3A_843 = tpu.memref_squeeze %dma_start3A_842 : memref<1x32xi32, #tpu.memory_space<hbm>> -> memref<32xi32, #tpu.memory_space<hbm>>
        tpu.enqueue_dma source(%dma_start3A_843 : memref<32xi32, #tpu.memory_space<hbm>>) target(%dma_start3A_840 : memref<32xi32, #tpu.memory_space<vmem>>) target_semaphore(%arg24 : memref<!tpu.dma_semaphore, #tpu.memory_space<semaphore_mem>>)
        %dma_start3A_844 = arith.constant 5 : i32
        %dma_start3A_845 = arith.constant 5 : i32
        %dma_start3A_846 = arith.constant 32 : i32
        %dma_start3A_847 = tpu.memref_slice %arg14[%dma_start3A_845, %dma_start3A_846] : memref<6x128xi32, #tpu.memory_space<vmem>> -> memref<1x96xi32, #tpu.memory_space<vmem>>
        %dma_start3A_848 = tpu.memref_squeeze %dma_start3A_847 : memref<1x96xi32, #tpu.memory_space<vmem>> -> memref<96xi32, #tpu.memory_space<vmem>>
        %dma_start3A_849 = arith.constant 0 : i32
        %dma_start3A_850 = tpu.memref_slice %arg2[%dma_start3A_844, %dma_start3A_849] : memref<6x100000xi32, #tpu.memory_space<hbm>> -> memref<1x96xi32, #tpu.memory_space<hbm>>
        %dma_start3A_851 = tpu.memref_squeeze %dma_start3A_850 : memref<1x96xi32, #tpu.memory_space<hbm>> -> memref<96xi32, #tpu.memory_space<hbm>>
        %dma_start3A_852 = arith.constant 32 : i32
        %dma_start3A_853 = tpu.memref_slice %arg14[%dma_start3A_845, %dma_start3A_852] : memref<6x128xi32, #tpu.memory_space<vmem>> -> memref<1x96xi32, #tpu.memory_space<vmem>>
        %dma_start3A_854 = tpu.memref_squeeze %dma_start3A_853 : memref<1x96xi32, #tpu.memory_space<vmem>> -> memref<96xi32, #tpu.memory_space<vmem>>
        %dma_start3A_855 = arith.constant 0 : i32
        %dma_start3A_856 = tpu.memref_slice %arg2[%dma_start3A_844, %dma_start3A_855] : memref<6x100000xi32, #tpu.memory_space<hbm>> -> memref<1x96xi32, #tpu.memory_space<hbm>>
        %dma_start3A_857 = tpu.memref_squeeze %dma_start3A_856 : memref<1x96xi32, #tpu.memory_space<hbm>> -> memref<96xi32, #tpu.memory_space<hbm>>
        tpu.enqueue_dma source(%dma_start3A_857 : memref<96xi32, #tpu.memory_space<hbm>>) target(%dma_start3A_854 : memref<96xi32, #tpu.memory_space<vmem>>) target_semaphore(%arg24 : memref<!tpu.dma_semaphore, #tpu.memory_space<semaphore_mem>>)
      } else {
      }
      %add3A_556 = arith.constant 4 : i32
      %add3A_557 = arith.addi %mul3A_21, %add3A_556 : i32
      %sub3A_558 = arith.constant 5 : i32
      %sub3A_559 = arith.subi %add3A_557, %sub3A_558 : i32
      %mul3A_560 = arith.constant 32 : i32
      %mul3A_561 = arith.muli %sub3A_559, %mul3A_560 : i32
      %add3A_562 = arith.addi %add3A, %mul3A_561 : i32
      %ge3A_563 = arith.constant 0 : i32
      %ge3A_564 = arith.cmpi sge, %sub3A_559, %ge3A_563 : i32
      %lt3A_565 = arith.constant 781 : i32
      %lt3A_566 = arith.cmpi slt, %add3A_562, %lt3A_565 : i32
      %and3A_567 = arith.andi %ge3A_564, %lt3A_566 : i1
      %convert_element_type3A_568 = arith.extui %and3A_567 : i1 to i32
      %cond3A_569 = arith.constant 0 : i32
      %cond3A_570 = arith.cmpi ne, %convert_element_type3A_568, %cond3A_569 : i32
      scf.if %cond3A_570 {
        %mul3A_691 = arith.constant 128 : i32
        %mul3A_692 = arith.muli %add3A_562, %mul3A_691 : i32
        %dma_wait3A = arith.constant 0 : i32
        %dma_wait3A_693 = tpu.memref_slice %arg9[%mul3A_692, %dma_wait3A] : memref<100000x128xf32, #tpu.memory_space<hbm>> -> memref<128x128xf32, #tpu.memory_space<hbm>>
        %dma_wait3A_694 = arith.constant 0 : i32
        %dma_wait3A_695 = tpu.memref_slice %arg9[%mul3A_692, %dma_wait3A_694] : memref<100000x128xf32, #tpu.memory_space<hbm>> -> memref<128x128xf32, #tpu.memory_space<hbm>>
        tpu.wait_dma2 semaphore(%arg39 : memref<!tpu.dma_semaphore, #tpu.memory_space<semaphore_mem>>) src(%arg19 : memref<128x128xf32, #tpu.memory_space<vmem>>) dst(%dma_wait3A_695 : memref<128x128xf32, #tpu.memory_space<hbm>>)
      } else {
      }
      %ge3A_571 = arith.constant 0 : i32
      %ge3A_572 = arith.cmpi sge, %sub3A_559, %ge3A_571 : i32
      %eq3A_573 = arith.constant 781 : i32
      %eq3A_574 = arith.cmpi eq, %add3A_562, %eq3A_573 : i32
      %and3A_575 = arith.andi %ge3A_572, %eq3A_574 : i1
      %convert_element_type3A_576 = arith.extui %and3A_575 : i1 to i32
      %cond3A_577 = arith.constant 0 : i32
      %cond3A_578 = arith.cmpi ne, %convert_element_type3A_576, %cond3A_577 : i32
      scf.if %cond3A_578 {
        %dma_wait3A = arith.constant 0 : i32
        %dma_wait3A_691 = arith.constant 0 : i32
        %dma_wait3A_692 = tpu.memref_slice %arg19[%dma_wait3A, %dma_wait3A_691] : memref<128x128xf32, #tpu.memory_space<vmem>> -> memref<32x128xf32, #tpu.memory_space<vmem>>
        %dma_wait3A_693 = arith.constant 99968 : i32
        %dma_wait3A_694 = arith.constant 0 : i32
        %dma_wait3A_695 = tpu.memref_slice %arg9[%dma_wait3A_693, %dma_wait3A_694] : memref<100000x128xf32, #tpu.memory_space<hbm>> -> memref<32x128xf32, #tpu.memory_space<hbm>>
        %dma_wait3A_696 = arith.constant 99968 : i32
        %dma_wait3A_697 = arith.constant 0 : i32
        %dma_wait3A_698 = tpu.memref_slice %arg9[%dma_wait3A_696, %dma_wait3A_697] : memref<100000x128xf32, #tpu.memory_space<hbm>> -> memref<32x128xf32, #tpu.memory_space<hbm>>
        %dma_wait3A_699 = arith.constant 0 : i32
        %dma_wait3A_700 = arith.constant 0 : i32
        %dma_wait3A_701 = tpu.memref_slice %arg19[%dma_wait3A_699, %dma_wait3A_700] : memref<128x128xf32, #tpu.memory_space<vmem>> -> memref<32x128xf32, #tpu.memory_space<vmem>>
        tpu.wait_dma2 semaphore(%arg39 : memref<!tpu.dma_semaphore, #tpu.memory_space<semaphore_mem>>) src(%dma_wait3A_701 : memref<32x128xf32, #tpu.memory_space<vmem>>) dst(%dma_wait3A_698 : memref<32x128xf32, #tpu.memory_space<hbm>>)
      } else {
      }
      %mul3A_579 = arith.constant 32 : i32
      %mul3A_580 = arith.muli %add3A_557, %mul3A_579 : i32
      %add3A_581 = arith.addi %add3A, %mul3A_580 : i32
      %ge3A_582 = arith.constant 0 : i32
      %ge3A_583 = arith.cmpi sge, %add3A_557, %ge3A_582 : i32
      %lt3A_584 = arith.constant 781 : i32
      %lt3A_585 = arith.cmpi slt, %add3A_581, %lt3A_584 : i32
      %and3A_586 = arith.andi %ge3A_583, %lt3A_585 : i1
      %convert_element_type3A_587 = arith.extui %and3A_586 : i1 to i32
      %cond3A_588 = arith.constant 0 : i32
      %cond3A_589 = arith.cmpi ne, %convert_element_type3A_587, %cond3A_588 : i32
      scf.if %cond3A_589 {
        %mul3A_691 = arith.constant 128 : i32
        %mul3A_692 = arith.muli %add3A_581, %mul3A_691 : i32
        %dma_wait3A = arith.constant 0 : i32
        %dma_wait3A_693 = tpu.memref_slice %arg2[%dma_wait3A, %mul3A_692] : memref<6x100000xi32, #tpu.memory_space<hbm>> -> memref<6x128xi32, #tpu.memory_space<hbm>>
        %dma_wait3A_694 = arith.constant 0 : i32
        %dma_wait3A_695 = tpu.memref_slice %arg2[%dma_wait3A_694, %mul3A_692] : memref<6x100000xi32, #tpu.memory_space<hbm>> -> memref<6x128xi32, #tpu.memory_space<hbm>>
        tpu.wait_dma2 semaphore(%arg24 : memref<!tpu.dma_semaphore, #tpu.memory_space<semaphore_mem>>) src(%dma_wait3A_695 : memref<6x128xi32, #tpu.memory_space<hbm>>) dst(%arg14 : memref<6x128xi32, #tpu.memory_space<vmem>>)
      } else {
      }
      %ge3A_590 = arith.constant 0 : i32
      %ge3A_591 = arith.cmpi sge, %add3A_557, %ge3A_590 : i32
      %eq3A_592 = arith.constant 781 : i32
      %eq3A_593 = arith.cmpi eq, %add3A_581, %eq3A_592 : i32
      %and3A_594 = arith.andi %ge3A_591, %eq3A_593 : i1
      %convert_element_type3A_595 = arith.extui %and3A_594 : i1 to i32
      %cond3A_596 = arith.constant 0 : i32
      %cond3A_597 = arith.cmpi ne, %convert_element_type3A_595, %cond3A_596 : i32
      scf.if %cond3A_597 {
        %dma_wait3A = arith.constant 0 : i32
        %dma_wait3A_691 = arith.constant 0 : i32
        %dma_wait3A_692 = arith.constant 0 : i32
        %dma_wait3A_693 = tpu.memref_slice %arg14[%dma_wait3A_691, %dma_wait3A_692] : memref<6x128xi32, #tpu.memory_space<vmem>> -> memref<1x32xi32, #tpu.memory_space<vmem>>
        %dma_wait3A_694 = tpu.memref_squeeze %dma_wait3A_693 : memref<1x32xi32, #tpu.memory_space<vmem>> -> memref<32xi32, #tpu.memory_space<vmem>>
        %dma_wait3A_695 = arith.constant 99968 : i32
        %dma_wait3A_696 = tpu.memref_slice %arg2[%dma_wait3A, %dma_wait3A_695] : memref<6x100000xi32, #tpu.memory_space<hbm>> -> memref<1x32xi32, #tpu.memory_space<hbm>>
        %dma_wait3A_697 = tpu.memref_squeeze %dma_wait3A_696 : memref<1x32xi32, #tpu.memory_space<hbm>> -> memref<32xi32, #tpu.memory_space<hbm>>
        %dma_wait3A_698 = arith.constant 0 : i32
        %dma_wait3A_699 = tpu.memref_slice %arg14[%dma_wait3A_691, %dma_wait3A_698] : memref<6x128xi32, #tpu.memory_space<vmem>> -> memref<1x32xi32, #tpu.memory_space<vmem>>
        %dma_wait3A_700 = tpu.memref_squeeze %dma_wait3A_699 : memref<1x32xi32, #tpu.memory_space<vmem>> -> memref<32xi32, #tpu.memory_space<vmem>>
        %dma_wait3A_701 = arith.constant 99968 : i32
        %dma_wait3A_702 = tpu.memref_slice %arg2[%dma_wait3A, %dma_wait3A_701] : memref<6x100000xi32, #tpu.memory_space<hbm>> -> memref<1x32xi32, #tpu.memory_space<hbm>>
        %dma_wait3A_703 = tpu.memref_squeeze %dma_wait3A_702 : memref<1x32xi32, #tpu.memory_space<hbm>> -> memref<32xi32, #tpu.memory_space<hbm>>
        tpu.wait_dma2 semaphore(%arg24 : memref<!tpu.dma_semaphore, #tpu.memory_space<semaphore_mem>>) src(%dma_wait3A_703 : memref<32xi32, #tpu.memory_space<hbm>>) dst(%dma_wait3A_700 : memref<32xi32, #tpu.memory_space<vmem>>)
        %dma_wait3A_704 = arith.constant 0 : i32
        %dma_wait3A_705 = arith.constant 0 : i32
        %dma_wait3A_706 = arith.constant 32 : i32
        %dma_wait3A_707 = tpu.memref_slice %arg14[%dma_wait3A_705, %dma_wait3A_706] : memref<6x128xi32, #tpu.memory_space<vmem>> -> memref<1x96xi32, #tpu.memory_space<vmem>>
        %dma_wait3A_708 = tpu.memref_squeeze %dma_wait3A_707 : memref<1x96xi32, #tpu.memory_space<vmem>> -> memref<96xi32, #tpu.memory_space<vmem>>
        %dma_wait3A_709 = arith.constant 0 : i32
        %dma_wait3A_710 = tpu.memref_slice %arg2[%dma_wait3A_704, %dma_wait3A_709] : memref<6x100000xi32, #tpu.memory_space<hbm>> -> memref<1x96xi32, #tpu.memory_space<hbm>>
        %dma_wait3A_711 = tpu.memref_squeeze %dma_wait3A_710 : memref<1x96xi32, #tpu.memory_space<hbm>> -> memref<96xi32, #tpu.memory_space<hbm>>
        %dma_wait3A_712 = arith.constant 32 : i32
        %dma_wait3A_713 = tpu.memref_slice %arg14[%dma_wait3A_705, %dma_wait3A_712] : memref<6x128xi32, #tpu.memory_space<vmem>> -> memref<1x96xi32, #tpu.memory_space<vmem>>
        %dma_wait3A_714 = tpu.memref_squeeze %dma_wait3A_713 : memref<1x96xi32, #tpu.memory_space<vmem>> -> memref<96xi32, #tpu.memory_space<vmem>>
        %dma_wait3A_715 = arith.constant 0 : i32
        %dma_wait3A_716 = tpu.memref_slice %arg2[%dma_wait3A_704, %dma_wait3A_715] : memref<6x100000xi32, #tpu.memory_space<hbm>> -> memref<1x96xi32, #tpu.memory_space<hbm>>
        %dma_wait3A_717 = tpu.memref_squeeze %dma_wait3A_716 : memref<1x96xi32, #tpu.memory_space<hbm>> -> memref<96xi32, #tpu.memory_space<hbm>>
        tpu.wait_dma2 semaphore(%arg24 : memref<!tpu.dma_semaphore, #tpu.memory_space<semaphore_mem>>) src(%dma_wait3A_717 : memref<96xi32, #tpu.memory_space<hbm>>) dst(%dma_wait3A_714 : memref<96xi32, #tpu.memory_space<vmem>>)
        %dma_wait3A_718 = arith.constant 1 : i32
        %dma_wait3A_719 = arith.constant 1 : i32
        %dma_wait3A_720 = arith.constant 0 : i32
        %dma_wait3A_721 = tpu.memref_slice %arg14[%dma_wait3A_719, %dma_wait3A_720] : memref<6x128xi32, #tpu.memory_space<vmem>> -> memref<1x32xi32, #tpu.memory_space<vmem>>
        %dma_wait3A_722 = tpu.memref_squeeze %dma_wait3A_721 : memref<1x32xi32, #tpu.memory_space<vmem>> -> memref<32xi32, #tpu.memory_space<vmem>>
        %dma_wait3A_723 = arith.constant 99968 : i32
        %dma_wait3A_724 = tpu.memref_slice %arg2[%dma_wait3A_718, %dma_wait3A_723] : memref<6x100000xi32, #tpu.memory_space<hbm>> -> memref<1x32xi32, #tpu.memory_space<hbm>>
        %dma_wait3A_725 = tpu.memref_squeeze %dma_wait3A_724 : memref<1x32xi32, #tpu.memory_space<hbm>> -> memref<32xi32, #tpu.memory_space<hbm>>
        %dma_wait3A_726 = arith.constant 0 : i32
        %dma_wait3A_727 = tpu.memref_slice %arg14[%dma_wait3A_719, %dma_wait3A_726] : memref<6x128xi32, #tpu.memory_space<vmem>> -> memref<1x32xi32, #tpu.memory_space<vmem>>
        %dma_wait3A_728 = tpu.memref_squeeze %dma_wait3A_727 : memref<1x32xi32, #tpu.memory_space<vmem>> -> memref<32xi32, #tpu.memory_space<vmem>>
        %dma_wait3A_729 = arith.constant 99968 : i32
        %dma_wait3A_730 = tpu.memref_slice %arg2[%dma_wait3A_718, %dma_wait3A_729] : memref<6x100000xi32, #tpu.memory_space<hbm>> -> memref<1x32xi32, #tpu.memory_space<hbm>>
        %dma_wait3A_731 = tpu.memref_squeeze %dma_wait3A_730 : memref<1x32xi32, #tpu.memory_space<hbm>> -> memref<32xi32, #tpu.memory_space<hbm>>
        tpu.wait_dma2 semaphore(%arg24 : memref<!tpu.dma_semaphore, #tpu.memory_space<semaphore_mem>>) src(%dma_wait3A_731 : memref<32xi32, #tpu.memory_space<hbm>>) dst(%dma_wait3A_728 : memref<32xi32, #tpu.memory_space<vmem>>)
        %dma_wait3A_732 = arith.constant 1 : i32
        %dma_wait3A_733 = arith.constant 1 : i32
        %dma_wait3A_734 = arith.constant 32 : i32
        %dma_wait3A_735 = tpu.memref_slice %arg14[%dma_wait3A_733, %dma_wait3A_734] : memref<6x128xi32, #tpu.memory_space<vmem>> -> memref<1x96xi32, #tpu.memory_space<vmem>>
        %dma_wait3A_736 = tpu.memref_squeeze %dma_wait3A_735 : memref<1x96xi32, #tpu.memory_space<vmem>> -> memref<96xi32, #tpu.memory_space<vmem>>
        %dma_wait3A_737 = arith.constant 0 : i32
        %dma_wait3A_738 = tpu.memref_slice %arg2[%dma_wait3A_732, %dma_wait3A_737] : memref<6x100000xi32, #tpu.memory_space<hbm>> -> memref<1x96xi32, #tpu.memory_space<hbm>>
        %dma_wait3A_739 = tpu.memref_squeeze %dma_wait3A_738 : memref<1x96xi32, #tpu.memory_space<hbm>> -> memref<96xi32, #tpu.memory_space<hbm>>
        %dma_wait3A_740 = arith.constant 32 : i32
        %dma_wait3A_741 = tpu.memref_slice %arg14[%dma_wait3A_733, %dma_wait3A_740] : memref<6x128xi32, #tpu.memory_space<vmem>> -> memref<1x96xi32, #tpu.memory_space<vmem>>
        %dma_wait3A_742 = tpu.memref_squeeze %dma_wait3A_741 : memref<1x96xi32, #tpu.memory_space<vmem>> -> memref<96xi32, #tpu.memory_space<vmem>>
        %dma_wait3A_743 = arith.constant 0 : i32
        %dma_wait3A_744 = tpu.memref_slice %arg2[%dma_wait3A_732, %dma_wait3A_743] : memref<6x100000xi32, #tpu.memory_space<hbm>> -> memref<1x96xi32, #tpu.memory_space<hbm>>
        %dma_wait3A_745 = tpu.memref_squeeze %dma_wait3A_744 : memref<1x96xi32, #tpu.memory_space<hbm>> -> memref<96xi32, #tpu.memory_space<hbm>>
        tpu.wait_dma2 semaphore(%arg24 : memref<!tpu.dma_semaphore, #tpu.memory_space<semaphore_mem>>) src(%dma_wait3A_745 : memref<96xi32, #tpu.memory_space<hbm>>) dst(%dma_wait3A_742 : memref<96xi32, #tpu.memory_space<vmem>>)
        %dma_wait3A_746 = arith.constant 2 : i32
        %dma_wait3A_747 = arith.constant 2 : i32
        %dma_wait3A_748 = arith.constant 0 : i32
        %dma_wait3A_749 = tpu.memref_slice %arg14[%dma_wait3A_747, %dma_wait3A_748] : memref<6x128xi32, #tpu.memory_space<vmem>> -> memref<1x32xi32, #tpu.memory_space<vmem>>
        %dma_wait3A_750 = tpu.memref_squeeze %dma_wait3A_749 : memref<1x32xi32, #tpu.memory_space<vmem>> -> memref<32xi32, #tpu.memory_space<vmem>>
        %dma_wait3A_751 = arith.constant 99968 : i32
        %dma_wait3A_752 = tpu.memref_slice %arg2[%dma_wait3A_746, %dma_wait3A_751] : memref<6x100000xi32, #tpu.memory_space<hbm>> -> memref<1x32xi32, #tpu.memory_space<hbm>>
        %dma_wait3A_753 = tpu.memref_squeeze %dma_wait3A_752 : memref<1x32xi32, #tpu.memory_space<hbm>> -> memref<32xi32, #tpu.memory_space<hbm>>
        %dma_wait3A_754 = arith.constant 0 : i32
        %dma_wait3A_755 = tpu.memref_slice %arg14[%dma_wait3A_747, %dma_wait3A_754] : memref<6x128xi32, #tpu.memory_space<vmem>> -> memref<1x32xi32, #tpu.memory_space<vmem>>
        %dma_wait3A_756 = tpu.memref_squeeze %dma_wait3A_755 : memref<1x32xi32, #tpu.memory_space<vmem>> -> memref<32xi32, #tpu.memory_space<vmem>>
        %dma_wait3A_757 = arith.constant 99968 : i32
        %dma_wait3A_758 = tpu.memref_slice %arg2[%dma_wait3A_746, %dma_wait3A_757] : memref<6x100000xi32, #tpu.memory_space<hbm>> -> memref<1x32xi32, #tpu.memory_space<hbm>>
        %dma_wait3A_759 = tpu.memref_squeeze %dma_wait3A_758 : memref<1x32xi32, #tpu.memory_space<hbm>> -> memref<32xi32, #tpu.memory_space<hbm>>
        tpu.wait_dma2 semaphore(%arg24 : memref<!tpu.dma_semaphore, #tpu.memory_space<semaphore_mem>>) src(%dma_wait3A_759 : memref<32xi32, #tpu.memory_space<hbm>>) dst(%dma_wait3A_756 : memref<32xi32, #tpu.memory_space<vmem>>)
        %dma_wait3A_760 = arith.constant 2 : i32
        %dma_wait3A_761 = arith.constant 2 : i32
        %dma_wait3A_762 = arith.constant 32 : i32
        %dma_wait3A_763 = tpu.memref_slice %arg14[%dma_wait3A_761, %dma_wait3A_762] : memref<6x128xi32, #tpu.memory_space<vmem>> -> memref<1x96xi32, #tpu.memory_space<vmem>>
        %dma_wait3A_764 = tpu.memref_squeeze %dma_wait3A_763 : memref<1x96xi32, #tpu.memory_space<vmem>> -> memref<96xi32, #tpu.memory_space<vmem>>
        %dma_wait3A_765 = arith.constant 0 : i32
        %dma_wait3A_766 = tpu.memref_slice %arg2[%dma_wait3A_760, %dma_wait3A_765] : memref<6x100000xi32, #tpu.memory_space<hbm>> -> memref<1x96xi32, #tpu.memory_space<hbm>>
        %dma_wait3A_767 = tpu.memref_squeeze %dma_wait3A_766 : memref<1x96xi32, #tpu.memory_space<hbm>> -> memref<96xi32, #tpu.memory_space<hbm>>
        %dma_wait3A_768 = arith.constant 32 : i32
        %dma_wait3A_769 = tpu.memref_slice %arg14[%dma_wait3A_761, %dma_wait3A_768] : memref<6x128xi32, #tpu.memory_space<vmem>> -> memref<1x96xi32, #tpu.memory_space<vmem>>
        %dma_wait3A_770 = tpu.memref_squeeze %dma_wait3A_769 : memref<1x96xi32, #tpu.memory_space<vmem>> -> memref<96xi32, #tpu.memory_space<vmem>>
        %dma_wait3A_771 = arith.constant 0 : i32
        %dma_wait3A_772 = tpu.memref_slice %arg2[%dma_wait3A_760, %dma_wait3A_771] : memref<6x100000xi32, #tpu.memory_space<hbm>> -> memref<1x96xi32, #tpu.memory_space<hbm>>
        %dma_wait3A_773 = tpu.memref_squeeze %dma_wait3A_772 : memref<1x96xi32, #tpu.memory_space<hbm>> -> memref<96xi32, #tpu.memory_space<hbm>>
        tpu.wait_dma2 semaphore(%arg24 : memref<!tpu.dma_semaphore, #tpu.memory_space<semaphore_mem>>) src(%dma_wait3A_773 : memref<96xi32, #tpu.memory_space<hbm>>) dst(%dma_wait3A_770 : memref<96xi32, #tpu.memory_space<vmem>>)
        %dma_wait3A_774 = arith.constant 3 : i32
        %dma_wait3A_775 = arith.constant 3 : i32
        %dma_wait3A_776 = arith.constant 0 : i32
        %dma_wait3A_777 = tpu.memref_slice %arg14[%dma_wait3A_775, %dma_wait3A_776] : memref<6x128xi32, #tpu.memory_space<vmem>> -> memref<1x32xi32, #tpu.memory_space<vmem>>
        %dma_wait3A_778 = tpu.memref_squeeze %dma_wait3A_777 : memref<1x32xi32, #tpu.memory_space<vmem>> -> memref<32xi32, #tpu.memory_space<vmem>>
        %dma_wait3A_779 = arith.constant 99968 : i32
        %dma_wait3A_780 = tpu.memref_slice %arg2[%dma_wait3A_774, %dma_wait3A_779] : memref<6x100000xi32, #tpu.memory_space<hbm>> -> memref<1x32xi32, #tpu.memory_space<hbm>>
        %dma_wait3A_781 = tpu.memref_squeeze %dma_wait3A_780 : memref<1x32xi32, #tpu.memory_space<hbm>> -> memref<32xi32, #tpu.memory_space<hbm>>
        %dma_wait3A_782 = arith.constant 0 : i32
        %dma_wait3A_783 = tpu.memref_slice %arg14[%dma_wait3A_775, %dma_wait3A_782] : memref<6x128xi32, #tpu.memory_space<vmem>> -> memref<1x32xi32, #tpu.memory_space<vmem>>
        %dma_wait3A_784 = tpu.memref_squeeze %dma_wait3A_783 : memref<1x32xi32, #tpu.memory_space<vmem>> -> memref<32xi32, #tpu.memory_space<vmem>>
        %dma_wait3A_785 = arith.constant 99968 : i32
        %dma_wait3A_786 = tpu.memref_slice %arg2[%dma_wait3A_774, %dma_wait3A_785] : memref<6x100000xi32, #tpu.memory_space<hbm>> -> memref<1x32xi32, #tpu.memory_space<hbm>>
        %dma_wait3A_787 = tpu.memref_squeeze %dma_wait3A_786 : memref<1x32xi32, #tpu.memory_space<hbm>> -> memref<32xi32, #tpu.memory_space<hbm>>
        tpu.wait_dma2 semaphore(%arg24 : memref<!tpu.dma_semaphore, #tpu.memory_space<semaphore_mem>>) src(%dma_wait3A_787 : memref<32xi32, #tpu.memory_space<hbm>>) dst(%dma_wait3A_784 : memref<32xi32, #tpu.memory_space<vmem>>)
        %dma_wait3A_788 = arith.constant 3 : i32
        %dma_wait3A_789 = arith.constant 3 : i32
        %dma_wait3A_790 = arith.constant 32 : i32
        %dma_wait3A_791 = tpu.memref_slice %arg14[%dma_wait3A_789, %dma_wait3A_790] : memref<6x128xi32, #tpu.memory_space<vmem>> -> memref<1x96xi32, #tpu.memory_space<vmem>>
        %dma_wait3A_792 = tpu.memref_squeeze %dma_wait3A_791 : memref<1x96xi32, #tpu.memory_space<vmem>> -> memref<96xi32, #tpu.memory_space<vmem>>
        %dma_wait3A_793 = arith.constant 0 : i32
        %dma_wait3A_794 = tpu.memref_slice %arg2[%dma_wait3A_788, %dma_wait3A_793] : memref<6x100000xi32, #tpu.memory_space<hbm>> -> memref<1x96xi32, #tpu.memory_space<hbm>>
        %dma_wait3A_795 = tpu.memref_squeeze %dma_wait3A_794 : memref<1x96xi32, #tpu.memory_space<hbm>> -> memref<96xi32, #tpu.memory_space<hbm>>
        %dma_wait3A_796 = arith.constant 32 : i32
        %dma_wait3A_797 = tpu.memref_slice %arg14[%dma_wait3A_789, %dma_wait3A_796] : memref<6x128xi32, #tpu.memory_space<vmem>> -> memref<1x96xi32, #tpu.memory_space<vmem>>
        %dma_wait3A_798 = tpu.memref_squeeze %dma_wait3A_797 : memref<1x96xi32, #tpu.memory_space<vmem>> -> memref<96xi32, #tpu.memory_space<vmem>>
        %dma_wait3A_799 = arith.constant 0 : i32
        %dma_wait3A_800 = tpu.memref_slice %arg2[%dma_wait3A_788, %dma_wait3A_799] : memref<6x100000xi32, #tpu.memory_space<hbm>> -> memref<1x96xi32, #tpu.memory_space<hbm>>
        %dma_wait3A_801 = tpu.memref_squeeze %dma_wait3A_800 : memref<1x96xi32, #tpu.memory_space<hbm>> -> memref<96xi32, #tpu.memory_space<hbm>>
        tpu.wait_dma2 semaphore(%arg24 : memref<!tpu.dma_semaphore, #tpu.memory_space<semaphore_mem>>) src(%dma_wait3A_801 : memref<96xi32, #tpu.memory_space<hbm>>) dst(%dma_wait3A_798 : memref<96xi32, #tpu.memory_space<vmem>>)
        %dma_wait3A_802 = arith.constant 4 : i32
        %dma_wait3A_803 = arith.constant 4 : i32
        %dma_wait3A_804 = arith.constant 0 : i32
        %dma_wait3A_805 = tpu.memref_slice %arg14[%dma_wait3A_803, %dma_wait3A_804] : memref<6x128xi32, #tpu.memory_space<vmem>> -> memref<1x32xi32, #tpu.memory_space<vmem>>
        %dma_wait3A_806 = tpu.memref_squeeze %dma_wait3A_805 : memref<1x32xi32, #tpu.memory_space<vmem>> -> memref<32xi32, #tpu.memory_space<vmem>>
        %dma_wait3A_807 = arith.constant 99968 : i32
        %dma_wait3A_808 = tpu.memref_slice %arg2[%dma_wait3A_802, %dma_wait3A_807] : memref<6x100000xi32, #tpu.memory_space<hbm>> -> memref<1x32xi32, #tpu.memory_space<hbm>>
        %dma_wait3A_809 = tpu.memref_squeeze %dma_wait3A_808 : memref<1x32xi32, #tpu.memory_space<hbm>> -> memref<32xi32, #tpu.memory_space<hbm>>
        %dma_wait3A_810 = arith.constant 0 : i32
        %dma_wait3A_811 = tpu.memref_slice %arg14[%dma_wait3A_803, %dma_wait3A_810] : memref<6x128xi32, #tpu.memory_space<vmem>> -> memref<1x32xi32, #tpu.memory_space<vmem>>
        %dma_wait3A_812 = tpu.memref_squeeze %dma_wait3A_811 : memref<1x32xi32, #tpu.memory_space<vmem>> -> memref<32xi32, #tpu.memory_space<vmem>>
        %dma_wait3A_813 = arith.constant 99968 : i32
        %dma_wait3A_814 = tpu.memref_slice %arg2[%dma_wait3A_802, %dma_wait3A_813] : memref<6x100000xi32, #tpu.memory_space<hbm>> -> memref<1x32xi32, #tpu.memory_space<hbm>>
        %dma_wait3A_815 = tpu.memref_squeeze %dma_wait3A_814 : memref<1x32xi32, #tpu.memory_space<hbm>> -> memref<32xi32, #tpu.memory_space<hbm>>
        tpu.wait_dma2 semaphore(%arg24 : memref<!tpu.dma_semaphore, #tpu.memory_space<semaphore_mem>>) src(%dma_wait3A_815 : memref<32xi32, #tpu.memory_space<hbm>>) dst(%dma_wait3A_812 : memref<32xi32, #tpu.memory_space<vmem>>)
        %dma_wait3A_816 = arith.constant 4 : i32
        %dma_wait3A_817 = arith.constant 4 : i32
        %dma_wait3A_818 = arith.constant 32 : i32
        %dma_wait3A_819 = tpu.memref_slice %arg14[%dma_wait3A_817, %dma_wait3A_818] : memref<6x128xi32, #tpu.memory_space<vmem>> -> memref<1x96xi32, #tpu.memory_space<vmem>>
        %dma_wait3A_820 = tpu.memref_squeeze %dma_wait3A_819 : memref<1x96xi32, #tpu.memory_space<vmem>> -> memref<96xi32, #tpu.memory_space<vmem>>
        %dma_wait3A_821 = arith.constant 0 : i32
        %dma_wait3A_822 = tpu.memref_slice %arg2[%dma_wait3A_816, %dma_wait3A_821] : memref<6x100000xi32, #tpu.memory_space<hbm>> -> memref<1x96xi32, #tpu.memory_space<hbm>>
        %dma_wait3A_823 = tpu.memref_squeeze %dma_wait3A_822 : memref<1x96xi32, #tpu.memory_space<hbm>> -> memref<96xi32, #tpu.memory_space<hbm>>
        %dma_wait3A_824 = arith.constant 32 : i32
        %dma_wait3A_825 = tpu.memref_slice %arg14[%dma_wait3A_817, %dma_wait3A_824] : memref<6x128xi32, #tpu.memory_space<vmem>> -> memref<1x96xi32, #tpu.memory_space<vmem>>
        %dma_wait3A_826 = tpu.memref_squeeze %dma_wait3A_825 : memref<1x96xi32, #tpu.memory_space<vmem>> -> memref<96xi32, #tpu.memory_space<vmem>>
        %dma_wait3A_827 = arith.constant 0 : i32
        %dma_wait3A_828 = tpu.memref_slice %arg2[%dma_wait3A_816, %dma_wait3A_827] : memref<6x100000xi32, #tpu.memory_space<hbm>> -> memref<1x96xi32, #tpu.memory_space<hbm>>
        %dma_wait3A_829 = tpu.memref_squeeze %dma_wait3A_828 : memref<1x96xi32, #tpu.memory_space<hbm>> -> memref<96xi32, #tpu.memory_space<hbm>>
        tpu.wait_dma2 semaphore(%arg24 : memref<!tpu.dma_semaphore, #tpu.memory_space<semaphore_mem>>) src(%dma_wait3A_829 : memref<96xi32, #tpu.memory_space<hbm>>) dst(%dma_wait3A_826 : memref<96xi32, #tpu.memory_space<vmem>>)
        %dma_wait3A_830 = arith.constant 5 : i32
        %dma_wait3A_831 = arith.constant 5 : i32
        %dma_wait3A_832 = arith.constant 0 : i32
        %dma_wait3A_833 = tpu.memref_slice %arg14[%dma_wait3A_831, %dma_wait3A_832] : memref<6x128xi32, #tpu.memory_space<vmem>> -> memref<1x32xi32, #tpu.memory_space<vmem>>
        %dma_wait3A_834 = tpu.memref_squeeze %dma_wait3A_833 : memref<1x32xi32, #tpu.memory_space<vmem>> -> memref<32xi32, #tpu.memory_space<vmem>>
        %dma_wait3A_835 = arith.constant 99968 : i32
        %dma_wait3A_836 = tpu.memref_slice %arg2[%dma_wait3A_830, %dma_wait3A_835] : memref<6x100000xi32, #tpu.memory_space<hbm>> -> memref<1x32xi32, #tpu.memory_space<hbm>>
        %dma_wait3A_837 = tpu.memref_squeeze %dma_wait3A_836 : memref<1x32xi32, #tpu.memory_space<hbm>> -> memref<32xi32, #tpu.memory_space<hbm>>
        %dma_wait3A_838 = arith.constant 0 : i32
        %dma_wait3A_839 = tpu.memref_slice %arg14[%dma_wait3A_831, %dma_wait3A_838] : memref<6x128xi32, #tpu.memory_space<vmem>> -> memref<1x32xi32, #tpu.memory_space<vmem>>
        %dma_wait3A_840 = tpu.memref_squeeze %dma_wait3A_839 : memref<1x32xi32, #tpu.memory_space<vmem>> -> memref<32xi32, #tpu.memory_space<vmem>>
        %dma_wait3A_841 = arith.constant 99968 : i32
        %dma_wait3A_842 = tpu.memref_slice %arg2[%dma_wait3A_830, %dma_wait3A_841] : memref<6x100000xi32, #tpu.memory_space<hbm>> -> memref<1x32xi32, #tpu.memory_space<hbm>>
        %dma_wait3A_843 = tpu.memref_squeeze %dma_wait3A_842 : memref<1x32xi32, #tpu.memory_space<hbm>> -> memref<32xi32, #tpu.memory_space<hbm>>
        tpu.wait_dma2 semaphore(%arg24 : memref<!tpu.dma_semaphore, #tpu.memory_space<semaphore_mem>>) src(%dma_wait3A_843 : memref<32xi32, #tpu.memory_space<hbm>>) dst(%dma_wait3A_840 : memref<32xi32, #tpu.memory_space<vmem>>)
        %dma_wait3A_844 = arith.constant 5 : i32
        %dma_wait3A_845 = arith.constant 5 : i32
        %dma_wait3A_846 = arith.constant 32 : i32
        %dma_wait3A_847 = tpu.memref_slice %arg14[%dma_wait3A_845, %dma_wait3A_846] : memref<6x128xi32, #tpu.memory_space<vmem>> -> memref<1x96xi32, #tpu.memory_space<vmem>>
        %dma_wait3A_848 = tpu.memref_squeeze %dma_wait3A_847 : memref<1x96xi32, #tpu.memory_space<vmem>> -> memref<96xi32, #tpu.memory_space<vmem>>
        %dma_wait3A_849 = arith.constant 0 : i32
        %dma_wait3A_850 = tpu.memref_slice %arg2[%dma_wait3A_844, %dma_wait3A_849] : memref<6x100000xi32, #tpu.memory_space<hbm>> -> memref<1x96xi32, #tpu.memory_space<hbm>>
        %dma_wait3A_851 = tpu.memref_squeeze %dma_wait3A_850 : memref<1x96xi32, #tpu.memory_space<hbm>> -> memref<96xi32, #tpu.memory_space<hbm>>
        %dma_wait3A_852 = arith.constant 32 : i32
        %dma_wait3A_853 = tpu.memref_slice %arg14[%dma_wait3A_845, %dma_wait3A_852] : memref<6x128xi32, #tpu.memory_space<vmem>> -> memref<1x96xi32, #tpu.memory_space<vmem>>
        %dma_wait3A_854 = tpu.memref_squeeze %dma_wait3A_853 : memref<1x96xi32, #tpu.memory_space<vmem>> -> memref<96xi32, #tpu.memory_space<vmem>>
        %dma_wait3A_855 = arith.constant 0 : i32
        %dma_wait3A_856 = tpu.memref_slice %arg2[%dma_wait3A_844, %dma_wait3A_855] : memref<6x100000xi32, #tpu.memory_space<hbm>> -> memref<1x96xi32, #tpu.memory_space<hbm>>
        %dma_wait3A_857 = tpu.memref_squeeze %dma_wait3A_856 : memref<1x96xi32, #tpu.memory_space<hbm>> -> memref<96xi32, #tpu.memory_space<hbm>>
        tpu.wait_dma2 semaphore(%arg24 : memref<!tpu.dma_semaphore, #tpu.memory_space<semaphore_mem>>) src(%dma_wait3A_857 : memref<96xi32, #tpu.memory_space<hbm>>) dst(%dma_wait3A_854 : memref<96xi32, #tpu.memory_space<vmem>>)
      } else {
      }
      %ge3A_598 = arith.constant 0 : i32
      %ge3A_599 = arith.cmpi sge, %add3A_557, %ge3A_598 : i32
      %mul3A_600 = arith.constant 32 : i32
      %mul3A_601 = arith.muli %add3A_557, %mul3A_600 : i32
      %add3A_602 = arith.addi %add3A, %mul3A_601 : i32
      %lt3A_603 = arith.constant 782 : i32
      %lt3A_604 = arith.cmpi slt, %add3A_602, %lt3A_603 : i32
      %and3A_605 = arith.andi %ge3A_599, %lt3A_604 : i1
      %convert_element_type3A_606 = arith.extui %and3A_605 : i1 to i32
      %cond3A_607 = arith.constant 0 : i32
      %cond3A_608 = arith.cmpi ne, %convert_element_type3A_606, %cond3A_607 : i32
      scf.if %cond3A_608 {
        %dma_start3A = arith.constant 0 : i32
        %dma_start3A_691 = arith.constant 0 : i32
        %dma_start3A_692 = tpu.memref_slice %arg14[%dma_start3A, %dma_start3A_691] : memref<6x128xi32, #tpu.memory_space<vmem>> -> memref<1x128xi32, #tpu.memory_space<vmem>>
        %dma_start3A_693 = tpu.memref_squeeze %dma_start3A_692 : memref<1x128xi32, #tpu.memory_space<vmem>> -> memref<128xi32, #tpu.memory_space<vmem>>
        %dma_start3A_694 = arith.constant 0 : i32
        %dma_start3A_695 = arith.constant 0 : i32
        %dma_start3A_696 = tpu.memref_slice %arg3[%dma_start3A_694, %dma_start3A_695] : memref<100000x128xf32, #tpu.memory_space<hbm>> -> memref<100000x128xf32, #tpu.memory_space<hbm>>
        tpu.enqueue_indirect_dma source(%dma_start3A_696 : memref<100000x128xf32, #tpu.memory_space<hbm>>) target(%arg19 : memref<128x128xf32, #tpu.memory_space<vmem>>) offsets(%dma_start3A_693 : memref<128xi32, #tpu.memory_space<vmem>>) semaphore(%arg29 : memref<!tpu.dma_semaphore, #tpu.memory_space<semaphore_mem>>)
      } else {
      }
      %sub3A_609 = arith.constant 1 : i32
      %sub3A_610 = arith.subi %add3A_557, %sub3A_609 : i32
      %ge3A_611 = arith.constant 0 : i32
      %ge3A_612 = arith.cmpi sge, %sub3A_610, %ge3A_611 : i32
      %mul3A_613 = arith.constant 32 : i32
      %mul3A_614 = arith.muli %sub3A_610, %mul3A_613 : i32
      %add3A_615 = arith.addi %add3A, %mul3A_614 : i32
      %lt3A_616 = arith.constant 782 : i32
      %lt3A_617 = arith.cmpi slt, %add3A_615, %lt3A_616 : i32
      %and3A_618 = arith.andi %ge3A_612, %lt3A_617 : i1
      %convert_element_type3A_619 = arith.extui %and3A_618 : i1 to i32
      %cond3A_620 = arith.constant 0 : i32
      %cond3A_621 = arith.cmpi ne, %convert_element_type3A_619, %cond3A_620 : i32
      scf.if %cond3A_621 {
        %dma_wait3A = arith.constant 0 : i32
        %dma_wait3A_691 = arith.constant 0 : i32
        %dma_wait3A_692 = tpu.memref_slice %arg13[%dma_wait3A, %dma_wait3A_691] : memref<6x128xi32, #tpu.memory_space<vmem>> -> memref<1x128xi32, #tpu.memory_space<vmem>>
        %dma_wait3A_693 = tpu.memref_squeeze %dma_wait3A_692 : memref<1x128xi32, #tpu.memory_space<vmem>> -> memref<128xi32, #tpu.memory_space<vmem>>
        %dma_wait3A_694 = arith.constant 0 : i32
        %dma_wait3A_695 = arith.constant 0 : i32
        %dma_wait3A_696 = tpu.memref_slice %arg3[%dma_wait3A_694, %dma_wait3A_695] : memref<100000x128xf32, #tpu.memory_space<hbm>> -> memref<100000x128xf32, #tpu.memory_space<hbm>>
        tpu.wait_indirect_dma semaphore(%arg28 : memref<!tpu.dma_semaphore, #tpu.memory_space<semaphore_mem>>) src(%dma_wait3A_696 : memref<100000x128xf32, #tpu.memory_space<hbm>>) dst(%arg18 : memref<128x128xf32, #tpu.memory_space<vmem>>)
      } else {
      }
      %sub3A_622 = arith.constant 1 : i32
      %sub3A_623 = arith.subi %add3A_557, %sub3A_622 : i32
      %ge3A_624 = arith.constant 0 : i32
      %ge3A_625 = arith.cmpi sge, %sub3A_623, %ge3A_624 : i32
      %mul3A_626 = arith.constant 32 : i32
      %mul3A_627 = arith.muli %sub3A_623, %mul3A_626 : i32
      %add3A_628 = arith.addi %add3A, %mul3A_627 : i32
      %lt3A_629 = arith.constant 782 : i32
      %lt3A_630 = arith.cmpi slt, %add3A_628, %lt3A_629 : i32
      %and3A_631 = arith.andi %ge3A_625, %lt3A_630 : i1
      %convert_element_type3A_632 = arith.extui %and3A_631 : i1 to i32
      %cond3A_633 = arith.constant 0 : i32
      %cond3A_634 = arith.cmpi ne, %convert_element_type3A_632, %cond3A_633 : i32
      scf.if %cond3A_634 {
        %dma_start3A = arith.constant 1 : i32
        %dma_start3A_691 = arith.constant 0 : i32
        %dma_start3A_692 = tpu.memref_slice %arg13[%dma_start3A, %dma_start3A_691] : memref<6x128xi32, #tpu.memory_space<vmem>> -> memref<1x128xi32, #tpu.memory_space<vmem>>
        %dma_start3A_693 = tpu.memref_squeeze %dma_start3A_692 : memref<1x128xi32, #tpu.memory_space<vmem>> -> memref<128xi32, #tpu.memory_space<vmem>>
        %dma_start3A_694 = arith.constant 0 : i32
        %dma_start3A_695 = arith.constant 0 : i32
        %dma_start3A_696 = tpu.memref_slice %arg4[%dma_start3A_694, %dma_start3A_695] : memref<100000x128xf32, #tpu.memory_space<hbm>> -> memref<100000x128xf32, #tpu.memory_space<hbm>>
        tpu.enqueue_indirect_dma source(%dma_start3A_696 : memref<100000x128xf32, #tpu.memory_space<hbm>>) target(%arg18 : memref<128x128xf32, #tpu.memory_space<vmem>>) offsets(%dma_start3A_693 : memref<128xi32, #tpu.memory_space<vmem>>) semaphore(%arg33 : memref<!tpu.dma_semaphore, #tpu.memory_space<semaphore_mem>>) {add = true}
        %dma_start3A_697 = arith.constant 2 : i32
        %dma_start3A_698 = arith.constant 0 : i32
        %dma_start3A_699 = tpu.memref_slice %arg13[%dma_start3A_697, %dma_start3A_698] : memref<6x128xi32, #tpu.memory_space<vmem>> -> memref<1x128xi32, #tpu.memory_space<vmem>>
        %dma_start3A_700 = tpu.memref_squeeze %dma_start3A_699 : memref<1x128xi32, #tpu.memory_space<vmem>> -> memref<128xi32, #tpu.memory_space<vmem>>
        %dma_start3A_701 = arith.constant 0 : i32
        %dma_start3A_702 = arith.constant 0 : i32
        %dma_start3A_703 = tpu.memref_slice %arg5[%dma_start3A_701, %dma_start3A_702] : memref<100000x128xf32, #tpu.memory_space<hbm>> -> memref<100000x128xf32, #tpu.memory_space<hbm>>
        tpu.enqueue_indirect_dma source(%dma_start3A_703 : memref<100000x128xf32, #tpu.memory_space<hbm>>) target(%arg18 : memref<128x128xf32, #tpu.memory_space<vmem>>) offsets(%dma_start3A_700 : memref<128xi32, #tpu.memory_space<vmem>>) semaphore(%arg33 : memref<!tpu.dma_semaphore, #tpu.memory_space<semaphore_mem>>) {add = true}
        %dma_start3A_704 = arith.constant 3 : i32
        %dma_start3A_705 = arith.constant 0 : i32
        %dma_start3A_706 = tpu.memref_slice %arg13[%dma_start3A_704, %dma_start3A_705] : memref<6x128xi32, #tpu.memory_space<vmem>> -> memref<1x128xi32, #tpu.memory_space<vmem>>
        %dma_start3A_707 = tpu.memref_squeeze %dma_start3A_706 : memref<1x128xi32, #tpu.memory_space<vmem>> -> memref<128xi32, #tpu.memory_space<vmem>>
        %dma_start3A_708 = arith.constant 0 : i32
        %dma_start3A_709 = arith.constant 0 : i32
        %dma_start3A_710 = tpu.memref_slice %arg6[%dma_start3A_708, %dma_start3A_709] : memref<100000x128xf32, #tpu.memory_space<hbm>> -> memref<100000x128xf32, #tpu.memory_space<hbm>>
        tpu.enqueue_indirect_dma source(%dma_start3A_710 : memref<100000x128xf32, #tpu.memory_space<hbm>>) target(%arg18 : memref<128x128xf32, #tpu.memory_space<vmem>>) offsets(%dma_start3A_707 : memref<128xi32, #tpu.memory_space<vmem>>) semaphore(%arg33 : memref<!tpu.dma_semaphore, #tpu.memory_space<semaphore_mem>>) {add = true}
        %dma_start3A_711 = arith.constant 4 : i32
        %dma_start3A_712 = arith.constant 0 : i32
        %dma_start3A_713 = tpu.memref_slice %arg13[%dma_start3A_711, %dma_start3A_712] : memref<6x128xi32, #tpu.memory_space<vmem>> -> memref<1x128xi32, #tpu.memory_space<vmem>>
        %dma_start3A_714 = tpu.memref_squeeze %dma_start3A_713 : memref<1x128xi32, #tpu.memory_space<vmem>> -> memref<128xi32, #tpu.memory_space<vmem>>
        %dma_start3A_715 = arith.constant 0 : i32
        %dma_start3A_716 = arith.constant 0 : i32
        %dma_start3A_717 = tpu.memref_slice %arg7[%dma_start3A_715, %dma_start3A_716] : memref<100000x128xf32, #tpu.memory_space<hbm>> -> memref<100000x128xf32, #tpu.memory_space<hbm>>
        tpu.enqueue_indirect_dma source(%dma_start3A_717 : memref<100000x128xf32, #tpu.memory_space<hbm>>) target(%arg18 : memref<128x128xf32, #tpu.memory_space<vmem>>) offsets(%dma_start3A_714 : memref<128xi32, #tpu.memory_space<vmem>>) semaphore(%arg33 : memref<!tpu.dma_semaphore, #tpu.memory_space<semaphore_mem>>) {add = true}
        %dma_start3A_718 = arith.constant 5 : i32
        %dma_start3A_719 = arith.constant 0 : i32
        %dma_start3A_720 = tpu.memref_slice %arg13[%dma_start3A_718, %dma_start3A_719] : memref<6x128xi32, #tpu.memory_space<vmem>> -> memref<1x128xi32, #tpu.memory_space<vmem>>
        %dma_start3A_721 = tpu.memref_squeeze %dma_start3A_720 : memref<1x128xi32, #tpu.memory_space<vmem>> -> memref<128xi32, #tpu.memory_space<vmem>>
        %dma_start3A_722 = arith.constant 0 : i32
        %dma_start3A_723 = arith.constant 0 : i32
        %dma_start3A_724 = tpu.memref_slice %arg8[%dma_start3A_722, %dma_start3A_723] : memref<100000x128xf32, #tpu.memory_space<hbm>> -> memref<100000x128xf32, #tpu.memory_space<hbm>>
        tpu.enqueue_indirect_dma source(%dma_start3A_724 : memref<100000x128xf32, #tpu.memory_space<hbm>>) target(%arg18 : memref<128x128xf32, #tpu.memory_space<vmem>>) offsets(%dma_start3A_721 : memref<128xi32, #tpu.memory_space<vmem>>) semaphore(%arg33 : memref<!tpu.dma_semaphore, #tpu.memory_space<semaphore_mem>>) {add = true}
      } else {
      }
      %sub3A_635 = arith.constant 3 : i32
      %sub3A_636 = arith.subi %add3A_557, %sub3A_635 : i32
      %ge3A_637 = arith.constant 0 : i32
      %ge3A_638 = arith.cmpi sge, %sub3A_636, %ge3A_637 : i32
      %mul3A_639 = arith.constant 32 : i32
      %mul3A_640 = arith.muli %sub3A_636, %mul3A_639 : i32
      %add3A_641 = arith.addi %add3A, %mul3A_640 : i32
      %lt3A_642 = arith.constant 782 : i32
      %lt3A_643 = arith.cmpi slt, %add3A_641, %lt3A_642 : i32
      %and3A_644 = arith.andi %ge3A_638, %lt3A_643 : i1
      %convert_element_type3A_645 = arith.extui %and3A_644 : i1 to i32
      %cond3A_646 = arith.constant 0 : i32
      %cond3A_647 = arith.cmpi ne, %convert_element_type3A_645, %cond3A_646 : i32
      scf.if %cond3A_647 {
        %dma_wait3A = arith.constant 1 : i32
        %dma_wait3A_691 = arith.constant 0 : i32
        %dma_wait3A_692 = tpu.memref_slice %arg11[%dma_wait3A, %dma_wait3A_691] : memref<6x128xi32, #tpu.memory_space<vmem>> -> memref<1x128xi32, #tpu.memory_space<vmem>>
        %dma_wait3A_693 = tpu.memref_squeeze %dma_wait3A_692 : memref<1x128xi32, #tpu.memory_space<vmem>> -> memref<128xi32, #tpu.memory_space<vmem>>
        %dma_wait3A_694 = arith.constant 0 : i32
        %dma_wait3A_695 = arith.constant 0 : i32
        %dma_wait3A_696 = tpu.memref_slice %arg4[%dma_wait3A_694, %dma_wait3A_695] : memref<100000x128xf32, #tpu.memory_space<hbm>> -> memref<100000x128xf32, #tpu.memory_space<hbm>>
        tpu.wait_indirect_dma semaphore(%arg31 : memref<!tpu.dma_semaphore, #tpu.memory_space<semaphore_mem>>) src(%dma_wait3A_696 : memref<100000x128xf32, #tpu.memory_space<hbm>>) dst(%arg16 : memref<128x128xf32, #tpu.memory_space<vmem>>)
        %dma_wait3A_697 = arith.constant 2 : i32
        %dma_wait3A_698 = arith.constant 0 : i32
        %dma_wait3A_699 = tpu.memref_slice %arg11[%dma_wait3A_697, %dma_wait3A_698] : memref<6x128xi32, #tpu.memory_space<vmem>> -> memref<1x128xi32, #tpu.memory_space<vmem>>
        %dma_wait3A_700 = tpu.memref_squeeze %dma_wait3A_699 : memref<1x128xi32, #tpu.memory_space<vmem>> -> memref<128xi32, #tpu.memory_space<vmem>>
        %dma_wait3A_701 = arith.constant 0 : i32
        %dma_wait3A_702 = arith.constant 0 : i32
        %dma_wait3A_703 = tpu.memref_slice %arg5[%dma_wait3A_701, %dma_wait3A_702] : memref<100000x128xf32, #tpu.memory_space<hbm>> -> memref<100000x128xf32, #tpu.memory_space<hbm>>
        tpu.wait_indirect_dma semaphore(%arg31 : memref<!tpu.dma_semaphore, #tpu.memory_space<semaphore_mem>>) src(%dma_wait3A_703 : memref<100000x128xf32, #tpu.memory_space<hbm>>) dst(%arg16 : memref<128x128xf32, #tpu.memory_space<vmem>>)
        %dma_wait3A_704 = arith.constant 3 : i32
        %dma_wait3A_705 = arith.constant 0 : i32
        %dma_wait3A_706 = tpu.memref_slice %arg11[%dma_wait3A_704, %dma_wait3A_705] : memref<6x128xi32, #tpu.memory_space<vmem>> -> memref<1x128xi32, #tpu.memory_space<vmem>>
        %dma_wait3A_707 = tpu.memref_squeeze %dma_wait3A_706 : memref<1x128xi32, #tpu.memory_space<vmem>> -> memref<128xi32, #tpu.memory_space<vmem>>
        %dma_wait3A_708 = arith.constant 0 : i32
        %dma_wait3A_709 = arith.constant 0 : i32
        %dma_wait3A_710 = tpu.memref_slice %arg6[%dma_wait3A_708, %dma_wait3A_709] : memref<100000x128xf32, #tpu.memory_space<hbm>> -> memref<100000x128xf32, #tpu.memory_space<hbm>>
        tpu.wait_indirect_dma semaphore(%arg31 : memref<!tpu.dma_semaphore, #tpu.memory_space<semaphore_mem>>) src(%dma_wait3A_710 : memref<100000x128xf32, #tpu.memory_space<hbm>>) dst(%arg16 : memref<128x128xf32, #tpu.memory_space<vmem>>)
        %dma_wait3A_711 = arith.constant 4 : i32
        %dma_wait3A_712 = arith.constant 0 : i32
        %dma_wait3A_713 = tpu.memref_slice %arg11[%dma_wait3A_711, %dma_wait3A_712] : memref<6x128xi32, #tpu.memory_space<vmem>> -> memref<1x128xi32, #tpu.memory_space<vmem>>
        %dma_wait3A_714 = tpu.memref_squeeze %dma_wait3A_713 : memref<1x128xi32, #tpu.memory_space<vmem>> -> memref<128xi32, #tpu.memory_space<vmem>>
        %dma_wait3A_715 = arith.constant 0 : i32
        %dma_wait3A_716 = arith.constant 0 : i32
        %dma_wait3A_717 = tpu.memref_slice %arg7[%dma_wait3A_715, %dma_wait3A_716] : memref<100000x128xf32, #tpu.memory_space<hbm>> -> memref<100000x128xf32, #tpu.memory_space<hbm>>
        tpu.wait_indirect_dma semaphore(%arg31 : memref<!tpu.dma_semaphore, #tpu.memory_space<semaphore_mem>>) src(%dma_wait3A_717 : memref<100000x128xf32, #tpu.memory_space<hbm>>) dst(%arg16 : memref<128x128xf32, #tpu.memory_space<vmem>>)
        %dma_wait3A_718 = arith.constant 5 : i32
        %dma_wait3A_719 = arith.constant 0 : i32
        %dma_wait3A_720 = tpu.memref_slice %arg11[%dma_wait3A_718, %dma_wait3A_719] : memref<6x128xi32, #tpu.memory_space<vmem>> -> memref<1x128xi32, #tpu.memory_space<vmem>>
        %dma_wait3A_721 = tpu.memref_squeeze %dma_wait3A_720 : memref<1x128xi32, #tpu.memory_space<vmem>> -> memref<128xi32, #tpu.memory_space<vmem>>
        %dma_wait3A_722 = arith.constant 0 : i32
        %dma_wait3A_723 = arith.constant 0 : i32
        %dma_wait3A_724 = tpu.memref_slice %arg8[%dma_wait3A_722, %dma_wait3A_723] : memref<100000x128xf32, #tpu.memory_space<hbm>> -> memref<100000x128xf32, #tpu.memory_space<hbm>>
        tpu.wait_indirect_dma semaphore(%arg31 : memref<!tpu.dma_semaphore, #tpu.memory_space<semaphore_mem>>) src(%dma_wait3A_724 : memref<100000x128xf32, #tpu.memory_space<hbm>>) dst(%arg16 : memref<128x128xf32, #tpu.memory_space<vmem>>)
      } else {
      }
      %sub3A_648 = arith.constant 3 : i32
      %sub3A_649 = arith.subi %add3A_557, %sub3A_648 : i32
      %mul3A_650 = arith.constant 32 : i32
      %mul3A_651 = arith.muli %sub3A_649, %mul3A_650 : i32
      %add3A_652 = arith.addi %add3A, %mul3A_651 : i32
      %ge3A_653 = arith.constant 0 : i32
      %ge3A_654 = arith.cmpi sge, %sub3A_649, %ge3A_653 : i32
      %lt3A_655 = arith.constant 781 : i32
      %lt3A_656 = arith.cmpi slt, %add3A_652, %lt3A_655 : i32
      %and3A_657 = arith.andi %ge3A_654, %lt3A_656 : i1
      %convert_element_type3A_658 = arith.extui %and3A_657 : i1 to i32
      %cond3A_659 = arith.constant 0 : i32
      %cond3A_660 = arith.cmpi ne, %convert_element_type3A_658, %cond3A_659 : i32
      scf.if %cond3A_660 {
        %mul3A_691 = arith.constant 128 : i32
        %mul3A_692 = arith.muli %add3A_652, %mul3A_691 : i32
        %dma_start3A = arith.constant 0 : i32
        %dma_start3A_693 = tpu.memref_slice %arg9[%mul3A_692, %dma_start3A] : memref<100000x128xf32, #tpu.memory_space<hbm>> -> memref<128x128xf32, #tpu.memory_space<hbm>>
        %dma_start3A_694 = arith.constant 0 : i32
        %dma_start3A_695 = tpu.memref_slice %arg9[%mul3A_692, %dma_start3A_694] : memref<100000x128xf32, #tpu.memory_space<hbm>> -> memref<128x128xf32, #tpu.memory_space<hbm>>
        tpu.enqueue_dma source(%arg16 : memref<128x128xf32, #tpu.memory_space<vmem>>) target(%dma_start3A_695 : memref<128x128xf32, #tpu.memory_space<hbm>>) target_semaphore(%arg36 : memref<!tpu.dma_semaphore, #tpu.memory_space<semaphore_mem>>)
      } else {
      }
      %ge3A_661 = arith.constant 0 : i32
      %ge3A_662 = arith.cmpi sge, %sub3A_649, %ge3A_661 : i32
      %eq3A_663 = arith.constant 781 : i32
      %eq3A_664 = arith.cmpi eq, %add3A_652, %eq3A_663 : i32
      %and3A_665 = arith.andi %ge3A_662, %eq3A_664 : i1
      %convert_element_type3A_666 = arith.extui %and3A_665 : i1 to i32
      %cond3A_667 = arith.constant 0 : i32
      %cond3A_668 = arith.cmpi ne, %convert_element_type3A_666, %cond3A_667 : i32
      scf.if %cond3A_668 {
        %dma_start3A = arith.constant 0 : i32
        %dma_start3A_691 = arith.constant 0 : i32
        %dma_start3A_692 = tpu.memref_slice %arg16[%dma_start3A, %dma_start3A_691] : memref<128x128xf32, #tpu.memory_space<vmem>> -> memref<32x128xf32, #tpu.memory_space<vmem>>
        %dma_start3A_693 = arith.constant 99968 : i32
        %dma_start3A_694 = arith.constant 0 : i32
        %dma_start3A_695 = tpu.memref_slice %arg9[%dma_start3A_693, %dma_start3A_694] : memref<100000x128xf32, #tpu.memory_space<hbm>> -> memref<32x128xf32, #tpu.memory_space<hbm>>
        %dma_start3A_696 = arith.constant 99968 : i32
        %dma_start3A_697 = arith.constant 0 : i32
        %dma_start3A_698 = tpu.memref_slice %arg9[%dma_start3A_696, %dma_start3A_697] : memref<100000x128xf32, #tpu.memory_space<hbm>> -> memref<32x128xf32, #tpu.memory_space<hbm>>
        %dma_start3A_699 = arith.constant 0 : i32
        %dma_start3A_700 = arith.constant 0 : i32
        %dma_start3A_701 = tpu.memref_slice %arg16[%dma_start3A_699, %dma_start3A_700] : memref<128x128xf32, #tpu.memory_space<vmem>> -> memref<32x128xf32, #tpu.memory_space<vmem>>
        tpu.enqueue_dma source(%dma_start3A_701 : memref<32x128xf32, #tpu.memory_space<vmem>>) target(%dma_start3A_698 : memref<32x128xf32, #tpu.memory_space<hbm>>) target_semaphore(%arg36 : memref<!tpu.dma_semaphore, #tpu.memory_space<semaphore_mem>>)
      } else {
      }
      %add3A_669 = arith.constant 1 : i32
      %add3A_670 = arith.addi %add3A_557, %add3A_669 : i32
      %mul3A_671 = arith.constant 32 : i32
      %mul3A_672 = arith.muli %add3A_670, %mul3A_671 : i32
      %add3A_673 = arith.addi %add3A, %mul3A_672 : i32
      %ge3A_674 = arith.constant 0 : i32
      %ge3A_675 = arith.cmpi sge, %add3A_670, %ge3A_674 : i32
      %lt3A_676 = arith.constant 781 : i32
      %lt3A_677 = arith.cmpi slt, %add3A_673, %lt3A_676 : i32
      %and3A_678 = arith.andi %ge3A_675, %lt3A_677 : i1
      %convert_element_type3A_679 = arith.extui %and3A_678 : i1 to i32
      %cond3A_680 = arith.constant 0 : i32
      %cond3A_681 = arith.cmpi ne, %convert_element_type3A_679, %cond3A_680 : i32
      scf.if %cond3A_681 {
        %mul3A_691 = arith.constant 128 : i32
        %mul3A_692 = arith.muli %add3A_673, %mul3A_691 : i32
        %dma_start3A = arith.constant 0 : i32
        %dma_start3A_693 = tpu.memref_slice %arg2[%dma_start3A, %mul3A_692] : memref<6x100000xi32, #tpu.memory_space<hbm>> -> memref<6x128xi32, #tpu.memory_space<hbm>>
        %dma_start3A_694 = arith.constant 0 : i32
        %dma_start3A_695 = tpu.memref_slice %arg2[%dma_start3A_694, %mul3A_692] : memref<6x100000xi32, #tpu.memory_space<hbm>> -> memref<6x128xi32, #tpu.memory_space<hbm>>
        tpu.enqueue_dma source(%dma_start3A_695 : memref<6x128xi32, #tpu.memory_space<hbm>>) target(%arg10 : memref<6x128xi32, #tpu.memory_space<vmem>>) target_semaphore(%arg20 : memref<!tpu.dma_semaphore, #tpu.memory_space<semaphore_mem>>)
      } else {
      }
      %ge3A_682 = arith.constant 0 : i32
      %ge3A_683 = arith.cmpi sge, %add3A_670, %ge3A_682 : i32
      %eq3A_684 = arith.constant 781 : i32
      %eq3A_685 = arith.cmpi eq, %add3A_673, %eq3A_684 : i32
      %and3A_686 = arith.andi %ge3A_683, %eq3A_685 : i1
      %convert_element_type3A_687 = arith.extui %and3A_686 : i1 to i32
      %cond3A_688 = arith.constant 0 : i32
      %cond3A_689 = arith.cmpi ne, %convert_element_type3A_687, %cond3A_688 : i32
      scf.if %cond3A_689 {
        %dma_start3A = arith.constant 0 : i32
        %dma_start3A_691 = arith.constant 0 : i32
        %dma_start3A_692 = arith.constant 0 : i32
        %dma_start3A_693 = tpu.memref_slice %arg10[%dma_start3A_691, %dma_start3A_692] : memref<6x128xi32, #tpu.memory_space<vmem>> -> memref<1x32xi32, #tpu.memory_space<vmem>>
        %dma_start3A_694 = tpu.memref_squeeze %dma_start3A_693 : memref<1x32xi32, #tpu.memory_space<vmem>> -> memref<32xi32, #tpu.memory_space<vmem>>
        %dma_start3A_695 = arith.constant 99968 : i32
        %dma_start3A_696 = tpu.memref_slice %arg2[%dma_start3A, %dma_start3A_695] : memref<6x100000xi32, #tpu.memory_space<hbm>> -> memref<1x32xi32, #tpu.memory_space<hbm>>
        %dma_start3A_697 = tpu.memref_squeeze %dma_start3A_696 : memref<1x32xi32, #tpu.memory_space<hbm>> -> memref<32xi32, #tpu.memory_space<hbm>>
        %dma_start3A_698 = arith.constant 0 : i32
        %dma_start3A_699 = tpu.memref_slice %arg10[%dma_start3A_691, %dma_start3A_698] : memref<6x128xi32, #tpu.memory_space<vmem>> -> memref<1x32xi32, #tpu.memory_space<vmem>>
        %dma_start3A_700 = tpu.memref_squeeze %dma_start3A_699 : memref<1x32xi32, #tpu.memory_space<vmem>> -> memref<32xi32, #tpu.memory_space<vmem>>
        %dma_start3A_701 = arith.constant 99968 : i32
        %dma_start3A_702 = tpu.memref_slice %arg2[%dma_start3A, %dma_start3A_701] : memref<6x100000xi32, #tpu.memory_space<hbm>> -> memref<1x32xi32, #tpu.memory_space<hbm>>
        %dma_start3A_703 = tpu.memref_squeeze %dma_start3A_702 : memref<1x32xi32, #tpu.memory_space<hbm>> -> memref<32xi32, #tpu.memory_space<hbm>>
        tpu.enqueue_dma source(%dma_start3A_703 : memref<32xi32, #tpu.memory_space<hbm>>) target(%dma_start3A_700 : memref<32xi32, #tpu.memory_space<vmem>>) target_semaphore(%arg20 : memref<!tpu.dma_semaphore, #tpu.memory_space<semaphore_mem>>)
        %dma_start3A_704 = arith.constant 0 : i32
        %dma_start3A_705 = arith.constant 0 : i32
        %dma_start3A_706 = arith.constant 32 : i32
        %dma_start3A_707 = tpu.memref_slice %arg10[%dma_start3A_705, %dma_start3A_706] : memref<6x128xi32, #tpu.memory_space<vmem>> -> memref<1x96xi32, #tpu.memory_space<vmem>>
        %dma_start3A_708 = tpu.memref_squeeze %dma_start3A_707 : memref<1x96xi32, #tpu.memory_space<vmem>> -> memref<96xi32, #tpu.memory_space<vmem>>
        %dma_start3A_709 = arith.constant 0 : i32
        %dma_start3A_710 = tpu.memref_slice %arg2[%dma_start3A_704, %dma_start3A_709] : memref<6x100000xi32, #tpu.memory_space<hbm>> -> memref<1x96xi32, #tpu.memory_space<hbm>>
        %dma_start3A_711 = tpu.memref_squeeze %dma_start3A_710 : memref<1x96xi32, #tpu.memory_space<hbm>> -> memref<96xi32, #tpu.memory_space<hbm>>
        %dma_start3A_712 = arith.constant 32 : i32
        %dma_start3A_713 = tpu.memref_slice %arg10[%dma_start3A_705, %dma_start3A_712] : memref<6x128xi32, #tpu.memory_space<vmem>> -> memref<1x96xi32, #tpu.memory_space<vmem>>
        %dma_start3A_714 = tpu.memref_squeeze %dma_start3A_713 : memref<1x96xi32, #tpu.memory_space<vmem>> -> memref<96xi32, #tpu.memory_space<vmem>>
        %dma_start3A_715 = arith.constant 0 : i32
        %dma_start3A_716 = tpu.memref_slice %arg2[%dma_start3A_704, %dma_start3A_715] : memref<6x100000xi32, #tpu.memory_space<hbm>> -> memref<1x96xi32, #tpu.memory_space<hbm>>
        %dma_start3A_717 = tpu.memref_squeeze %dma_start3A_716 : memref<1x96xi32, #tpu.memory_space<hbm>> -> memref<96xi32, #tpu.memory_space<hbm>>
        tpu.enqueue_dma source(%dma_start3A_717 : memref<96xi32, #tpu.memory_space<hbm>>) target(%dma_start3A_714 : memref<96xi32, #tpu.memory_space<vmem>>) target_semaphore(%arg20 : memref<!tpu.dma_semaphore, #tpu.memory_space<semaphore_mem>>)
        %dma_start3A_718 = arith.constant 1 : i32
        %dma_start3A_719 = arith.constant 1 : i32
        %dma_start3A_720 = arith.constant 0 : i32
        %dma_start3A_721 = tpu.memref_slice %arg10[%dma_start3A_719, %dma_start3A_720] : memref<6x128xi32, #tpu.memory_space<vmem>> -> memref<1x32xi32, #tpu.memory_space<vmem>>
        %dma_start3A_722 = tpu.memref_squeeze %dma_start3A_721 : memref<1x32xi32, #tpu.memory_space<vmem>> -> memref<32xi32, #tpu.memory_space<vmem>>
        %dma_start3A_723 = arith.constant 99968 : i32
        %dma_start3A_724 = tpu.memref_slice %arg2[%dma_start3A_718, %dma_start3A_723] : memref<6x100000xi32, #tpu.memory_space<hbm>> -> memref<1x32xi32, #tpu.memory_space<hbm>>
        %dma_start3A_725 = tpu.memref_squeeze %dma_start3A_724 : memref<1x32xi32, #tpu.memory_space<hbm>> -> memref<32xi32, #tpu.memory_space<hbm>>
        %dma_start3A_726 = arith.constant 0 : i32
        %dma_start3A_727 = tpu.memref_slice %arg10[%dma_start3A_719, %dma_start3A_726] : memref<6x128xi32, #tpu.memory_space<vmem>> -> memref<1x32xi32, #tpu.memory_space<vmem>>
        %dma_start3A_728 = tpu.memref_squeeze %dma_start3A_727 : memref<1x32xi32, #tpu.memory_space<vmem>> -> memref<32xi32, #tpu.memory_space<vmem>>
        %dma_start3A_729 = arith.constant 99968 : i32
        %dma_start3A_730 = tpu.memref_slice %arg2[%dma_start3A_718, %dma_start3A_729] : memref<6x100000xi32, #tpu.memory_space<hbm>> -> memref<1x32xi32, #tpu.memory_space<hbm>>
        %dma_start3A_731 = tpu.memref_squeeze %dma_start3A_730 : memref<1x32xi32, #tpu.memory_space<hbm>> -> memref<32xi32, #tpu.memory_space<hbm>>
        tpu.enqueue_dma source(%dma_start3A_731 : memref<32xi32, #tpu.memory_space<hbm>>) target(%dma_start3A_728 : memref<32xi32, #tpu.memory_space<vmem>>) target_semaphore(%arg20 : memref<!tpu.dma_semaphore, #tpu.memory_space<semaphore_mem>>)
        %dma_start3A_732 = arith.constant 1 : i32
        %dma_start3A_733 = arith.constant 1 : i32
        %dma_start3A_734 = arith.constant 32 : i32
        %dma_start3A_735 = tpu.memref_slice %arg10[%dma_start3A_733, %dma_start3A_734] : memref<6x128xi32, #tpu.memory_space<vmem>> -> memref<1x96xi32, #tpu.memory_space<vmem>>
        %dma_start3A_736 = tpu.memref_squeeze %dma_start3A_735 : memref<1x96xi32, #tpu.memory_space<vmem>> -> memref<96xi32, #tpu.memory_space<vmem>>
        %dma_start3A_737 = arith.constant 0 : i32
        %dma_start3A_738 = tpu.memref_slice %arg2[%dma_start3A_732, %dma_start3A_737] : memref<6x100000xi32, #tpu.memory_space<hbm>> -> memref<1x96xi32, #tpu.memory_space<hbm>>
        %dma_start3A_739 = tpu.memref_squeeze %dma_start3A_738 : memref<1x96xi32, #tpu.memory_space<hbm>> -> memref<96xi32, #tpu.memory_space<hbm>>
        %dma_start3A_740 = arith.constant 32 : i32
        %dma_start3A_741 = tpu.memref_slice %arg10[%dma_start3A_733, %dma_start3A_740] : memref<6x128xi32, #tpu.memory_space<vmem>> -> memref<1x96xi32, #tpu.memory_space<vmem>>
        %dma_start3A_742 = tpu.memref_squeeze %dma_start3A_741 : memref<1x96xi32, #tpu.memory_space<vmem>> -> memref<96xi32, #tpu.memory_space<vmem>>
        %dma_start3A_743 = arith.constant 0 : i32
        %dma_start3A_744 = tpu.memref_slice %arg2[%dma_start3A_732, %dma_start3A_743] : memref<6x100000xi32, #tpu.memory_space<hbm>> -> memref<1x96xi32, #tpu.memory_space<hbm>>
        %dma_start3A_745 = tpu.memref_squeeze %dma_start3A_744 : memref<1x96xi32, #tpu.memory_space<hbm>> -> memref<96xi32, #tpu.memory_space<hbm>>
        tpu.enqueue_dma source(%dma_start3A_745 : memref<96xi32, #tpu.memory_space<hbm>>) target(%dma_start3A_742 : memref<96xi32, #tpu.memory_space<vmem>>) target_semaphore(%arg20 : memref<!tpu.dma_semaphore, #tpu.memory_space<semaphore_mem>>)
        %dma_start3A_746 = arith.constant 2 : i32
        %dma_start3A_747 = arith.constant 2 : i32
        %dma_start3A_748 = arith.constant 0 : i32
        %dma_start3A_749 = tpu.memref_slice %arg10[%dma_start3A_747, %dma_start3A_748] : memref<6x128xi32, #tpu.memory_space<vmem>> -> memref<1x32xi32, #tpu.memory_space<vmem>>
        %dma_start3A_750 = tpu.memref_squeeze %dma_start3A_749 : memref<1x32xi32, #tpu.memory_space<vmem>> -> memref<32xi32, #tpu.memory_space<vmem>>
        %dma_start3A_751 = arith.constant 99968 : i32
        %dma_start3A_752 = tpu.memref_slice %arg2[%dma_start3A_746, %dma_start3A_751] : memref<6x100000xi32, #tpu.memory_space<hbm>> -> memref<1x32xi32, #tpu.memory_space<hbm>>
        %dma_start3A_753 = tpu.memref_squeeze %dma_start3A_752 : memref<1x32xi32, #tpu.memory_space<hbm>> -> memref<32xi32, #tpu.memory_space<hbm>>
        %dma_start3A_754 = arith.constant 0 : i32
        %dma_start3A_755 = tpu.memref_slice %arg10[%dma_start3A_747, %dma_start3A_754] : memref<6x128xi32, #tpu.memory_space<vmem>> -> memref<1x32xi32, #tpu.memory_space<vmem>>
        %dma_start3A_756 = tpu.memref_squeeze %dma_start3A_755 : memref<1x32xi32, #tpu.memory_space<vmem>> -> memref<32xi32, #tpu.memory_space<vmem>>
        %dma_start3A_757 = arith.constant 99968 : i32
        %dma_start3A_758 = tpu.memref_slice %arg2[%dma_start3A_746, %dma_start3A_757] : memref<6x100000xi32, #tpu.memory_space<hbm>> -> memref<1x32xi32, #tpu.memory_space<hbm>>
        %dma_start3A_759 = tpu.memref_squeeze %dma_start3A_758 : memref<1x32xi32, #tpu.memory_space<hbm>> -> memref<32xi32, #tpu.memory_space<hbm>>
        tpu.enqueue_dma source(%dma_start3A_759 : memref<32xi32, #tpu.memory_space<hbm>>) target(%dma_start3A_756 : memref<32xi32, #tpu.memory_space<vmem>>) target_semaphore(%arg20 : memref<!tpu.dma_semaphore, #tpu.memory_space<semaphore_mem>>)
        %dma_start3A_760 = arith.constant 2 : i32
        %dma_start3A_761 = arith.constant 2 : i32
        %dma_start3A_762 = arith.constant 32 : i32
        %dma_start3A_763 = tpu.memref_slice %arg10[%dma_start3A_761, %dma_start3A_762] : memref<6x128xi32, #tpu.memory_space<vmem>> -> memref<1x96xi32, #tpu.memory_space<vmem>>
        %dma_start3A_764 = tpu.memref_squeeze %dma_start3A_763 : memref<1x96xi32, #tpu.memory_space<vmem>> -> memref<96xi32, #tpu.memory_space<vmem>>
        %dma_start3A_765 = arith.constant 0 : i32
        %dma_start3A_766 = tpu.memref_slice %arg2[%dma_start3A_760, %dma_start3A_765] : memref<6x100000xi32, #tpu.memory_space<hbm>> -> memref<1x96xi32, #tpu.memory_space<hbm>>
        %dma_start3A_767 = tpu.memref_squeeze %dma_start3A_766 : memref<1x96xi32, #tpu.memory_space<hbm>> -> memref<96xi32, #tpu.memory_space<hbm>>
        %dma_start3A_768 = arith.constant 32 : i32
        %dma_start3A_769 = tpu.memref_slice %arg10[%dma_start3A_761, %dma_start3A_768] : memref<6x128xi32, #tpu.memory_space<vmem>> -> memref<1x96xi32, #tpu.memory_space<vmem>>
        %dma_start3A_770 = tpu.memref_squeeze %dma_start3A_769 : memref<1x96xi32, #tpu.memory_space<vmem>> -> memref<96xi32, #tpu.memory_space<vmem>>
        %dma_start3A_771 = arith.constant 0 : i32
        %dma_start3A_772 = tpu.memref_slice %arg2[%dma_start3A_760, %dma_start3A_771] : memref<6x100000xi32, #tpu.memory_space<hbm>> -> memref<1x96xi32, #tpu.memory_space<hbm>>
        %dma_start3A_773 = tpu.memref_squeeze %dma_start3A_772 : memref<1x96xi32, #tpu.memory_space<hbm>> -> memref<96xi32, #tpu.memory_space<hbm>>
        tpu.enqueue_dma source(%dma_start3A_773 : memref<96xi32, #tpu.memory_space<hbm>>) target(%dma_start3A_770 : memref<96xi32, #tpu.memory_space<vmem>>) target_semaphore(%arg20 : memref<!tpu.dma_semaphore, #tpu.memory_space<semaphore_mem>>)
        %dma_start3A_774 = arith.constant 3 : i32
        %dma_start3A_775 = arith.constant 3 : i32
        %dma_start3A_776 = arith.constant 0 : i32
        %dma_start3A_777 = tpu.memref_slice %arg10[%dma_start3A_775, %dma_start3A_776] : memref<6x128xi32, #tpu.memory_space<vmem>> -> memref<1x32xi32, #tpu.memory_space<vmem>>
        %dma_start3A_778 = tpu.memref_squeeze %dma_start3A_777 : memref<1x32xi32, #tpu.memory_space<vmem>> -> memref<32xi32, #tpu.memory_space<vmem>>
        %dma_start3A_779 = arith.constant 99968 : i32
        %dma_start3A_780 = tpu.memref_slice %arg2[%dma_start3A_774, %dma_start3A_779] : memref<6x100000xi32, #tpu.memory_space<hbm>> -> memref<1x32xi32, #tpu.memory_space<hbm>>
        %dma_start3A_781 = tpu.memref_squeeze %dma_start3A_780 : memref<1x32xi32, #tpu.memory_space<hbm>> -> memref<32xi32, #tpu.memory_space<hbm>>
        %dma_start3A_782 = arith.constant 0 : i32
        %dma_start3A_783 = tpu.memref_slice %arg10[%dma_start3A_775, %dma_start3A_782] : memref<6x128xi32, #tpu.memory_space<vmem>> -> memref<1x32xi32, #tpu.memory_space<vmem>>
        %dma_start3A_784 = tpu.memref_squeeze %dma_start3A_783 : memref<1x32xi32, #tpu.memory_space<vmem>> -> memref<32xi32, #tpu.memory_space<vmem>>
        %dma_start3A_785 = arith.constant 99968 : i32
        %dma_start3A_786 = tpu.memref_slice %arg2[%dma_start3A_774, %dma_start3A_785] : memref<6x100000xi32, #tpu.memory_space<hbm>> -> memref<1x32xi32, #tpu.memory_space<hbm>>
        %dma_start3A_787 = tpu.memref_squeeze %dma_start3A_786 : memref<1x32xi32, #tpu.memory_space<hbm>> -> memref<32xi32, #tpu.memory_space<hbm>>
        tpu.enqueue_dma source(%dma_start3A_787 : memref<32xi32, #tpu.memory_space<hbm>>) target(%dma_start3A_784 : memref<32xi32, #tpu.memory_space<vmem>>) target_semaphore(%arg20 : memref<!tpu.dma_semaphore, #tpu.memory_space<semaphore_mem>>)
        %dma_start3A_788 = arith.constant 3 : i32
        %dma_start3A_789 = arith.constant 3 : i32
        %dma_start3A_790 = arith.constant 32 : i32
        %dma_start3A_791 = tpu.memref_slice %arg10[%dma_start3A_789, %dma_start3A_790] : memref<6x128xi32, #tpu.memory_space<vmem>> -> memref<1x96xi32, #tpu.memory_space<vmem>>
        %dma_start3A_792 = tpu.memref_squeeze %dma_start3A_791 : memref<1x96xi32, #tpu.memory_space<vmem>> -> memref<96xi32, #tpu.memory_space<vmem>>
        %dma_start3A_793 = arith.constant 0 : i32
        %dma_start3A_794 = tpu.memref_slice %arg2[%dma_start3A_788, %dma_start3A_793] : memref<6x100000xi32, #tpu.memory_space<hbm>> -> memref<1x96xi32, #tpu.memory_space<hbm>>
        %dma_start3A_795 = tpu.memref_squeeze %dma_start3A_794 : memref<1x96xi32, #tpu.memory_space<hbm>> -> memref<96xi32, #tpu.memory_space<hbm>>
        %dma_start3A_796 = arith.constant 32 : i32
        %dma_start3A_797 = tpu.memref_slice %arg10[%dma_start3A_789, %dma_start3A_796] : memref<6x128xi32, #tpu.memory_space<vmem>> -> memref<1x96xi32, #tpu.memory_space<vmem>>
        %dma_start3A_798 = tpu.memref_squeeze %dma_start3A_797 : memref<1x96xi32, #tpu.memory_space<vmem>> -> memref<96xi32, #tpu.memory_space<vmem>>
        %dma_start3A_799 = arith.constant 0 : i32
        %dma_start3A_800 = tpu.memref_slice %arg2[%dma_start3A_788, %dma_start3A_799] : memref<6x100000xi32, #tpu.memory_space<hbm>> -> memref<1x96xi32, #tpu.memory_space<hbm>>
        %dma_start3A_801 = tpu.memref_squeeze %dma_start3A_800 : memref<1x96xi32, #tpu.memory_space<hbm>> -> memref<96xi32, #tpu.memory_space<hbm>>
        tpu.enqueue_dma source(%dma_start3A_801 : memref<96xi32, #tpu.memory_space<hbm>>) target(%dma_start3A_798 : memref<96xi32, #tpu.memory_space<vmem>>) target_semaphore(%arg20 : memref<!tpu.dma_semaphore, #tpu.memory_space<semaphore_mem>>)
        %dma_start3A_802 = arith.constant 4 : i32
        %dma_start3A_803 = arith.constant 4 : i32
        %dma_start3A_804 = arith.constant 0 : i32
        %dma_start3A_805 = tpu.memref_slice %arg10[%dma_start3A_803, %dma_start3A_804] : memref<6x128xi32, #tpu.memory_space<vmem>> -> memref<1x32xi32, #tpu.memory_space<vmem>>
        %dma_start3A_806 = tpu.memref_squeeze %dma_start3A_805 : memref<1x32xi32, #tpu.memory_space<vmem>> -> memref<32xi32, #tpu.memory_space<vmem>>
        %dma_start3A_807 = arith.constant 99968 : i32
        %dma_start3A_808 = tpu.memref_slice %arg2[%dma_start3A_802, %dma_start3A_807] : memref<6x100000xi32, #tpu.memory_space<hbm>> -> memref<1x32xi32, #tpu.memory_space<hbm>>
        %dma_start3A_809 = tpu.memref_squeeze %dma_start3A_808 : memref<1x32xi32, #tpu.memory_space<hbm>> -> memref<32xi32, #tpu.memory_space<hbm>>
        %dma_start3A_810 = arith.constant 0 : i32
        %dma_start3A_811 = tpu.memref_slice %arg10[%dma_start3A_803, %dma_start3A_810] : memref<6x128xi32, #tpu.memory_space<vmem>> -> memref<1x32xi32, #tpu.memory_space<vmem>>
        %dma_start3A_812 = tpu.memref_squeeze %dma_start3A_811 : memref<1x32xi32, #tpu.memory_space<vmem>> -> memref<32xi32, #tpu.memory_space<vmem>>
        %dma_start3A_813 = arith.constant 99968 : i32
        %dma_start3A_814 = tpu.memref_slice %arg2[%dma_start3A_802, %dma_start3A_813] : memref<6x100000xi32, #tpu.memory_space<hbm>> -> memref<1x32xi32, #tpu.memory_space<hbm>>
        %dma_start3A_815 = tpu.memref_squeeze %dma_start3A_814 : memref<1x32xi32, #tpu.memory_space<hbm>> -> memref<32xi32, #tpu.memory_space<hbm>>
        tpu.enqueue_dma source(%dma_start3A_815 : memref<32xi32, #tpu.memory_space<hbm>>) target(%dma_start3A_812 : memref<32xi32, #tpu.memory_space<vmem>>) target_semaphore(%arg20 : memref<!tpu.dma_semaphore, #tpu.memory_space<semaphore_mem>>)
        %dma_start3A_816 = arith.constant 4 : i32
        %dma_start3A_817 = arith.constant 4 : i32
        %dma_start3A_818 = arith.constant 32 : i32
        %dma_start3A_819 = tpu.memref_slice %arg10[%dma_start3A_817, %dma_start3A_818] : memref<6x128xi32, #tpu.memory_space<vmem>> -> memref<1x96xi32, #tpu.memory_space<vmem>>
        %dma_start3A_820 = tpu.memref_squeeze %dma_start3A_819 : memref<1x96xi32, #tpu.memory_space<vmem>> -> memref<96xi32, #tpu.memory_space<vmem>>
        %dma_start3A_821 = arith.constant 0 : i32
        %dma_start3A_822 = tpu.memref_slice %arg2[%dma_start3A_816, %dma_start3A_821] : memref<6x100000xi32, #tpu.memory_space<hbm>> -> memref<1x96xi32, #tpu.memory_space<hbm>>
        %dma_start3A_823 = tpu.memref_squeeze %dma_start3A_822 : memref<1x96xi32, #tpu.memory_space<hbm>> -> memref<96xi32, #tpu.memory_space<hbm>>
        %dma_start3A_824 = arith.constant 32 : i32
        %dma_start3A_825 = tpu.memref_slice %arg10[%dma_start3A_817, %dma_start3A_824] : memref<6x128xi32, #tpu.memory_space<vmem>> -> memref<1x96xi32, #tpu.memory_space<vmem>>
        %dma_start3A_826 = tpu.memref_squeeze %dma_start3A_825 : memref<1x96xi32, #tpu.memory_space<vmem>> -> memref<96xi32, #tpu.memory_space<vmem>>
        %dma_start3A_827 = arith.constant 0 : i32
        %dma_start3A_828 = tpu.memref_slice %arg2[%dma_start3A_816, %dma_start3A_827] : memref<6x100000xi32, #tpu.memory_space<hbm>> -> memref<1x96xi32, #tpu.memory_space<hbm>>
        %dma_start3A_829 = tpu.memref_squeeze %dma_start3A_828 : memref<1x96xi32, #tpu.memory_space<hbm>> -> memref<96xi32, #tpu.memory_space<hbm>>
        tpu.enqueue_dma source(%dma_start3A_829 : memref<96xi32, #tpu.memory_space<hbm>>) target(%dma_start3A_826 : memref<96xi32, #tpu.memory_space<vmem>>) target_semaphore(%arg20 : memref<!tpu.dma_semaphore, #tpu.memory_space<semaphore_mem>>)
        %dma_start3A_830 = arith.constant 5 : i32
        %dma_start3A_831 = arith.constant 5 : i32
        %dma_start3A_832 = arith.constant 0 : i32
        %dma_start3A_833 = tpu.memref_slice %arg10[%dma_start3A_831, %dma_start3A_832] : memref<6x128xi32, #tpu.memory_space<vmem>> -> memref<1x32xi32, #tpu.memory_space<vmem>>
        %dma_start3A_834 = tpu.memref_squeeze %dma_start3A_833 : memref<1x32xi32, #tpu.memory_space<vmem>> -> memref<32xi32, #tpu.memory_space<vmem>>
        %dma_start3A_835 = arith.constant 99968 : i32
        %dma_start3A_836 = tpu.memref_slice %arg2[%dma_start3A_830, %dma_start3A_835] : memref<6x100000xi32, #tpu.memory_space<hbm>> -> memref<1x32xi32, #tpu.memory_space<hbm>>
        %dma_start3A_837 = tpu.memref_squeeze %dma_start3A_836 : memref<1x32xi32, #tpu.memory_space<hbm>> -> memref<32xi32, #tpu.memory_space<hbm>>
        %dma_start3A_838 = arith.constant 0 : i32
        %dma_start3A_839 = tpu.memref_slice %arg10[%dma_start3A_831, %dma_start3A_838] : memref<6x128xi32, #tpu.memory_space<vmem>> -> memref<1x32xi32, #tpu.memory_space<vmem>>
        %dma_start3A_840 = tpu.memref_squeeze %dma_start3A_839 : memref<1x32xi32, #tpu.memory_space<vmem>> -> memref<32xi32, #tpu.memory_space<vmem>>
        %dma_start3A_841 = arith.constant 99968 : i32
        %dma_start3A_842 = tpu.memref_slice %arg2[%dma_start3A_830, %dma_start3A_841] : memref<6x100000xi32, #tpu.memory_space<hbm>> -> memref<1x32xi32, #tpu.memory_space<hbm>>
        %dma_start3A_843 = tpu.memref_squeeze %dma_start3A_842 : memref<1x32xi32, #tpu.memory_space<hbm>> -> memref<32xi32, #tpu.memory_space<hbm>>
        tpu.enqueue_dma source(%dma_start3A_843 : memref<32xi32, #tpu.memory_space<hbm>>) target(%dma_start3A_840 : memref<32xi32, #tpu.memory_space<vmem>>) target_semaphore(%arg20 : memref<!tpu.dma_semaphore, #tpu.memory_space<semaphore_mem>>)
        %dma_start3A_844 = arith.constant 5 : i32
        %dma_start3A_845 = arith.constant 5 : i32
        %dma_start3A_846 = arith.constant 32 : i32
        %dma_start3A_847 = tpu.memref_slice %arg10[%dma_start3A_845, %dma_start3A_846] : memref<6x128xi32, #tpu.memory_space<vmem>> -> memref<1x96xi32, #tpu.memory_space<vmem>>
        %dma_start3A_848 = tpu.memref_squeeze %dma_start3A_847 : memref<1x96xi32, #tpu.memory_space<vmem>> -> memref<96xi32, #tpu.memory_space<vmem>>
        %dma_start3A_849 = arith.constant 0 : i32
        %dma_start3A_850 = tpu.memref_slice %arg2[%dma_start3A_844, %dma_start3A_849] : memref<6x100000xi32, #tpu.memory_space<hbm>> -> memref<1x96xi32, #tpu.memory_space<hbm>>
        %dma_start3A_851 = tpu.memref_squeeze %dma_start3A_850 : memref<1x96xi32, #tpu.memory_space<hbm>> -> memref<96xi32, #tpu.memory_space<hbm>>
        %dma_start3A_852 = arith.constant 32 : i32
        %dma_start3A_853 = tpu.memref_slice %arg10[%dma_start3A_845, %dma_start3A_852] : memref<6x128xi32, #tpu.memory_space<vmem>> -> memref<1x96xi32, #tpu.memory_space<vmem>>
        %dma_start3A_854 = tpu.memref_squeeze %dma_start3A_853 : memref<1x96xi32, #tpu.memory_space<vmem>> -> memref<96xi32, #tpu.memory_space<vmem>>
        %dma_start3A_855 = arith.constant 0 : i32
        %dma_start3A_856 = tpu.memref_slice %arg2[%dma_start3A_844, %dma_start3A_855] : memref<6x100000xi32, #tpu.memory_space<hbm>> -> memref<1x96xi32, #tpu.memory_space<hbm>>
        %dma_start3A_857 = tpu.memref_squeeze %dma_start3A_856 : memref<1x96xi32, #tpu.memory_space<hbm>> -> memref<96xi32, #tpu.memory_space<hbm>>
        tpu.enqueue_dma source(%dma_start3A_857 : memref<96xi32, #tpu.memory_space<hbm>>) target(%dma_start3A_854 : memref<96xi32, #tpu.memory_space<vmem>>) target_semaphore(%arg20 : memref<!tpu.dma_semaphore, #tpu.memory_space<semaphore_mem>>)
      } else {
      }
      %scan3A_690 = arith.constant 0 : i32
      scf.yield %scan3A_690 : i32
    }
    %scan3A_17 = arith.constant 6 : i32
    return
  }
}

</mosaic_0001>

<sc_bundles>
// kernel: kernel.3.cloned.1.call-start
scs
__scs_entry_jumppad:
0x0: {  	(pc) =	sbr.rel $0x88, $3  }
0x1: {  	(tag) =	ssettag $0x0;
	lr =	simm.s32 $0x1  }
0x2: {  	[smem:$0x3F9A] =	sst lr;
	_ =	strace $0xD0000000  }
0x3: {  	_ = 	snop  }
0x4: {  	_ = 	snop  }
0x5: {  	_ = 	snop  }
0x6: {  	_ = 	snop  }
0x7: {  	_ = 	snop  }
__scs_overlays_trampoline_lowered:
0x8: {  	[smem:$0x3FA9] =	sst s0  }
0x9: {  	[smem:$0x3FAA] =	sst s1  }
0xa: {  	[smem:$0x3FAB] =	sst s2  }
0xb: {  	[smem:$0x3FAC] =	sst s3  }
0xc: {  	[smem:$0x3FAD] =	sst s4  }
0xd: {  	[smem:$0x3FAE] =	sst s5  }
0xe: {  	[smem:$0x3FAF] =	sst s6  }
0xf: {  	[smem:$0x3FB0] =	sst s7  }
0x10: {  	[smem:$0x3FB1] =	sst s8  }
0x11: {  	[smem:$0x3FB2] =	sst s9;
	s0 =	simm.s32 @!p0 $0x0  }
0x12: {  	s1 =	sld [smem:$0x3F98];
	s0 =	simm.s32 @p0 $0x1  }
0x13: {  	[smem:$0x3FB3] =	sst s0;
	s0 =	simm.s32 @!p1 $0x0  }
0x14: {  	s2 =	sld [smem:$0x3F97];
	s0 =	simm.s32 @p1 $0x1  }
0x15: {  	[smem:$0x3FB4] =	sst s0;
	s0 =	simm.s32 @!p2 $0x0  }
0x16: {  	s3 =	sld [smem:$0x3FDB];
	s0 =	simm.s32 @p2 $0x1  }
0x17: {  	s4 =	simm.s32 $0x1BF5;
	[smem:$0x3FB6] =	sst s0  }
0x18: {  	s0 =	sld [smem:$0x3F99];
	_ =	swait.ge [sflag:s4], $0x0  }
0x19: {  	s7 =	sld [smem:$0x3F9A]  }
0x1a: {  	s8 =	sadd.s32 $0xFFFFE003, lr  }
0x1b: {  	s9 =	sadd.s32 $0xFFFFFEF7, lr;
	s5 =	simm.s32 $0xFFFFFFFF;
	p2 =	slt.u32 s8, $0xFFFFF086  }
0x1c: {  	p1 =	slt.u32 s9, $0xF7A;
	s5 =	simm.s32 @!p2 $0x0  }
0x1d: {  	s5 =	simm.s32 @p1 $0x1;
	p0 =	seq.s32 s7, s2  }
0x1e: {  	s7 =	smul.u32 @!p0 $0xF7A, s2;
	p2 =	seq.s32 @!p0 s5, $0x0  }
0x1f: {  	s9 =	smul.u32 $0xF7A, s1;
	s8 =	simm.s32 @!p0 $0x1BF5;
	p2 =	por !p2, p0  }
0x20: {  	[sflag:s8] =	ssyncset.s32 @!p0 $0xFFFFF086;
	s6 =	sadd.s32 @!p0 s3, s7;
	s7 =	simm.s32 @!p0 $0x108  }
0x21: {  	s3 =	sadd.s32 s3, s9;
	s6 =	sadd.s32 @!p0 $0x88, s6;
	s7 =	simm.s32 @p2 $0x1082  }
0x22: {  	[simem:s7], [sflag:s8] =	dma.local @!p0 [hbm:s6], $0xF7A  }
0x23: {  	s9 =	sor.u32 $0xD0000000, s2;
	s6 =	simm.s32 $0x108;
	_ =	swait.ge @!p0 [sflag:s8], $0x0  }
0x24: {  	s3 =	sadd.s32 $0x88, s3;
	s6 =	simm.s32 @!p1 $0x1082;
	[sflag:s4] =	ssyncset.s32 $0xFFFFF086  }
0x25: {  	[simem:s6], [sflag:s4] =	dma.local [hbm:s3], $0xF7A  }
0x26: {  	[smem:$0x3F9A] =	sst s1;
	(tag) =	ssettag s2;
	_ =	strace s9  }
0x27: {  	s1 =	sld [smem:$0x3FAA]  }
0x28: {  	s2 =	sld [smem:$0x3FAB]  }
0x29: {  	s4 =	sld [smem:$0x3FAD]  }
0x2a: {  	p0 =	seq.s32 s5, $0x0;
	s5 =	sld [smem:$0x3FAE]  }
0x2b: {  	s6 =	sld [smem:$0x3FAF]  }
0x2c: {  	s7 =	sld [smem:$0x3FB0]  }
0x2d: {  	s3 =	simm.s32 $0x108;
	s8 =	sld [smem:$0x3FB1]  }
0x2e: {  	s3 =	simm.s32 @!p0 $0x1082;
	s9 =	sld [smem:$0x3FB2]  }
0x2f: {  	lr =	sadd.s32 s0, s3;
	s0 =	sld [smem:$0x3FA9]  }
0x30: {  	s3 =	sld [smem:$0x3FAC]  }
0x31: {  	[smem:$0x3FB5] =	sst s10  }
0x32: {  	s10 =	sld [smem:$0x3FB3];
	_ =	sdelay $0x3  }
0x33: {  	p0 =	seq.s32 s10, $0x1;
	s10 =	sld [smem:$0x3FB5];
	_ =	sdelay $0x3  }
0x34: {  	[smem:$0x3FB5] =	sst s10  }
0x35: {  	s10 =	sld [smem:$0x3FB4];
	_ =	sdelay $0x3  }
0x36: {  	p1 =	seq.s32 s10, $0x1;
	s10 =	sld [smem:$0x3FB5];
	_ =	sdelay $0x3  }
0x37: {  	[smem:$0x3FB5] =	sst s10  }
0x38: {  	s10 =	sld [smem:$0x3FB6]  }
0x39: {  	_ = 	snop;
	(pc) =	sbr.ind lr, $3  }
0x3a: {  	_ = 	snop  }
0x3b: {  	_ = 	snop  }
0x3c: {  	p2 =	seq.s32 s10, $0x1;
	s10 =	sld [smem:$0x3FB5]  }
0x3d: {  	_ =	shalt  }
0x3e: {  	_ =	shalt  }
0x3f: {  	_ =	shalt  }
0x40: {  	_ =	shalt  }
0x41: {  	_ =	shalt  }
0x42: {  	_ =	shalt  }
0x43: {  	_ =	shalt  }
0x44: {  	_ =	shalt  }
0x45: {  	_ =	shalt  }
0x46: {  	_ =	shalt  }
0x47: {  	_ =	shalt  }
0x48: {  	_ =	shalt  }
0x49: {  	_ =	shalt  }
0x4a: {  	_ =	shalt  }
0x4b: {  	_ =	shalt  }
0x4c: {  	_ =	shalt  }
0x4d: {  	_ =	shalt  }
0x4e: {  	_ =	shalt  }
0x4f: {  	_ =	shalt  }
0x50: {  	_ =	shalt  }
0x51: {  	_ =	shalt  }
0x52: {  	_ =	shalt  }
0x53: {  	_ =	shalt  }
0x54: {  	_ =	shalt  }
0x55: {  	_ =	shalt  }
0x56: {  	_ =	shalt  }
0x57: {  	_ =	shalt  }
0x58: {  	_ =	shalt  }
0x59: {  	_ =	shalt  }
0x5a: {  	_ =	shalt  }
0x5b: {  	_ =	shalt  }
0x5c: {  	_ =	shalt  }
0x5d: {  	_ =	shalt  }
0x5e: {  	_ =	shalt  }
0x5f: {  	_ =	shalt  }
0x60: {  	_ =	shalt  }
0x61: {  	_ =	shalt  }
0x62: {  	_ =	shalt  }
0x63: {  	_ =	shalt  }
0x64: {  	_ =	shalt  }
0x65: {  	_ =	shalt  }
0x66: {  	_ =	shalt  }
0x67: {  	_ =	shalt  }
0x68: {  	_ =	shalt  }
0x69: {  	_ =	shalt  }
0x6a: {  	_ =	shalt  }
0x6b: {  	_ =	shalt  }
0x6c: {  	_ =	shalt  }
0x6d: {  	_ =	shalt  }
0x6e: {  	_ =	shalt  }
0x6f: {  	_ =	shalt  }
0x70: {  	_ =	shalt  }
0x71: {  	_ =	shalt  }
0x72: {  	_ =	shalt  }
0x73: {  	_ =	shalt  }
0x74: {  	_ =	shalt  }
0x75: {  	_ =	shalt  }
0x76: {  	_ =	shalt  }
0x77: {  	_ =	shalt  }
0x78: {  	_ =	shalt  }
0x79: {  	_ =	shalt  }
0x7a: {  	_ =	shalt  }
0x7b: {  	_ =	shalt  }
0x7c: {  	_ =	shalt  }
0x7d: {  	_ =	shalt  }
0x7e: {  	_ =	shalt  }
0x7f: {  	_ =	shalt  }
0x80: {  	_ =	shalt  }
0x81: {  	_ =	shalt  }
0x82: {  	_ =	shalt  }
0x83: {  	_ =	shalt  }
0x84: {  	_ =	shalt  }
0x85: {  	_ =	shalt  }
0x86: {  	_ =	shalt  }
0x87: {  	_ =	shalt  }
.Lfunc_end0:
.L_simem_size_0:
called_computation_lowered:
.L_overlay_start_0:
0x88: {  	s2 =	sld [smem:$0x3FD9]  }
0x89: {  	s3 =	sld [smem:$0x3FFE];
	_ =	sdelay $0x1  }
0x8a: {  	s1 =	srdreg.scid  }
0x8b: {  	s0 =	sand.u32 $0x1, s1  }
0x8c: {  	s18 =	sshll.u32 s0, $0xA;
	s2 =	sadd.s32 s3, s2  }
0x8d: {  	s2 =	sadd.s32 s2, s18  }
0x8e: {  	[smem:$0x3FC1] =	sst s2  }
0x8f: {  	_ = 	snop  }
0x90: {  	s2 =	sld [smem:$0x3FC9]  }
0x91: {  	s19 =	sld [smem:$0x3FC8]  }
0x92: {  	s4 =	sld [smem:$0x3FC7]  }
0x93: {  	s5 =	sld [smem:$0x3FC6]  }
0x94: {  	s6 =	sld [smem:$0x3FC5]  }
0x95: {  	s7 =	sld [smem:$0x3FC4]  }
0x96: {  	s8 =	sld [smem:$0x3FC3]  }
0x97: {  	s9 =	sld [smem:$0x3FD0];
	(tm) =	ssettm $0x1  }
0x98: {  	s10 =	sld [smem:$0x3FFB];
	_ =	sdelay $0x3  }
0x99: {  	_ =	strace s10  }
0x9a: {  	s10 =	sld [smem:$0x3FFC];
	_ =	sdelay $0x3  }
0x9b: {  	_ =	strace s10  }
0x9c: {  	s10 =	sld [smem:$0x3FFD];
	_ =	sdelay $0x3  }
0x9d: {  	_ =	strace s10  }
0x9e: {  	_ =	strace $0x8FFFFFFF  }
0x9f: {  	s20 =	sld [smem:$0x3FDB];
	_ =	sdelay $0x1  }
0xa0: {  	s11 =	simm.s32 $_scs_section_size  }
0xa1: {  	s12 =	simm.s32 $_size__tile_overlayer_lowered;
	s13 =	simm.s32 $_tile_overlayer_lowered  }
0xa2: {  	s23 =	simm.s32 $0x1BFF;
	s22 =	sshll.u32 s13, $0x1;
	s10 =	sadd.s32 s11, s20  }
0xa3: {  	s14 =	simm.s32 $0x0;
	s21 =	sshll.u32 s12, $0x1;
	s12 =	sadd.s32 s22, s10  }
0xa4: {  	[timem:s14], [sflag:s23] =	dma.local [hbm:s12], s21  }
0xa5: {  	_ =	swait.ge [sflag:s23], s21  }
0xa6: {  	s11 =	ssub.s32 $0x0, s21;
	[sflag:s23] =	ssyncset.done $0x0  }
0xa7: {  	[sflag:s23] =	ssyncadd.s32 s11;
	_ =	sdelay $0x1  }
0xa8: {  	s24 =	simm.s32 $0x1B8B  }
0xa9: {  	_ =	swait.ge [sflag:s24], $0x1  }
0xaa: {  	[sflag:s24] =	ssyncset.done $0x0  }
0xab: {  	s25 =	simm.s32 $0x1B8E;
	[sflag:s24] =	ssyncadd.s32 $0xFFFFFFFF  }
0xac: {  	s26 =	simm.s32 $execute0_lowered;
	[smem:$0x3FD2] =	sst s25  }
0xad: {  	s11 =	sshll.u32 s26, $0x1;
	_ =	strace $0x80000046;
	[dreg:$0x1] =	wrdreg $0xFFFFFFFF  }
0xae: {  	s28 =	simm.s32 $_size_execute0_lowered;
	s10 =	sadd.s32 s10, s11;
	[dreg:$0x0] =	wrdreg $0x0  }
0xaf: {  	s11 =	sshll.u32 s28, $0x1;
	[dreg:$0x2] =	wrdreg s10  }
0xb0: {  	[dreg:$0x3] =	wrdreg s11  }
0xb1: {  	[dreg:$0x4] =	wrdreg $0xC0  }
0xb2: {  	_ =	task [dreg:s14], $0x5FFFF  }
0xb3: {  	[dreg:$0x1] =	wrdreg $0xFFFFFFFF  }
0xb4: {  	[dreg:$0x0] =	wrdreg $0x60  }
0xb5: {  	[dreg:$0x2] =	wrdreg s2  }
0xb6: {  	[dreg:$0x3] =	wrdreg s19  }
0xb7: {  	[dreg:$0x4] =	wrdreg s4  }
0xb8: {  	[dreg:$0x5] =	wrdreg s5  }
0xb9: {  	[dreg:$0x6] =	wrdreg s6  }
0xba: {  	[dreg:$0x7] =	wrdreg s7  }
0xbb: {  	[dreg:$0x8] =	wrdreg s8  }
0xbc: {  	[dreg:$0x9] =	wrdreg s9  }
0xbd: {  	[dreg:$0xa] =	wrdreg $0x9  }
0xbe: {  	_ =	task.clear_ibuf [dreg:s14], $0xBFFFF;
	_ =	strace $0x90000046  }
0xbf: {  	s29 =	simm.s32 $0x9;
	_ =	strace $0x80000048  }
0xc0: {  	_ =	swait.ge [sflag:s29], $0x1  }
0xc1: {  	[sflag:s29] =	ssyncadd.s32 $0xFFFFFFFF  }
0xc2: {  	_ =	strace $0x90000048  }
0xc3: {  	_ =	sfence  }
0xc4: {  	s30 =	sld [smem:$0x0];
	_ =	sdelay $0x2  }
0xc5: {  	s31 =	sshll.u32 s1, $0xD;
	s1 =	sshrl.u32 s1, $0x2  }
0xc6: {  	s3 =	sand.u32 $0x4000, s31;
	s1 =	sadd.s32 s1, s30  }
0xc7: {  	s0 =	sor.u32 s3, s0;
	s1 =	sshll.u32 s1, $0x11  }
0xc8: {  	s0 =	sor.u32 s1, s0  }
0xc9: {  	s0 =	sadd.s32 $0x8F2B, s0  }
0xca: {  	[sflag:s0] =	ssyncadd.remote.s32 $0x1  }
0xcb: {  	_ =	sfence.sel $0xFFFF  }
0xcc: {  	[dreg:$0x0] =	wrdreg $0xFFFFFFFF;
	(pc) =	sbr.abs _section_cstart, $3  }
0xcd: {  	[dreg:$0x1] =	wrdreg $0xFFFFFFFF  }
0xce: {  	_ =	task.clear_ibuf [dreg:s14], $0x2FFFF;
	_ =	strace $0x9FFFFFFF  }
0xcf: {  	(tm) =	ssettm $0x7FFFFFFF  }
tec
execute0_lowered:
.L_overlay_start_1:
0x0: {  	(tag) =	ssettag $0x1  }
0x1: {  	s0 =	rddreg [dreg:$0x0];
	s4 =	srdreg.scid  }
0x2: {  	s2 =	rddreg [dreg:$0x7];
	s1 =	stileid.u32;
	s3 =	simm.s32 $0x0  }
0x3: {  	s4 =	sand.u32 $0x1, s4;
	[smem:$0x7FF] =	sst s3;
	s2 =	sadd.s32 $0x186800, s2  }
0x4: {  	s14 =	sadd.s32 $0x18680, s0;
	s15 =	sadd.s32 $0x18690, s0;
	s22 =	sadd.s32 $0x10, s0  }
0x5: {  	s17 =	sadd.s32 $0x186A0, s0;
	s23 =	sadd.s32 $0x20, s0;
	s8 =	sshll.u32 s4, $0x4  }
0x6: {  	s19 =	sadd.s32 $0x186B0, s0;
	s24 =	sadd.s32 $0x30, s0;
	s5 =	sor.u32 s1, s8  }
0x7: {  	s26 =	sshll.u32 s1, $0x7;
	s28 =	sshll.u32 s1, $0xB;
	[dreg:$0x9] =	wrdreg s5  }
0x8: {  	s29 =	sadd.s32 $0x40, s0;
	_ =	strace $0x80000047;
	[dreg:$0xb] =	wrdreg s2  }
0x9: {  	s10 =	ssub.s32 $0x2, s4;
	s25 =	sshll.u32 s4, $0xB;
	[dreg:$0x10] =	wrdreg s22  }
0xa: {  	s4 =	sshll.u32 s4, $0xF;
	s20 =	sshrl.u32 s10, $0x1;
	[dreg:$0x11] =	wrdreg s23  }
0xb: {  	s1 =	sor.u32 s28, s4;
	s11 =	sshll.u32 s5, $0x7;
	[dreg:$0x12] =	wrdreg s24  }
0xc: {  	s8 =	ssub.s32 s10, s20;
	s10 =	sadd.s32 s25, s0;
	[dreg:$0xc] =	wrdreg s1  }
.Ltmp0:
0xd: {  	s21 =	sadd.s32 s0, s11;
	[dreg:$0x13] =	wrdreg s29;
	(pc) =	sbr.rel .LBB2_1-.Ltmp0, $4  }
0xe: {  	s10 =	sadd.s32 s26, s10;
	s30 =	smax.u32 s8, $0x1;
	[dreg:$0xa] =	wrdreg s21  }
0xf: {  	s26 =	sadd.s32 $0x186D0, s0;
	[dreg:$0xd] =	wrdreg s30;
	s31 =	sadd.s32 $0x5000, s10  }
0x10: {  	s21 =	sadd.s32 $0x186C0, s0;
	s0 =	sadd.s32 $0x50, s0;
	[dreg:$0xe] =	wrdreg s31  }
0x11: {  	s1 =	simm.s32 $0x0;
	[dreg:$0x14] =	wrdreg s0  }
.LBB2_8:
0x12: {  	s1 =	rddreg [dreg:$0xf]  }
0x13: {  	s0 =	rddreg [dreg:$0xd];
	s1 =	sadd.s32 $0x1, s1  }
0x14: {  	p0 =	sne.s32 s1, s0  }
.Ltmp1:
0x15: {  	_ = 	snop;
	(pc) =	sbr.rel @!p0 .LBB2_9-.Ltmp1, $1  }
0x16: {  	_ =	sdelay $0x3  }
.LBB2_1:
0x17: {  	[dreg:$0xf] =	wrdreg s1  }
.Ltmp2:
0x18: {  	s0 =	simm.s32 $0x0;
	s31 =	rddreg [dreg:$0xa];
	(pc) =	sbr.rel .LBB2_2-.Ltmp2, $4  }
0x19: {  	s2 =	simm.s32 $0x400;
	s3 =	simm.s32 $0xC3800;
	s22 =	rddreg [dreg:$0xc]  }
0x1a: {  	[tilespmem:s0], [sflag:$0x1] =	stream.strided.gather [hbm4b:s31+s2], $0x0, s3, s2, $0x38;
	[tilespmem:$0x15400] =	vst v63  }
0x1b: {  	s25 =	rddreg [dreg:$0xe];
	s30 =	simm.s32 $0x0  }
0x1c: {  	[tilespmem:s0], [sflag:$0x1] =	stream.linear.gather [hbm4b:s31+s0], $0x300, $0x38;
	[tilespmem:$0x15400] =	vst v63  }
.LBB2_3:
0x1d: {  	s0 =	simm.s32 $0x1  }
0x1e: {  	_ =	swait.ge [sflag:s0], $0x300  }
0x1f: {  	[sflag:s0] =	ssyncset.done $0x0  }
0x20: {  	[sflag:s0] =	ssyncadd.s32 $0xFFFFFD00  }
0x21: {  	s5 =	rddreg [dreg:$0x1]  }
.LBB2_6:
0x22: {  	s0 =	simm.s32 $0x0;
	s1 =	simm.s32 $0x80  }
0x23: {  	s2 =	simm.s32 $0x1400;
	p4 =	por $0x1, $0x1;
	p2 =	por p1, p1  }
0x24: {  	[tilespmem:s2], [sflag:$0x6] =	stream.indirect.gather [hbm4b:s5+s1], $0x80, s0, s1, $0xb8;
	[tilespmem:$0x15400] =	vst v63  }
.LBB2_7:
0x25: {  	s0 =	simm.s32 @!p4 $0x0  }
0x26: {  	s0 =	simm.s32 @p4 $0x1  }
0x27: {  	s29 =	sadd.s32 $0xFFFFFFE0, s24;
	[smem:$0x7F5] =	sst s0;
	s0 =	simm.s32 @!p2 $0x0  }
0x28: {  	p0 =	slt.s32 s29, $0x30E;
	s0 =	simm.s32 @p2 $0x1;
	p2 =	sne.s32 s30, $0x0  }
0x29: {  	[smem:$0x7F7] =	sst s0;
	s0 =	simm.s32 @!p2 $0x0;
	p0 =	por !p2, !p0  }
0x2a: {  	s0 =	simm.s32 @p2 $0x1;
	p6 =	por !p0, !p0  }
0x2b: {  	[smem:$0x7F4] =	sst s0;
	s4 =	simm.s32 @p6 $0xA  }
0x2c: {  	_ =	swait.ge @p6 [sflag:s4], $0x4000  }
0x2d: {  	[sflag:s4] =	ssyncset.done @p6 $0x0  }
0x2e: {  	s8 =	simm.s32 @p6 $0x1080;
	[sflag:s4] =	ssyncadd.s32 @p6 $0xFFFFC000  }
0x2f: {  	s10 =	simm.s32 @p6 $0x11400;
	s4 =	simm.s32 @p6 $0x80;
	s6 =	rddreg [dreg:$0x2]  }
0x30: {  	[tilespmem:s10], [sflag:$0xF] =	stream.indirect.gather.add.f32 @p6 [hbm:s6], $0x80, s8, s4, $0xb8;
	[tilespmem:$0x15400] =	vst v63  }
0x31: {  	s7 =	rddreg [dreg:$0x3];
	s8 =	simm.s32 @p6 $0x1100  }
0x32: {  	[tilespmem:s10], [sflag:$0xF] =	stream.indirect.gather.add.f32 @p6 [hbm:s7], $0x80, s8, s4, $0xb8;
	[tilespmem:$0x15400] =	vst v63  }
0x33: {  	s16 =	rddreg [dreg:$0x4];
	s8 =	simm.s32 @p6 $0x1180  }
0x34: {  	[tilespmem:s10], [sflag:$0xF] =	stream.indirect.gather.add.f32 @p6 [hbm:s16], $0x80, s8, s4, $0xb8;
	[tilespmem:$0x15400] =	vst v63  }
0x35: {  	s9 =	rddreg [dreg:$0x5];
	s8 =	simm.s32 @p6 $0x1200  }
0x36: {  	[tilespmem:s10], [sflag:$0xF] =	stream.indirect.gather.add.f32 @p6 [hbm:s9], $0x80, s8, s4, $0xb8;
	[tilespmem:$0x15400] =	vst v63  }
0x37: {  	s31 =	rddreg [dreg:$0x6];
	s8 =	simm.s32 @p6 $0x1280  }
0x38: {  	[tilespmem:s10], [sflag:$0xF] =	stream.indirect.gather.add.f32 @p6 [hbm:s31], $0x80, s8, s4, $0xb8;
	[tilespmem:$0x15400] =	vst v63  }
0x39: {  	s4 =	simm.s32 @!p5 $0xD  }
0x3a: {  	_ =	swait.ge @!p5 [sflag:s4], $0x4000  }
0x3b: {  	[sflag:s4] =	ssyncset.done @!p5 $0x0  }
0x3c: {  	[sflag:s4] =	ssyncadd.s32 @!p5 $0xFFFFC000  }
0x3d: {  	_ =	swait.ge @!p5 [sflag:s4], $0x4000  }
0x3e: {  	[sflag:s4] =	ssyncset.done @!p5 $0x0  }
0x3f: {  	[sflag:s4] =	ssyncadd.s32 @!p5 $0xFFFFC000  }
0x40: {  	_ =	swait.ge @!p5 [sflag:s4], $0x4000  }
0x41: {  	[sflag:s4] =	ssyncset.done @!p5 $0x0  }
0x42: {  	[sflag:s4] =	ssyncadd.s32 @!p5 $0xFFFFC000  }
0x43: {  	_ =	swait.ge @!p5 [sflag:s4], $0x4000  }
0x44: {  	[sflag:s4] =	ssyncset.done @!p5 $0x0  }
0x45: {  	[sflag:s4] =	ssyncadd.s32 @!p5 $0xFFFFC000  }
0x46: {  	_ =	swait.ge @!p5 [sflag:s4], $0x4000  }
0x47: {  	[sflag:s4] =	ssyncset.done @!p5 $0x0  }
0x48: {  	s8 =	sadd.s32 @!p5 $0x1FFD0000, s22;
	[sflag:s4] =	ssyncadd.s32 @!p5 $0xFFFFC000  }
0x49: {  	s2 =	sadd.s32 $0x20, s24;
	s4 =	sand.u32 @!p5 $0x1FFFF800, s8;
	s0 =	rddreg [dreg:$0x7]  }
0x4a: {  	s10 =	simm.s32 @!p5 $0x9400;
	s8 =	sadd.s32 @!p5 s0, s4;
	s4 =	simm.s32 @!p5 $0x0  }
0x4b: {  	[hbm4b:s8+s4] =	stream.linear.scatter @!p5 [tilespmem:s10], [sflag:$0x12], $0x4000, $0x38;
	[tilespmem:$0x15400] =	vst v63  }
0x4c: {  	p2 =	sgt.u32 s2, $0x30C;
	s8 =	sadd.s32 $0xFFFFFD13, s24  }
0x4d: {  	s1 =	simm.s32 @!p1 $0x0;
	p0 =	sne.s32 @p2 s8, $0x0  }
0x4e: {  	s1 =	simm.s32 @p1 $0x1;
	p1 =	por p0, !p2  }
0x4f: {  	s8 =	simm.s32 @!p1 $0x80;
	s10 =	simm.s32 @!p1 $0x400  }
0x50: {  	[tilespmem:s10], [sflag:$0x2] =	stream.strided.gather @!p1 [hbm4b:s14+s8], $0x0, s10, s8, $0x38;
	[tilespmem:$0x15400] =	vst v63  }
0x51: {  	[smem:$0x7F6] =	sst s1;
	s11 =	simm.s32 @!p1 $0x0  }
0x52: {  	[tilespmem:s10], [sflag:$0x2] =	stream.linear.gather @!p1 [hbm4b:s14+s11], $0x20, $0x38;
	[tilespmem:$0x15400] =	vst v63  }
0x53: {  	s3 =	rddreg [dreg:$0x0];
	s1 =	simm.s32 @!p1 $0x420  }
0x54: {  	[tilespmem:s1], [sflag:$0x2] =	stream.linear.gather @!p1 [hbm4b:s3+s11], $0x60, $0x38;
	[tilespmem:$0x15400] =	vst v63  }
0x55: {  	s1 =	simm.s32 @!p1 $0x480  }
0x56: {  	[tilespmem:s1], [sflag:$0x2] =	stream.strided.gather @!p1 [hbm4b:s15+s8], $0x0, s10, s8, $0x38;
	[tilespmem:$0x15400] =	vst v63  }
0x57: {  	_ = 	snop  }
0x58: {  	[tilespmem:s1], [sflag:$0x2] =	stream.linear.gather @!p1 [hbm4b:s15+s11], $0x20, $0x38;
	[tilespmem:$0x15400] =	vst v63  }
0x59: {  	s18 =	rddreg [dreg:$0x10];
	s1 =	simm.s32 @!p1 $0x4A0  }
0x5a: {  	[tilespmem:s1], [sflag:$0x2] =	stream.linear.gather @!p1 [hbm4b:s18+s11], $0x60, $0x38;
	[tilespmem:$0x15400] =	vst v63  }
0x5b: {  	s1 =	simm.s32 @!p1 $0x500  }
0x5c: {  	[tilespmem:s1], [sflag:$0x2] =	stream.strided.gather @!p1 [hbm4b:s17+s8], $0x0, s10, s8, $0x38;
	[tilespmem:$0x15400] =	vst v63  }
0x5d: {  	_ = 	snop  }
0x5e: {  	[tilespmem:s1], [sflag:$0x2] =	stream.linear.gather @!p1 [hbm4b:s17+s11], $0x20, $0x38;
	[tilespmem:$0x15400] =	vst v63  }
0x5f: {  	s20 =	rddreg [dreg:$0x11];
	s1 =	simm.s32 @!p1 $0x520  }
0x60: {  	[tilespmem:s1], [sflag:$0x2] =	stream.linear.gather @!p1 [hbm4b:s20+s11], $0x60, $0x38;
	[tilespmem:$0x15400] =	vst v63  }
0x61: {  	s1 =	simm.s32 @!p1 $0x580  }
0x62: {  	[tilespmem:s1], [sflag:$0x2] =	stream.strided.gather @!p1 [hbm4b:s19+s8], $0x0, s10, s8, $0x38;
	[tilespmem:$0x15400] =	vst v63  }
0x63: {  	_ = 	snop  }
0x64: {  	[tilespmem:s1], [sflag:$0x2] =	stream.linear.gather @!p1 [hbm4b:s19+s11], $0x20, $0x38;
	[tilespmem:$0x15400] =	vst v63  }
0x65: {  	s23 =	rddreg [dreg:$0x12];
	s1 =	simm.s32 @!p1 $0x5A0  }
0x66: {  	[tilespmem:s1], [sflag:$0x2] =	stream.linear.gather @!p1 [hbm4b:s23+s11], $0x60, $0x38;
	[tilespmem:$0x15400] =	vst v63  }
0x67: {  	s1 =	simm.s32 @!p1 $0x600  }
0x68: {  	[tilespmem:s1], [sflag:$0x2] =	stream.strided.gather @!p1 [hbm4b:s21+s8], $0x0, s10, s8, $0x38;
	[tilespmem:$0x15400] =	vst v63  }
0x69: {  	_ = 	snop  }
0x6a: {  	[tilespmem:s1], [sflag:$0x2] =	stream.linear.gather @!p1 [hbm4b:s21+s11], $0x20, $0x38;
	[tilespmem:$0x15400] =	vst v63  }
0x6b: {  	s28 =	rddreg [dreg:$0x13];
	s1 =	simm.s32 @!p1 $0x620  }
0x6c: {  	[tilespmem:s1], [sflag:$0x2] =	stream.linear.gather @!p1 [hbm4b:s28+s11], $0x60, $0x38;
	[tilespmem:$0x15400] =	vst v63  }
0x6d: {  	s1 =	simm.s32 @!p1 $0x680  }
0x6e: {  	[tilespmem:s1], [sflag:$0x2] =	stream.strided.gather @!p1 [hbm4b:s26+s8], $0x0, s10, s8, $0x38;
	[tilespmem:$0x15400] =	vst v63  }
0x6f: {  	_ = 	snop  }
0x70: {  	[tilespmem:s1], [sflag:$0x2] =	stream.linear.gather @!p1 [hbm4b:s26+s11], $0x20, $0x38;
	[tilespmem:$0x15400] =	vst v63  }
0x71: {  	s12 =	rddreg [dreg:$0x14];
	s1 =	simm.s32 @!p1 $0x6A0  }
0x72: {  	[tilespmem:s1], [sflag:$0x2] =	stream.linear.gather @!p1 [hbm4b:s12+s11], $0x60, $0x38;
	[tilespmem:$0x15400] =	vst v63  }
0x73: {  	s8 =	simm.s32 @!p2 $0xC3800;
	s10 =	simm.s32 @!p2 $0x400;
	s1 =	sadd.s32 @!p2 $0xFFFFC000, s25  }
0x74: {  	[tilespmem:s10], [sflag:$0x2] =	stream.strided.gather @!p2 [hbm4b:s1+s10], $0x0, s8, s10, $0x38;
	[tilespmem:$0x15400] =	vst v63  }
0x75: {  	s8 =	simm.s32 @!p2 $0x0  }
0x76: {  	[tilespmem:s10], [sflag:$0x2] =	stream.linear.gather @!p2 [hbm4b:s1+s8], $0x300, $0x38;
	[tilespmem:$0x15400] =	vst v63  }
0x77: {  	[dreg:$0x15] =	wrdreg s2;
	s1 =	simm.s32 @!p5 $0x11  }
0x78: {  	_ =	swait.ge @!p5 [sflag:s1], $0x4000  }
0x79: {  	p0 =	por !p0, !p2;
	p3 =	por @!p1 $0x1, $0x1;
	[sflag:s1] =	ssyncset.done @!p5 $0x0  }
0x7a: {  	p1 =	por @p2 $0x0, $0x0;
	[sflag:s1] =	ssyncadd.s32 @!p5 $0xFFFFC000;
	s1 =	simm.s32 @!p2 $0x2  }
0x7b: {  	p3 =	por @!p0 p1, p1;
	p0 =	por @!p2 $0x0, $0x0;
	_ =	swait.ge @!p2 [sflag:s1], $0x300  }
0x7c: {  	p3 =	por @!p2 p0, p0;
	[sflag:s1] =	ssyncset.done @!p2 $0x0  }
0x7d: {  	[sflag:s1] =	ssyncadd.s32 @!p2 $0xFFFFFD00;
	s1 =	simm.s32 @!p3 $0x0  }
0x7e: {  	s1 =	simm.s32 @p3 $0x1  }
0x7f: {  	[smem:$0x7FD] =	sst s1;
	s1 =	simm.s32 @p3 $0x2  }
0x80: {  	_ =	swait.ge @p3 [sflag:s1], $0x20  }
0x81: {  	[sflag:s1] =	ssyncset.done @p3 $0x0  }
0x82: {  	[sflag:s1] =	ssyncadd.s32 @p3 $0xFFFFFFE0  }
0x83: {  	_ =	swait.ge @p3 [sflag:s1], $0x60  }
0x84: {  	[sflag:s1] =	ssyncset.done @p3 $0x0  }
0x85: {  	[sflag:s1] =	ssyncadd.s32 @p3 $0xFFFFFFA0  }
0x86: {  	_ =	swait.ge @p3 [sflag:s1], $0x20  }
0x87: {  	[sflag:s1] =	ssyncset.done @p3 $0x0  }
0x88: {  	[sflag:s1] =	ssyncadd.s32 @p3 $0xFFFFFFE0  }
0x89: {  	_ =	swait.ge @p3 [sflag:s1], $0x60  }
0x8a: {  	[sflag:s1] =	ssyncset.done @p3 $0x0  }
0x8b: {  	[sflag:s1] =	ssyncadd.s32 @p3 $0xFFFFFFA0  }
0x8c: {  	_ =	swait.ge @p3 [sflag:s1], $0x20  }
0x8d: {  	[sflag:s1] =	ssyncset.done @p3 $0x0  }
0x8e: {  	[sflag:s1] =	ssyncadd.s32 @p3 $0xFFFFFFE0  }
0x8f: {  	_ =	swait.ge @p3 [sflag:s1], $0x60  }
0x90: {  	[sflag:s1] =	ssyncset.done @p3 $0x0  }
0x91: {  	[sflag:s1] =	ssyncadd.s32 @p3 $0xFFFFFFA0  }
0x92: {  	_ =	swait.ge @p3 [sflag:s1], $0x20  }
0x93: {  	[sflag:s1] =	ssyncset.done @p3 $0x0  }
0x94: {  	[sflag:s1] =	ssyncadd.s32 @p3 $0xFFFFFFE0  }
0x95: {  	_ =	swait.ge @p3 [sflag:s1], $0x60  }
0x96: {  	[sflag:s1] =	ssyncset.done @p3 $0x0  }
0x97: {  	[sflag:s1] =	ssyncadd.s32 @p3 $0xFFFFFFA0  }
0x98: {  	_ =	swait.ge @p3 [sflag:s1], $0x20  }
0x99: {  	[sflag:s1] =	ssyncset.done @p3 $0x0  }
0x9a: {  	[sflag:s1] =	ssyncadd.s32 @p3 $0xFFFFFFE0  }
0x9b: {  	_ =	swait.ge @p3 [sflag:s1], $0x60  }
0x9c: {  	[sflag:s1] =	ssyncset.done @p3 $0x0  }
0x9d: {  	[sflag:s1] =	ssyncadd.s32 @p3 $0xFFFFFFA0  }
0x9e: {  	_ =	swait.ge @p3 [sflag:s1], $0x20  }
0x9f: {  	[sflag:s1] =	ssyncset.done @p3 $0x0  }
0xa0: {  	[sflag:s1] =	ssyncadd.s32 @p3 $0xFFFFFFE0  }
0xa1: {  	p2 =	sgt.u32 s2, $0x30D;
	_ =	swait.ge @p3 [sflag:s1], $0x60  }
0xa2: {  	s8 =	simm.s32 @!p2 $0x80;
	[sflag:s1] =	ssyncset.done @p3 $0x0  }
0xa3: {  	s11 =	simm.s32 @!p2 $0x5400;
	[sflag:s1] =	ssyncadd.s32 @p3 $0xFFFFFFA0;
	s1 =	simm.s32 @!p2 $0x400  }
0xa4: {  	[tilespmem:s11], [sflag:$0x7] =	stream.indirect.gather @!p2 [hbm4b:s5+s8], $0x80, s1, s8, $0xb8;
	[tilespmem:$0x15400] =	vst v63  }
0xa5: {  	s1 =	simm.s32 @p4 $0x6  }
0xa6: {  	_ =	swait.ge @p4 [sflag:s1], $0x4000  }
0xa7: {  	[sflag:s1] =	ssyncset.done @p4 $0x0  }
0xa8: {  	s10 =	simm.s32 @p4 $0x1400;
	[sflag:s1] =	ssyncadd.s32 @p4 $0xFFFFC000;
	s1 =	simm.s32 @p4 $0x80  }
0xa9: {  	[tilespmem:s10], [sflag:$0xB] =	stream.indirect.gather.add.f32 @p4 [hbm:s6], $0x80, s1, s1, $0xb8;
	[tilespmem:$0x15400] =	vst v63  }
0xaa: {  	s2 =	simm.s32 @p4 $0x100  }
0xab: {  	[tilespmem:s10], [sflag:$0xB] =	stream.indirect.gather.add.f32 @p4 [hbm:s7], $0x80, s2, s1, $0xb8;
	[tilespmem:$0x15400] =	vst v63  }
0xac: {  	s2 =	simm.s32 @p4 $0x180  }
0xad: {  	[tilespmem:s10], [sflag:$0xB] =	stream.indirect.gather.add.f32 @p4 [hbm:s16], $0x80, s2, s1, $0xb8;
	[tilespmem:$0x15400] =	vst v63  }
0xae: {  	s2 =	simm.s32 @p4 $0x200  }
0xaf: {  	[tilespmem:s10], [sflag:$0xB] =	stream.indirect.gather.add.f32 @p4 [hbm:s9], $0x80, s2, s1, $0xb8;
	[tilespmem:$0x15400] =	vst v63  }
0xb0: {  	s2 =	simm.s32 @p4 $0x280  }
0xb1: {  	[tilespmem:s10], [sflag:$0xB] =	stream.indirect.gather.add.f32 @p4 [hbm:s31], $0x80, s2, s1, $0xb8;
	[tilespmem:$0x15400] =	vst v63  }
0xb2: {  	s1 =	simm.s32 @!p5 $0xE  }
0xb3: {  	_ =	swait.ge @!p5 [sflag:s1], $0x4000  }
0xb4: {  	[sflag:s1] =	ssyncset.done @!p5 $0x0  }
0xb5: {  	[sflag:s1] =	ssyncadd.s32 @!p5 $0xFFFFC000  }
0xb6: {  	_ =	swait.ge @!p5 [sflag:s1], $0x4000  }
0xb7: {  	[sflag:s1] =	ssyncset.done @!p5 $0x0  }
0xb8: {  	[sflag:s1] =	ssyncadd.s32 @!p5 $0xFFFFC000  }
0xb9: {  	_ =	swait.ge @!p5 [sflag:s1], $0x4000  }
0xba: {  	[sflag:s1] =	ssyncset.done @!p5 $0x0  }
0xbb: {  	[sflag:s1] =	ssyncadd.s32 @!p5 $0xFFFFC000  }
0xbc: {  	_ =	swait.ge @!p5 [sflag:s1], $0x4000  }
0xbd: {  	[sflag:s1] =	ssyncset.done @!p5 $0x0  }
0xbe: {  	[sflag:s1] =	ssyncadd.s32 @!p5 $0xFFFFC000  }
0xbf: {  	s2 =	sadd.s32 @!p5 $0x1FFE0000, s22;
	_ =	swait.ge @!p5 [sflag:s1], $0x4000  }
0xc0: {  	s13 =	sadd.s32 $0x40, s24;
	s2 =	sand.u32 @!p5 $0x1FFFF800, s2;
	[sflag:s1] =	ssyncset.done @!p5 $0x0  }
0xc1: {  	[sflag:s1] =	ssyncadd.s32 @!p5 $0xFFFFC000;
	s1 =	sadd.s32 @!p5 s0, s2;
	s2 =	simm.s32 @!p5 $0xD400  }
0xc2: {  	[hbm4b:s1+s4] =	stream.linear.scatter @!p5 [tilespmem:s2], [sflag:$0x13], $0x4000, $0x38;
	[tilespmem:$0x15400] =	vst v63  }
0xc3: {  	p4 =	sgt.u32 s13, $0x30C;
	s1 =	sadd.s32 $0xFFFFFD33, s24  }
0xc4: {  	p3 =	sne.s32 @p4 s1, $0x0  }
0xc5: {  	p0 =	por p3, !p4  }
0xc6: {  	s1 =	simm.s32 @!p0 $0x80;
	s2 =	simm.s32 @!p0 $0x400;
	s10 =	simm.s32 @!p0 $0x800  }
0xc7: {  	[tilespmem:s10], [sflag:$0x3] =	stream.strided.gather @!p0 [hbm4b:s14+s1], $0x0, s2, s1, $0x38;
	[tilespmem:$0x15400] =	vst v63  }
0xc8: {  	s0 =	simm.s32 @!p0 $0x0  }
0xc9: {  	[tilespmem:s10], [sflag:$0x3] =	stream.linear.gather @!p0 [hbm4b:s14+s0], $0x20, $0x38;
	[tilespmem:$0x15400] =	vst v63  }
0xca: {  	s10 =	simm.s32 @!p0 $0x820  }
0xcb: {  	[tilespmem:s10], [sflag:$0x3] =	stream.linear.gather @!p0 [hbm4b:s3+s0], $0x60, $0x38;
	[tilespmem:$0x15400] =	vst v63  }
0xcc: {  	s10 =	simm.s32 @!p0 $0x880  }
0xcd: {  	[tilespmem:s10], [sflag:$0x3] =	stream.strided.gather @!p0 [hbm4b:s15+s1], $0x0, s2, s1, $0x38;
	[tilespmem:$0x15400] =	vst v63  }
0xce: {  	_ = 	snop  }
0xcf: {  	[tilespmem:s10], [sflag:$0x3] =	stream.linear.gather @!p0 [hbm4b:s15+s0], $0x20, $0x38;
	[tilespmem:$0x15400] =	vst v63  }
0xd0: {  	s10 =	simm.s32 @!p0 $0x8A0  }
0xd1: {  	[tilespmem:s10], [sflag:$0x3] =	stream.linear.gather @!p0 [hbm4b:s18+s0], $0x60, $0x38;
	[tilespmem:$0x15400] =	vst v63  }
0xd2: {  	s10 =	simm.s32 @!p0 $0x900  }
0xd3: {  	[tilespmem:s10], [sflag:$0x3] =	stream.strided.gather @!p0 [hbm4b:s17+s1], $0x0, s2, s1, $0x38;
	[tilespmem:$0x15400] =	vst v63  }
0xd4: {  	_ = 	snop  }
0xd5: {  	[tilespmem:s10], [sflag:$0x3] =	stream.linear.gather @!p0 [hbm4b:s17+s0], $0x20, $0x38;
	[tilespmem:$0x15400] =	vst v63  }
0xd6: {  	s10 =	simm.s32 @!p0 $0x920  }
0xd7: {  	[tilespmem:s10], [sflag:$0x3] =	stream.linear.gather @!p0 [hbm4b:s20+s0], $0x60, $0x38;
	[tilespmem:$0x15400] =	vst v63  }
0xd8: {  	s10 =	simm.s32 @!p0 $0x980  }
0xd9: {  	[tilespmem:s10], [sflag:$0x3] =	stream.strided.gather @!p0 [hbm4b:s19+s1], $0x0, s2, s1, $0x38;
	[tilespmem:$0x15400] =	vst v63  }
0xda: {  	_ = 	snop  }
0xdb: {  	[tilespmem:s10], [sflag:$0x3] =	stream.linear.gather @!p0 [hbm4b:s19+s0], $0x20, $0x38;
	[tilespmem:$0x15400] =	vst v63  }
0xdc: {  	s10 =	simm.s32 @!p0 $0x9A0  }
0xdd: {  	[tilespmem:s10], [sflag:$0x3] =	stream.linear.gather @!p0 [hbm4b:s23+s0], $0x60, $0x38;
	[tilespmem:$0x15400] =	vst v63  }
0xde: {  	s10 =	simm.s32 @!p0 $0xA00  }
0xdf: {  	[tilespmem:s10], [sflag:$0x3] =	stream.strided.gather @!p0 [hbm4b:s21+s1], $0x0, s2, s1, $0x38;
	[tilespmem:$0x15400] =	vst v63  }
0xe0: {  	_ = 	snop  }
0xe1: {  	[tilespmem:s10], [sflag:$0x3] =	stream.linear.gather @!p0 [hbm4b:s21+s0], $0x20, $0x38;
	[tilespmem:$0x15400] =	vst v63  }
0xe2: {  	s10 =	simm.s32 @!p0 $0xA20  }
0xe3: {  	[tilespmem:s10], [sflag:$0x3] =	stream.linear.gather @!p0 [hbm4b:s28+s0], $0x60, $0x38;
	[tilespmem:$0x15400] =	vst v63  }
0xe4: {  	s10 =	simm.s32 @!p0 $0xA80  }
0xe5: {  	[tilespmem:s10], [sflag:$0x3] =	stream.strided.gather @!p0 [hbm4b:s26+s1], $0x0, s2, s1, $0x38;
	[tilespmem:$0x15400] =	vst v63  }
0xe6: {  	_ = 	snop  }
0xe7: {  	[tilespmem:s10], [sflag:$0x3] =	stream.linear.gather @!p0 [hbm4b:s26+s0], $0x20, $0x38;
	[tilespmem:$0x15400] =	vst v63  }
0xe8: {  	s1 =	simm.s32 @!p0 $0xAA0;
	s2 =	simm.s32 @!p4 $0xC3800  }
0xe9: {  	[tilespmem:s1], [sflag:$0x3] =	stream.linear.gather @!p0 [hbm4b:s12+s0], $0x60, $0x38;
	[tilespmem:$0x15400] =	vst v63  }
0xea: {  	s10 =	simm.s32 @!p4 $0x800;
	s0 =	sadd.s32 @!p4 $0xFFFFD000, s25;
	s1 =	simm.s32 @!p4 $0x400  }
0xeb: {  	[tilespmem:s10], [sflag:$0x3] =	stream.strided.gather @!p4 [hbm4b:s0+s1], $0x0, s2, s1, $0x38;
	[tilespmem:$0x15400] =	vst v63  }
0xec: {  	s1 =	simm.s32 @!p4 $0x0  }
0xed: {  	[tilespmem:s10], [sflag:$0x3] =	stream.linear.gather @!p4 [hbm4b:s0+s1], $0x300, $0x38;
	[tilespmem:$0x15400] =	vst v63  }
0xee: {  	s0 =	simm.s32 @!p5 $0x12  }
0xef: {  	_ =	swait.ge @!p5 [sflag:s0], $0x4000  }
0xf0: {  	p1 =	por @!p0 $0x1, $0x1;
	p0 =	por !p3, !p4;
	[sflag:s0] =	ssyncset.done @!p5 $0x0  }
0xf1: {  	p3 =	por @p4 $0x0, $0x0;
	[sflag:s0] =	ssyncadd.s32 @!p5 $0xFFFFC000;
	s0 =	simm.s32 @!p4 $0x3  }
0xf2: {  	p1 =	por @!p0 p3, p3;
	p0 =	por @!p4 $0x0, $0x0;
	_ =	swait.ge @!p4 [sflag:s0], $0x300  }
0xf3: {  	p1 =	por @!p4 p0, p0;
	[sflag:s0] =	ssyncset.done @!p4 $0x0  }
0xf4: {  	[sflag:s0] =	ssyncadd.s32 @!p4 $0xFFFFFD00;
	s0 =	simm.s32 @p1 $0x3  }
0xf5: {  	_ =	swait.ge @p1 [sflag:s0], $0x20  }
0xf6: {  	[sflag:s0] =	ssyncset.done @p1 $0x0  }
0xf7: {  	[sflag:s0] =	ssyncadd.s32 @p1 $0xFFFFFFE0  }
0xf8: {  	_ =	swait.ge @p1 [sflag:s0], $0x60  }
0xf9: {  	[sflag:s0] =	ssyncset.done @p1 $0x0  }
0xfa: {  	[sflag:s0] =	ssyncadd.s32 @p1 $0xFFFFFFA0  }
0xfb: {  	_ =	swait.ge @p1 [sflag:s0], $0x20  }
0xfc: {  	[sflag:s0] =	ssyncset.done @p1 $0x0  }
0xfd: {  	[sflag:s0] =	ssyncadd.s32 @p1 $0xFFFFFFE0  }
0xfe: {  	_ =	swait.ge @p1 [sflag:s0], $0x60  }
0xff: {  	[sflag:s0] =	ssyncset.done @p1 $0x0  }
0x100: {  	[sflag:s0] =	ssyncadd.s32 @p1 $0xFFFFFFA0  }
0x101: {  	_ =	swait.ge @p1 [sflag:s0], $0x20  }
0x102: {  	[sflag:s0] =	ssyncset.done @p1 $0x0  }
0x103: {  	[sflag:s0] =	ssyncadd.s32 @p1 $0xFFFFFFE0  }
0x104: {  	_ =	swait.ge @p1 [sflag:s0], $0x60  }
0x105: {  	[sflag:s0] =	ssyncset.done @p1 $0x0  }
0x106: {  	[sflag:s0] =	ssyncadd.s32 @p1 $0xFFFFFFA0  }
0x107: {  	_ =	swait.ge @p1 [sflag:s0], $0x20  }
0x108: {  	[sflag:s0] =	ssyncset.done @p1 $0x0  }
0x109: {  	[sflag:s0] =	ssyncadd.s32 @p1 $0xFFFFFFE0  }
0x10a: {  	_ =	swait.ge @p1 [sflag:s0], $0x60  }
0x10b: {  	[sflag:s0] =	ssyncset.done @p1 $0x0  }
0x10c: {  	[sflag:s0] =	ssyncadd.s32 @p1 $0xFFFFFFA0  }
0x10d: {  	_ =	swait.ge @p1 [sflag:s0], $0x20  }
0x10e: {  	[sflag:s0] =	ssyncset.done @p1 $0x0  }
0x10f: {  	[sflag:s0] =	ssyncadd.s32 @p1 $0xFFFFFFE0  }
0x110: {  	_ =	swait.ge @p1 [sflag:s0], $0x60  }
0x111: {  	[sflag:s0] =	ssyncset.done @p1 $0x0  }
0x112: {  	[sflag:s0] =	ssyncadd.s32 @p1 $0xFFFFFFA0  }
0x113: {  	_ =	swait.ge @p1 [sflag:s0], $0x20  }
0x114: {  	[sflag:s0] =	ssyncset.done @p1 $0x0  }
0x115: {  	[sflag:s0] =	ssyncadd.s32 @p1 $0xFFFFFFE0  }
0x116: {  	p4 =	sgt.u32 s13, $0x30D;
	_ =	swait.ge @p1 [sflag:s0], $0x60  }
0x117: {  	s4 =	simm.s32 @!p4 $0x80;
	[sflag:s0] =	ssyncset.done @p1 $0x0  }
0x118: {  	s10 =	simm.s32 @!p4 $0x9400;
	[sflag:s0] =	ssyncadd.s32 @p1 $0xFFFFFFA0;
	s0 =	simm.s32 @!p4 $0x800  }
0x119: {  	[tilespmem:s10], [sflag:$0x8] =	stream.indirect.gather @!p4 [hbm4b:s5+s4], $0x80, s0, s4, $0xb8;
	[tilespmem:$0x15400] =	vst v63  }
0x11a: {  	s0 =	simm.s32 @!p2 $0x0  }
0x11b: {  	s0 =	simm.s32 @p2 $0x1  }
0x11c: {  	[smem:$0x7FC] =	sst s0;
	s0 =	simm.s32 @!p2 $0x7  }
0x11d: {  	_ =	swait.ge @!p2 [sflag:s0], $0x4000  }
0x11e: {  	[sflag:s0] =	ssyncset.done @!p2 $0x0  }
0x11f: {  	[sflag:s0] =	ssyncadd.s32 @!p2 $0xFFFFC000;
	s0 =	simm.s32 @!p2 $0x480  }
0x120: {  	[tilespmem:s11], [sflag:$0xC] =	stream.indirect.gather.add.f32 @!p2 [hbm:s6], $0x80, s0, s8, $0xb8;
	[tilespmem:$0x15400] =	vst v63  }
0x121: {  	s0 =	simm.s32 @!p2 $0x500  }
0x122: {  	[tilespmem:s11], [sflag:$0xC] =	stream.indirect.gather.add.f32 @!p2 [hbm:s7], $0x80, s0, s8, $0xb8;
	[tilespmem:$0x15400] =	vst v63  }
0x123: {  	s0 =	simm.s32 @!p2 $0x580  }
0x124: {  	[tilespmem:s11], [sflag:$0xC] =	stream.indirect.gather.add.f32 @!p2 [hbm:s16], $0x80, s0, s8, $0xb8;
	[tilespmem:$0x15400] =	vst v63  }
0x125: {  	s0 =	simm.s32 @!p2 $0x600  }
0x126: {  	[tilespmem:s11], [sflag:$0xC] =	stream.indirect.gather.add.f32 @!p2 [hbm:s9], $0x80, s0, s8, $0xb8;
	[tilespmem:$0x15400] =	vst v63  }
0x127: {  	s0 =	simm.s32 @!p2 $0x680  }
0x128: {  	[tilespmem:s11], [sflag:$0xC] =	stream.indirect.gather.add.f32 @!p2 [hbm:s31], $0x80, s0, s8, $0xb8;
	[tilespmem:$0x15400] =	vst v63  }
0x129: {  	s0 =	simm.s32 @p6 $0xF  }
0x12a: {  	_ =	swait.ge @p6 [sflag:s0], $0x4000  }
0x12b: {  	[sflag:s0] =	ssyncset.done @p6 $0x0  }
0x12c: {  	[sflag:s0] =	ssyncadd.s32 @p6 $0xFFFFC000  }
0x12d: {  	_ =	swait.ge @p6 [sflag:s0], $0x4000  }
0x12e: {  	[sflag:s0] =	ssyncset.done @p6 $0x0  }
0x12f: {  	[sflag:s0] =	ssyncadd.s32 @p6 $0xFFFFC000  }
0x130: {  	_ =	swait.ge @p6 [sflag:s0], $0x4000  }
0x131: {  	[sflag:s0] =	ssyncset.done @p6 $0x0  }
0x132: {  	[sflag:s0] =	ssyncadd.s32 @p6 $0xFFFFC000  }
0x133: {  	_ =	swait.ge @p6 [sflag:s0], $0x4000  }
0x134: {  	s13 =	sld [smem:$0x7F4];
	_ =	sdelay $0x2  }
0x135: {  	p1 =	slt.s32 s29, $0x30D;
	p2 =	seq.s32 s13, $0x1  }
0x136: {  	p0 =	por !p2, !p1  }
0x137: {  	s1 =	sadd.s32 $0xFFFFFCD3, s24;
	p2 =	por !p0, !p0  }
0x138: {  	[sflag:s0] =	ssyncset.done @p6 $0x0;
	p0 =	sne.s32 @!p2 s1, $0x0  }
0x139: {  	[sflag:s0] =	ssyncadd.s32 @p6 $0xFFFFC000;
	s1 =	simm.s32 @!p0 $0x0  }
0x13a: {  	_ =	swait.ge @p6 [sflag:s0], $0x4000;
	s1 =	simm.s32 @p0 $0x1;
	p0 =	por p0, p2  }
0x13b: {  	[sflag:s0] =	ssyncset.done @p6 $0x0;
	[smem:$0x7F9] =	sst s1;
	s1 =	simm.s32 @!p0 $0x0  }
0x13c: {  	s3 =	rddreg [dreg:$0xb];
	[sflag:s0] =	ssyncadd.s32 @p6 $0xFFFFC000;
	s1 =	simm.s32 @p0 $0x1  }
0x13d: {  	s0 =	simm.s32 @!p0 $0x0;
	[smem:$0x7F8] =	sst s1;
	s1 =	simm.s32 @!p0 $0x11400  }
0x13e: {  	[hbm4b:s3+s0] =	stream.linear.scatter @!p0 [tilespmem:s1], [sflag:$0x14], $0x1000, $0x38;
	[tilespmem:$0x15400] =	vst v63  }
0x13f: {  	s0 =	sadd.s32 @p2 $0xFFFF0000, s22  }
0x140: {  	s29 =	sadd.s32 $0x60, s24;
	s13 =	rddreg [dreg:$0x7];
	s0 =	sand.u32 @p2 $0x1FFFF800, s0  }
0x141: {  	s2 =	simm.s32 @p2 $0x11400;
	s1 =	simm.s32 @p2 $0x0;
	s0 =	sadd.s32 @p2 s13, s0  }
0x142: {  	[hbm4b:s0+s1] =	stream.linear.scatter @p2 [tilespmem:s2], [sflag:$0x14], $0x4000, $0x38;
	[tilespmem:$0x15400] =	vst v63  }
0x143: {  	p6 =	sgt.u32 s29, $0x30C;
	s0 =	sadd.s32 $0xFFFFFD53, s24  }
0x144: {  	p1 =	sne.s32 @p6 s0, $0x0  }
0x145: {  	p0 =	por p1, !p6  }
0x146: {  	s0 =	simm.s32 @!p0 $0x80;
	s1 =	simm.s32 @!p0 $0x400;
	s2 =	simm.s32 @!p0 $0xC00  }
0x147: {  	[tilespmem:s2], [sflag:$0x4] =	stream.strided.gather @!p0 [hbm4b:s14+s0], $0x0, s1, s0, $0x38;
	[tilespmem:$0x15400] =	vst v63  }
0x148: {  	s11 =	simm.s32 @!p0 $0x0  }
0x149: {  	[tilespmem:s2], [sflag:$0x4] =	stream.linear.gather @!p0 [hbm4b:s14+s11], $0x20, $0x38;
	[tilespmem:$0x15400] =	vst v63  }
0x14a: {  	s31 =	rddreg [dreg:$0x0];
	s2 =	simm.s32 @!p0 $0xC20  }
0x14b: {  	[tilespmem:s2], [sflag:$0x4] =	stream.linear.gather @!p0 [hbm4b:s31+s11], $0x60, $0x38;
	[tilespmem:$0x15400] =	vst v63  }
0x14c: {  	s2 =	simm.s32 @!p0 $0xC80  }
0x14d: {  	[tilespmem:s2], [sflag:$0x4] =	stream.strided.gather @!p0 [hbm4b:s15+s0], $0x0, s1, s0, $0x38;
	[tilespmem:$0x15400] =	vst v63  }
0x14e: {  	_ = 	snop  }
0x14f: {  	[tilespmem:s2], [sflag:$0x4] =	stream.linear.gather @!p0 [hbm4b:s15+s11], $0x20, $0x38;
	[tilespmem:$0x15400] =	vst v63  }
0x150: {  	s2 =	simm.s32 @!p0 $0xCA0  }
0x151: {  	[tilespmem:s2], [sflag:$0x4] =	stream.linear.gather @!p0 [hbm4b:s18+s11], $0x60, $0x38;
	[tilespmem:$0x15400] =	vst v63  }
0x152: {  	s2 =	simm.s32 @!p0 $0xD00  }
0x153: {  	[tilespmem:s2], [sflag:$0x4] =	stream.strided.gather @!p0 [hbm4b:s17+s0], $0x0, s1, s0, $0x38;
	[tilespmem:$0x15400] =	vst v63  }
0x154: {  	_ = 	snop  }
0x155: {  	[tilespmem:s2], [sflag:$0x4] =	stream.linear.gather @!p0 [hbm4b:s17+s11], $0x20, $0x38;
	[tilespmem:$0x15400] =	vst v63  }
0x156: {  	s2 =	simm.s32 @!p0 $0xD20  }
0x157: {  	[tilespmem:s2], [sflag:$0x4] =	stream.linear.gather @!p0 [hbm4b:s20+s11], $0x60, $0x38;
	[tilespmem:$0x15400] =	vst v63  }
0x158: {  	s2 =	simm.s32 @!p0 $0xD80  }
0x159: {  	[tilespmem:s2], [sflag:$0x4] =	stream.strided.gather @!p0 [hbm4b:s19+s0], $0x0, s1, s0, $0x38;
	[tilespmem:$0x15400] =	vst v63  }
0x15a: {  	_ = 	snop  }
0x15b: {  	[tilespmem:s2], [sflag:$0x4] =	stream.linear.gather @!p0 [hbm4b:s19+s11], $0x20, $0x38;
	[tilespmem:$0x15400] =	vst v63  }
0x15c: {  	s2 =	simm.s32 @!p0 $0xDA0  }
0x15d: {  	[tilespmem:s2], [sflag:$0x4] =	stream.linear.gather @!p0 [hbm4b:s23+s11], $0x60, $0x38;
	[tilespmem:$0x15400] =	vst v63  }
0x15e: {  	s2 =	simm.s32 @!p0 $0xE00  }
0x15f: {  	[tilespmem:s2], [sflag:$0x4] =	stream.strided.gather @!p0 [hbm4b:s21+s0], $0x0, s1, s0, $0x38;
	[tilespmem:$0x15400] =	vst v63  }
0x160: {  	_ = 	snop  }
0x161: {  	[tilespmem:s2], [sflag:$0x4] =	stream.linear.gather @!p0 [hbm4b:s21+s11], $0x20, $0x38;
	[tilespmem:$0x15400] =	vst v63  }
0x162: {  	s2 =	simm.s32 @!p0 $0xE20  }
0x163: {  	[tilespmem:s2], [sflag:$0x4] =	stream.linear.gather @!p0 [hbm4b:s28+s11], $0x60, $0x38;
	[tilespmem:$0x15400] =	vst v63  }
0x164: {  	s2 =	simm.s32 @!p0 $0xE80  }
0x165: {  	[tilespmem:s2], [sflag:$0x4] =	stream.strided.gather @!p0 [hbm4b:s26+s0], $0x0, s1, s0, $0x38;
	[tilespmem:$0x15400] =	vst v63  }
0x166: {  	_ = 	snop  }
0x167: {  	[tilespmem:s2], [sflag:$0x4] =	stream.linear.gather @!p0 [hbm4b:s26+s11], $0x20, $0x38;
	[tilespmem:$0x15400] =	vst v63  }
0x168: {  	s0 =	simm.s32 @!p0 $0xEA0;
	s1 =	simm.s32 @!p6 $0x400  }
0x169: {  	[tilespmem:s0], [sflag:$0x4] =	stream.linear.gather @!p0 [hbm4b:s12+s11], $0x60, $0x38;
	[tilespmem:$0x15400] =	vst v63  }
0x16a: {  	s2 =	simm.s32 @!p6 $0xC3800;
	s0 =	sadd.s32 @!p6 $0xFFFFE000, s25;
	s11 =	simm.s32 @!p6 $0xC00  }
0x16b: {  	[tilespmem:s11], [sflag:$0x4] =	stream.strided.gather @!p6 [hbm4b:s0+s1], $0x0, s2, s1, $0x38;
	[tilespmem:$0x15400] =	vst v63  }
0x16c: {  	s1 =	simm.s32 @!p6 $0x0  }
0x16d: {  	[tilespmem:s11], [sflag:$0x4] =	stream.linear.gather @!p6 [hbm4b:s0+s1], $0x300, $0x38;
	[tilespmem:$0x15400] =	vst v63  }
0x16e: {  	s0 =	simm.s32 @!p5 $0x13  }
0x16f: {  	_ =	swait.ge @!p5 [sflag:s0], $0x4000  }
0x170: {  	[sflag:s0] =	ssyncset.done @!p5 $0x0  }
0x171: {  	[sflag:s0] =	ssyncadd.s32 @!p5 $0xFFFFC000;
	p5 =	por @!p0 $0x1, $0x1  }
0x172: {  	p0 =	por !p1, !p6;
	s0 =	simm.s32 @!p6 $0x4;
	p1 =	por @p6 $0x0, $0x0  }
0x173: {  	p5 =	por @!p0 p1, p1;
	_ =	swait.ge @!p6 [sflag:s0], $0x300;
	p0 =	por @!p6 $0x0, $0x0  }
0x174: {  	p5 =	por @!p6 p0, p0;
	[sflag:s0] =	ssyncset.done @!p6 $0x0  }
0x175: {  	[sflag:s0] =	ssyncadd.s32 @!p6 $0xFFFFFD00;
	s0 =	simm.s32 @p5 $0x4  }
0x176: {  	_ =	swait.ge @p5 [sflag:s0], $0x20  }
0x177: {  	[sflag:s0] =	ssyncset.done @p5 $0x0  }
0x178: {  	[sflag:s0] =	ssyncadd.s32 @p5 $0xFFFFFFE0  }
0x179: {  	_ =	swait.ge @p5 [sflag:s0], $0x60  }
0x17a: {  	[sflag:s0] =	ssyncset.done @p5 $0x0  }
0x17b: {  	[sflag:s0] =	ssyncadd.s32 @p5 $0xFFFFFFA0  }
0x17c: {  	_ =	swait.ge @p5 [sflag:s0], $0x20  }
0x17d: {  	[sflag:s0] =	ssyncset.done @p5 $0x0  }
0x17e: {  	[sflag:s0] =	ssyncadd.s32 @p5 $0xFFFFFFE0  }
0x17f: {  	_ =	swait.ge @p5 [sflag:s0], $0x60  }
0x180: {  	[sflag:s0] =	ssyncset.done @p5 $0x0  }
0x181: {  	[sflag:s0] =	ssyncadd.s32 @p5 $0xFFFFFFA0  }
0x182: {  	_ =	swait.ge @p5 [sflag:s0], $0x20  }
0x183: {  	[sflag:s0] =	ssyncset.done @p5 $0x0  }
0x184: {  	[sflag:s0] =	ssyncadd.s32 @p5 $0xFFFFFFE0  }
0x185: {  	_ =	swait.ge @p5 [sflag:s0], $0x60  }
0x186: {  	[sflag:s0] =	ssyncset.done @p5 $0x0  }
0x187: {  	[sflag:s0] =	ssyncadd.s32 @p5 $0xFFFFFFA0  }
0x188: {  	_ =	swait.ge @p5 [sflag:s0], $0x20  }
0x189: {  	[sflag:s0] =	ssyncset.done @p5 $0x0  }
0x18a: {  	[sflag:s0] =	ssyncadd.s32 @p5 $0xFFFFFFE0  }
0x18b: {  	_ =	swait.ge @p5 [sflag:s0], $0x60  }
0x18c: {  	[sflag:s0] =	ssyncset.done @p5 $0x0  }
0x18d: {  	[sflag:s0] =	ssyncadd.s32 @p5 $0xFFFFFFA0  }
0x18e: {  	_ =	swait.ge @p5 [sflag:s0], $0x20  }
0x18f: {  	[sflag:s0] =	ssyncset.done @p5 $0x0  }
0x190: {  	[sflag:s0] =	ssyncadd.s32 @p5 $0xFFFFFFE0  }
0x191: {  	_ =	swait.ge @p5 [sflag:s0], $0x60  }
0x192: {  	[sflag:s0] =	ssyncset.done @p5 $0x0  }
0x193: {  	[sflag:s0] =	ssyncadd.s32 @p5 $0xFFFFFFA0  }
0x194: {  	_ =	swait.ge @p5 [sflag:s0], $0x20  }
0x195: {  	[sflag:s0] =	ssyncset.done @p5 $0x0  }
0x196: {  	[sflag:s0] =	ssyncadd.s32 @p5 $0xFFFFFFE0  }
0x197: {  	_ =	swait.ge @p5 [sflag:s0], $0x60  }
0x198: {  	[sflag:s0] =	ssyncset.done @p5 $0x0  }
0x199: {  	[sflag:s0] =	ssyncadd.s32 @p5 $0xFFFFFFA0;
	p5 =	sgt.u32 s29, $0x30D  }
0x19a: {  	s29 =	simm.s32 @!p5 $0x80;
	s0 =	simm.s32 @!p5 $0xC00;
	s8 =	simm.s32 @!p5 $0xD400  }
0x19b: {  	[tilespmem:s8], [sflag:$0x9] =	stream.indirect.gather @!p5 [hbm4b:s5+s29], $0x80, s0, s29, $0xb8;
	[tilespmem:$0x15400] =	vst v63  }
0x19c: {  	s0 =	simm.s32 @!p4 $0x8  }
0x19d: {  	_ =	swait.ge @!p4 [sflag:s0], $0x4000  }
0x19e: {  	[sflag:s0] =	ssyncset.done @!p4 $0x0  }
0x19f: {  	[sflag:s0] =	ssyncadd.s32 @!p4 $0xFFFFC000;
	s0 =	simm.s32 @!p4 $0x880  }
0x1a0: {  	[tilespmem:s10], [sflag:$0xD] =	stream.indirect.gather.add.f32 @!p4 [hbm:s6], $0x80, s0, s4, $0xb8;
	[tilespmem:$0x15400] =	vst v63  }
0x1a1: {  	s0 =	simm.s32 @!p4 $0x900  }
0x1a2: {  	[tilespmem:s10], [sflag:$0xD] =	stream.indirect.gather.add.f32 @!p4 [hbm:s7], $0x80, s0, s4, $0xb8;
	[tilespmem:$0x15400] =	vst v63  }
0x1a3: {  	s1 =	sld [smem:$0x7F5];
	s0 =	simm.s32 @!p4 $0x980  }
0x1a4: {  	[tilespmem:s10], [sflag:$0xD] =	stream.indirect.gather.add.f32 @!p4 [hbm:s16], $0x80, s0, s4, $0xb8;
	[tilespmem:$0x15400] =	vst v63  }
0x1a5: {  	s0 =	simm.s32 @!p4 $0xA00  }
0x1a6: {  	[tilespmem:s10], [sflag:$0xD] =	stream.indirect.gather.add.f32 @!p4 [hbm:s9], $0x80, s0, s4, $0xb8;
	[tilespmem:$0x15400] =	vst v63  }
0x1a7: {  	s11 =	rddreg [dreg:$0x6];
	p0 =	seq.s32 s1, $0x1;
	s0 =	simm.s32 @!p4 $0xA80  }
0x1a8: {  	[tilespmem:s10], [sflag:$0xD] =	stream.indirect.gather.add.f32 @!p4 [hbm:s11], $0x80, s0, s4, $0xb8;
	[tilespmem:$0x15400] =	vst v63  }
0x1a9: {  	s0 =	simm.s32 @p0 $0xB  }
0x1aa: {  	_ =	swait.ge @p0 [sflag:s0], $0x4000  }
0x1ab: {  	[sflag:s0] =	ssyncset.done @p0 $0x0  }
0x1ac: {  	[sflag:s0] =	ssyncadd.s32 @p0 $0xFFFFC000  }
0x1ad: {  	_ =	swait.ge @p0 [sflag:s0], $0x4000  }
0x1ae: {  	[sflag:s0] =	ssyncset.done @p0 $0x0  }
0x1af: {  	[sflag:s0] =	ssyncadd.s32 @p0 $0xFFFFC000  }
0x1b0: {  	_ =	swait.ge @p0 [sflag:s0], $0x4000  }
0x1b1: {  	[sflag:s0] =	ssyncset.done @p0 $0x0  }
0x1b2: {  	[sflag:s0] =	ssyncadd.s32 @p0 $0xFFFFC000  }
0x1b3: {  	_ =	swait.ge @p0 [sflag:s0], $0x4000  }
0x1b4: {  	[sflag:s0] =	ssyncset.done @p0 $0x0  }
0x1b5: {  	[sflag:s0] =	ssyncadd.s32 @p0 $0xFFFFC000  }
0x1b6: {  	_ =	swait.ge @p0 [sflag:s0], $0x4000  }
0x1b7: {  	s2 =	sld [smem:$0x7F6];
	_ =	sdelay $0x1  }
0x1b8: {  	[sflag:s0] =	ssyncset.done @p0 $0x0  }
0x1b9: {  	s4 =	sld [smem:$0x7F7];
	[sflag:s0] =	ssyncadd.s32 @p0 $0xFFFFC000;
	p0 =	seq.s32 s2, $0x1  }
0x1ba: {  	s0 =	sadd.s32 @!p0 s22, s13;
	s1 =	simm.s32 @!p0 $0x0;
	s2 =	simm.s32 @!p0 $0x1400  }
0x1bb: {  	[hbm4b:s0+s1] =	stream.linear.scatter @!p0 [tilespmem:s2], [sflag:$0x10], $0x4000, $0x38;
	[tilespmem:$0x15400] =	vst v63  }
0x1bc: {  	p0 =	seq.s32 s4, $0x1  }
0x1bd: {  	s4 =	sadd.s32 $0x80, s24;
	s0 =	simm.s32 @p0 $0x0;
	s1 =	simm.s32 @p0 $0x1400  }
0x1be: {  	[hbm4b:s3+s0] =	stream.linear.scatter @p0 [tilespmem:s1], [sflag:$0x10], $0x1000, $0x38;
	[tilespmem:$0x15400] =	vst v63  }
0x1bf: {  	p1 =	sgt.u32 s4, $0x30C;
	s0 =	sadd.s32 $0xFFFFFD73, s24  }
0x1c0: {  	p0 =	sne.s32 @p1 s0, $0x0  }
0x1c1: {  	s0 =	simm.s32 @!p0 $0x0;
	p6 =	por p0, !p1  }
0x1c2: {  	s0 =	simm.s32 @p0 $0x1;
	s1 =	simm.s32 @!p6 $0x400  }
0x1c3: {  	s2 =	simm.s32 @!p6 $0x1000;
	[smem:$0x7FB] =	sst s0;
	s0 =	simm.s32 @!p6 $0x80  }
0x1c4: {  	[tilespmem:s2], [sflag:$0x5] =	stream.strided.gather @!p6 [hbm4b:s14+s0], $0x0, s1, s0, $0x38;
	[tilespmem:$0x15400] =	vst v63  }
0x1c5: {  	s10 =	simm.s32 @!p6 $0x0  }
0x1c6: {  	[tilespmem:s2], [sflag:$0x5] =	stream.linear.gather @!p6 [hbm4b:s14+s10], $0x20, $0x38;
	[tilespmem:$0x15400] =	vst v63  }
0x1c7: {  	s2 =	simm.s32 @!p6 $0x1020  }
0x1c8: {  	[tilespmem:s2], [sflag:$0x5] =	stream.linear.gather @!p6 [hbm4b:s31+s10], $0x60, $0x38;
	[tilespmem:$0x15400] =	vst v63  }
0x1c9: {  	s2 =	simm.s32 @!p6 $0x1080  }
0x1ca: {  	[tilespmem:s2], [sflag:$0x5] =	stream.strided.gather @!p6 [hbm4b:s15+s0], $0x0, s1, s0, $0x38;
	[tilespmem:$0x15400] =	vst v63  }
0x1cb: {  	_ = 	snop  }
0x1cc: {  	[tilespmem:s2], [sflag:$0x5] =	stream.linear.gather @!p6 [hbm4b:s15+s10], $0x20, $0x38;
	[tilespmem:$0x15400] =	vst v63  }
0x1cd: {  	s2 =	simm.s32 @!p6 $0x10A0  }
0x1ce: {  	[tilespmem:s2], [sflag:$0x5] =	stream.linear.gather @!p6 [hbm4b:s18+s10], $0x60, $0x38;
	[tilespmem:$0x15400] =	vst v63  }
0x1cf: {  	s2 =	simm.s32 @!p6 $0x1100  }
0x1d0: {  	[tilespmem:s2], [sflag:$0x5] =	stream.strided.gather @!p6 [hbm4b:s17+s0], $0x0, s1, s0, $0x38;
	[tilespmem:$0x15400] =	vst v63  }
0x1d1: {  	_ = 	snop  }
0x1d2: {  	[tilespmem:s2], [sflag:$0x5] =	stream.linear.gather @!p6 [hbm4b:s17+s10], $0x20, $0x38;
	[tilespmem:$0x15400] =	vst v63  }
0x1d3: {  	s2 =	simm.s32 @!p6 $0x1120  }
0x1d4: {  	[tilespmem:s2], [sflag:$0x5] =	stream.linear.gather @!p6 [hbm4b:s20+s10], $0x60, $0x38;
	[tilespmem:$0x15400] =	vst v63  }
0x1d5: {  	s2 =	simm.s32 @!p6 $0x1180  }
0x1d6: {  	[tilespmem:s2], [sflag:$0x5] =	stream.strided.gather @!p6 [hbm4b:s19+s0], $0x0, s1, s0, $0x38;
	[tilespmem:$0x15400] =	vst v63  }
0x1d7: {  	_ = 	snop  }
0x1d8: {  	[tilespmem:s2], [sflag:$0x5] =	stream.linear.gather @!p6 [hbm4b:s19+s10], $0x20, $0x38;
	[tilespmem:$0x15400] =	vst v63  }
0x1d9: {  	s2 =	simm.s32 @!p6 $0x11A0  }
0x1da: {  	[tilespmem:s2], [sflag:$0x5] =	stream.linear.gather @!p6 [hbm4b:s23+s10], $0x60, $0x38;
	[tilespmem:$0x15400] =	vst v63  }
0x1db: {  	s2 =	simm.s32 @!p6 $0x1200  }
0x1dc: {  	[tilespmem:s2], [sflag:$0x5] =	stream.strided.gather @!p6 [hbm4b:s21+s0], $0x0, s1, s0, $0x38;
	[tilespmem:$0x15400] =	vst v63  }
0x1dd: {  	_ = 	snop  }
0x1de: {  	[tilespmem:s2], [sflag:$0x5] =	stream.linear.gather @!p6 [hbm4b:s21+s10], $0x20, $0x38;
	[tilespmem:$0x15400] =	vst v63  }
0x1df: {  	s2 =	simm.s32 @!p6 $0x1220  }
0x1e0: {  	[tilespmem:s2], [sflag:$0x5] =	stream.linear.gather @!p6 [hbm4b:s28+s10], $0x60, $0x38;
	[tilespmem:$0x15400] =	vst v63  }
0x1e1: {  	s2 =	simm.s32 @!p6 $0x1280  }
0x1e2: {  	[tilespmem:s2], [sflag:$0x5] =	stream.strided.gather @!p6 [hbm4b:s26+s0], $0x0, s1, s0, $0x38;
	[tilespmem:$0x15400] =	vst v63  }
0x1e3: {  	_ = 	snop  }
0x1e4: {  	[tilespmem:s2], [sflag:$0x5] =	stream.linear.gather @!p6 [hbm4b:s26+s10], $0x20, $0x38;
	[tilespmem:$0x15400] =	vst v63  }
0x1e5: {  	s0 =	simm.s32 @!p6 $0x12A0;
	s1 =	simm.s32 @!p1 $0x400  }
0x1e6: {  	[tilespmem:s0], [sflag:$0x5] =	stream.linear.gather @!p6 [hbm4b:s12+s10], $0x60, $0x38;
	[tilespmem:$0x15400] =	vst v63  }
0x1e7: {  	s2 =	simm.s32 @!p1 $0xC3800;
	s0 =	sadd.s32 @!p1 $0xFFFFF000, s25;
	s10 =	simm.s32 @!p1 $0x1000  }
0x1e8: {  	[tilespmem:s10], [sflag:$0x5] =	stream.strided.gather @!p1 [hbm4b:s0+s1], $0x0, s2, s1, $0x38;
	[tilespmem:$0x15400] =	vst v63  }
0x1e9: {  	s1 =	simm.s32 @!p1 $0x0  }
0x1ea: {  	[tilespmem:s10], [sflag:$0x5] =	stream.linear.gather @!p1 [hbm4b:s0+s1], $0x300, $0x38;
	[tilespmem:$0x15400] =	vst v63  }
0x1eb: {  	s1 =	sld [smem:$0x7F9];
	_ =	sdelay $0x2  }
0x1ec: {  	p3 =	seq.s32 s1, $0x1  }
0x1ed: {  	p4 =	por !p3, p2  }
0x1ee: {  	s0 =	simm.s32 @!p4 $0x0  }
0x1ef: {  	s10 =	sld [smem:$0x7F8];
	s0 =	simm.s32 @p4 $0x1  }
0x1f0: {  	[smem:$0x7FA] =	sst s0  }
0x1f1: {  	s2 =	sld [smem:$0x7FA]  }
0x1f2: {  	p0 =	seq.s32 s10, $0x1  }
0x1f3: {  	p0 =	por @!p0 $0x1, $0x1  }
0x1f4: {  	p4 =	por @!p2 $0x0, $0x0;
	s0 =	simm.s32 @p2 $0x14;
	p3 =	seq.s32 s2, $0x1  }
0x1f5: {  	_ =	swait.ge @p2 [sflag:s0], $0x4000;
	p0 =	por @!p3 p4, p4;
	p4 =	por @p2 $0x0, $0x0  }
0x1f6: {  	[sflag:s0] =	ssyncset.done @p2 $0x0;
	p4 =	por @!p2 p0, p0  }
0x1f7: {  	[sflag:s0] =	ssyncadd.s32 @p2 $0xFFFFC000;
	s0 =	simm.s32 @p4 $0x14  }
0x1f8: {  	_ =	swait.ge @p4 [sflag:s0], $0x1000  }
0x1f9: {  	s10 =	sld [smem:$0x7FB];
	_ =	sdelay $0x1  }
0x1fa: {  	p3 =	por @!p6 $0x1, $0x1  }
0x1fb: {  	p0 =	por @p1 $0x0, $0x0;
	[sflag:s0] =	ssyncset.done @p4 $0x0;
	p6 =	seq.s32 s10, $0x1  }
0x1fc: {  	[sflag:s0] =	ssyncadd.s32 @p4 $0xFFFFF000;
	s0 =	simm.s32 @!p1 $0x5;
	p4 =	por !p6, !p1  }
0x1fd: {  	_ =	swait.ge @!p1 [sflag:s0], $0x300;
	p3 =	por @!p4 p0, p0;
	p0 =	por @!p1 $0x0, $0x0  }
0x1fe: {  	[sflag:s0] =	ssyncset.done @!p1 $0x0;
	p3 =	por @!p1 p0, p0  }
0x1ff: {  	[sflag:s0] =	ssyncadd.s32 @!p1 $0xFFFFFD00;
	s0 =	simm.s32 @p3 $0x5  }
0x200: {  	_ =	swait.ge @p3 [sflag:s0], $0x20  }
0x201: {  	[sflag:s0] =	ssyncset.done @p3 $0x0  }
0x202: {  	[sflag:s0] =	ssyncadd.s32 @p3 $0xFFFFFFE0  }
0x203: {  	_ =	swait.ge @p3 [sflag:s0], $0x60  }
0x204: {  	[sflag:s0] =	ssyncset.done @p3 $0x0  }
0x205: {  	[sflag:s0] =	ssyncadd.s32 @p3 $0xFFFFFFA0  }
0x206: {  	_ =	swait.ge @p3 [sflag:s0], $0x20  }
0x207: {  	[sflag:s0] =	ssyncset.done @p3 $0x0  }
0x208: {  	[sflag:s0] =	ssyncadd.s32 @p3 $0xFFFFFFE0  }
0x209: {  	_ =	swait.ge @p3 [sflag:s0], $0x60  }
0x20a: {  	[sflag:s0] =	ssyncset.done @p3 $0x0  }
0x20b: {  	[sflag:s0] =	ssyncadd.s32 @p3 $0xFFFFFFA0  }
0x20c: {  	_ =	swait.ge @p3 [sflag:s0], $0x20  }
0x20d: {  	[sflag:s0] =	ssyncset.done @p3 $0x0  }
0x20e: {  	[sflag:s0] =	ssyncadd.s32 @p3 $0xFFFFFFE0  }
0x20f: {  	_ =	swait.ge @p3 [sflag:s0], $0x60  }
0x210: {  	[sflag:s0] =	ssyncset.done @p3 $0x0  }
0x211: {  	[sflag:s0] =	ssyncadd.s32 @p3 $0xFFFFFFA0  }
0x212: {  	_ =	swait.ge @p3 [sflag:s0], $0x20  }
0x213: {  	[sflag:s0] =	ssyncset.done @p3 $0x0  }
0x214: {  	[sflag:s0] =	ssyncadd.s32 @p3 $0xFFFFFFE0  }
0x215: {  	_ =	swait.ge @p3 [sflag:s0], $0x60  }
0x216: {  	[sflag:s0] =	ssyncset.done @p3 $0x0  }
0x217: {  	[sflag:s0] =	ssyncadd.s32 @p3 $0xFFFFFFA0  }
0x218: {  	_ =	swait.ge @p3 [sflag:s0], $0x20  }
0x219: {  	[sflag:s0] =	ssyncset.done @p3 $0x0  }
0x21a: {  	[sflag:s0] =	ssyncadd.s32 @p3 $0xFFFFFFE0  }
0x21b: {  	_ =	swait.ge @p3 [sflag:s0], $0x60  }
0x21c: {  	[sflag:s0] =	ssyncset.done @p3 $0x0  }
0x21d: {  	[sflag:s0] =	ssyncadd.s32 @p3 $0xFFFFFFA0  }
0x21e: {  	_ =	swait.ge @p3 [sflag:s0], $0x20  }
0x21f: {  	[sflag:s0] =	ssyncset.done @p3 $0x0  }
0x220: {  	[sflag:s0] =	ssyncadd.s32 @p3 $0xFFFFFFE0  }
0x221: {  	p0 =	sgt.u32 s4, $0x30D;
	_ =	swait.ge @p3 [sflag:s0], $0x60  }
0x222: {  	s1 =	simm.s32 @!p0 $0x1000;
	[sflag:s0] =	ssyncset.done @p3 $0x0  }
0x223: {  	s2 =	simm.s32 @!p0 $0x11400;
	[sflag:s0] =	ssyncadd.s32 @p3 $0xFFFFFFA0;
	s0 =	simm.s32 @!p0 $0x80  }
0x224: {  	[tilespmem:s2], [sflag:$0xA] =	stream.indirect.gather @!p0 [hbm4b:s5+s0], $0x80, s1, s0, $0xb8;
	[tilespmem:$0x15400] =	vst v63  }
0x225: {  	s0 =	simm.s32 @!p5 $0x9  }
0x226: {  	_ =	swait.ge @!p5 [sflag:s0], $0x4000  }
0x227: {  	[sflag:s0] =	ssyncset.done @!p5 $0x0  }
0x228: {  	[sflag:s0] =	ssyncadd.s32 @!p5 $0xFFFFC000;
	s0 =	simm.s32 @!p5 $0xC80  }
0x229: {  	[tilespmem:s8], [sflag:$0xE] =	stream.indirect.gather.add.f32 @!p5 [hbm:s6], $0x80, s0, s29, $0xb8;
	[tilespmem:$0x15400] =	vst v63  }
0x22a: {  	s0 =	simm.s32 @!p5 $0xD00  }
0x22b: {  	[tilespmem:s8], [sflag:$0xE] =	stream.indirect.gather.add.f32 @!p5 [hbm:s7], $0x80, s0, s29, $0xb8;
	[tilespmem:$0x15400] =	vst v63  }
0x22c: {  	s0 =	simm.s32 @!p5 $0xD80  }
0x22d: {  	[tilespmem:s8], [sflag:$0xE] =	stream.indirect.gather.add.f32 @!p5 [hbm:s16], $0x80, s0, s29, $0xb8;
	[tilespmem:$0x15400] =	vst v63  }
0x22e: {  	s0 =	simm.s32 @!p5 $0xE00  }
0x22f: {  	[tilespmem:s8], [sflag:$0xE] =	stream.indirect.gather.add.f32 @!p5 [hbm:s9], $0x80, s0, s29, $0xb8;
	[tilespmem:$0x15400] =	vst v63  }
0x230: {  	s0 =	simm.s32 @!p5 $0xE80  }
0x231: {  	[tilespmem:s8], [sflag:$0xE] =	stream.indirect.gather.add.f32 @!p5 [hbm:s11], $0x80, s0, s29, $0xb8;
	[tilespmem:$0x15400] =	vst v63  }
0x232: {  	s11 =	sld [smem:$0x7FC];
	_ =	sdelay $0x2  }
0x233: {  	p1 =	seq.s32 s11, $0x1  }
0x234: {  	s0 =	simm.s32 @!p1 $0xC  }
0x235: {  	_ =	swait.ge @!p1 [sflag:s0], $0x4000  }
0x236: {  	[sflag:s0] =	ssyncset.done @!p1 $0x0  }
0x237: {  	[sflag:s0] =	ssyncadd.s32 @!p1 $0xFFFFC000  }
0x238: {  	_ =	swait.ge @!p1 [sflag:s0], $0x4000  }
0x239: {  	[sflag:s0] =	ssyncset.done @!p1 $0x0  }
0x23a: {  	[sflag:s0] =	ssyncadd.s32 @!p1 $0xFFFFC000  }
0x23b: {  	_ =	swait.ge @!p1 [sflag:s0], $0x4000  }
0x23c: {  	[sflag:s0] =	ssyncset.done @!p1 $0x0  }
0x23d: {  	[sflag:s0] =	ssyncadd.s32 @!p1 $0xFFFFC000  }
0x23e: {  	_ =	swait.ge @!p1 [sflag:s0], $0x4000  }
0x23f: {  	[sflag:s0] =	ssyncset.done @!p1 $0x0  }
0x240: {  	s1 =	rddreg [dreg:$0x15];
	[sflag:s0] =	ssyncadd.s32 @!p1 $0xFFFFC000  }
0x241: {  	p0 =	sgt.u32 @!p1 s1, $0x30C;
	_ =	swait.ge @!p1 [sflag:s0], $0x4000  }
0x242: {  	p0 =	por p0, p1;
	[sflag:s0] =	ssyncset.done @!p1 $0x0  }
0x243: {  	s16 =	sld [smem:$0x7FD];
	[sflag:s0] =	ssyncadd.s32 @!p1 $0xFFFFC000;
	s0 =	sadd.s32 @!p0 s22, s13  }
0x244: {  	s1 =	simm.s32 @!p0 $0x0;
	s2 =	simm.s32 @!p0 $0x5400;
	s0 =	sadd.s32 @!p0 $0x10000, s0  }
0x245: {  	[hbm4b:s0+s1] =	stream.linear.scatter @!p0 [tilespmem:s2], [sflag:$0x11], $0x4000, $0x38;
	[tilespmem:$0x15400] =	vst v63  }
0x246: {  	p0 =	seq.s32 s16, $0x1  }
0x247: {  	s29 =	sadd.s32 $0xA0, s24;
	s0 =	simm.s32 @p0 $0x0;
	s1 =	simm.s32 @p0 $0x5400  }
0x248: {  	[hbm4b:s3+s0] =	stream.linear.scatter @p0 [tilespmem:s1], [sflag:$0x11], $0x1000, $0x38;
	[tilespmem:$0x15400] =	vst v63  }
0x249: {  	s1 =	sadd.s32 $0xFFFFFD93, s24;
	p0 =	sgt.u32 s29, $0x30C  }
0x24a: {  	p1 =	sne.s32 @p0 s1, $0x0  }
0x24b: {  	p1 =	por p1, !p0  }
0x24c: {  	s0 =	simm.s32 @!p1 $0x80;
	s1 =	simm.s32 @!p1 $0x400;
	s2 =	simm.s32 @!p1 $0x0  }
0x24d: {  	[tilespmem:s2], [sflag:$0x1] =	stream.strided.gather @!p1 [hbm4b:s14+s0], $0x0, s1, s0, $0x38;
	[tilespmem:$0x15400] =	vst v63  }
0x24e: {  	_ = 	snop  }
0x24f: {  	[tilespmem:s2], [sflag:$0x1] =	stream.linear.gather @!p1 [hbm4b:s14+s2], $0x20, $0x38;
	[tilespmem:$0x15400] =	vst v63  }
0x250: {  	s4 =	simm.s32 @!p1 $0x20  }
0x251: {  	[tilespmem:s4], [sflag:$0x1] =	stream.linear.gather @!p1 [hbm4b:s31+s2], $0x60, $0x38;
	[tilespmem:$0x15400] =	vst v63  }
0x252: {  	_ = 	snop  }
0x253: {  	[tilespmem:s0], [sflag:$0x1] =	stream.strided.gather @!p1 [hbm4b:s15+s0], $0x0, s1, s0, $0x38;
	[tilespmem:$0x15400] =	vst v63  }
0x254: {  	_ = 	snop  }
0x255: {  	[tilespmem:s0], [sflag:$0x1] =	stream.linear.gather @!p1 [hbm4b:s15+s2], $0x20, $0x38;
	[tilespmem:$0x15400] =	vst v63  }
0x256: {  	s4 =	simm.s32 @!p1 $0xA0  }
0x257: {  	[tilespmem:s4], [sflag:$0x1] =	stream.linear.gather @!p1 [hbm4b:s18+s2], $0x60, $0x38;
	[tilespmem:$0x15400] =	vst v63  }
0x258: {  	s4 =	simm.s32 @!p1 $0x100  }
0x259: {  	[tilespmem:s4], [sflag:$0x1] =	stream.strided.gather @!p1 [hbm4b:s17+s0], $0x0, s1, s0, $0x38;
	[tilespmem:$0x15400] =	vst v63  }
0x25a: {  	_ = 	snop  }
0x25b: {  	[tilespmem:s4], [sflag:$0x1] =	stream.linear.gather @!p1 [hbm4b:s17+s2], $0x20, $0x38;
	[tilespmem:$0x15400] =	vst v63  }
0x25c: {  	s4 =	simm.s32 @!p1 $0x120  }
0x25d: {  	[tilespmem:s4], [sflag:$0x1] =	stream.linear.gather @!p1 [hbm4b:s20+s2], $0x60, $0x38;
	[tilespmem:$0x15400] =	vst v63  }
0x25e: {  	s4 =	simm.s32 @!p1 $0x180  }
0x25f: {  	[tilespmem:s4], [sflag:$0x1] =	stream.strided.gather @!p1 [hbm4b:s19+s0], $0x0, s1, s0, $0x38;
	[tilespmem:$0x15400] =	vst v63  }
0x260: {  	_ = 	snop  }
0x261: {  	[tilespmem:s4], [sflag:$0x1] =	stream.linear.gather @!p1 [hbm4b:s19+s2], $0x20, $0x38;
	[tilespmem:$0x15400] =	vst v63  }
0x262: {  	s4 =	simm.s32 @!p1 $0x1A0  }
0x263: {  	[tilespmem:s4], [sflag:$0x1] =	stream.linear.gather @!p1 [hbm4b:s23+s2], $0x60, $0x38;
	[tilespmem:$0x15400] =	vst v63  }
0x264: {  	s4 =	simm.s32 @!p1 $0x200  }
0x265: {  	[tilespmem:s4], [sflag:$0x1] =	stream.strided.gather @!p1 [hbm4b:s21+s0], $0x0, s1, s0, $0x38;
	[tilespmem:$0x15400] =	vst v63  }
0x266: {  	_ = 	snop  }
0x267: {  	[tilespmem:s4], [sflag:$0x1] =	stream.linear.gather @!p1 [hbm4b:s21+s2], $0x20, $0x38;
	[tilespmem:$0x15400] =	vst v63  }
0x268: {  	s4 =	simm.s32 @!p1 $0x220  }
0x269: {  	[tilespmem:s4], [sflag:$0x1] =	stream.linear.gather @!p1 [hbm4b:s28+s2], $0x60, $0x38;
	[tilespmem:$0x15400] =	vst v63  }
0x26a: {  	s4 =	simm.s32 @!p1 $0x280  }
0x26b: {  	[tilespmem:s4], [sflag:$0x1] =	stream.strided.gather @!p1 [hbm4b:s26+s0], $0x0, s1, s0, $0x38;
	[tilespmem:$0x15400] =	vst v63  }
0x26c: {  	_ = 	snop  }
0x26d: {  	[tilespmem:s4], [sflag:$0x1] =	stream.linear.gather @!p1 [hbm4b:s26+s2], $0x20, $0x38;
	[tilespmem:$0x15400] =	vst v63  }
0x26e: {  	s0 =	simm.s32 @!p1 $0x2A0  }
0x26f: {  	[tilespmem:s0], [sflag:$0x1] =	stream.linear.gather @!p1 [hbm4b:s12+s2], $0x60, $0x38;
	[tilespmem:$0x15400] =	vst v63  }
0x270: {  	s1 =	simm.s32 @!p0 $0xC3800;
	s0 =	simm.s32 @!p0 $0x400;
	s2 =	simm.s32 @!p0 $0x0  }
0x271: {  	[tilespmem:s2], [sflag:$0x1] =	stream.strided.gather @!p0 [hbm4b:s25+s0], $0x0, s1, s0, $0x38;
	[tilespmem:$0x15400] =	vst v63  }
0x272: {  	s30 =	sadd.s32 $0xA0, s30  }
0x273: {  	[tilespmem:s2], [sflag:$0x1] =	stream.linear.gather @!p0 [hbm4b:s25+s2], $0x300, $0x38;
	[tilespmem:$0x15400] =	vst v63  }
0x274: {  	p0 =	sne.s32 s30, $0x3C0  }
.Ltmp3:
0x275: {  	_ = 	snop;
	(pc) =	sbr.rel @!p0 .LBB2_8-.Ltmp3, $2  }
0x276: {  	_ =	sdelay $0x2  }
0x277: {  	s22 =	sadd.s32 $0x50000, s22;
	s25 =	sadd.s32 $0x5000, s25  }
.LBB2_2:
0x278: {  	p5 =	seq.s32 s30, $0x0  }
0x279: {  	s4 =	simm.s32 @!p5 $0x10  }
0x27a: {  	_ =	swait.ge @!p5 [sflag:s4], $0x4000  }
0x27b: {  	s0 =	rddreg [dreg:$0x9]  }
0x27c: {  	s24 =	sadd.s32 s30, s0  }
0x27d: {  	p1 =	sgt.u32 s24, $0x30C  }
.Ltmp4:
0x27e: {  	_ = 	snop;
	(pc) =	sbr.rel @!p1 .LBB2_3-.Ltmp4, $3  }
0x27f: {  	_ =	sdelay $0x1  }
0x280: {  	[sflag:s4] =	ssyncset.done @!p5 $0x0  }
0x281: {  	[sflag:s4] =	ssyncadd.s32 @!p5 $0xFFFFC000  }
0x282: {  	s4 =	sadd.s32 $0xFFFFFCF3, s24  }
0x283: {  	p0 =	sne.s32 s4, $0x0  }
.Ltmp5:
0x284: {  	_ = 	snop;
	(pc) =	sbr.rel @p0 .LBB2_7-.Ltmp5, $2  }
0x285: {  	_ =	sdelay $0x2  }
0x286: {  	p4 =	por $0x0, $0x0;
	p2 =	por $0x0, $0x0;
	s5 =	rddreg [dreg:$0x1]  }
0x287: {  	s0 =	simm.s32 $0x1  }
0x288: {  	_ =	swait.ge [sflag:s0], $0x20  }
0x289: {  	[sflag:s0] =	ssyncset.done $0x0  }
0x28a: {  	[sflag:s0] =	ssyncadd.s32 $0xFFFFFFE0  }
0x28b: {  	_ =	swait.ge [sflag:s0], $0x60  }
0x28c: {  	[sflag:s0] =	ssyncset.done $0x0  }
0x28d: {  	[sflag:s0] =	ssyncadd.s32 $0xFFFFFFA0  }
0x28e: {  	_ =	swait.ge [sflag:s0], $0x20  }
0x28f: {  	[sflag:s0] =	ssyncset.done $0x0  }
0x290: {  	[sflag:s0] =	ssyncadd.s32 $0xFFFFFFE0  }
0x291: {  	_ =	swait.ge [sflag:s0], $0x60  }
0x292: {  	[sflag:s0] =	ssyncset.done $0x0  }
0x293: {  	[sflag:s0] =	ssyncadd.s32 $0xFFFFFFA0  }
0x294: {  	_ =	swait.ge [sflag:s0], $0x20  }
0x295: {  	[sflag:s0] =	ssyncset.done $0x0  }
0x296: {  	[sflag:s0] =	ssyncadd.s32 $0xFFFFFFE0  }
0x297: {  	_ =	swait.ge [sflag:s0], $0x60  }
0x298: {  	[sflag:s0] =	ssyncset.done $0x0  }
0x299: {  	[sflag:s0] =	ssyncadd.s32 $0xFFFFFFA0  }
0x29a: {  	_ =	swait.ge [sflag:s0], $0x20  }
0x29b: {  	[sflag:s0] =	ssyncset.done $0x0  }
0x29c: {  	[sflag:s0] =	ssyncadd.s32 $0xFFFFFFE0  }
0x29d: {  	_ =	swait.ge [sflag:s0], $0x60  }
0x29e: {  	[sflag:s0] =	ssyncset.done $0x0  }
0x29f: {  	[sflag:s0] =	ssyncadd.s32 $0xFFFFFFA0  }
0x2a0: {  	_ =	swait.ge [sflag:s0], $0x20  }
0x2a1: {  	[sflag:s0] =	ssyncset.done $0x0  }
0x2a2: {  	[sflag:s0] =	ssyncadd.s32 $0xFFFFFFE0  }
0x2a3: {  	_ =	swait.ge [sflag:s0], $0x60  }
0x2a4: {  	[sflag:s0] =	ssyncset.done $0x0  }
0x2a5: {  	[sflag:s0] =	ssyncadd.s32 $0xFFFFFFA0  }
0x2a6: {  	_ =	swait.ge [sflag:s0], $0x20  }
.Ltmp6:
0x2a7: {  	[sflag:s0] =	ssyncset.done $0x0;
	(pc) =	sbr.rel .LBB2_6-.Ltmp6, $4  }
0x2a8: {  	[sflag:s0] =	ssyncadd.s32 $0xFFFFFFE0  }
0x2a9: {  	_ =	swait.ge [sflag:s0], $0x60  }
0x2aa: {  	[sflag:s0] =	ssyncset.done $0x0  }
0x2ab: {  	[sflag:s0] =	ssyncadd.s32 $0xFFFFFFA0  }
.LBB2_9:
0x2ac: {  	_ =	sfence.sel $0x180000  }
0x2ad: {  	[bflag:$0x0] =	sbarrier.arrive $0xFFFF  }
0x2ae: {  	_ =	strace $0x90000047  }
0x2af: {  	s0 =	stileid.u32;
	[bflag:$0x2] =	sbarrier.arrive $0xFFFF  }
0x2b0: {  	p0 =	sne.s32 s0, $0x0;
	s0 =	rddreg [dreg:$0x8]  }
0x2b1: {  	s0 =	sadd.s32 @!p0 $0x100000, s0  }
0x2b2: {  	[sflag:s0] =	ssyncadd.tile.s32 @!p0 $0x1;
	_ =	shalt  }
.Lfunc_end2:
_tile_overlayer_lowered:
.L_overlay_start_2:
0x2b3: {  	(tag) =	ssettag $0x2  }
0x2b4: {  	s0 =	rddreg [dreg:$0x0];
	s2 =	stileid.u32  }
0x2b5: {  	s1 =	rddreg [dreg:$0x1];
	p0 =	sne.s32 s2, $0x0  }
0x2b6: {  	s3 =	rddreg [dreg:$0x2];
	[bflag:$0x3] =	sbarrier.arrive $0xFFFF;
	s2 =	simm.s32 @!p0 $0x1C15  }
0x2b7: {  	[timem:s3], [sflag:s2] =	dma.local @!p0 [hbm:s0], s1  }
0x2b8: {  	s0 =	simm.s32 @!p0 $0x15  }
0x2b9: {  	_ =	swait.ge @!p0 [sflag:s0], s1  }
0x2ba: {  	s1 =	ssub.s32 @!p0 $0x0, s1;
	[sflag:s0] =	ssyncset.done @!p0 $0x0  }
0x2bb: {  	[sflag:s0] =	ssyncadd.s32 @!p0 s1  }
0x2bc: {  	[bflag:$0x3] =	sbarrier.arrive $0xFFFF  }
0x2bd: {  	_ =	shalt  }

</sc_bundles>
